<compile_context>
chip_gen: v7x
topology: tpu7x:2x2x1
jax: 0.10.2.dev20260603
libtpu: 0.0.44.dev20260713+nightly
codegen_flags: <defaults>
</compile_context>

<pallas_src>
import jax
import jax.numpy as jnp
from jax import lax
from jax.experimental import pallas as pl
from jax.experimental.pallas import tpu as pltpu
from jax.experimental.pallas import tpu_sc as plsc

N = 10000
E = 320000
D = 128
EPS = 1e-5

NC = 2
NS = 16
NW = NC * NS
EPW = E // NW
CHUNK = 80
NCHUNK = EPW // CHUNK
NPAD = 10240
RPT = NPAD // NS
ZCH = 40

_mesh = plsc.VectorSubcoreMesh(core_axis_name="c", subcore_axis_name="s")



def _deg_body(dst_hbm, degp_hbm, idx_v, ones_v, zb_v, deg_sh, dsem):
    c = lax.axis_index("c")
    s = lax.axis_index("s")
    for i in range(CHUNK // 16):
        ones_v[pl.ds(16 * i, 16)] = jnp.full((16,), 1.0, jnp.float32)
    ones_v[pl.ds(CHUNK - 16, 16)] = jnp.full((16,), 1.0, jnp.float32)

    def zstore(i, carry):
        zb_v[pl.ds(16 * i, 16)] = jnp.zeros((16,), jnp.float32)
        return carry

    lax.fori_loop(0, RPT // 16, zstore, 0)
    pltpu.sync_copy(zb_v, deg_sh.at[pl.ds(s * RPT, RPT)])
    plsc.subcore_barrier()

    pltpu.sync_copy(dst_hbm.at[c * NS + s], idx_v)

    def body(i, carry):
        for t in range(8):
            pltpu.async_copy(ones_v, deg_sh.at[idx_v.at[8 * i + t]],
                             dsem, add=True)
        for t in range(8):
            pltpu.make_async_copy(ones_v, deg_sh.at[idx_v.at[8 * i + t]],
                                  dsem).wait()
        return carry

    lax.fori_loop(0, NCHUNK // 8, body, 0)
    for j in range(NCHUNK - NCHUNK % 8, NCHUNK):
        pltpu.async_copy(ones_v, deg_sh.at[idx_v.at[j]], dsem, add=True)
    for j in range(NCHUNK - NCHUNK % 8, NCHUNK):
        pltpu.make_async_copy(ones_v, deg_sh.at[idx_v.at[j]], dsem).wait()
    plsc.subcore_barrier()
    pltpu.sync_copy(deg_sh.at[pl.ds(s * RPT, RPT)],
                    degp_hbm.at[c, pl.ds(s * RPT, RPT)])


_deg_kernel = pl.kernel(
    _deg_body,
    out_type=jax.ShapeDtypeStruct((NC, NPAD), jnp.float32),
    mesh=_mesh,
    scratch_types=[
        pltpu.VMEM((NCHUNK, CHUNK), jnp.int32),
        pltpu.VMEM((CHUNK,), jnp.float32),
        pltpu.VMEM((RPT,), jnp.float32),
        pltpu.VMEM_SHARED((NPAD,), jnp.float32),
        pltpu.SemaphoreType.DMA,
    ],
)


def _scat_body(hs_hbm, src_hbm, dst_hbm, accp_hbm,
               sidx0, sidx1, sidx2, sidx3, sidx4, sidx5, sidx6, sidx7,
               didx0, didx1, didx2, didx3, didx4, didx5, didx6, didx7,
               rows0, rows1, rows2, rows3, zb, acc_sh,
               gsem0, gsem1, gsem2, gsem3, ssem0, ssem1, ssem2, ssem3,
               isem0, isem1, isem2, isem3, isem4, isem5, isem6, isem7):
    c = lax.axis_index("c")
    s = lax.axis_index("s")
    sidxs = [sidx0, sidx1, sidx2, sidx3, sidx4, sidx5, sidx6, sidx7]
    didxs = [didx0, didx1, didx2, didx3, didx4, didx5, didx6, didx7]
    rows = [rows0, rows1, rows2, rows3]
    gsems = [gsem0, gsem1, gsem2, gsem3]
    ssems = [ssem0, ssem1, ssem2, ssem3]
    isems = [isem0, isem1, isem2, isem3, isem4, isem5, isem6, isem7]

    def zrow(r, carry):
        for j in range(D // 16):
            zb[r, pl.ds(16 * j, 16)] = jnp.zeros((16,), jnp.float32)
        return carry

    lax.fori_loop(0, ZCH, zrow, 0)

    def zcopy(k, carry):
        pltpu.sync_copy(zb, acc_sh.at[pl.ds(s * RPT + k * ZCH, ZCH)])
        return carry

    lax.fori_loop(0, RPT // ZCH, zcopy, 0)
    plsc.subcore_barrier()

    base = (c * NS + s) * EPW

    def idxstart(j, p8):
        pltpu.async_copy(src_hbm.at[pl.ds(base + j * CHUNK, CHUNK)],
                         sidxs[p8], isems[p8])
        pltpu.async_copy(dst_hbm.at[pl.ds(base + j * CHUNK, CHUNK)],
                         didxs[p8], isems[p8])

    def iwait(j, p8):
        pltpu.make_async_copy(src_hbm.at[pl.ds(base + j * CHUNK, CHUNK)],
                              sidxs[p8], isems[p8]).wait()
        pltpu.make_async_copy(dst_hbm.at[pl.ds(base + j * CHUNK, CHUNK)],
                              didxs[p8], isems[p8]).wait()

    def gather(p4, p8):
        pltpu.async_copy(hs_hbm.at[sidxs[p8]], rows[p4], gsems[p4])

    def gwait(p4, p8):
        pltpu.make_async_copy(hs_hbm.at[sidxs[p8]], rows[p4], gsems[p4]).wait()

    def sstart(p4, p8):
        pltpu.async_copy(rows[p4], acc_sh.at[didxs[p8]], ssems[p4], add=True)

    def swait(p4, p8):
        pltpu.make_async_copy(rows[p4], acc_sh.at[didxs[p8]], ssems[p4]).wait()

    def step(j, p4, p8, do_c, do_d, do_ef):
        gwait(p4, p8)
        sstart(p4, p8)
        if do_c:
            idxstart(j + 4, (p8 + 4) % 8)
        if do_d:
            swait((p4 + 3) % 4, (p8 + 3) % 8)
        if do_ef:
            iwait(j + 3, (p8 + 3) % 8)
            gather((p4 + 3) % 4, (p8 + 3) % 8)

    for j in range(4):
        idxstart(j, j)
    iwait(0, 0)
    gather(0, 0)
    iwait(1, 1)
    gather(1, 1)
    iwait(2, 2)
    gather(2, 2)
    step(0, 0, 0, True, False, True)

    def body(i, carry):
        j0 = 8 * i + 1
        for t in range(8):
            step(j0 + t, (t + 1) % 4, (t + 1) % 8, True, True, True)
        return carry

    NTAIL = NCHUNK - 12
    nbody = (NTAIL - 1) // 8
    lax.fori_loop(0, nbody, body, 0)
    for j in range(NTAIL, NCHUNK):
        step(j, j % 4, j % 8, j + 4 < NCHUNK, True, j + 3 < NCHUNK)
    swait((NCHUNK - 1) % 4, (NCHUNK - 1) % 8)

    plsc.subcore_barrier()
    pltpu.sync_copy(acc_sh.at[pl.ds(s * RPT, RPT)],
                    accp_hbm.at[c, pl.ds(s * RPT, RPT)])


_scat_kernel = pl.kernel(
    _scat_body,
    out_type=jax.ShapeDtypeStruct((NC, NPAD, D), jnp.float32),
    mesh=_mesh,
    scratch_types=(
        [pltpu.VMEM((CHUNK,), jnp.int32)] * 16
        + [pltpu.VMEM((CHUNK, D), jnp.float32)] * 4
        + [pltpu.VMEM((ZCH, D), jnp.float32)]
        + [pltpu.VMEM_SHARED((NPAD, D), jnp.float32)]
        + [pltpu.SemaphoreType.DMA] * 16
    ),
)



def _mm_body(x_ref, w_ref, degp_ref, hs_ref, dis_ref):
    deg = degp_ref[0] + degp_ref[1] + 1.0
    dis = lax.rsqrt(deg)[:N, None]
    h = jnp.dot(x_ref[...], w_ref[...], preferred_element_type=jnp.float32)
    hs_ref[...] = h * dis
    dis_ref[...] = dis


_mm_kernel = pl.pallas_call(
    _mm_body,
    out_shape=[jax.ShapeDtypeStruct((N, D), jnp.float32),
               jax.ShapeDtypeStruct((N, 1), jnp.float32)],
)


def _fuse_mid_body(accp_ref, hs_ref, dis_ref, b_ref, g_ref, be_ref, w2_ref,
                   hs2_ref):
    dis = dis_ref[...]
    acc = accp_ref[0, :N] + accp_ref[1, :N]
    o = (acc + hs_ref[...]) * dis + b_ref[...]
    m = jnp.mean(o, axis=0, keepdims=True)
    cen = o - m
    v = jnp.mean(cen * cen, axis=0, keepdims=True)
    y = g_ref[...] * (cen * lax.rsqrt(v + EPS)) + be_ref[...]
    x2 = jnp.maximum(y, 0.0)
    h2 = jnp.dot(x2, w2_ref[...], preferred_element_type=jnp.float32)
    hs2_ref[...] = h2 * dis


_fuse_mid_kernel = pl.pallas_call(
    _fuse_mid_body,
    out_shape=jax.ShapeDtypeStruct((N, D), jnp.float32),
)


def _fuse_out_body(accp_ref, hs_ref, dis_ref, b_ref, g_ref, be_ref, out_ref):
    dis = dis_ref[...]
    acc = accp_ref[0, :N] + accp_ref[1, :N]
    o = (acc + hs_ref[...]) * dis + b_ref[...]
    m = jnp.mean(o, axis=0, keepdims=True)
    cen = o - m
    v = jnp.mean(cen * cen, axis=0, keepdims=True)
    out_ref[...] = g_ref[...] * (cen * lax.rsqrt(v + EPS)) + be_ref[...]


_fuse_out_kernel = pl.pallas_call(
    _fuse_out_body,
    out_shape=jax.ShapeDtypeStruct((N, D), jnp.float32),
)



@jax.jit
def kernel(x, edge_index, W1, b1, g1, be1, W2, b2, g2, be2):
    ei = edge_index.astype(jnp.int32)
    src1 = ei[0]
    dst1 = ei[1]
    dst3 = dst1.reshape(NW, NCHUNK, CHUNK)

    degp = _deg_kernel(dst3)

    b1r, g1r, be1r = b1[None, :], g1[None, :], be1[None, :]
    b2r, g2r, be2r = b2[None, :], g2[None, :], be2[None, :]

    hs1, dis = _mm_kernel(x, W1, degp)
    acc1 = _scat_kernel(hs1, src1, dst1)
    hs2 = _fuse_mid_kernel(acc1, hs1, dis, b1r, g1r, be1r, W2)
    acc2 = _scat_kernel(hs2, src1, dst1)
    return _fuse_out_kernel(acc2, hs2, dis, b2r, g2r, be2r)

# --- scband reference (transcript-rebuilt; emitter-appended) ---
"""Pipeline reference for scband-gcnmodel-44220983280013 (READ-ONLY COPY).

The authoritative reference and input builder live on the scoring server;
editing this copy changes nothing except your own understanding.
"""

import jax, jax.numpy as jnp
import numpy as np

N = 10000
E = 320000
D = 128
EPS = 1e-5


def _gcn_conv(x, edge_index, W, b):
    src = edge_index[0]
    dst = edge_index[1]
    loop = jnp.arange(N, dtype=src.dtype)
    src = jnp.concatenate([src, loop])
    dst = jnp.concatenate([dst, loop])
    deg = jnp.zeros((N,), dtype=x.dtype).at[dst].add(1.0)
    dis = jnp.where(deg > 0, jax.lax.rsqrt(jnp.maximum(deg, 1.0)), 0.0)
    norm = dis[src] * dis[dst]
    h = x @ W
    msg = h[src] * norm[:, None]
    out = jnp.zeros((N, W.shape[1]), dtype=x.dtype).at[dst].add(msg)
    return out + b


def _batch_norm(x, gamma, beta):
    # nn.BatchNorm1d in training mode: biased batch statistics
    mean = jnp.mean(x, axis=0)
    var = jnp.mean((x - mean) ** 2, axis=0)
    xhat = (x - mean) * jax.lax.rsqrt(var + EPS)
    return gamma * xhat + beta


def setup_inputs(seed: int = 0):
    key = jax.random.key(seed)
    ks = jax.random.split(key, 4)
    x = jax.random.normal(ks[0], (N, D), dtype=jnp.float32)
    edge_index = jax.random.randint(ks[1], (2, E), 0, N)
    s = 1.0 / float(np.sqrt(D))
    W1 = jax.random.uniform(ks[2], (D, D), minval=-s, maxval=s, dtype=jnp.float32)
    W2 = jax.random.uniform(ks[3], (D, D), minval=-s, maxval=s, dtype=jnp.float32)
    b1 = jnp.zeros((D,), jnp.float32)
    b2 = jnp.zeros((D,), jnp.float32)
    g1 = jnp.ones((D,), jnp.float32)
    be1 = jnp.zeros((D,), jnp.float32)
    g2 = jnp.ones((D,), jnp.float32)
    be2 = jnp.zeros((D,), jnp.float32)
    return {"x": x, "edge_index": edge_index, "W1": W1, "b1": b1, "g1": g1, "be1": be1, "W2": W2, "b2": b2, "g2": g2, "be2": be2}


def reference(x, edge_index, W1, b1, g1, be1, W2, b2, g2, be2):
    h = _gcn_conv(x, edge_index, W1, b1)
    h = _batch_norm(h, g1, be1)
    h = jax.nn.relu(h)
    h = _gcn_conv(h, edge_index, W2, b2)
    h = _batch_norm(h, g2, be2)
    return h

if __name__ == "__main__":
    import jax
    _d = setup_inputs()
    print(jax.jit(kernel)(*tuple(_d.values())))

</pallas_src>

<mosaic_0001>
#map = affine_map<(d0, d1) -> (0, 0, 0)>
#map1 = affine_map<(d0, d1) -> (0, 0)>
module attributes {stable_mosaic.version = 14 : i64} {
  func.func @_deg_body(%arg0: i32, %arg1: i32, %arg2: memref<32x125x80xi32, #tpu.memory_space<hbm>>, %arg3: memref<2x10240xf32, #tpu.memory_space<hbm>>, %arg4: memref<125x80xi32, #tpu.memory_space<vmem>>, %arg5: memref<80xf32, #tpu.memory_space<vmem>>, %arg6: memref<640xf32, #tpu.memory_space<vmem>>, %arg7: memref<10240xf32, #tpu.memory_space<vmem_shared>>, %arg8: memref<!tpu.dma_semaphore, #tpu.memory_space<semaphore_mem>>) attributes {dimension_semantics = [#tpu.dimension_semantics<core_parallel>, #tpu.dimension_semantics<subcore_parallel>], iteration_bounds = array<i64: 2, 16>, scalar_prefetch = 0 : i64, scratch_operands = 5 : i64, tpu.core_type = #tpu.core_type<sc_vector_subcore>, window_params = [{transform_indices = #map}, {transform_indices = #map1}]} {
    %broadcast_in_dim3A = arith.constant 1.000000e+00 : f32
    %broadcast_in_dim3A_0 = vector.broadcast %broadcast_in_dim3A : f32 to vector<16xf32>
    %swap3A = arith.constant 0 : index
    %swap3A_1 = tpu.vector_load %arg5[%swap3A] {strides = array<i32>} : memref<80xf32, #tpu.memory_space<vmem>>, vector<16xf32>,
    %swap3A_2 = vector.shape_cast %swap3A_1 : vector<16xf32> to vector<16xf32>
    %swap3A_3 = vector.shape_cast %broadcast_in_dim3A_0 : vector<16xf32> to vector<16xf32>
    tpu.vector_store %arg5[%swap3A], %swap3A_3 {strides = array<i32>} : memref<80xf32, #tpu.memory_space<vmem>>, vector<16xf32>,
    %broadcast_in_dim3A_4 = arith.constant 1.000000e+00 : f32
    %broadcast_in_dim3A_5 = vector.broadcast %broadcast_in_dim3A_4 : f32 to vector<16xf32>
    %swap3A_6 = arith.constant 16 : index
    %swap3A_7 = tpu.vector_load %arg5[%swap3A_6] {strides = array<i32>} : memref<80xf32, #tpu.memory_space<vmem>>, vector<16xf32>,
    %swap3A_8 = vector.shape_cast %swap3A_7 : vector<16xf32> to vector<16xf32>
    %swap3A_9 = vector.shape_cast %broadcast_in_dim3A_5 : vector<16xf32> to vector<16xf32>
    tpu.vector_store %arg5[%swap3A_6], %swap3A_9 {strides = array<i32>} : memref<80xf32, #tpu.memory_space<vmem>>, vector<16xf32>,
    %broadcast_in_dim3A_10 = arith.constant 1.000000e+00 : f32
    %broadcast_in_dim3A_11 = vector.broadcast %broadcast_in_dim3A_10 : f32 to vector<16xf32>
    %swap3A_12 = arith.constant 32 : index
    %swap3A_13 = tpu.vector_load %arg5[%swap3A_12] {strides = array<i32>} : memref<80xf32, #tpu.memory_space<vmem>>, vector<16xf32>,
    %swap3A_14 = vector.shape_cast %swap3A_13 : vector<16xf32> to vector<16xf32>
    %swap3A_15 = vector.shape_cast %broadcast_in_dim3A_11 : vector<16xf32> to vector<16xf32>
    tpu.vector_store %arg5[%swap3A_12], %swap3A_15 {strides = array<i32>} : memref<80xf32, #tpu.memory_space<vmem>>, vector<16xf32>,
    %broadcast_in_dim3A_16 = arith.constant 1.000000e+00 : f32
    %broadcast_in_dim3A_17 = vector.broadcast %broadcast_in_dim3A_16 : f32 to vector<16xf32>
    %swap3A_18 = arith.constant 48 : index
    %swap3A_19 = tpu.vector_load %arg5[%swap3A_18] {strides = array<i32>} : memref<80xf32, #tpu.memory_space<vmem>>, vector<16xf32>,
    %swap3A_20 = vector.shape_cast %swap3A_19 : vector<16xf32> to vector<16xf32>
    %swap3A_21 = vector.shape_cast %broadcast_in_dim3A_17 : vector<16xf32> to vector<16xf32>
    tpu.vector_store %arg5[%swap3A_18], %swap3A_21 {strides = array<i32>} : memref<80xf32, #tpu.memory_space<vmem>>, vector<16xf32>,
    %broadcast_in_dim3A_22 = arith.constant 1.000000e+00 : f32
    %broadcast_in_dim3A_23 = vector.broadcast %broadcast_in_dim3A_22 : f32 to vector<16xf32>
    %swap3A_24 = arith.constant 64 : index
    %swap3A_25 = tpu.vector_load %arg5[%swap3A_24] {strides = array<i32>} : memref<80xf32, #tpu.memory_space<vmem>>, vector<16xf32>,
    %swap3A_26 = vector.shape_cast %swap3A_25 : vector<16xf32> to vector<16xf32>
    %swap3A_27 = vector.shape_cast %broadcast_in_dim3A_23 : vector<16xf32> to vector<16xf32>
    tpu.vector_store %arg5[%swap3A_24], %swap3A_27 {strides = array<i32>} : memref<80xf32, #tpu.memory_space<vmem>>, vector<16xf32>,
    %broadcast_in_dim3A_28 = arith.constant 1.000000e+00 : f32
    %broadcast_in_dim3A_29 = vector.broadcast %broadcast_in_dim3A_28 : f32 to vector<16xf32>
    %swap3A_30 = arith.constant 64 : index
    %swap3A_31 = tpu.vector_load %arg5[%swap3A_30] {strides = array<i32>} : memref<80xf32, #tpu.memory_space<vmem>>, vector<16xf32>,
    %swap3A_32 = vector.shape_cast %swap3A_31 : vector<16xf32> to vector<16xf32>
    %swap3A_33 = vector.shape_cast %broadcast_in_dim3A_29 : vector<16xf32> to vector<16xf32>
    tpu.vector_store %arg5[%swap3A_30], %swap3A_33 {strides = array<i32>} : memref<80xf32, #tpu.memory_space<vmem>>, vector<16xf32>,
    %scan3A = arith.constant 0 : i32
    %scan3A_34 = arith.constant 0 : i32
    %scan3A_35 = arith.constant 40 : i32
    %scan3A_36 = arith.addi %scan3A_34, %scan3A_35 : i32
    %scan3A_37 = arith.constant 1 : i32
    scf.for %scan3A_111 = %scan3A_34 to %scan3A_36 step %scan3A_37  : i32 {
      %broadcast_in_dim3A_112 = arith.constant 0.000000e+00 : f32
      %broadcast_in_dim3A_113 = vector.broadcast %broadcast_in_dim3A_112 : f32 to vector<16xf32>
      %mul3A_114 = arith.constant 16 : i32
      %mul3A_115 = arith.muli %mul3A_114, %scan3A_111 : i32
      %swap3A_116 = arith.index_cast %mul3A_115 : i32 to index
      %swap3A_117 = tpu.vector_load %arg6[%swap3A_116] {strides = array<i32>} : memref<640xf32, #tpu.memory_space<vmem>>, vector<16xf32>,
      %swap3A_118 = vector.shape_cast %swap3A_117 : vector<16xf32> to vector<16xf32>
      %swap3A_119 = vector.shape_cast %broadcast_in_dim3A_113 : vector<16xf32> to vector<16xf32>
      tpu.vector_store %arg6[%swap3A_116], %swap3A_119 {strides = array<i32>} : memref<640xf32, #tpu.memory_space<vmem>>, vector<16xf32>,
    }
    %scan3A_38 = arith.constant 40 : i32
    %mul3A = arith.constant 640 : i32
    %mul3A_39 = arith.muli %arg1, %mul3A : i32
    "tpu.region"() ({
      %run_scoped3A = tpu.sem_alloc : memref<!tpu.dma_semaphore, #tpu.memory_space<semaphore_mem>>
      %dma_start3A_111 = tpu.memref_slice %arg7[%mul3A_39] : memref<10240xf32, #tpu.memory_space<vmem_shared>> -> memref<640xf32, #tpu.memory_space<vmem_shared>>
      %dma_start3A_112 = tpu.memref_slice %arg7[%mul3A_39] : memref<10240xf32, #tpu.memory_space<vmem_shared>> -> memref<640xf32, #tpu.memory_space<vmem_shared>>
      tpu.enqueue_dma source(%arg6 : memref<640xf32, #tpu.memory_space<vmem>>) target(%dma_start3A_112 : memref<640xf32, #tpu.memory_space<vmem_shared>>) target_semaphore(%run_scoped3A : memref<!tpu.dma_semaphore, #tpu.memory_space<semaphore_mem>>)
      %dma_wait3A_113 = tpu.memref_slice %arg7[%mul3A_39] : memref<10240xf32, #tpu.memory_space<vmem_shared>> -> memref<640xf32, #tpu.memory_space<vmem_shared>>
      %dma_wait3A_114 = tpu.memref_slice %arg7[%mul3A_39] : memref<10240xf32, #tpu.memory_space<vmem_shared>> -> memref<640xf32, #tpu.memory_space<vmem_shared>>
      tpu.wait_dma2 semaphore(%run_scoped3A : memref<!tpu.dma_semaphore, #tpu.memory_space<semaphore_mem>>) src(%arg6 : memref<640xf32, #tpu.memory_space<vmem>>) dst(%dma_wait3A_114 : memref<640xf32, #tpu.memory_space<vmem_shared>>)
      tpu.yield
    }) : () -> ()
    %barrier3A = arith.constant 0 : index
    tpu.barrier barrier_id(%barrier3A)
    %mul3A_40 = arith.constant 16 : i32
    %mul3A_41 = arith.muli %arg0, %mul3A_40 : i32
    %add3A = arith.addi %mul3A_41, %arg1 : i32
    "tpu.region"() ({
      %run_scoped3A = tpu.sem_alloc : memref<!tpu.dma_semaphore, #tpu.memory_space<semaphore_mem>>
      %dma_start3A_111 = arith.constant 0 : i32
      %dma_start3A_112 = arith.constant 0 : i32
      %dma_start3A_113 = tpu.memref_slice %arg2[%add3A, %dma_start3A_111, %dma_start3A_112] : memref<32x125x80xi32, #tpu.memory_space<hbm>> -> memref<1x125x80xi32, #tpu.memory_space<hbm>>
      %dma_start3A_114 = tpu.memref_squeeze %dma_start3A_113 : memref<1x125x80xi32, #tpu.memory_space<hbm>> -> memref<125x80xi32, #tpu.memory_space<hbm>>
      %dma_start3A_115 = arith.constant 0 : i32
      %dma_start3A_116 = arith.constant 0 : i32
      %dma_start3A_117 = tpu.memref_slice %arg2[%add3A, %dma_start3A_115, %dma_start3A_116] : memref<32x125x80xi32, #tpu.memory_space<hbm>> -> memref<1x125x80xi32, #tpu.memory_space<hbm>>
      %dma_start3A_118 = tpu.memref_squeeze %dma_start3A_117 : memref<1x125x80xi32, #tpu.memory_space<hbm>> -> memref<125x80xi32, #tpu.memory_space<hbm>>
      tpu.enqueue_dma source(%dma_start3A_118 : memref<125x80xi32, #tpu.memory_space<hbm>>) target(%arg4 : memref<125x80xi32, #tpu.memory_space<vmem>>) target_semaphore(%run_scoped3A : memref<!tpu.dma_semaphore, #tpu.memory_space<semaphore_mem>>)
      %dma_wait3A_119 = arith.constant 0 : i32
      %dma_wait3A_120 = arith.constant 0 : i32
      %dma_wait3A_121 = tpu.memref_slice %arg2[%add3A, %dma_wait3A_119, %dma_wait3A_120] : memref<32x125x80xi32, #tpu.memory_space<hbm>> -> memref<1x125x80xi32, #tpu.memory_space<hbm>>
      %dma_wait3A_122 = tpu.memref_squeeze %dma_wait3A_121 : memref<1x125x80xi32, #tpu.memory_space<hbm>> -> memref<125x80xi32, #tpu.memory_space<hbm>>
      %dma_wait3A_123 = arith.constant 0 : i32
      %dma_wait3A_124 = arith.constant 0 : i32
      %dma_wait3A_125 = tpu.memref_slice %arg2[%add3A, %dma_wait3A_123, %dma_wait3A_124] : memref<32x125x80xi32, #tpu.memory_space<hbm>> -> memref<1x125x80xi32, #tpu.memory_space<hbm>>
      %dma_wait3A_126 = tpu.memref_squeeze %dma_wait3A_125 : memref<1x125x80xi32, #tpu.memory_space<hbm>> -> memref<125x80xi32, #tpu.memory_space<hbm>>
      tpu.wait_dma2 semaphore(%run_scoped3A : memref<!tpu.dma_semaphore, #tpu.memory_space<semaphore_mem>>) src(%dma_wait3A_126 : memref<125x80xi32, #tpu.memory_space<hbm>>) dst(%arg4 : memref<125x80xi32, #tpu.memory_space<vmem>>)
      tpu.yield
    }) : () -> ()
    %scan3A_42 = arith.constant 0 : i32
    %scan3A_43 = arith.constant 0 : i32
    %scan3A_44 = arith.constant 15 : i32
    %scan3A_45 = arith.addi %scan3A_43, %scan3A_44 : i32
    %scan3A_46 = arith.constant 1 : i32
    scf.for %scan3A_111 = %scan3A_43 to %scan3A_45 step %scan3A_46  : i32 {
      %mul3A_112 = arith.constant 8 : i32
      %mul3A_113 = arith.muli %mul3A_112, %scan3A_111 : i32
      %add3A_114 = arith.constant 0 : i32
      %add3A_115 = arith.addi %mul3A_113, %add3A_114 : i32
      %dma_start3A_116 = arith.constant 0 : i32
      %dma_start3A_117 = tpu.memref_slice %arg4[%add3A_115, %dma_start3A_116] : memref<125x80xi32, #tpu.memory_space<vmem>> -> memref<1x80xi32, #tpu.memory_space<vmem>>
      %dma_start3A_118 = tpu.memref_squeeze %dma_start3A_117 : memref<1x80xi32, #tpu.memory_space<vmem>> -> memref<80xi32, #tpu.memory_space<vmem>>
      %dma_start3A_119 = arith.constant 0 : i32
      %dma_start3A_120 = tpu.memref_slice %arg7[%dma_start3A_119] : memref<10240xf32, #tpu.memory_space<vmem_shared>> -> memref<10240xf32, #tpu.memory_space<vmem_shared>>
      tpu.enqueue_indirect_dma source(%arg5 : memref<80xf32, #tpu.memory_space<vmem>>) target(%dma_start3A_120 : memref<10240xf32, #tpu.memory_space<vmem_shared>>) offsets(%dma_start3A_118 : memref<80xi32, #tpu.memory_space<vmem>>) semaphore(%arg8 : memref<!tpu.dma_semaphore, #tpu.memory_space<semaphore_mem>>) {add = true}
      %mul3A_121 = arith.constant 8 : i32
      %mul3A_122 = arith.muli %mul3A_121, %scan3A_111 : i32
      %add3A_123 = arith.constant 1 : i32
      %add3A_124 = arith.addi %mul3A_122, %add3A_123 : i32
      %dma_start3A_125 = arith.constant 0 : i32
      %dma_start3A_126 = tpu.memref_slice %arg4[%add3A_124, %dma_start3A_125] : memref<125x80xi32, #tpu.memory_space<vmem>> -> memref<1x80xi32, #tpu.memory_space<vmem>>
      %dma_start3A_127 = tpu.memref_squeeze %dma_start3A_126 : memref<1x80xi32, #tpu.memory_space<vmem>> -> memref<80xi32, #tpu.memory_space<vmem>>
      %dma_start3A_128 = arith.constant 0 : i32
      %dma_start3A_129 = tpu.memref_slice %arg7[%dma_start3A_128] : memref<10240xf32, #tpu.memory_space<vmem_shared>> -> memref<10240xf32, #tpu.memory_space<vmem_shared>>
      tpu.enqueue_indirect_dma source(%arg5 : memref<80xf32, #tpu.memory_space<vmem>>) target(%dma_start3A_129 : memref<10240xf32, #tpu.memory_space<vmem_shared>>) offsets(%dma_start3A_127 : memref<80xi32, #tpu.memory_space<vmem>>) semaphore(%arg8 : memref<!tpu.dma_semaphore, #tpu.memory_space<semaphore_mem>>) {add = true}
      %mul3A_130 = arith.constant 8 : i32
      %mul3A_131 = arith.muli %mul3A_130, %scan3A_111 : i32
      %add3A_132 = arith.constant 2 : i32
      %add3A_133 = arith.addi %mul3A_131, %add3A_132 : i32
      %dma_start3A_134 = arith.constant 0 : i32
      %dma_start3A_135 = tpu.memref_slice %arg4[%add3A_133, %dma_start3A_134] : memref<125x80xi32, #tpu.memory_space<vmem>> -> memref<1x80xi32, #tpu.memory_space<vmem>>
      %dma_start3A_136 = tpu.memref_squeeze %dma_start3A_135 : memref<1x80xi32, #tpu.memory_space<vmem>> -> memref<80xi32, #tpu.memory_space<vmem>>
      %dma_start3A_137 = arith.constant 0 : i32
      %dma_start3A_138 = tpu.memref_slice %arg7[%dma_start3A_137] : memref<10240xf32, #tpu.memory_space<vmem_shared>> -> memref<10240xf32, #tpu.memory_space<vmem_shared>>
      tpu.enqueue_indirect_dma source(%arg5 : memref<80xf32, #tpu.memory_space<vmem>>) target(%dma_start3A_138 : memref<10240xf32, #tpu.memory_space<vmem_shared>>) offsets(%dma_start3A_136 : memref<80xi32, #tpu.memory_space<vmem>>) semaphore(%arg8 : memref<!tpu.dma_semaphore, #tpu.memory_space<semaphore_mem>>) {add = true}
      %mul3A_139 = arith.constant 8 : i32
      %mul3A_140 = arith.muli %mul3A_139, %scan3A_111 : i32
      %add3A_141 = arith.constant 3 : i32
      %add3A_142 = arith.addi %mul3A_140, %add3A_141 : i32
      %dma_start3A_143 = arith.constant 0 : i32
      %dma_start3A_144 = tpu.memref_slice %arg4[%add3A_142, %dma_start3A_143] : memref<125x80xi32, #tpu.memory_space<vmem>> -> memref<1x80xi32, #tpu.memory_space<vmem>>
      %dma_start3A_145 = tpu.memref_squeeze %dma_start3A_144 : memref<1x80xi32, #tpu.memory_space<vmem>> -> memref<80xi32, #tpu.memory_space<vmem>>
      %dma_start3A_146 = arith.constant 0 : i32
      %dma_start3A_147 = tpu.memref_slice %arg7[%dma_start3A_146] : memref<10240xf32, #tpu.memory_space<vmem_shared>> -> memref<10240xf32, #tpu.memory_space<vmem_shared>>
      tpu.enqueue_indirect_dma source(%arg5 : memref<80xf32, #tpu.memory_space<vmem>>) target(%dma_start3A_147 : memref<10240xf32, #tpu.memory_space<vmem_shared>>) offsets(%dma_start3A_145 : memref<80xi32, #tpu.memory_space<vmem>>) semaphore(%arg8 : memref<!tpu.dma_semaphore, #tpu.memory_space<semaphore_mem>>) {add = true}
      %mul3A_148 = arith.constant 8 : i32
      %mul3A_149 = arith.muli %mul3A_148, %scan3A_111 : i32
      %add3A_150 = arith.constant 4 : i32
      %add3A_151 = arith.addi %mul3A_149, %add3A_150 : i32
      %dma_start3A_152 = arith.constant 0 : i32
      %dma_start3A_153 = tpu.memref_slice %arg4[%add3A_151, %dma_start3A_152] : memref<125x80xi32, #tpu.memory_space<vmem>> -> memref<1x80xi32, #tpu.memory_space<vmem>>
      %dma_start3A_154 = tpu.memref_squeeze %dma_start3A_153 : memref<1x80xi32, #tpu.memory_space<vmem>> -> memref<80xi32, #tpu.memory_space<vmem>>
      %dma_start3A_155 = arith.constant 0 : i32
      %dma_start3A_156 = tpu.memref_slice %arg7[%dma_start3A_155] : memref<10240xf32, #tpu.memory_space<vmem_shared>> -> memref<10240xf32, #tpu.memory_space<vmem_shared>>
      tpu.enqueue_indirect_dma source(%arg5 : memref<80xf32, #tpu.memory_space<vmem>>) target(%dma_start3A_156 : memref<10240xf32, #tpu.memory_space<vmem_shared>>) offsets(%dma_start3A_154 : memref<80xi32, #tpu.memory_space<vmem>>) semaphore(%arg8 : memref<!tpu.dma_semaphore, #tpu.memory_space<semaphore_mem>>) {add = true}
      %mul3A_157 = arith.constant 8 : i32
      %mul3A_158 = arith.muli %mul3A_157, %scan3A_111 : i32
      %add3A_159 = arith.constant 5 : i32
      %add3A_160 = arith.addi %mul3A_158, %add3A_159 : i32
      %dma_start3A_161 = arith.constant 0 : i32
      %dma_start3A_162 = tpu.memref_slice %arg4[%add3A_160, %dma_start3A_161] : memref<125x80xi32, #tpu.memory_space<vmem>> -> memref<1x80xi32, #tpu.memory_space<vmem>>
      %dma_start3A_163 = tpu.memref_squeeze %dma_start3A_162 : memref<1x80xi32, #tpu.memory_space<vmem>> -> memref<80xi32, #tpu.memory_space<vmem>>
      %dma_start3A_164 = arith.constant 0 : i32
      %dma_start3A_165 = tpu.memref_slice %arg7[%dma_start3A_164] : memref<10240xf32, #tpu.memory_space<vmem_shared>> -> memref<10240xf32, #tpu.memory_space<vmem_shared>>
      tpu.enqueue_indirect_dma source(%arg5 : memref<80xf32, #tpu.memory_space<vmem>>) target(%dma_start3A_165 : memref<10240xf32, #tpu.memory_space<vmem_shared>>) offsets(%dma_start3A_163 : memref<80xi32, #tpu.memory_space<vmem>>) semaphore(%arg8 : memref<!tpu.dma_semaphore, #tpu.memory_space<semaphore_mem>>) {add = true}
      %mul3A_166 = arith.constant 8 : i32
      %mul3A_167 = arith.muli %mul3A_166, %scan3A_111 : i32
      %add3A_168 = arith.constant 6 : i32
      %add3A_169 = arith.addi %mul3A_167, %add3A_168 : i32
      %dma_start3A_170 = arith.constant 0 : i32
      %dma_start3A_171 = tpu.memref_slice %arg4[%add3A_169, %dma_start3A_170] : memref<125x80xi32, #tpu.memory_space<vmem>> -> memref<1x80xi32, #tpu.memory_space<vmem>>
      %dma_start3A_172 = tpu.memref_squeeze %dma_start3A_171 : memref<1x80xi32, #tpu.memory_space<vmem>> -> memref<80xi32, #tpu.memory_space<vmem>>
      %dma_start3A_173 = arith.constant 0 : i32
      %dma_start3A_174 = tpu.memref_slice %arg7[%dma_start3A_173] : memref<10240xf32, #tpu.memory_space<vmem_shared>> -> memref<10240xf32, #tpu.memory_space<vmem_shared>>
      tpu.enqueue_indirect_dma source(%arg5 : memref<80xf32, #tpu.memory_space<vmem>>) target(%dma_start3A_174 : memref<10240xf32, #tpu.memory_space<vmem_shared>>) offsets(%dma_start3A_172 : memref<80xi32, #tpu.memory_space<vmem>>) semaphore(%arg8 : memref<!tpu.dma_semaphore, #tpu.memory_space<semaphore_mem>>) {add = true}
      %mul3A_175 = arith.constant 8 : i32
      %mul3A_176 = arith.muli %mul3A_175, %scan3A_111 : i32
      %add3A_177 = arith.constant 7 : i32
      %add3A_178 = arith.addi %mul3A_176, %add3A_177 : i32
      %dma_start3A_179 = arith.constant 0 : i32
      %dma_start3A_180 = tpu.memref_slice %arg4[%add3A_178, %dma_start3A_179] : memref<125x80xi32, #tpu.memory_space<vmem>> -> memref<1x80xi32, #tpu.memory_space<vmem>>
      %dma_start3A_181 = tpu.memref_squeeze %dma_start3A_180 : memref<1x80xi32, #tpu.memory_space<vmem>> -> memref<80xi32, #tpu.memory_space<vmem>>
      %dma_start3A_182 = arith.constant 0 : i32
      %dma_start3A_183 = tpu.memref_slice %arg7[%dma_start3A_182] : memref<10240xf32, #tpu.memory_space<vmem_shared>> -> memref<10240xf32, #tpu.memory_space<vmem_shared>>
      tpu.enqueue_indirect_dma source(%arg5 : memref<80xf32, #tpu.memory_space<vmem>>) target(%dma_start3A_183 : memref<10240xf32, #tpu.memory_space<vmem_shared>>) offsets(%dma_start3A_181 : memref<80xi32, #tpu.memory_space<vmem>>) semaphore(%arg8 : memref<!tpu.dma_semaphore, #tpu.memory_space<semaphore_mem>>) {add = true}
      %mul3A_184 = arith.constant 8 : i32
      %mul3A_185 = arith.muli %mul3A_184, %scan3A_111 : i32
      %add3A_186 = arith.constant 0 : i32
      %add3A_187 = arith.addi %mul3A_185, %add3A_186 : i32
      %dma_wait3A_188 = arith.constant 0 : i32
      %dma_wait3A_189 = tpu.memref_slice %arg4[%add3A_187, %dma_wait3A_188] : memref<125x80xi32, #tpu.memory_space<vmem>> -> memref<1x80xi32, #tpu.memory_space<vmem>>
      %dma_wait3A_190 = tpu.memref_squeeze %dma_wait3A_189 : memref<1x80xi32, #tpu.memory_space<vmem>> -> memref<80xi32, #tpu.memory_space<vmem>>
      %dma_wait3A_191 = arith.constant 0 : i32
      %dma_wait3A_192 = tpu.memref_slice %arg7[%dma_wait3A_191] : memref<10240xf32, #tpu.memory_space<vmem_shared>> -> memref<10240xf32, #tpu.memory_space<vmem_shared>>
      tpu.wait_indirect_dma semaphore(%arg8 : memref<!tpu.dma_semaphore, #tpu.memory_space<semaphore_mem>>) src(%arg5 : memref<80xf32, #tpu.memory_space<vmem>>) dst(%dma_wait3A_192 : memref<10240xf32, #tpu.memory_space<vmem_shared>>)
      %mul3A_193 = arith.constant 8 : i32
      %mul3A_194 = arith.muli %mul3A_193, %scan3A_111 : i32
      %add3A_195 = arith.constant 1 : i32
      %add3A_196 = arith.addi %mul3A_194, %add3A_195 : i32
      %dma_wait3A_197 = arith.constant 0 : i32
      %dma_wait3A_198 = tpu.memref_slice %arg4[%add3A_196, %dma_wait3A_197] : memref<125x80xi32, #tpu.memory_space<vmem>> -> memref<1x80xi32, #tpu.memory_space<vmem>>
      %dma_wait3A_199 = tpu.memref_squeeze %dma_wait3A_198 : memref<1x80xi32, #tpu.memory_space<vmem>> -> memref<80xi32, #tpu.memory_space<vmem>>
      %dma_wait3A_200 = arith.constant 0 : i32
      %dma_wait3A_201 = tpu.memref_slice %arg7[%dma_wait3A_200] : memref<10240xf32, #tpu.memory_space<vmem_shared>> -> memref<10240xf32, #tpu.memory_space<vmem_shared>>
      tpu.wait_indirect_dma semaphore(%arg8 : memref<!tpu.dma_semaphore, #tpu.memory_space<semaphore_mem>>) src(%arg5 : memref<80xf32, #tpu.memory_space<vmem>>) dst(%dma_wait3A_201 : memref<10240xf32, #tpu.memory_space<vmem_shared>>)
      %mul3A_202 = arith.constant 8 : i32
      %mul3A_203 = arith.muli %mul3A_202, %scan3A_111 : i32
      %add3A_204 = arith.constant 2 : i32
      %add3A_205 = arith.addi %mul3A_203, %add3A_204 : i32
      %dma_wait3A_206 = arith.constant 0 : i32
      %dma_wait3A_207 = tpu.memref_slice %arg4[%add3A_205, %dma_wait3A_206] : memref<125x80xi32, #tpu.memory_space<vmem>> -> memref<1x80xi32, #tpu.memory_space<vmem>>
      %dma_wait3A_208 = tpu.memref_squeeze %dma_wait3A_207 : memref<1x80xi32, #tpu.memory_space<vmem>> -> memref<80xi32, #tpu.memory_space<vmem>>
      %dma_wait3A_209 = arith.constant 0 : i32
      %dma_wait3A_210 = tpu.memref_slice %arg7[%dma_wait3A_209] : memref<10240xf32, #tpu.memory_space<vmem_shared>> -> memref<10240xf32, #tpu.memory_space<vmem_shared>>
      tpu.wait_indirect_dma semaphore(%arg8 : memref<!tpu.dma_semaphore, #tpu.memory_space<semaphore_mem>>) src(%arg5 : memref<80xf32, #tpu.memory_space<vmem>>) dst(%dma_wait3A_210 : memref<10240xf32, #tpu.memory_space<vmem_shared>>)
      %mul3A_211 = arith.constant 8 : i32
      %mul3A_212 = arith.muli %mul3A_211, %scan3A_111 : i32
      %add3A_213 = arith.constant 3 : i32
      %add3A_214 = arith.addi %mul3A_212, %add3A_213 : i32
      %dma_wait3A_215 = arith.constant 0 : i32
      %dma_wait3A_216 = tpu.memref_slice %arg4[%add3A_214, %dma_wait3A_215] : memref<125x80xi32, #tpu.memory_space<vmem>> -> memref<1x80xi32, #tpu.memory_space<vmem>>
      %dma_wait3A_217 = tpu.memref_squeeze %dma_wait3A_216 : memref<1x80xi32, #tpu.memory_space<vmem>> -> memref<80xi32, #tpu.memory_space<vmem>>
      %dma_wait3A_218 = arith.constant 0 : i32
      %dma_wait3A_219 = tpu.memref_slice %arg7[%dma_wait3A_218] : memref<10240xf32, #tpu.memory_space<vmem_shared>> -> memref<10240xf32, #tpu.memory_space<vmem_shared>>
      tpu.wait_indirect_dma semaphore(%arg8 : memref<!tpu.dma_semaphore, #tpu.memory_space<semaphore_mem>>) src(%arg5 : memref<80xf32, #tpu.memory_space<vmem>>) dst(%dma_wait3A_219 : memref<10240xf32, #tpu.memory_space<vmem_shared>>)
      %mul3A_220 = arith.constant 8 : i32
      %mul3A_221 = arith.muli %mul3A_220, %scan3A_111 : i32
      %add3A_222 = arith.constant 4 : i32
      %add3A_223 = arith.addi %mul3A_221, %add3A_222 : i32
      %dma_wait3A_224 = arith.constant 0 : i32
      %dma_wait3A_225 = tpu.memref_slice %arg4[%add3A_223, %dma_wait3A_224] : memref<125x80xi32, #tpu.memory_space<vmem>> -> memref<1x80xi32, #tpu.memory_space<vmem>>
      %dma_wait3A_226 = tpu.memref_squeeze %dma_wait3A_225 : memref<1x80xi32, #tpu.memory_space<vmem>> -> memref<80xi32, #tpu.memory_space<vmem>>
      %dma_wait3A_227 = arith.constant 0 : i32
      %dma_wait3A_228 = tpu.memref_slice %arg7[%dma_wait3A_227] : memref<10240xf32, #tpu.memory_space<vmem_shared>> -> memref<10240xf32, #tpu.memory_space<vmem_shared>>
      tpu.wait_indirect_dma semaphore(%arg8 : memref<!tpu.dma_semaphore, #tpu.memory_space<semaphore_mem>>) src(%arg5 : memref<80xf32, #tpu.memory_space<vmem>>) dst(%dma_wait3A_228 : memref<10240xf32, #tpu.memory_space<vmem_shared>>)
      %mul3A_229 = arith.constant 8 : i32
      %mul3A_230 = arith.muli %mul3A_229, %scan3A_111 : i32
      %add3A_231 = arith.constant 5 : i32
      %add3A_232 = arith.addi %mul3A_230, %add3A_231 : i32
      %dma_wait3A_233 = arith.constant 0 : i32
      %dma_wait3A_234 = tpu.memref_slice %arg4[%add3A_232, %dma_wait3A_233] : memref<125x80xi32, #tpu.memory_space<vmem>> -> memref<1x80xi32, #tpu.memory_space<vmem>>
      %dma_wait3A_235 = tpu.memref_squeeze %dma_wait3A_234 : memref<1x80xi32, #tpu.memory_space<vmem>> -> memref<80xi32, #tpu.memory_space<vmem>>
      %dma_wait3A_236 = arith.constant 0 : i32
      %dma_wait3A_237 = tpu.memref_slice %arg7[%dma_wait3A_236] : memref<10240xf32, #tpu.memory_space<vmem_shared>> -> memref<10240xf32, #tpu.memory_space<vmem_shared>>
      tpu.wait_indirect_dma semaphore(%arg8 : memref<!tpu.dma_semaphore, #tpu.memory_space<semaphore_mem>>) src(%arg5 : memref<80xf32, #tpu.memory_space<vmem>>) dst(%dma_wait3A_237 : memref<10240xf32, #tpu.memory_space<vmem_shared>>)
      %mul3A_238 = arith.constant 8 : i32
      %mul3A_239 = arith.muli %mul3A_238, %scan3A_111 : i32
      %add3A_240 = arith.constant 6 : i32
      %add3A_241 = arith.addi %mul3A_239, %add3A_240 : i32
      %dma_wait3A_242 = arith.constant 0 : i32
      %dma_wait3A_243 = tpu.memref_slice %arg4[%add3A_241, %dma_wait3A_242] : memref<125x80xi32, #tpu.memory_space<vmem>> -> memref<1x80xi32, #tpu.memory_space<vmem>>
      %dma_wait3A_244 = tpu.memref_squeeze %dma_wait3A_243 : memref<1x80xi32, #tpu.memory_space<vmem>> -> memref<80xi32, #tpu.memory_space<vmem>>
      %dma_wait3A_245 = arith.constant 0 : i32
      %dma_wait3A_246 = tpu.memref_slice %arg7[%dma_wait3A_245] : memref<10240xf32, #tpu.memory_space<vmem_shared>> -> memref<10240xf32, #tpu.memory_space<vmem_shared>>
      tpu.wait_indirect_dma semaphore(%arg8 : memref<!tpu.dma_semaphore, #tpu.memory_space<semaphore_mem>>) src(%arg5 : memref<80xf32, #tpu.memory_space<vmem>>) dst(%dma_wait3A_246 : memref<10240xf32, #tpu.memory_space<vmem_shared>>)
      %mul3A_247 = arith.constant 8 : i32
      %mul3A_248 = arith.muli %mul3A_247, %scan3A_111 : i32
      %add3A_249 = arith.constant 7 : i32
      %add3A_250 = arith.addi %mul3A_248, %add3A_249 : i32
      %dma_wait3A_251 = arith.constant 0 : i32
      %dma_wait3A_252 = tpu.memref_slice %arg4[%add3A_250, %dma_wait3A_251] : memref<125x80xi32, #tpu.memory_space<vmem>> -> memref<1x80xi32, #tpu.memory_space<vmem>>
      %dma_wait3A_253 = tpu.memref_squeeze %dma_wait3A_252 : memref<1x80xi32, #tpu.memory_space<vmem>> -> memref<80xi32, #tpu.memory_space<vmem>>
      %dma_wait3A_254 = arith.constant 0 : i32
      %dma_wait3A_255 = tpu.memref_slice %arg7[%dma_wait3A_254] : memref<10240xf32, #tpu.memory_space<vmem_shared>> -> memref<10240xf32, #tpu.memory_space<vmem_shared>>
      tpu.wait_indirect_dma semaphore(%arg8 : memref<!tpu.dma_semaphore, #tpu.memory_space<semaphore_mem>>) src(%arg5 : memref<80xf32, #tpu.memory_space<vmem>>) dst(%dma_wait3A_255 : memref<10240xf32, #tpu.memory_space<vmem_shared>>)
    }
    %scan3A_47 = arith.constant 15 : i32
    %dma_start3A = arith.constant 120 : i32
    %dma_start3A_48 = arith.constant 0 : i32
    %dma_start3A_49 = tpu.memref_slice %arg4[%dma_start3A, %dma_start3A_48] : memref<125x80xi32, #tpu.memory_space<vmem>> -> memref<1x80xi32, #tpu.memory_space<vmem>>
    %dma_start3A_50 = tpu.memref_squeeze %dma_start3A_49 : memref<1x80xi32, #tpu.memory_space<vmem>> -> memref<80xi32, #tpu.memory_space<vmem>>
    %dma_start3A_51 = arith.constant 0 : i32
    %dma_start3A_52 = tpu.memref_slice %arg7[%dma_start3A_51] : memref<10240xf32, #tpu.memory_space<vmem_shared>> -> memref<10240xf32, #tpu.memory_space<vmem_shared>>
    tpu.enqueue_indirect_dma source(%arg5 : memref<80xf32, #tpu.memory_space<vmem>>) target(%dma_start3A_52 : memref<10240xf32, #tpu.memory_space<vmem_shared>>) offsets(%dma_start3A_50 : memref<80xi32, #tpu.memory_space<vmem>>) semaphore(%arg8 : memref<!tpu.dma_semaphore, #tpu.memory_space<semaphore_mem>>) {add = true}
    %dma_start3A_53 = arith.constant 121 : i32
    %dma_start3A_54 = arith.constant 0 : i32
    %dma_start3A_55 = tpu.memref_slice %arg4[%dma_start3A_53, %dma_start3A_54] : memref<125x80xi32, #tpu.memory_space<vmem>> -> memref<1x80xi32, #tpu.memory_space<vmem>>
    %dma_start3A_56 = tpu.memref_squeeze %dma_start3A_55 : memref<1x80xi32, #tpu.memory_space<vmem>> -> memref<80xi32, #tpu.memory_space<vmem>>
    %dma_start3A_57 = arith.constant 0 : i32
    %dma_start3A_58 = tpu.memref_slice %arg7[%dma_start3A_57] : memref<10240xf32, #tpu.memory_space<vmem_shared>> -> memref<10240xf32, #tpu.memory_space<vmem_shared>>
    tpu.enqueue_indirect_dma source(%arg5 : memref<80xf32, #tpu.memory_space<vmem>>) target(%dma_start3A_58 : memref<10240xf32, #tpu.memory_space<vmem_shared>>) offsets(%dma_start3A_56 : memref<80xi32, #tpu.memory_space<vmem>>) semaphore(%arg8 : memref<!tpu.dma_semaphore, #tpu.memory_space<semaphore_mem>>) {add = true}
    %dma_start3A_59 = arith.constant 122 : i32
    %dma_start3A_60 = arith.constant 0 : i32
    %dma_start3A_61 = tpu.memref_slice %arg4[%dma_start3A_59, %dma_start3A_60] : memref<125x80xi32, #tpu.memory_space<vmem>> -> memref<1x80xi32, #tpu.memory_space<vmem>>
    %dma_start3A_62 = tpu.memref_squeeze %dma_start3A_61 : memref<1x80xi32, #tpu.memory_space<vmem>> -> memref<80xi32, #tpu.memory_space<vmem>>
    %dma_start3A_63 = arith.constant 0 : i32
    %dma_start3A_64 = tpu.memref_slice %arg7[%dma_start3A_63] : memref<10240xf32, #tpu.memory_space<vmem_shared>> -> memref<10240xf32, #tpu.memory_space<vmem_shared>>
    tpu.enqueue_indirect_dma source(%arg5 : memref<80xf32, #tpu.memory_space<vmem>>) target(%dma_start3A_64 : memref<10240xf32, #tpu.memory_space<vmem_shared>>) offsets(%dma_start3A_62 : memref<80xi32, #tpu.memory_space<vmem>>) semaphore(%arg8 : memref<!tpu.dma_semaphore, #tpu.memory_space<semaphore_mem>>) {add = true}
    %dma_start3A_65 = arith.constant 123 : i32
    %dma_start3A_66 = arith.constant 0 : i32
    %dma_start3A_67 = tpu.memref_slice %arg4[%dma_start3A_65, %dma_start3A_66] : memref<125x80xi32, #tpu.memory_space<vmem>> -> memref<1x80xi32, #tpu.memory_space<vmem>>
    %dma_start3A_68 = tpu.memref_squeeze %dma_start3A_67 : memref<1x80xi32, #tpu.memory_space<vmem>> -> memref<80xi32, #tpu.memory_space<vmem>>
    %dma_start3A_69 = arith.constant 0 : i32
    %dma_start3A_70 = tpu.memref_slice %arg7[%dma_start3A_69] : memref<10240xf32, #tpu.memory_space<vmem_shared>> -> memref<10240xf32, #tpu.memory_space<vmem_shared>>
    tpu.enqueue_indirect_dma source(%arg5 : memref<80xf32, #tpu.memory_space<vmem>>) target(%dma_start3A_70 : memref<10240xf32, #tpu.memory_space<vmem_shared>>) offsets(%dma_start3A_68 : memref<80xi32, #tpu.memory_space<vmem>>) semaphore(%arg8 : memref<!tpu.dma_semaphore, #tpu.memory_space<semaphore_mem>>) {add = true}
    %dma_start3A_71 = arith.constant 124 : i32
    %dma_start3A_72 = arith.constant 0 : i32
    %dma_start3A_73 = tpu.memref_slice %arg4[%dma_start3A_71, %dma_start3A_72] : memref<125x80xi32, #tpu.memory_space<vmem>> -> memref<1x80xi32, #tpu.memory_space<vmem>>
    %dma_start3A_74 = tpu.memref_squeeze %dma_start3A_73 : memref<1x80xi32, #tpu.memory_space<vmem>> -> memref<80xi32, #tpu.memory_space<vmem>>
    %dma_start3A_75 = arith.constant 0 : i32
    %dma_start3A_76 = tpu.memref_slice %arg7[%dma_start3A_75] : memref<10240xf32, #tpu.memory_space<vmem_shared>> -> memref<10240xf32, #tpu.memory_space<vmem_shared>>
    tpu.enqueue_indirect_dma source(%arg5 : memref<80xf32, #tpu.memory_space<vmem>>) target(%dma_start3A_76 : memref<10240xf32, #tpu.memory_space<vmem_shared>>) offsets(%dma_start3A_74 : memref<80xi32, #tpu.memory_space<vmem>>) semaphore(%arg8 : memref<!tpu.dma_semaphore, #tpu.memory_space<semaphore_mem>>) {add = true}
    %dma_wait3A = arith.constant 120 : i32
    %dma_wait3A_77 = arith.constant 0 : i32
    %dma_wait3A_78 = tpu.memref_slice %arg4[%dma_wait3A, %dma_wait3A_77] : memref<125x80xi32, #tpu.memory_space<vmem>> -> memref<1x80xi32, #tpu.memory_space<vmem>>
    %dma_wait3A_79 = tpu.memref_squeeze %dma_wait3A_78 : memref<1x80xi32, #tpu.memory_space<vmem>> -> memref<80xi32, #tpu.memory_space<vmem>>
    %dma_wait3A_80 = arith.constant 0 : i32
    %dma_wait3A_81 = tpu.memref_slice %arg7[%dma_wait3A_80] : memref<10240xf32, #tpu.memory_space<vmem_shared>> -> memref<10240xf32, #tpu.memory_space<vmem_shared>>
    tpu.wait_indirect_dma semaphore(%arg8 : memref<!tpu.dma_semaphore, #tpu.memory_space<semaphore_mem>>) src(%arg5 : memref<80xf32, #tpu.memory_space<vmem>>) dst(%dma_wait3A_81 : memref<10240xf32, #tpu.memory_space<vmem_shared>>)
    %dma_wait3A_82 = arith.constant 121 : i32
    %dma_wait3A_83 = arith.constant 0 : i32
    %dma_wait3A_84 = tpu.memref_slice %arg4[%dma_wait3A_82, %dma_wait3A_83] : memref<125x80xi32, #tpu.memory_space<vmem>> -> memref<1x80xi32, #tpu.memory_space<vmem>>
    %dma_wait3A_85 = tpu.memref_squeeze %dma_wait3A_84 : memref<1x80xi32, #tpu.memory_space<vmem>> -> memref<80xi32, #tpu.memory_space<vmem>>
    %dma_wait3A_86 = arith.constant 0 : i32
    %dma_wait3A_87 = tpu.memref_slice %arg7[%dma_wait3A_86] : memref<10240xf32, #tpu.memory_space<vmem_shared>> -> memref<10240xf32, #tpu.memory_space<vmem_shared>>
    tpu.wait_indirect_dma semaphore(%arg8 : memref<!tpu.dma_semaphore, #tpu.memory_space<semaphore_mem>>) src(%arg5 : memref<80xf32, #tpu.memory_space<vmem>>) dst(%dma_wait3A_87 : memref<10240xf32, #tpu.memory_space<vmem_shared>>)
    %dma_wait3A_88 = arith.constant 122 : i32
    %dma_wait3A_89 = arith.constant 0 : i32
    %dma_wait3A_90 = tpu.memref_slice %arg4[%dma_wait3A_88, %dma_wait3A_89] : memref<125x80xi32, #tpu.memory_space<vmem>> -> memref<1x80xi32, #tpu.memory_space<vmem>>
    %dma_wait3A_91 = tpu.memref_squeeze %dma_wait3A_90 : memref<1x80xi32, #tpu.memory_space<vmem>> -> memref<80xi32, #tpu.memory_space<vmem>>
    %dma_wait3A_92 = arith.constant 0 : i32
    %dma_wait3A_93 = tpu.memref_slice %arg7[%dma_wait3A_92] : memref<10240xf32, #tpu.memory_space<vmem_shared>> -> memref<10240xf32, #tpu.memory_space<vmem_shared>>
    tpu.wait_indirect_dma semaphore(%arg8 : memref<!tpu.dma_semaphore, #tpu.memory_space<semaphore_mem>>) src(%arg5 : memref<80xf32, #tpu.memory_space<vmem>>) dst(%dma_wait3A_93 : memref<10240xf32, #tpu.memory_space<vmem_shared>>)
    %dma_wait3A_94 = arith.constant 123 : i32
    %dma_wait3A_95 = arith.constant 0 : i32
    %dma_wait3A_96 = tpu.memref_slice %arg4[%dma_wait3A_94, %dma_wait3A_95] : memref<125x80xi32, #tpu.memory_space<vmem>> -> memref<1x80xi32, #tpu.memory_space<vmem>>
    %dma_wait3A_97 = tpu.memref_squeeze %dma_wait3A_96 : memref<1x80xi32, #tpu.memory_space<vmem>> -> memref<80xi32, #tpu.memory_space<vmem>>
    %dma_wait3A_98 = arith.constant 0 : i32
    %dma_wait3A_99 = tpu.memref_slice %arg7[%dma_wait3A_98] : memref<10240xf32, #tpu.memory_space<vmem_shared>> -> memref<10240xf32, #tpu.memory_space<vmem_shared>>
    tpu.wait_indirect_dma semaphore(%arg8 : memref<!tpu.dma_semaphore, #tpu.memory_space<semaphore_mem>>) src(%arg5 : memref<80xf32, #tpu.memory_space<vmem>>) dst(%dma_wait3A_99 : memref<10240xf32, #tpu.memory_space<vmem_shared>>)
    %dma_wait3A_100 = arith.constant 124 : i32
    %dma_wait3A_101 = arith.constant 0 : i32
    %dma_wait3A_102 = tpu.memref_slice %arg4[%dma_wait3A_100, %dma_wait3A_101] : memref<125x80xi32, #tpu.memory_space<vmem>> -> memref<1x80xi32, #tpu.memory_space<vmem>>
    %dma_wait3A_103 = tpu.memref_squeeze %dma_wait3A_102 : memref<1x80xi32, #tpu.memory_space<vmem>> -> memref<80xi32, #tpu.memory_space<vmem>>
    %dma_wait3A_104 = arith.constant 0 : i32
    %dma_wait3A_105 = tpu.memref_slice %arg7[%dma_wait3A_104] : memref<10240xf32, #tpu.memory_space<vmem_shared>> -> memref<10240xf32, #tpu.memory_space<vmem_shared>>
    tpu.wait_indirect_dma semaphore(%arg8 : memref<!tpu.dma_semaphore, #tpu.memory_space<semaphore_mem>>) src(%arg5 : memref<80xf32, #tpu.memory_space<vmem>>) dst(%dma_wait3A_105 : memref<10240xf32, #tpu.memory_space<vmem_shared>>)
    %barrier3A_106 = arith.constant 0 : index
    tpu.barrier barrier_id(%barrier3A_106)
    %mul3A_107 = arith.constant 640 : i32
    %mul3A_108 = arith.muli %arg1, %mul3A_107 : i32
    %mul3A_109 = arith.constant 640 : i32
    %mul3A_110 = arith.muli %arg1, %mul3A_109 : i32
    "tpu.region"() ({
      %run_scoped3A = tpu.sem_alloc : memref<!tpu.dma_semaphore, #tpu.memory_space<semaphore_mem>>
      %dma_start3A_111 = tpu.memref_slice %arg3[%arg0, %mul3A_110] : memref<2x10240xf32, #tpu.memory_space<hbm>> -> memref<1x640xf32, #tpu.memory_space<hbm>>
      %dma_start3A_112 = tpu.memref_squeeze %dma_start3A_111 : memref<1x640xf32, #tpu.memory_space<hbm>> -> memref<640xf32, #tpu.memory_space<hbm>>
      %dma_start3A_113 = tpu.memref_slice %arg7[%mul3A_108] : memref<10240xf32, #tpu.memory_space<vmem_shared>> -> memref<640xf32, #tpu.memory_space<vmem_shared>>
      tpu.enqueue_dma source(%dma_start3A_113 : memref<640xf32, #tpu.memory_space<vmem_shared>>) target(%dma_start3A_112 : memref<640xf32, #tpu.memory_space<hbm>>) target_semaphore(%run_scoped3A : memref<!tpu.dma_semaphore, #tpu.memory_space<semaphore_mem>>)
      %dma_wait3A_114 = tpu.memref_slice %arg3[%arg0, %mul3A_110] : memref<2x10240xf32, #tpu.memory_space<hbm>> -> memref<1x640xf32, #tpu.memory_space<hbm>>
      %dma_wait3A_115 = tpu.memref_squeeze %dma_wait3A_114 : memref<1x640xf32, #tpu.memory_space<hbm>> -> memref<640xf32, #tpu.memory_space<hbm>>
      %dma_wait3A_116 = tpu.memref_slice %arg7[%mul3A_108] : memref<10240xf32, #tpu.memory_space<vmem_shared>> -> memref<640xf32, #tpu.memory_space<vmem_shared>>
      tpu.wait_dma2 semaphore(%run_scoped3A : memref<!tpu.dma_semaphore, #tpu.memory_space<semaphore_mem>>) src(%dma_wait3A_116 : memref<640xf32, #tpu.memory_space<vmem_shared>>) dst(%dma_wait3A_115 : memref<640xf32, #tpu.memory_space<hbm>>)
      tpu.yield
    }) : () -> ()
    return
  }
}

#map = affine_map<(d0, d1) -> (0, 0)>
#map1 = affine_map<(d0, d1) -> (0)>
#map2 = affine_map<(d0, d1) -> (0, 0, 0)>
module attributes {stable_mosaic.version = 14 : i64} {
  func.func @_scat_body(%arg0: i32, %arg1: i32, %arg2: memref<10000x128xf32, #tpu.memory_space<hbm>>, %arg3: memref<320000xi32, #tpu.memory_space<hbm>>, %arg4: memref<320000xi32, #tpu.memory_space<hbm>>, %arg5: memref<2x10240x128xf32, #tpu.memory_space<hbm>>, %arg6: memref<80xi32, #tpu.memory_space<vmem>>, %arg7: memref<80xi32, #tpu.memory_space<vmem>>, %arg8: memref<80xi32, #tpu.memory_space<vmem>>, %arg9: memref<80xi32, #tpu.memory_space<vmem>>, %arg10: memref<80xi32, #tpu.memory_space<vmem>>, %arg11: memref<80xi32, #tpu.memory_space<vmem>>, %arg12: memref<80xi32, #tpu.memory_space<vmem>>, %arg13: memref<80xi32, #tpu.memory_space<vmem>>, %arg14: memref<80xi32, #tpu.memory_space<vmem>>, %arg15: memref<80xi32, #tpu.memory_space<vmem>>, %arg16: memref<80xi32, #tpu.memory_space<vmem>>, %arg17: memref<80xi32, #tpu.memory_space<vmem>>, %arg18: memref<80xi32, #tpu.memory_space<vmem>>, %arg19: memref<80xi32, #tpu.memory_space<vmem>>, %arg20: memref<80xi32, #tpu.memory_space<vmem>>, %arg21: memref<80xi32, #tpu.memory_space<vmem>>, %arg22: memref<80x128xf32, #tpu.memory_space<vmem>>, %arg23: memref<80x128xf32, #tpu.memory_space<vmem>>, %arg24: memref<80x128xf32, #tpu.memory_space<vmem>>, %arg25: memref<80x128xf32, #tpu.memory_space<vmem>>, %arg26: memref<40x128xf32, #tpu.memory_space<vmem>>, %arg27: memref<10240x128xf32, #tpu.memory_space<vmem_shared>>, %arg28: memref<!tpu.dma_semaphore, #tpu.memory_space<semaphore_mem>>, %arg29: memref<!tpu.dma_semaphore, #tpu.memory_space<semaphore_mem>>, %arg30: memref<!tpu.dma_semaphore, #tpu.memory_space<semaphore_mem>>, %arg31: memref<!tpu.dma_semaphore, #tpu.memory_space<semaphore_mem>>, %arg32: memref<!tpu.dma_semaphore, #tpu.memory_space<semaphore_mem>>, %arg33: memref<!tpu.dma_semaphore, #tpu.memory_space<semaphore_mem>>, %arg34: memref<!tpu.dma_semaphore, #tpu.memory_space<semaphore_mem>>, %arg35: memref<!tpu.dma_semaphore, #tpu.memory_space<semaphore_mem>>, %arg36: memref<!tpu.dma_semaphore, #tpu.memory_space<semaphore_mem>>, %arg37: memref<!tpu.dma_semaphore, #tpu.memory_space<semaphore_mem>>, %arg38: memref<!tpu.dma_semaphore, #tpu.memory_space<semaphore_mem>>, %arg39: memref<!tpu.dma_semaphore, #tpu.memory_space<semaphore_mem>>, %arg40: memref<!tpu.dma_semaphore, #tpu.memory_space<semaphore_mem>>, %arg41: memref<!tpu.dma_semaphore, #tpu.memory_space<semaphore_mem>>, %arg42: memref<!tpu.dma_semaphore, #tpu.memory_space<semaphore_mem>>, %arg43: memref<!tpu.dma_semaphore, #tpu.memory_space<semaphore_mem>>) attributes {dimension_semantics = [#tpu.dimension_semantics<core_parallel>, #tpu.dimension_semantics<subcore_parallel>], iteration_bounds = array<i64: 2, 16>, scalar_prefetch = 0 : i64, scratch_operands = 38 : i64, tpu.core_type = #tpu.core_type<sc_vector_subcore>, window_params = [{transform_indices = #map}, {transform_indices = #map1}, {transform_indices = #map1}, {transform_indices = #map2}]} {
    %scan3A = arith.constant 0 : i32
    %scan3A_0 = arith.constant 0 : i32
    %scan3A_1 = arith.constant 40 : i32
    %scan3A_2 = arith.addi %scan3A_0, %scan3A_1 : i32
    %scan3A_3 = arith.constant 1 : i32
    scf.for %scan3A_387 = %scan3A_0 to %scan3A_2 step %scan3A_3  : i32 {
      %broadcast_in_dim3A = arith.constant 0.000000e+00 : f32
      %broadcast_in_dim3A_388 = vector.broadcast %broadcast_in_dim3A : f32 to vector<16xf32>
      %swap3A = arith.index_cast %scan3A_387 : i32 to index
      %swap3A_389 = arith.constant 0 : index
      %swap3A_390 = tpu.vector_load %arg26[%swap3A, %swap3A_389] {strides = array<i32>} : memref<40x128xf32, #tpu.memory_space<vmem>>, vector<1x16xf32>,
      %swap3A_391 = vector.shape_cast %swap3A_390 : vector<1x16xf32> to vector<16xf32>
      %swap3A_392 = vector.shape_cast %broadcast_in_dim3A_388 : vector<16xf32> to vector<1x16xf32>
      tpu.vector_store %arg26[%swap3A, %swap3A_389], %swap3A_392 {strides = array<i32>} : memref<40x128xf32, #tpu.memory_space<vmem>>, vector<1x16xf32>,
      %broadcast_in_dim3A_393 = arith.constant 0.000000e+00 : f32
      %broadcast_in_dim3A_394 = vector.broadcast %broadcast_in_dim3A_393 : f32 to vector<16xf32>
      %swap3A_395 = arith.index_cast %scan3A_387 : i32 to index
      %swap3A_396 = arith.constant 16 : index
      %swap3A_397 = tpu.vector_load %arg26[%swap3A_395, %swap3A_396] {strides = array<i32>} : memref<40x128xf32, #tpu.memory_space<vmem>>, vector<1x16xf32>,
      %swap3A_398 = vector.shape_cast %swap3A_397 : vector<1x16xf32> to vector<16xf32>
      %swap3A_399 = vector.shape_cast %broadcast_in_dim3A_394 : vector<16xf32> to vector<1x16xf32>
      tpu.vector_store %arg26[%swap3A_395, %swap3A_396], %swap3A_399 {strides = array<i32>} : memref<40x128xf32, #tpu.memory_space<vmem>>, vector<1x16xf32>,
      %broadcast_in_dim3A_400 = arith.constant 0.000000e+00 : f32
      %broadcast_in_dim3A_401 = vector.broadcast %broadcast_in_dim3A_400 : f32 to vector<16xf32>
      %swap3A_402 = arith.index_cast %scan3A_387 : i32 to index
      %swap3A_403 = arith.constant 32 : index
      %swap3A_404 = tpu.vector_load %arg26[%swap3A_402, %swap3A_403] {strides = array<i32>} : memref<40x128xf32, #tpu.memory_space<vmem>>, vector<1x16xf32>,
      %swap3A_405 = vector.shape_cast %swap3A_404 : vector<1x16xf32> to vector<16xf32>
      %swap3A_406 = vector.shape_cast %broadcast_in_dim3A_401 : vector<16xf32> to vector<1x16xf32>
      tpu.vector_store %arg26[%swap3A_402, %swap3A_403], %swap3A_406 {strides = array<i32>} : memref<40x128xf32, #tpu.memory_space<vmem>>, vector<1x16xf32>,
      %broadcast_in_dim3A_407 = arith.constant 0.000000e+00 : f32
      %broadcast_in_dim3A_408 = vector.broadcast %broadcast_in_dim3A_407 : f32 to vector<16xf32>
      %swap3A_409 = arith.index_cast %scan3A_387 : i32 to index
      %swap3A_410 = arith.constant 48 : index
      %swap3A_411 = tpu.vector_load %arg26[%swap3A_409, %swap3A_410] {strides = array<i32>} : memref<40x128xf32, #tpu.memory_space<vmem>>, vector<1x16xf32>,
      %swap3A_412 = vector.shape_cast %swap3A_411 : vector<1x16xf32> to vector<16xf32>
      %swap3A_413 = vector.shape_cast %broadcast_in_dim3A_408 : vector<16xf32> to vector<1x16xf32>
      tpu.vector_store %arg26[%swap3A_409, %swap3A_410], %swap3A_413 {strides = array<i32>} : memref<40x128xf32, #tpu.memory_space<vmem>>, vector<1x16xf32>,
      %broadcast_in_dim3A_414 = arith.constant 0.000000e+00 : f32
      %broadcast_in_dim3A_415 = vector.broadcast %broadcast_in_dim3A_414 : f32 to vector<16xf32>
      %swap3A_416 = arith.index_cast %scan3A_387 : i32 to index
      %swap3A_417 = arith.constant 64 : index
      %swap3A_418 = tpu.vector_load %arg26[%swap3A_416, %swap3A_417] {strides = array<i32>} : memref<40x128xf32, #tpu.memory_space<vmem>>, vector<1x16xf32>,
      %swap3A_419 = vector.shape_cast %swap3A_418 : vector<1x16xf32> to vector<16xf32>
      %swap3A_420 = vector.shape_cast %broadcast_in_dim3A_415 : vector<16xf32> to vector<1x16xf32>
      tpu.vector_store %arg26[%swap3A_416, %swap3A_417], %swap3A_420 {strides = array<i32>} : memref<40x128xf32, #tpu.memory_space<vmem>>, vector<1x16xf32>,
      %broadcast_in_dim3A_421 = arith.constant 0.000000e+00 : f32
      %broadcast_in_dim3A_422 = vector.broadcast %broadcast_in_dim3A_421 : f32 to vector<16xf32>
      %swap3A_423 = arith.index_cast %scan3A_387 : i32 to index
      %swap3A_424 = arith.constant 80 : index
      %swap3A_425 = tpu.vector_load %arg26[%swap3A_423, %swap3A_424] {strides = array<i32>} : memref<40x128xf32, #tpu.memory_space<vmem>>, vector<1x16xf32>,
      %swap3A_426 = vector.shape_cast %swap3A_425 : vector<1x16xf32> to vector<16xf32>
      %swap3A_427 = vector.shape_cast %broadcast_in_dim3A_422 : vector<16xf32> to vector<1x16xf32>
      tpu.vector_store %arg26[%swap3A_423, %swap3A_424], %swap3A_427 {strides = array<i32>} : memref<40x128xf32, #tpu.memory_space<vmem>>, vector<1x16xf32>,
      %broadcast_in_dim3A_428 = arith.constant 0.000000e+00 : f32
      %broadcast_in_dim3A_429 = vector.broadcast %broadcast_in_dim3A_428 : f32 to vector<16xf32>
      %swap3A_430 = arith.index_cast %scan3A_387 : i32 to index
      %swap3A_431 = arith.constant 96 : index
      %swap3A_432 = tpu.vector_load %arg26[%swap3A_430, %swap3A_431] {strides = array<i32>} : memref<40x128xf32, #tpu.memory_space<vmem>>, vector<1x16xf32>,
      %swap3A_433 = vector.shape_cast %swap3A_432 : vector<1x16xf32> to vector<16xf32>
      %swap3A_434 = vector.shape_cast %broadcast_in_dim3A_429 : vector<16xf32> to vector<1x16xf32>
      tpu.vector_store %arg26[%swap3A_430, %swap3A_431], %swap3A_434 {strides = array<i32>} : memref<40x128xf32, #tpu.memory_space<vmem>>, vector<1x16xf32>,
      %broadcast_in_dim3A_435 = arith.constant 0.000000e+00 : f32
      %broadcast_in_dim3A_436 = vector.broadcast %broadcast_in_dim3A_435 : f32 to vector<16xf32>
      %swap3A_437 = arith.index_cast %scan3A_387 : i32 to index
      %swap3A_438 = arith.constant 112 : index
      %swap3A_439 = tpu.vector_load %arg26[%swap3A_437, %swap3A_438] {strides = array<i32>} : memref<40x128xf32, #tpu.memory_space<vmem>>, vector<1x16xf32>,
      %swap3A_440 = vector.shape_cast %swap3A_439 : vector<1x16xf32> to vector<16xf32>
      %swap3A_441 = vector.shape_cast %broadcast_in_dim3A_436 : vector<16xf32> to vector<1x16xf32>
      tpu.vector_store %arg26[%swap3A_437, %swap3A_438], %swap3A_441 {strides = array<i32>} : memref<40x128xf32, #tpu.memory_space<vmem>>, vector<1x16xf32>,
    }
    %scan3A_4 = arith.constant 40 : i32
    %scan3A_5 = arith.constant 0 : i32
    %scan3A_6 = arith.constant 0 : i32
    %scan3A_7 = arith.constant 16 : i32
    %scan3A_8 = arith.addi %scan3A_6, %scan3A_7 : i32
    %scan3A_9 = arith.constant 1 : i32
    scf.for %scan3A_387 = %scan3A_6 to %scan3A_8 step %scan3A_9  : i32 {
      %mul3A_388 = arith.constant 640 : i32
      %mul3A_389 = arith.muli %arg1, %mul3A_388 : i32
      %mul3A_390 = arith.constant 40 : i32
      %mul3A_391 = arith.muli %scan3A_387, %mul3A_390 : i32
      %add3A_392 = arith.addi %mul3A_389, %mul3A_391 : i32
      "tpu.region"() ({
        %run_scoped3A = tpu.sem_alloc : memref<!tpu.dma_semaphore, #tpu.memory_space<semaphore_mem>>
        %dma_start3A_393 = arith.constant 0 : i32
        %dma_start3A_394 = tpu.memref_slice %arg27[%add3A_392, %dma_start3A_393] : memref<10240x128xf32, #tpu.memory_space<vmem_shared>> -> memref<40x128xf32, #tpu.memory_space<vmem_shared>>
        %dma_start3A_395 = arith.constant 0 : i32
        %dma_start3A_396 = tpu.memref_slice %arg27[%add3A_392, %dma_start3A_395] : memref<10240x128xf32, #tpu.memory_space<vmem_shared>> -> memref<40x128xf32, #tpu.memory_space<vmem_shared>>
        tpu.enqueue_dma source(%arg26 : memref<40x128xf32, #tpu.memory_space<vmem>>) target(%dma_start3A_396 : memref<40x128xf32, #tpu.memory_space<vmem_shared>>) target_semaphore(%run_scoped3A : memref<!tpu.dma_semaphore, #tpu.memory_space<semaphore_mem>>)
        %dma_wait3A_397 = arith.constant 0 : i32
        %dma_wait3A_398 = tpu.memref_slice %arg27[%add3A_392, %dma_wait3A_397] : memref<10240x128xf32, #tpu.memory_space<vmem_shared>> -> memref<40x128xf32, #tpu.memory_space<vmem_shared>>
        %dma_wait3A_399 = arith.constant 0 : i32
        %dma_wait3A_400 = tpu.memref_slice %arg27[%add3A_392, %dma_wait3A_399] : memref<10240x128xf32, #tpu.memory_space<vmem_shared>> -> memref<40x128xf32, #tpu.memory_space<vmem_shared>>
        tpu.wait_dma2 semaphore(%run_scoped3A : memref<!tpu.dma_semaphore, #tpu.memory_space<semaphore_mem>>) src(%arg26 : memref<40x128xf32, #tpu.memory_space<vmem>>) dst(%dma_wait3A_400 : memref<40x128xf32, #tpu.memory_space<vmem_shared>>)
        tpu.yield
      }) : () -> ()
    }
    %scan3A_10 = arith.constant 16 : i32
    %barrier3A = arith.constant 0 : index
    tpu.barrier barrier_id(%barrier3A)
    %mul3A = arith.constant 16 : i32
    %mul3A_11 = arith.muli %arg0, %mul3A : i32
    %add3A = arith.addi %mul3A_11, %arg1 : i32
    %mul3A_12 = arith.constant 10000 : i32
    %mul3A_13 = arith.muli %add3A, %mul3A_12 : i32
    %add3A_14 = arith.constant 0 : i32
    %add3A_15 = arith.addi %mul3A_13, %add3A_14 : i32
    %dma_start3A = tpu.memref_slice %arg3[%add3A_15] : memref<320000xi32, #tpu.memory_space<hbm>> -> memref<80xi32, #tpu.memory_space<hbm>>
    %dma_start3A_16 = tpu.memref_slice %arg3[%add3A_15] : memref<320000xi32, #tpu.memory_space<hbm>> -> memref<80xi32, #tpu.memory_space<hbm>>
    tpu.enqueue_dma source(%dma_start3A_16 : memref<80xi32, #tpu.memory_space<hbm>>) target(%arg6 : memref<80xi32, #tpu.memory_space<vmem>>) target_semaphore(%arg36 : memref<!tpu.dma_semaphore, #tpu.memory_space<semaphore_mem>>)
    %add3A_17 = arith.constant 0 : i32
    %add3A_18 = arith.addi %mul3A_13, %add3A_17 : i32
    %dma_start3A_19 = tpu.memref_slice %arg4[%add3A_18] : memref<320000xi32, #tpu.memory_space<hbm>> -> memref<80xi32, #tpu.memory_space<hbm>>
    %dma_start3A_20 = tpu.memref_slice %arg4[%add3A_18] : memref<320000xi32, #tpu.memory_space<hbm>> -> memref<80xi32, #tpu.memory_space<hbm>>
    tpu.enqueue_dma source(%dma_start3A_20 : memref<80xi32, #tpu.memory_space<hbm>>) target(%arg14 : memref<80xi32, #tpu.memory_space<vmem>>) target_semaphore(%arg36 : memref<!tpu.dma_semaphore, #tpu.memory_space<semaphore_mem>>)
    %add3A_21 = arith.constant 80 : i32
    %add3A_22 = arith.addi %mul3A_13, %add3A_21 : i32
    %dma_start3A_23 = tpu.memref_slice %arg3[%add3A_22] : memref<320000xi32, #tpu.memory_space<hbm>> -> memref<80xi32, #tpu.memory_space<hbm>>
    %dma_start3A_24 = tpu.memref_slice %arg3[%add3A_22] : memref<320000xi32, #tpu.memory_space<hbm>> -> memref<80xi32, #tpu.memory_space<hbm>>
    tpu.enqueue_dma source(%dma_start3A_24 : memref<80xi32, #tpu.memory_space<hbm>>) target(%arg7 : memref<80xi32, #tpu.memory_space<vmem>>) target_semaphore(%arg37 : memref<!tpu.dma_semaphore, #tpu.memory_space<semaphore_mem>>)
    %add3A_25 = arith.constant 80 : i32
    %add3A_26 = arith.addi %mul3A_13, %add3A_25 : i32
    %dma_start3A_27 = tpu.memref_slice %arg4[%add3A_26] : memref<320000xi32, #tpu.memory_space<hbm>> -> memref<80xi32, #tpu.memory_space<hbm>>
    %dma_start3A_28 = tpu.memref_slice %arg4[%add3A_26] : memref<320000xi32, #tpu.memory_space<hbm>> -> memref<80xi32, #tpu.memory_space<hbm>>
    tpu.enqueue_dma source(%dma_start3A_28 : memref<80xi32, #tpu.memory_space<hbm>>) target(%arg15 : memref<80xi32, #tpu.memory_space<vmem>>) target_semaphore(%arg37 : memref<!tpu.dma_semaphore, #tpu.memory_space<semaphore_mem>>)
    %add3A_29 = arith.constant 160 : i32
    %add3A_30 = arith.addi %mul3A_13, %add3A_29 : i32
    %dma_start3A_31 = tpu.memref_slice %arg3[%add3A_30] : memref<320000xi32, #tpu.memory_space<hbm>> -> memref<80xi32, #tpu.memory_space<hbm>>
    %dma_start3A_32 = tpu.memref_slice %arg3[%add3A_30] : memref<320000xi32, #tpu.memory_space<hbm>> -> memref<80xi32, #tpu.memory_space<hbm>>
    tpu.enqueue_dma source(%dma_start3A_32 : memref<80xi32, #tpu.memory_space<hbm>>) target(%arg8 : memref<80xi32, #tpu.memory_space<vmem>>) target_semaphore(%arg38 : memref<!tpu.dma_semaphore, #tpu.memory_space<semaphore_mem>>)
    %add3A_33 = arith.constant 160 : i32
    %add3A_34 = arith.addi %mul3A_13, %add3A_33 : i32
    %dma_start3A_35 = tpu.memref_slice %arg4[%add3A_34] : memref<320000xi32, #tpu.memory_space<hbm>> -> memref<80xi32, #tpu.memory_space<hbm>>
    %dma_start3A_36 = tpu.memref_slice %arg4[%add3A_34] : memref<320000xi32, #tpu.memory_space<hbm>> -> memref<80xi32, #tpu.memory_space<hbm>>
    tpu.enqueue_dma source(%dma_start3A_36 : memref<80xi32, #tpu.memory_space<hbm>>) target(%arg16 : memref<80xi32, #tpu.memory_space<vmem>>) target_semaphore(%arg38 : memref<!tpu.dma_semaphore, #tpu.memory_space<semaphore_mem>>)
    %add3A_37 = arith.constant 240 : i32
    %add3A_38 = arith.addi %mul3A_13, %add3A_37 : i32
    %dma_start3A_39 = tpu.memref_slice %arg3[%add3A_38] : memref<320000xi32, #tpu.memory_space<hbm>> -> memref<80xi32, #tpu.memory_space<hbm>>
    %dma_start3A_40 = tpu.memref_slice %arg3[%add3A_38] : memref<320000xi32, #tpu.memory_space<hbm>> -> memref<80xi32, #tpu.memory_space<hbm>>
    tpu.enqueue_dma source(%dma_start3A_40 : memref<80xi32, #tpu.memory_space<hbm>>) target(%arg9 : memref<80xi32, #tpu.memory_space<vmem>>) target_semaphore(%arg39 : memref<!tpu.dma_semaphore, #tpu.memory_space<semaphore_mem>>)
    %add3A_41 = arith.constant 240 : i32
    %add3A_42 = arith.addi %mul3A_13, %add3A_41 : i32
    %dma_start3A_43 = tpu.memref_slice %arg4[%add3A_42] : memref<320000xi32, #tpu.memory_space<hbm>> -> memref<80xi32, #tpu.memory_space<hbm>>
    %dma_start3A_44 = tpu.memref_slice %arg4[%add3A_42] : memref<320000xi32, #tpu.memory_space<hbm>> -> memref<80xi32, #tpu.memory_space<hbm>>
    tpu.enqueue_dma source(%dma_start3A_44 : memref<80xi32, #tpu.memory_space<hbm>>) target(%arg17 : memref<80xi32, #tpu.memory_space<vmem>>) target_semaphore(%arg39 : memref<!tpu.dma_semaphore, #tpu.memory_space<semaphore_mem>>)
    %add3A_45 = arith.constant 0 : i32
    %add3A_46 = arith.addi %mul3A_13, %add3A_45 : i32
    %dma_wait3A = tpu.memref_slice %arg3[%add3A_46] : memref<320000xi32, #tpu.memory_space<hbm>> -> memref<80xi32, #tpu.memory_space<hbm>>
    %dma_wait3A_47 = tpu.memref_slice %arg3[%add3A_46] : memref<320000xi32, #tpu.memory_space<hbm>> -> memref<80xi32, #tpu.memory_space<hbm>>
    tpu.wait_dma2 semaphore(%arg36 : memref<!tpu.dma_semaphore, #tpu.memory_space<semaphore_mem>>) src(%dma_wait3A_47 : memref<80xi32, #tpu.memory_space<hbm>>) dst(%arg6 : memref<80xi32, #tpu.memory_space<vmem>>)
    %add3A_48 = arith.constant 0 : i32
    %add3A_49 = arith.addi %mul3A_13, %add3A_48 : i32
    %dma_wait3A_50 = tpu.memref_slice %arg4[%add3A_49] : memref<320000xi32, #tpu.memory_space<hbm>> -> memref<80xi32, #tpu.memory_space<hbm>>
    %dma_wait3A_51 = tpu.memref_slice %arg4[%add3A_49] : memref<320000xi32, #tpu.memory_space<hbm>> -> memref<80xi32, #tpu.memory_space<hbm>>
    tpu.wait_dma2 semaphore(%arg36 : memref<!tpu.dma_semaphore, #tpu.memory_space<semaphore_mem>>) src(%dma_wait3A_51 : memref<80xi32, #tpu.memory_space<hbm>>) dst(%arg14 : memref<80xi32, #tpu.memory_space<vmem>>)
    %dma_start3A_52 = arith.constant 0 : i32
    %dma_start3A_53 = arith.constant 0 : i32
    %dma_start3A_54 = tpu.memref_slice %arg2[%dma_start3A_52, %dma_start3A_53] : memref<10000x128xf32, #tpu.memory_space<hbm>> -> memref<10000x128xf32, #tpu.memory_space<hbm>>
    tpu.enqueue_indirect_dma source(%dma_start3A_54 : memref<10000x128xf32, #tpu.memory_space<hbm>>) target(%arg22 : memref<80x128xf32, #tpu.memory_space<vmem>>) offsets(%arg6 : memref<80xi32, #tpu.memory_space<vmem>>) semaphore(%arg28 : memref<!tpu.dma_semaphore, #tpu.memory_space<semaphore_mem>>)
    %add3A_55 = arith.constant 80 : i32
    %add3A_56 = arith.addi %mul3A_13, %add3A_55 : i32
    %dma_wait3A_57 = tpu.memref_slice %arg3[%add3A_56] : memref<320000xi32, #tpu.memory_space<hbm>> -> memref<80xi32, #tpu.memory_space<hbm>>
    %dma_wait3A_58 = tpu.memref_slice %arg3[%add3A_56] : memref<320000xi32, #tpu.memory_space<hbm>> -> memref<80xi32, #tpu.memory_space<hbm>>
    tpu.wait_dma2 semaphore(%arg37 : memref<!tpu.dma_semaphore, #tpu.memory_space<semaphore_mem>>) src(%dma_wait3A_58 : memref<80xi32, #tpu.memory_space<hbm>>) dst(%arg7 : memref<80xi32, #tpu.memory_space<vmem>>)
    %add3A_59 = arith.constant 80 : i32
    %add3A_60 = arith.addi %mul3A_13, %add3A_59 : i32
    %dma_wait3A_61 = tpu.memref_slice %arg4[%add3A_60] : memref<320000xi32, #tpu.memory_space<hbm>> -> memref<80xi32, #tpu.memory_space<hbm>>
    %dma_wait3A_62 = tpu.memref_slice %arg4[%add3A_60] : memref<320000xi32, #tpu.memory_space<hbm>> -> memref<80xi32, #tpu.memory_space<hbm>>
    tpu.wait_dma2 semaphore(%arg37 : memref<!tpu.dma_semaphore, #tpu.memory_space<semaphore_mem>>) src(%dma_wait3A_62 : memref<80xi32, #tpu.memory_space<hbm>>) dst(%arg15 : memref<80xi32, #tpu.memory_space<vmem>>)
    %dma_start3A_63 = arith.constant 0 : i32
    %dma_start3A_64 = arith.constant 0 : i32
    %dma_start3A_65 = tpu.memref_slice %arg2[%dma_start3A_63, %dma_start3A_64] : memref<10000x128xf32, #tpu.memory_space<hbm>> -> memref<10000x128xf32, #tpu.memory_space<hbm>>
    tpu.enqueue_indirect_dma source(%dma_start3A_65 : memref<10000x128xf32, #tpu.memory_space<hbm>>) target(%arg23 : memref<80x128xf32, #tpu.memory_space<vmem>>) offsets(%arg7 : memref<80xi32, #tpu.memory_space<vmem>>) semaphore(%arg29 : memref<!tpu.dma_semaphore, #tpu.memory_space<semaphore_mem>>)
    %add3A_66 = arith.constant 160 : i32
    %add3A_67 = arith.addi %mul3A_13, %add3A_66 : i32
    %dma_wait3A_68 = tpu.memref_slice %arg3[%add3A_67] : memref<320000xi32, #tpu.memory_space<hbm>> -> memref<80xi32, #tpu.memory_space<hbm>>
    %dma_wait3A_69 = tpu.memref_slice %arg3[%add3A_67] : memref<320000xi32, #tpu.memory_space<hbm>> -> memref<80xi32, #tpu.memory_space<hbm>>
    tpu.wait_dma2 semaphore(%arg38 : memref<!tpu.dma_semaphore, #tpu.memory_space<semaphore_mem>>) src(%dma_wait3A_69 : memref<80xi32, #tpu.memory_space<hbm>>) dst(%arg8 : memref<80xi32, #tpu.memory_space<vmem>>)
    %add3A_70 = arith.constant 160 : i32
    %add3A_71 = arith.addi %mul3A_13, %add3A_70 : i32
    %dma_wait3A_72 = tpu.memref_slice %arg4[%add3A_71] : memref<320000xi32, #tpu.memory_space<hbm>> -> memref<80xi32, #tpu.memory_space<hbm>>
    %dma_wait3A_73 = tpu.memref_slice %arg4[%add3A_71] : memref<320000xi32, #tpu.memory_space<hbm>> -> memref<80xi32, #tpu.memory_space<hbm>>
    tpu.wait_dma2 semaphore(%arg38 : memref<!tpu.dma_semaphore, #tpu.memory_space<semaphore_mem>>) src(%dma_wait3A_73 : memref<80xi32, #tpu.memory_space<hbm>>) dst(%arg16 : memref<80xi32, #tpu.memory_space<vmem>>)
    %dma_start3A_74 = arith.constant 0 : i32
    %dma_start3A_75 = arith.constant 0 : i32
    %dma_start3A_76 = tpu.memref_slice %arg2[%dma_start3A_74, %dma_start3A_75] : memref<10000x128xf32, #tpu.memory_space<hbm>> -> memref<10000x128xf32, #tpu.memory_space<hbm>>
    tpu.enqueue_indirect_dma source(%dma_start3A_76 : memref<10000x128xf32, #tpu.memory_space<hbm>>) target(%arg24 : memref<80x128xf32, #tpu.memory_space<vmem>>) offsets(%arg8 : memref<80xi32, #tpu.memory_space<vmem>>) semaphore(%arg30 : memref<!tpu.dma_semaphore, #tpu.memory_space<semaphore_mem>>)
    %dma_wait3A_77 = arith.constant 0 : i32
    %dma_wait3A_78 = arith.constant 0 : i32
    %dma_wait3A_79 = tpu.memref_slice %arg2[%dma_wait3A_77, %dma_wait3A_78] : memref<10000x128xf32, #tpu.memory_space<hbm>> -> memref<10000x128xf32, #tpu.memory_space<hbm>>
    tpu.wait_indirect_dma semaphore(%arg28 : memref<!tpu.dma_semaphore, #tpu.memory_space<semaphore_mem>>) src(%dma_wait3A_79 : memref<10000x128xf32, #tpu.memory_space<hbm>>) dst(%arg22 : memref<80x128xf32, #tpu.memory_space<vmem>>)
    %dma_start3A_80 = arith.constant 0 : i32
    %dma_start3A_81 = arith.constant 0 : i32
    %dma_start3A_82 = tpu.memref_slice %arg27[%dma_start3A_80, %dma_start3A_81] : memref<10240x128xf32, #tpu.memory_space<vmem_shared>> -> memref<10240x128xf32, #tpu.memory_space<vmem_shared>>
    tpu.enqueue_indirect_dma source(%arg22 : memref<80x128xf32, #tpu.memory_space<vmem>>) target(%dma_start3A_82 : memref<10240x128xf32, #tpu.memory_space<vmem_shared>>) offsets(%arg14 : memref<80xi32, #tpu.memory_space<vmem>>) semaphore(%arg32 : memref<!tpu.dma_semaphore, #tpu.memory_space<semaphore_mem>>) {add = true}
    %add3A_83 = arith.constant 320 : i32
    %add3A_84 = arith.addi %mul3A_13, %add3A_83 : i32
    %dma_start3A_85 = tpu.memref_slice %arg3[%add3A_84] : memref<320000xi32, #tpu.memory_space<hbm>> -> memref<80xi32, #tpu.memory_space<hbm>>
    %dma_start3A_86 = tpu.memref_slice %arg3[%add3A_84] : memref<320000xi32, #tpu.memory_space<hbm>> -> memref<80xi32, #tpu.memory_space<hbm>>
    tpu.enqueue_dma source(%dma_start3A_86 : memref<80xi32, #tpu.memory_space<hbm>>) target(%arg10 : memref<80xi32, #tpu.memory_space<vmem>>) target_semaphore(%arg40 : memref<!tpu.dma_semaphore, #tpu.memory_space<semaphore_mem>>)
    %add3A_87 = arith.constant 320 : i32
    %add3A_88 = arith.addi %mul3A_13, %add3A_87 : i32
    %dma_start3A_89 = tpu.memref_slice %arg4[%add3A_88] : memref<320000xi32, #tpu.memory_space<hbm>> -> memref<80xi32, #tpu.memory_space<hbm>>
    %dma_start3A_90 = tpu.memref_slice %arg4[%add3A_88] : memref<320000xi32, #tpu.memory_space<hbm>> -> memref<80xi32, #tpu.memory_space<hbm>>
    tpu.enqueue_dma source(%dma_start3A_90 : memref<80xi32, #tpu.memory_space<hbm>>) target(%arg18 : memref<80xi32, #tpu.memory_space<vmem>>) target_semaphore(%arg40 : memref<!tpu.dma_semaphore, #tpu.memory_space<semaphore_mem>>)
    %add3A_91 = arith.constant 240 : i32
    %add3A_92 = arith.addi %mul3A_13, %add3A_91 : i32
    %dma_wait3A_93 = tpu.memref_slice %arg3[%add3A_92] : memref<320000xi32, #tpu.memory_space<hbm>> -> memref<80xi32, #tpu.memory_space<hbm>>
    %dma_wait3A_94 = tpu.memref_slice %arg3[%add3A_92] : memref<320000xi32, #tpu.memory_space<hbm>> -> memref<80xi32, #tpu.memory_space<hbm>>
    tpu.wait_dma2 semaphore(%arg39 : memref<!tpu.dma_semaphore, #tpu.memory_space<semaphore_mem>>) src(%dma_wait3A_94 : memref<80xi32, #tpu.memory_space<hbm>>) dst(%arg9 : memref<80xi32, #tpu.memory_space<vmem>>)
    %add3A_95 = arith.constant 240 : i32
    %add3A_96 = arith.addi %mul3A_13, %add3A_95 : i32
    %dma_wait3A_97 = tpu.memref_slice %arg4[%add3A_96] : memref<320000xi32, #tpu.memory_space<hbm>> -> memref<80xi32, #tpu.memory_space<hbm>>
    %dma_wait3A_98 = tpu.memref_slice %arg4[%add3A_96] : memref<320000xi32, #tpu.memory_space<hbm>> -> memref<80xi32, #tpu.memory_space<hbm>>
    tpu.wait_dma2 semaphore(%arg39 : memref<!tpu.dma_semaphore, #tpu.memory_space<semaphore_mem>>) src(%dma_wait3A_98 : memref<80xi32, #tpu.memory_space<hbm>>) dst(%arg17 : memref<80xi32, #tpu.memory_space<vmem>>)
    %dma_start3A_99 = arith.constant 0 : i32
    %dma_start3A_100 = arith.constant 0 : i32
    %dma_start3A_101 = tpu.memref_slice %arg2[%dma_start3A_99, %dma_start3A_100] : memref<10000x128xf32, #tpu.memory_space<hbm>> -> memref<10000x128xf32, #tpu.memory_space<hbm>>
    tpu.enqueue_indirect_dma source(%dma_start3A_101 : memref<10000x128xf32, #tpu.memory_space<hbm>>) target(%arg25 : memref<80x128xf32, #tpu.memory_space<vmem>>) offsets(%arg9 : memref<80xi32, #tpu.memory_space<vmem>>) semaphore(%arg31 : memref<!tpu.dma_semaphore, #tpu.memory_space<semaphore_mem>>)
    %scan3A_102 = arith.constant 0 : i32
    %scan3A_103 = arith.constant 0 : i32
    %scan3A_104 = arith.constant 14 : i32
    %scan3A_105 = arith.addi %scan3A_103, %scan3A_104 : i32
    %scan3A_106 = arith.constant 1 : i32
    scf.for %scan3A_387 = %scan3A_103 to %scan3A_105 step %scan3A_106  : i32 {
      %mul3A_388 = arith.constant 8 : i32
      %mul3A_389 = arith.muli %mul3A_388, %scan3A_387 : i32
      %add3A_390 = arith.constant 1 : i32
      %add3A_391 = arith.addi %mul3A_389, %add3A_390 : i32
      %add3A_392 = arith.constant 0 : i32
      %add3A_393 = arith.addi %add3A_391, %add3A_392 : i32
      %dma_wait3A_394 = arith.constant 0 : i32
      %dma_wait3A_395 = arith.constant 0 : i32
      %dma_wait3A_396 = tpu.memref_slice %arg2[%dma_wait3A_394, %dma_wait3A_395] : memref<10000x128xf32, #tpu.memory_space<hbm>> -> memref<10000x128xf32, #tpu.memory_space<hbm>>
      tpu.wait_indirect_dma semaphore(%arg29 : memref<!tpu.dma_semaphore, #tpu.memory_space<semaphore_mem>>) src(%dma_wait3A_396 : memref<10000x128xf32, #tpu.memory_space<hbm>>) dst(%arg23 : memref<80x128xf32, #tpu.memory_space<vmem>>)
      %dma_start3A_397 = arith.constant 0 : i32
      %dma_start3A_398 = arith.constant 0 : i32
      %dma_start3A_399 = tpu.memref_slice %arg27[%dma_start3A_397, %dma_start3A_398] : memref<10240x128xf32, #tpu.memory_space<vmem_shared>> -> memref<10240x128xf32, #tpu.memory_space<vmem_shared>>
      tpu.enqueue_indirect_dma source(%arg23 : memref<80x128xf32, #tpu.memory_space<vmem>>) target(%dma_start3A_399 : memref<10240x128xf32, #tpu.memory_space<vmem_shared>>) offsets(%arg15 : memref<80xi32, #tpu.memory_space<vmem>>) semaphore(%arg33 : memref<!tpu.dma_semaphore, #tpu.memory_space<semaphore_mem>>) {add = true}
      %add3A_400 = arith.constant 4 : i32
      %add3A_401 = arith.addi %add3A_393, %add3A_400 : i32
      %mul3A_402 = arith.constant 80 : i32
      %mul3A_403 = arith.muli %add3A_401, %mul3A_402 : i32
      %add3A_404 = arith.addi %mul3A_13, %mul3A_403 : i32
      %dma_start3A_405 = tpu.memref_slice %arg3[%add3A_404] : memref<320000xi32, #tpu.memory_space<hbm>> -> memref<80xi32, #tpu.memory_space<hbm>>
      %dma_start3A_406 = tpu.memref_slice %arg3[%add3A_404] : memref<320000xi32, #tpu.memory_space<hbm>> -> memref<80xi32, #tpu.memory_space<hbm>>
      tpu.enqueue_dma source(%dma_start3A_406 : memref<80xi32, #tpu.memory_space<hbm>>) target(%arg11 : memref<80xi32, #tpu.memory_space<vmem>>) target_semaphore(%arg41 : memref<!tpu.dma_semaphore, #tpu.memory_space<semaphore_mem>>)
      %mul3A_407 = arith.constant 80 : i32
      %mul3A_408 = arith.muli %add3A_401, %mul3A_407 : i32
      %add3A_409 = arith.addi %mul3A_13, %mul3A_408 : i32
      %dma_start3A_410 = tpu.memref_slice %arg4[%add3A_409] : memref<320000xi32, #tpu.memory_space<hbm>> -> memref<80xi32, #tpu.memory_space<hbm>>
      %dma_start3A_411 = tpu.memref_slice %arg4[%add3A_409] : memref<320000xi32, #tpu.memory_space<hbm>> -> memref<80xi32, #tpu.memory_space<hbm>>
      tpu.enqueue_dma source(%dma_start3A_411 : memref<80xi32, #tpu.memory_space<hbm>>) target(%arg19 : memref<80xi32, #tpu.memory_space<vmem>>) target_semaphore(%arg41 : memref<!tpu.dma_semaphore, #tpu.memory_space<semaphore_mem>>)
      %dma_wait3A_412 = arith.constant 0 : i32
      %dma_wait3A_413 = arith.constant 0 : i32
      %dma_wait3A_414 = tpu.memref_slice %arg27[%dma_wait3A_412, %dma_wait3A_413] : memref<10240x128xf32, #tpu.memory_space<vmem_shared>> -> memref<10240x128xf32, #tpu.memory_space<vmem_shared>>
      tpu.wait_indirect_dma semaphore(%arg32 : memref<!tpu.dma_semaphore, #tpu.memory_space<semaphore_mem>>) src(%arg22 : memref<80x128xf32, #tpu.memory_space<vmem>>) dst(%dma_wait3A_414 : memref<10240x128xf32, #tpu.memory_space<vmem_shared>>)
      %add3A_415 = arith.constant 3 : i32
      %add3A_416 = arith.addi %add3A_393, %add3A_415 : i32
      %mul3A_417 = arith.constant 80 : i32
      %mul3A_418 = arith.muli %add3A_416, %mul3A_417 : i32
      %add3A_419 = arith.addi %mul3A_13, %mul3A_418 : i32
      %dma_wait3A_420 = tpu.memref_slice %arg3[%add3A_419] : memref<320000xi32, #tpu.memory_space<hbm>> -> memref<80xi32, #tpu.memory_space<hbm>>
      %dma_wait3A_421 = tpu.memref_slice %arg3[%add3A_419] : memref<320000xi32, #tpu.memory_space<hbm>> -> memref<80xi32, #tpu.memory_space<hbm>>
      tpu.wait_dma2 semaphore(%arg40 : memref<!tpu.dma_semaphore, #tpu.memory_space<semaphore_mem>>) src(%dma_wait3A_421 : memref<80xi32, #tpu.memory_space<hbm>>) dst(%arg10 : memref<80xi32, #tpu.memory_space<vmem>>)
      %mul3A_422 = arith.constant 80 : i32
      %mul3A_423 = arith.muli %add3A_416, %mul3A_422 : i32
      %add3A_424 = arith.addi %mul3A_13, %mul3A_423 : i32
      %dma_wait3A_425 = tpu.memref_slice %arg4[%add3A_424] : memref<320000xi32, #tpu.memory_space<hbm>> -> memref<80xi32, #tpu.memory_space<hbm>>
      %dma_wait3A_426 = tpu.memref_slice %arg4[%add3A_424] : memref<320000xi32, #tpu.memory_space<hbm>> -> memref<80xi32, #tpu.memory_space<hbm>>
      tpu.wait_dma2 semaphore(%arg40 : memref<!tpu.dma_semaphore, #tpu.memory_space<semaphore_mem>>) src(%dma_wait3A_426 : memref<80xi32, #tpu.memory_space<hbm>>) dst(%arg18 : memref<80xi32, #tpu.memory_space<vmem>>)
      %dma_start3A_427 = arith.constant 0 : i32
      %dma_start3A_428 = arith.constant 0 : i32
      %dma_start3A_429 = tpu.memref_slice %arg2[%dma_start3A_427, %dma_start3A_428] : memref<10000x128xf32, #tpu.memory_space<hbm>> -> memref<10000x128xf32, #tpu.memory_space<hbm>>
      tpu.enqueue_indirect_dma source(%dma_start3A_429 : memref<10000x128xf32, #tpu.memory_space<hbm>>) target(%arg22 : memref<80x128xf32, #tpu.memory_space<vmem>>) offsets(%arg10 : memref<80xi32, #tpu.memory_space<vmem>>) semaphore(%arg28 : memref<!tpu.dma_semaphore, #tpu.memory_space<semaphore_mem>>)
      %add3A_430 = arith.constant 1 : i32
      %add3A_431 = arith.addi %add3A_391, %add3A_430 : i32
      %dma_wait3A_432 = arith.constant 0 : i32
      %dma_wait3A_433 = arith.constant 0 : i32
      %dma_wait3A_434 = tpu.memref_slice %arg2[%dma_wait3A_432, %dma_wait3A_433] : memref<10000x128xf32, #tpu.memory_space<hbm>> -> memref<10000x128xf32, #tpu.memory_space<hbm>>
      tpu.wait_indirect_dma semaphore(%arg30 : memref<!tpu.dma_semaphore, #tpu.memory_space<semaphore_mem>>) src(%dma_wait3A_434 : memref<10000x128xf32, #tpu.memory_space<hbm>>) dst(%arg24 : memref<80x128xf32, #tpu.memory_space<vmem>>)
      %dma_start3A_435 = arith.constant 0 : i32
      %dma_start3A_436 = arith.constant 0 : i32
      %dma_start3A_437 = tpu.memref_slice %arg27[%dma_start3A_435, %dma_start3A_436] : memref<10240x128xf32, #tpu.memory_space<vmem_shared>> -> memref<10240x128xf32, #tpu.memory_space<vmem_shared>>
      tpu.enqueue_indirect_dma source(%arg24 : memref<80x128xf32, #tpu.memory_space<vmem>>) target(%dma_start3A_437 : memref<10240x128xf32, #tpu.memory_space<vmem_shared>>) offsets(%arg16 : memref<80xi32, #tpu.memory_space<vmem>>) semaphore(%arg34 : memref<!tpu.dma_semaphore, #tpu.memory_space<semaphore_mem>>) {add = true}
      %add3A_438 = arith.constant 4 : i32
      %add3A_439 = arith.addi %add3A_431, %add3A_438 : i32
      %mul3A_440 = arith.constant 80 : i32
      %mul3A_441 = arith.muli %add3A_439, %mul3A_440 : i32
      %add3A_442 = arith.addi %mul3A_13, %mul3A_441 : i32
      %dma_start3A_443 = tpu.memref_slice %arg3[%add3A_442] : memref<320000xi32, #tpu.memory_space<hbm>> -> memref<80xi32, #tpu.memory_space<hbm>>
      %dma_start3A_444 = tpu.memref_slice %arg3[%add3A_442] : memref<320000xi32, #tpu.memory_space<hbm>> -> memref<80xi32, #tpu.memory_space<hbm>>
      tpu.enqueue_dma source(%dma_start3A_444 : memref<80xi32, #tpu.memory_space<hbm>>) target(%arg12 : memref<80xi32, #tpu.memory_space<vmem>>) target_semaphore(%arg42 : memref<!tpu.dma_semaphore, #tpu.memory_space<semaphore_mem>>)
      %mul3A_445 = arith.constant 80 : i32
      %mul3A_446 = arith.muli %add3A_439, %mul3A_445 : i32
      %add3A_447 = arith.addi %mul3A_13, %mul3A_446 : i32
      %dma_start3A_448 = tpu.memref_slice %arg4[%add3A_447] : memref<320000xi32, #tpu.memory_space<hbm>> -> memref<80xi32, #tpu.memory_space<hbm>>
      %dma_start3A_449 = tpu.memref_slice %arg4[%add3A_447] : memref<320000xi32, #tpu.memory_space<hbm>> -> memref<80xi32, #tpu.memory_space<hbm>>
      tpu.enqueue_dma source(%dma_start3A_449 : memref<80xi32, #tpu.memory_space<hbm>>) target(%arg20 : memref<80xi32, #tpu.memory_space<vmem>>) target_semaphore(%arg42 : memref<!tpu.dma_semaphore, #tpu.memory_space<semaphore_mem>>)
      %dma_wait3A_450 = arith.constant 0 : i32
      %dma_wait3A_451 = arith.constant 0 : i32
      %dma_wait3A_452 = tpu.memref_slice %arg27[%dma_wait3A_450, %dma_wait3A_451] : memref<10240x128xf32, #tpu.memory_space<vmem_shared>> -> memref<10240x128xf32, #tpu.memory_space<vmem_shared>>
      tpu.wait_indirect_dma semaphore(%arg33 : memref<!tpu.dma_semaphore, #tpu.memory_space<semaphore_mem>>) src(%arg23 : memref<80x128xf32, #tpu.memory_space<vmem>>) dst(%dma_wait3A_452 : memref<10240x128xf32, #tpu.memory_space<vmem_shared>>)
      %add3A_453 = arith.constant 3 : i32
      %add3A_454 = arith.addi %add3A_431, %add3A_453 : i32
      %mul3A_455 = arith.constant 80 : i32
      %mul3A_456 = arith.muli %add3A_454, %mul3A_455 : i32
      %add3A_457 = arith.addi %mul3A_13, %mul3A_456 : i32
      %dma_wait3A_458 = tpu.memref_slice %arg3[%add3A_457] : memref<320000xi32, #tpu.memory_space<hbm>> -> memref<80xi32, #tpu.memory_space<hbm>>
      %dma_wait3A_459 = tpu.memref_slice %arg3[%add3A_457] : memref<320000xi32, #tpu.memory_space<hbm>> -> memref<80xi32, #tpu.memory_space<hbm>>
      tpu.wait_dma2 semaphore(%arg41 : memref<!tpu.dma_semaphore, #tpu.memory_space<semaphore_mem>>) src(%dma_wait3A_459 : memref<80xi32, #tpu.memory_space<hbm>>) dst(%arg11 : memref<80xi32, #tpu.memory_space<vmem>>)
      %mul3A_460 = arith.constant 80 : i32
      %mul3A_461 = arith.muli %add3A_454, %mul3A_460 : i32
      %add3A_462 = arith.addi %mul3A_13, %mul3A_461 : i32
      %dma_wait3A_463 = tpu.memref_slice %arg4[%add3A_462] : memref<320000xi32, #tpu.memory_space<hbm>> -> memref<80xi32, #tpu.memory_space<hbm>>
      %dma_wait3A_464 = tpu.memref_slice %arg4[%add3A_462] : memref<320000xi32, #tpu.memory_space<hbm>> -> memref<80xi32, #tpu.memory_space<hbm>>
      tpu.wait_dma2 semaphore(%arg41 : memref<!tpu.dma_semaphore, #tpu.memory_space<semaphore_mem>>) src(%dma_wait3A_464 : memref<80xi32, #tpu.memory_space<hbm>>) dst(%arg19 : memref<80xi32, #tpu.memory_space<vmem>>)
      %dma_start3A_465 = arith.constant 0 : i32
      %dma_start3A_466 = arith.constant 0 : i32
      %dma_start3A_467 = tpu.memref_slice %arg2[%dma_start3A_465, %dma_start3A_466] : memref<10000x128xf32, #tpu.memory_space<hbm>> -> memref<10000x128xf32, #tpu.memory_space<hbm>>
      tpu.enqueue_indirect_dma source(%dma_start3A_467 : memref<10000x128xf32, #tpu.memory_space<hbm>>) target(%arg23 : memref<80x128xf32, #tpu.memory_space<vmem>>) offsets(%arg11 : memref<80xi32, #tpu.memory_space<vmem>>) semaphore(%arg29 : memref<!tpu.dma_semaphore, #tpu.memory_space<semaphore_mem>>)
      %add3A_468 = arith.constant 2 : i32
      %add3A_469 = arith.addi %add3A_391, %add3A_468 : i32
      %dma_wait3A_470 = arith.constant 0 : i32
      %dma_wait3A_471 = arith.constant 0 : i32
      %dma_wait3A_472 = tpu.memref_slice %arg2[%dma_wait3A_470, %dma_wait3A_471] : memref<10000x128xf32, #tpu.memory_space<hbm>> -> memref<10000x128xf32, #tpu.memory_space<hbm>>
      tpu.wait_indirect_dma semaphore(%arg31 : memref<!tpu.dma_semaphore, #tpu.memory_space<semaphore_mem>>) src(%dma_wait3A_472 : memref<10000x128xf32, #tpu.memory_space<hbm>>) dst(%arg25 : memref<80x128xf32, #tpu.memory_space<vmem>>)
      %dma_start3A_473 = arith.constant 0 : i32
      %dma_start3A_474 = arith.constant 0 : i32
      %dma_start3A_475 = tpu.memref_slice %arg27[%dma_start3A_473, %dma_start3A_474] : memref<10240x128xf32, #tpu.memory_space<vmem_shared>> -> memref<10240x128xf32, #tpu.memory_space<vmem_shared>>
      tpu.enqueue_indirect_dma source(%arg25 : memref<80x128xf32, #tpu.memory_space<vmem>>) target(%dma_start3A_475 : memref<10240x128xf32, #tpu.memory_space<vmem_shared>>) offsets(%arg17 : memref<80xi32, #tpu.memory_space<vmem>>) semaphore(%arg35 : memref<!tpu.dma_semaphore, #tpu.memory_space<semaphore_mem>>) {add = true}
      %add3A_476 = arith.constant 4 : i32
      %add3A_477 = arith.addi %add3A_469, %add3A_476 : i32
      %mul3A_478 = arith.constant 80 : i32
      %mul3A_479 = arith.muli %add3A_477, %mul3A_478 : i32
      %add3A_480 = arith.addi %mul3A_13, %mul3A_479 : i32
      %dma_start3A_481 = tpu.memref_slice %arg3[%add3A_480] : memref<320000xi32, #tpu.memory_space<hbm>> -> memref<80xi32, #tpu.memory_space<hbm>>
      %dma_start3A_482 = tpu.memref_slice %arg3[%add3A_480] : memref<320000xi32, #tpu.memory_space<hbm>> -> memref<80xi32, #tpu.memory_space<hbm>>
      tpu.enqueue_dma source(%dma_start3A_482 : memref<80xi32, #tpu.memory_space<hbm>>) target(%arg13 : memref<80xi32, #tpu.memory_space<vmem>>) target_semaphore(%arg43 : memref<!tpu.dma_semaphore, #tpu.memory_space<semaphore_mem>>)
      %mul3A_483 = arith.constant 80 : i32
      %mul3A_484 = arith.muli %add3A_477, %mul3A_483 : i32
      %add3A_485 = arith.addi %mul3A_13, %mul3A_484 : i32
      %dma_start3A_486 = tpu.memref_slice %arg4[%add3A_485] : memref<320000xi32, #tpu.memory_space<hbm>> -> memref<80xi32, #tpu.memory_space<hbm>>
      %dma_start3A_487 = tpu.memref_slice %arg4[%add3A_485] : memref<320000xi32, #tpu.memory_space<hbm>> -> memref<80xi32, #tpu.memory_space<hbm>>
      tpu.enqueue_dma source(%dma_start3A_487 : memref<80xi32, #tpu.memory_space<hbm>>) target(%arg21 : memref<80xi32, #tpu.memory_space<vmem>>) target_semaphore(%arg43 : memref<!tpu.dma_semaphore, #tpu.memory_space<semaphore_mem>>)
      %dma_wait3A_488 = arith.constant 0 : i32
      %dma_wait3A_489 = arith.constant 0 : i32
      %dma_wait3A_490 = tpu.memref_slice %arg27[%dma_wait3A_488, %dma_wait3A_489] : memref<10240x128xf32, #tpu.memory_space<vmem_shared>> -> memref<10240x128xf32, #tpu.memory_space<vmem_shared>>
      tpu.wait_indirect_dma semaphore(%arg34 : memref<!tpu.dma_semaphore, #tpu.memory_space<semaphore_mem>>) src(%arg24 : memref<80x128xf32, #tpu.memory_space<vmem>>) dst(%dma_wait3A_490 : memref<10240x128xf32, #tpu.memory_space<vmem_shared>>)
      %add3A_491 = arith.constant 3 : i32
      %add3A_492 = arith.addi %add3A_469, %add3A_491 : i32
      %mul3A_493 = arith.constant 80 : i32
      %mul3A_494 = arith.muli %add3A_492, %mul3A_493 : i32
      %add3A_495 = arith.addi %mul3A_13, %mul3A_494 : i32
      %dma_wait3A_496 = tpu.memref_slice %arg3[%add3A_495] : memref<320000xi32, #tpu.memory_space<hbm>> -> memref<80xi32, #tpu.memory_space<hbm>>
      %dma_wait3A_497 = tpu.memref_slice %arg3[%add3A_495] : memref<320000xi32, #tpu.memory_space<hbm>> -> memref<80xi32, #tpu.memory_space<hbm>>
      tpu.wait_dma2 semaphore(%arg42 : memref<!tpu.dma_semaphore, #tpu.memory_space<semaphore_mem>>) src(%dma_wait3A_497 : memref<80xi32, #tpu.memory_space<hbm>>) dst(%arg12 : memref<80xi32, #tpu.memory_space<vmem>>)
      %mul3A_498 = arith.constant 80 : i32
      %mul3A_499 = arith.muli %add3A_492, %mul3A_498 : i32
      %add3A_500 = arith.addi %mul3A_13, %mul3A_499 : i32
      %dma_wait3A_501 = tpu.memref_slice %arg4[%add3A_500] : memref<320000xi32, #tpu.memory_space<hbm>> -> memref<80xi32, #tpu.memory_space<hbm>>
      %dma_wait3A_502 = tpu.memref_slice %arg4[%add3A_500] : memref<320000xi32, #tpu.memory_space<hbm>> -> memref<80xi32, #tpu.memory_space<hbm>>
      tpu.wait_dma2 semaphore(%arg42 : memref<!tpu.dma_semaphore, #tpu.memory_space<semaphore_mem>>) src(%dma_wait3A_502 : memref<80xi32, #tpu.memory_space<hbm>>) dst(%arg20 : memref<80xi32, #tpu.memory_space<vmem>>)
      %dma_start3A_503 = arith.constant 0 : i32
      %dma_start3A_504 = arith.constant 0 : i32
      %dma_start3A_505 = tpu.memref_slice %arg2[%dma_start3A_503, %dma_start3A_504] : memref<10000x128xf32, #tpu.memory_space<hbm>> -> memref<10000x128xf32, #tpu.memory_space<hbm>>
      tpu.enqueue_indirect_dma source(%dma_start3A_505 : memref<10000x128xf32, #tpu.memory_space<hbm>>) target(%arg24 : memref<80x128xf32, #tpu.memory_space<vmem>>) offsets(%arg12 : memref<80xi32, #tpu.memory_space<vmem>>) semaphore(%arg30 : memref<!tpu.dma_semaphore, #tpu.memory_space<semaphore_mem>>)
      %add3A_506 = arith.constant 3 : i32
      %add3A_507 = arith.addi %add3A_391, %add3A_506 : i32
      %dma_wait3A_508 = arith.constant 0 : i32
      %dma_wait3A_509 = arith.constant 0 : i32
      %dma_wait3A_510 = tpu.memref_slice %arg2[%dma_wait3A_508, %dma_wait3A_509] : memref<10000x128xf32, #tpu.memory_space<hbm>> -> memref<10000x128xf32, #tpu.memory_space<hbm>>
      tpu.wait_indirect_dma semaphore(%arg28 : memref<!tpu.dma_semaphore, #tpu.memory_space<semaphore_mem>>) src(%dma_wait3A_510 : memref<10000x128xf32, #tpu.memory_space<hbm>>) dst(%arg22 : memref<80x128xf32, #tpu.memory_space<vmem>>)
      %dma_start3A_511 = arith.constant 0 : i32
      %dma_start3A_512 = arith.constant 0 : i32
      %dma_start3A_513 = tpu.memref_slice %arg27[%dma_start3A_511, %dma_start3A_512] : memref<10240x128xf32, #tpu.memory_space<vmem_shared>> -> memref<10240x128xf32, #tpu.memory_space<vmem_shared>>
      tpu.enqueue_indirect_dma source(%arg22 : memref<80x128xf32, #tpu.memory_space<vmem>>) target(%dma_start3A_513 : memref<10240x128xf32, #tpu.memory_space<vmem_shared>>) offsets(%arg18 : memref<80xi32, #tpu.memory_space<vmem>>) semaphore(%arg32 : memref<!tpu.dma_semaphore, #tpu.memory_space<semaphore_mem>>) {add = true}
      %add3A_514 = arith.constant 4 : i32
      %add3A_515 = arith.addi %add3A_507, %add3A_514 : i32
      %mul3A_516 = arith.constant 80 : i32
      %mul3A_517 = arith.muli %add3A_515, %mul3A_516 : i32
      %add3A_518 = arith.addi %mul3A_13, %mul3A_517 : i32
      %dma_start3A_519 = tpu.memref_slice %arg3[%add3A_518] : memref<320000xi32, #tpu.memory_space<hbm>> -> memref<80xi32, #tpu.memory_space<hbm>>
      %dma_start3A_520 = tpu.memref_slice %arg3[%add3A_518] : memref<320000xi32, #tpu.memory_space<hbm>> -> memref<80xi32, #tpu.memory_space<hbm>>
      tpu.enqueue_dma source(%dma_start3A_520 : memref<80xi32, #tpu.memory_space<hbm>>) target(%arg6 : memref<80xi32, #tpu.memory_space<vmem>>) target_semaphore(%arg36 : memref<!tpu.dma_semaphore, #tpu.memory_space<semaphore_mem>>)
      %mul3A_521 = arith.constant 80 : i32
      %mul3A_522 = arith.muli %add3A_515, %mul3A_521 : i32
      %add3A_523 = arith.addi %mul3A_13, %mul3A_522 : i32
      %dma_start3A_524 = tpu.memref_slice %arg4[%add3A_523] : memref<320000xi32, #tpu.memory_space<hbm>> -> memref<80xi32, #tpu.memory_space<hbm>>
      %dma_start3A_525 = tpu.memref_slice %arg4[%add3A_523] : memref<320000xi32, #tpu.memory_space<hbm>> -> memref<80xi32, #tpu.memory_space<hbm>>
      tpu.enqueue_dma source(%dma_start3A_525 : memref<80xi32, #tpu.memory_space<hbm>>) target(%arg14 : memref<80xi32, #tpu.memory_space<vmem>>) target_semaphore(%arg36 : memref<!tpu.dma_semaphore, #tpu.memory_space<semaphore_mem>>)
      %dma_wait3A_526 = arith.constant 0 : i32
      %dma_wait3A_527 = arith.constant 0 : i32
      %dma_wait3A_528 = tpu.memref_slice %arg27[%dma_wait3A_526, %dma_wait3A_527] : memref<10240x128xf32, #tpu.memory_space<vmem_shared>> -> memref<10240x128xf32, #tpu.memory_space<vmem_shared>>
      tpu.wait_indirect_dma semaphore(%arg35 : memref<!tpu.dma_semaphore, #tpu.memory_space<semaphore_mem>>) src(%arg25 : memref<80x128xf32, #tpu.memory_space<vmem>>) dst(%dma_wait3A_528 : memref<10240x128xf32, #tpu.memory_space<vmem_shared>>)
      %add3A_529 = arith.constant 3 : i32
      %add3A_530 = arith.addi %add3A_507, %add3A_529 : i32
      %mul3A_531 = arith.constant 80 : i32
      %mul3A_532 = arith.muli %add3A_530, %mul3A_531 : i32
      %add3A_533 = arith.addi %mul3A_13, %mul3A_532 : i32
      %dma_wait3A_534 = tpu.memref_slice %arg3[%add3A_533] : memref<320000xi32, #tpu.memory_space<hbm>> -> memref<80xi32, #tpu.memory_space<hbm>>
      %dma_wait3A_535 = tpu.memref_slice %arg3[%add3A_533] : memref<320000xi32, #tpu.memory_space<hbm>> -> memref<80xi32, #tpu.memory_space<hbm>>
      tpu.wait_dma2 semaphore(%arg43 : memref<!tpu.dma_semaphore, #tpu.memory_space<semaphore_mem>>) src(%dma_wait3A_535 : memref<80xi32, #tpu.memory_space<hbm>>) dst(%arg13 : memref<80xi32, #tpu.memory_space<vmem>>)
      %mul3A_536 = arith.constant 80 : i32
      %mul3A_537 = arith.muli %add3A_530, %mul3A_536 : i32
      %add3A_538 = arith.addi %mul3A_13, %mul3A_537 : i32
      %dma_wait3A_539 = tpu.memref_slice %arg4[%add3A_538] : memref<320000xi32, #tpu.memory_space<hbm>> -> memref<80xi32, #tpu.memory_space<hbm>>
      %dma_wait3A_540 = tpu.memref_slice %arg4[%add3A_538] : memref<320000xi32, #tpu.memory_space<hbm>> -> memref<80xi32, #tpu.memory_space<hbm>>
      tpu.wait_dma2 semaphore(%arg43 : memref<!tpu.dma_semaphore, #tpu.memory_space<semaphore_mem>>) src(%dma_wait3A_540 : memref<80xi32, #tpu.memory_space<hbm>>) dst(%arg21 : memref<80xi32, #tpu.memory_space<vmem>>)
      %dma_start3A_541 = arith.constant 0 : i32
      %dma_start3A_542 = arith.constant 0 : i32
      %dma_start3A_543 = tpu.memref_slice %arg2[%dma_start3A_541, %dma_start3A_542] : memref<10000x128xf32, #tpu.memory_space<hbm>> -> memref<10000x128xf32, #tpu.memory_space<hbm>>
      tpu.enqueue_indirect_dma source(%dma_start3A_543 : memref<10000x128xf32, #tpu.memory_space<hbm>>) target(%arg25 : memref<80x128xf32, #tpu.memory_space<vmem>>) offsets(%arg13 : memref<80xi32, #tpu.memory_space<vmem>>) semaphore(%arg31 : memref<!tpu.dma_semaphore, #tpu.memory_space<semaphore_mem>>)
      %add3A_544 = arith.constant 4 : i32
      %add3A_545 = arith.addi %add3A_391, %add3A_544 : i32
      %dma_wait3A_546 = arith.constant 0 : i32
      %dma_wait3A_547 = arith.constant 0 : i32
      %dma_wait3A_548 = tpu.memref_slice %arg2[%dma_wait3A_546, %dma_wait3A_547] : memref<10000x128xf32, #tpu.memory_space<hbm>> -> memref<10000x128xf32, #tpu.memory_space<hbm>>
      tpu.wait_indirect_dma semaphore(%arg29 : memref<!tpu.dma_semaphore, #tpu.memory_space<semaphore_mem>>) src(%dma_wait3A_548 : memref<10000x128xf32, #tpu.memory_space<hbm>>) dst(%arg23 : memref<80x128xf32, #tpu.memory_space<vmem>>)
      %dma_start3A_549 = arith.constant 0 : i32
      %dma_start3A_550 = arith.constant 0 : i32
      %dma_start3A_551 = tpu.memref_slice %arg27[%dma_start3A_549, %dma_start3A_550] : memref<10240x128xf32, #tpu.memory_space<vmem_shared>> -> memref<10240x128xf32, #tpu.memory_space<vmem_shared>>
      tpu.enqueue_indirect_dma source(%arg23 : memref<80x128xf32, #tpu.memory_space<vmem>>) target(%dma_start3A_551 : memref<10240x128xf32, #tpu.memory_space<vmem_shared>>) offsets(%arg19 : memref<80xi32, #tpu.memory_space<vmem>>) semaphore(%arg33 : memref<!tpu.dma_semaphore, #tpu.memory_space<semaphore_mem>>) {add = true}
      %add3A_552 = arith.constant 4 : i32
      %add3A_553 = arith.addi %add3A_545, %add3A_552 : i32
      %mul3A_554 = arith.constant 80 : i32
      %mul3A_555 = arith.muli %add3A_553, %mul3A_554 : i32
      %add3A_556 = arith.addi %mul3A_13, %mul3A_555 : i32
      %dma_start3A_557 = tpu.memref_slice %arg3[%add3A_556] : memref<320000xi32, #tpu.memory_space<hbm>> -> memref<80xi32, #tpu.memory_space<hbm>>
      %dma_start3A_558 = tpu.memref_slice %arg3[%add3A_556] : memref<320000xi32, #tpu.memory_space<hbm>> -> memref<80xi32, #tpu.memory_space<hbm>>
      tpu.enqueue_dma source(%dma_start3A_558 : memref<80xi32, #tpu.memory_space<hbm>>) target(%arg7 : memref<80xi32, #tpu.memory_space<vmem>>) target_semaphore(%arg37 : memref<!tpu.dma_semaphore, #tpu.memory_space<semaphore_mem>>)
      %mul3A_559 = arith.constant 80 : i32
      %mul3A_560 = arith.muli %add3A_553, %mul3A_559 : i32
      %add3A_561 = arith.addi %mul3A_13, %mul3A_560 : i32
      %dma_start3A_562 = tpu.memref_slice %arg4[%add3A_561] : memref<320000xi32, #tpu.memory_space<hbm>> -> memref<80xi32, #tpu.memory_space<hbm>>
      %dma_start3A_563 = tpu.memref_slice %arg4[%add3A_561] : memref<320000xi32, #tpu.memory_space<hbm>> -> memref<80xi32, #tpu.memory_space<hbm>>
      tpu.enqueue_dma source(%dma_start3A_563 : memref<80xi32, #tpu.memory_space<hbm>>) target(%arg15 : memref<80xi32, #tpu.memory_space<vmem>>) target_semaphore(%arg37 : memref<!tpu.dma_semaphore, #tpu.memory_space<semaphore_mem>>)
      %dma_wait3A_564 = arith.constant 0 : i32
      %dma_wait3A_565 = arith.constant 0 : i32
      %dma_wait3A_566 = tpu.memref_slice %arg27[%dma_wait3A_564, %dma_wait3A_565] : memref<10240x128xf32, #tpu.memory_space<vmem_shared>> -> memref<10240x128xf32, #tpu.memory_space<vmem_shared>>
      tpu.wait_indirect_dma semaphore(%arg32 : memref<!tpu.dma_semaphore, #tpu.memory_space<semaphore_mem>>) src(%arg22 : memref<80x128xf32, #tpu.memory_space<vmem>>) dst(%dma_wait3A_566 : memref<10240x128xf32, #tpu.memory_space<vmem_shared>>)
      %add3A_567 = arith.constant 3 : i32
      %add3A_568 = arith.addi %add3A_545, %add3A_567 : i32
      %mul3A_569 = arith.constant 80 : i32
      %mul3A_570 = arith.muli %add3A_568, %mul3A_569 : i32
      %add3A_571 = arith.addi %mul3A_13, %mul3A_570 : i32
      %dma_wait3A_572 = tpu.memref_slice %arg3[%add3A_571] : memref<320000xi32, #tpu.memory_space<hbm>> -> memref<80xi32, #tpu.memory_space<hbm>>
      %dma_wait3A_573 = tpu.memref_slice %arg3[%add3A_571] : memref<320000xi32, #tpu.memory_space<hbm>> -> memref<80xi32, #tpu.memory_space<hbm>>
      tpu.wait_dma2 semaphore(%arg36 : memref<!tpu.dma_semaphore, #tpu.memory_space<semaphore_mem>>) src(%dma_wait3A_573 : memref<80xi32, #tpu.memory_space<hbm>>) dst(%arg6 : memref<80xi32, #tpu.memory_space<vmem>>)
      %mul3A_574 = arith.constant 80 : i32
      %mul3A_575 = arith.muli %add3A_568, %mul3A_574 : i32
      %add3A_576 = arith.addi %mul3A_13, %mul3A_575 : i32
      %dma_wait3A_577 = tpu.memref_slice %arg4[%add3A_576] : memref<320000xi32, #tpu.memory_space<hbm>> -> memref<80xi32, #tpu.memory_space<hbm>>
      %dma_wait3A_578 = tpu.memref_slice %arg4[%add3A_576] : memref<320000xi32, #tpu.memory_space<hbm>> -> memref<80xi32, #tpu.memory_space<hbm>>
      tpu.wait_dma2 semaphore(%arg36 : memref<!tpu.dma_semaphore, #tpu.memory_space<semaphore_mem>>) src(%dma_wait3A_578 : memref<80xi32, #tpu.memory_space<hbm>>) dst(%arg14 : memref<80xi32, #tpu.memory_space<vmem>>)
      %dma_start3A_579 = arith.constant 0 : i32
      %dma_start3A_580 = arith.constant 0 : i32
      %dma_start3A_581 = tpu.memref_slice %arg2[%dma_start3A_579, %dma_start3A_580] : memref<10000x128xf32, #tpu.memory_space<hbm>> -> memref<10000x128xf32, #tpu.memory_space<hbm>>
      tpu.enqueue_indirect_dma source(%dma_start3A_581 : memref<10000x128xf32, #tpu.memory_space<hbm>>) target(%arg22 : memref<80x128xf32, #tpu.memory_space<vmem>>) offsets(%arg6 : memref<80xi32, #tpu.memory_space<vmem>>) semaphore(%arg28 : memref<!tpu.dma_semaphore, #tpu.memory_space<semaphore_mem>>)
      %add3A_582 = arith.constant 5 : i32
      %add3A_583 = arith.addi %add3A_391, %add3A_582 : i32
      %dma_wait3A_584 = arith.constant 0 : i32
      %dma_wait3A_585 = arith.constant 0 : i32
      %dma_wait3A_586 = tpu.memref_slice %arg2[%dma_wait3A_584, %dma_wait3A_585] : memref<10000x128xf32, #tpu.memory_space<hbm>> -> memref<10000x128xf32, #tpu.memory_space<hbm>>
      tpu.wait_indirect_dma semaphore(%arg30 : memref<!tpu.dma_semaphore, #tpu.memory_space<semaphore_mem>>) src(%dma_wait3A_586 : memref<10000x128xf32, #tpu.memory_space<hbm>>) dst(%arg24 : memref<80x128xf32, #tpu.memory_space<vmem>>)
      %dma_start3A_587 = arith.constant 0 : i32
      %dma_start3A_588 = arith.constant 0 : i32
      %dma_start3A_589 = tpu.memref_slice %arg27[%dma_start3A_587, %dma_start3A_588] : memref<10240x128xf32, #tpu.memory_space<vmem_shared>> -> memref<10240x128xf32, #tpu.memory_space<vmem_shared>>
      tpu.enqueue_indirect_dma source(%arg24 : memref<80x128xf32, #tpu.memory_space<vmem>>) target(%dma_start3A_589 : memref<10240x128xf32, #tpu.memory_space<vmem_shared>>) offsets(%arg20 : memref<80xi32, #tpu.memory_space<vmem>>) semaphore(%arg34 : memref<!tpu.dma_semaphore, #tpu.memory_space<semaphore_mem>>) {add = true}
      %add3A_590 = arith.constant 4 : i32
      %add3A_591 = arith.addi %add3A_583, %add3A_590 : i32
      %mul3A_592 = arith.constant 80 : i32
      %mul3A_593 = arith.muli %add3A_591, %mul3A_592 : i32
      %add3A_594 = arith.addi %mul3A_13, %mul3A_593 : i32
      %dma_start3A_595 = tpu.memref_slice %arg3[%add3A_594] : memref<320000xi32, #tpu.memory_space<hbm>> -> memref<80xi32, #tpu.memory_space<hbm>>
      %dma_start3A_596 = tpu.memref_slice %arg3[%add3A_594] : memref<320000xi32, #tpu.memory_space<hbm>> -> memref<80xi32, #tpu.memory_space<hbm>>
      tpu.enqueue_dma source(%dma_start3A_596 : memref<80xi32, #tpu.memory_space<hbm>>) target(%arg8 : memref<80xi32, #tpu.memory_space<vmem>>) target_semaphore(%arg38 : memref<!tpu.dma_semaphore, #tpu.memory_space<semaphore_mem>>)
      %mul3A_597 = arith.constant 80 : i32
      %mul3A_598 = arith.muli %add3A_591, %mul3A_597 : i32
      %add3A_599 = arith.addi %mul3A_13, %mul3A_598 : i32
      %dma_start3A_600 = tpu.memref_slice %arg4[%add3A_599] : memref<320000xi32, #tpu.memory_space<hbm>> -> memref<80xi32, #tpu.memory_space<hbm>>
      %dma_start3A_601 = tpu.memref_slice %arg4[%add3A_599] : memref<320000xi32, #tpu.memory_space<hbm>> -> memref<80xi32, #tpu.memory_space<hbm>>
      tpu.enqueue_dma source(%dma_start3A_601 : memref<80xi32, #tpu.memory_space<hbm>>) target(%arg16 : memref<80xi32, #tpu.memory_space<vmem>>) target_semaphore(%arg38 : memref<!tpu.dma_semaphore, #tpu.memory_space<semaphore_mem>>)
      %dma_wait3A_602 = arith.constant 0 : i32
      %dma_wait3A_603 = arith.constant 0 : i32
      %dma_wait3A_604 = tpu.memref_slice %arg27[%dma_wait3A_602, %dma_wait3A_603] : memref<10240x128xf32, #tpu.memory_space<vmem_shared>> -> memref<10240x128xf32, #tpu.memory_space<vmem_shared>>
      tpu.wait_indirect_dma semaphore(%arg33 : memref<!tpu.dma_semaphore, #tpu.memory_space<semaphore_mem>>) src(%arg23 : memref<80x128xf32, #tpu.memory_space<vmem>>) dst(%dma_wait3A_604 : memref<10240x128xf32, #tpu.memory_space<vmem_shared>>)
      %add3A_605 = arith.constant 3 : i32
      %add3A_606 = arith.addi %add3A_583, %add3A_605 : i32
      %mul3A_607 = arith.constant 80 : i32
      %mul3A_608 = arith.muli %add3A_606, %mul3A_607 : i32
      %add3A_609 = arith.addi %mul3A_13, %mul3A_608 : i32
      %dma_wait3A_610 = tpu.memref_slice %arg3[%add3A_609] : memref<320000xi32, #tpu.memory_space<hbm>> -> memref<80xi32, #tpu.memory_space<hbm>>
      %dma_wait3A_611 = tpu.memref_slice %arg3[%add3A_609] : memref<320000xi32, #tpu.memory_space<hbm>> -> memref<80xi32, #tpu.memory_space<hbm>>
      tpu.wait_dma2 semaphore(%arg37 : memref<!tpu.dma_semaphore, #tpu.memory_space<semaphore_mem>>) src(%dma_wait3A_611 : memref<80xi32, #tpu.memory_space<hbm>>) dst(%arg7 : memref<80xi32, #tpu.memory_space<vmem>>)
      %mul3A_612 = arith.constant 80 : i32
      %mul3A_613 = arith.muli %add3A_606, %mul3A_612 : i32
      %add3A_614 = arith.addi %mul3A_13, %mul3A_613 : i32
      %dma_wait3A_615 = tpu.memref_slice %arg4[%add3A_614] : memref<320000xi32, #tpu.memory_space<hbm>> -> memref<80xi32, #tpu.memory_space<hbm>>
      %dma_wait3A_616 = tpu.memref_slice %arg4[%add3A_614] : memref<320000xi32, #tpu.memory_space<hbm>> -> memref<80xi32, #tpu.memory_space<hbm>>
      tpu.wait_dma2 semaphore(%arg37 : memref<!tpu.dma_semaphore, #tpu.memory_space<semaphore_mem>>) src(%dma_wait3A_616 : memref<80xi32, #tpu.memory_space<hbm>>) dst(%arg15 : memref<80xi32, #tpu.memory_space<vmem>>)
      %dma_start3A_617 = arith.constant 0 : i32
      %dma_start3A_618 = arith.constant 0 : i32
      %dma_start3A_619 = tpu.memref_slice %arg2[%dma_start3A_617, %dma_start3A_618] : memref<10000x128xf32, #tpu.memory_space<hbm>> -> memref<10000x128xf32, #tpu.memory_space<hbm>>
      tpu.enqueue_indirect_dma source(%dma_start3A_619 : memref<10000x128xf32, #tpu.memory_space<hbm>>) target(%arg23 : memref<80x128xf32, #tpu.memory_space<vmem>>) offsets(%arg7 : memref<80xi32, #tpu.memory_space<vmem>>) semaphore(%arg29 : memref<!tpu.dma_semaphore, #tpu.memory_space<semaphore_mem>>)
      %add3A_620 = arith.constant 6 : i32
      %add3A_621 = arith.addi %add3A_391, %add3A_620 : i32
      %dma_wait3A_622 = arith.constant 0 : i32
      %dma_wait3A_623 = arith.constant 0 : i32
      %dma_wait3A_624 = tpu.memref_slice %arg2[%dma_wait3A_622, %dma_wait3A_623] : memref<10000x128xf32, #tpu.memory_space<hbm>> -> memref<10000x128xf32, #tpu.memory_space<hbm>>
      tpu.wait_indirect_dma semaphore(%arg31 : memref<!tpu.dma_semaphore, #tpu.memory_space<semaphore_mem>>) src(%dma_wait3A_624 : memref<10000x128xf32, #tpu.memory_space<hbm>>) dst(%arg25 : memref<80x128xf32, #tpu.memory_space<vmem>>)
      %dma_start3A_625 = arith.constant 0 : i32
      %dma_start3A_626 = arith.constant 0 : i32
      %dma_start3A_627 = tpu.memref_slice %arg27[%dma_start3A_625, %dma_start3A_626] : memref<10240x128xf32, #tpu.memory_space<vmem_shared>> -> memref<10240x128xf32, #tpu.memory_space<vmem_shared>>
      tpu.enqueue_indirect_dma source(%arg25 : memref<80x128xf32, #tpu.memory_space<vmem>>) target(%dma_start3A_627 : memref<10240x128xf32, #tpu.memory_space<vmem_shared>>) offsets(%arg21 : memref<80xi32, #tpu.memory_space<vmem>>) semaphore(%arg35 : memref<!tpu.dma_semaphore, #tpu.memory_space<semaphore_mem>>) {add = true}
      %add3A_628 = arith.constant 4 : i32
      %add3A_629 = arith.addi %add3A_621, %add3A_628 : i32
      %mul3A_630 = arith.constant 80 : i32
      %mul3A_631 = arith.muli %add3A_629, %mul3A_630 : i32
      %add3A_632 = arith.addi %mul3A_13, %mul3A_631 : i32
      %dma_start3A_633 = tpu.memref_slice %arg3[%add3A_632] : memref<320000xi32, #tpu.memory_space<hbm>> -> memref<80xi32, #tpu.memory_space<hbm>>
      %dma_start3A_634 = tpu.memref_slice %arg3[%add3A_632] : memref<320000xi32, #tpu.memory_space<hbm>> -> memref<80xi32, #tpu.memory_space<hbm>>
      tpu.enqueue_dma source(%dma_start3A_634 : memref<80xi32, #tpu.memory_space<hbm>>) target(%arg9 : memref<80xi32, #tpu.memory_space<vmem>>) target_semaphore(%arg39 : memref<!tpu.dma_semaphore, #tpu.memory_space<semaphore_mem>>)
      %mul3A_635 = arith.constant 80 : i32
      %mul3A_636 = arith.muli %add3A_629, %mul3A_635 : i32
      %add3A_637 = arith.addi %mul3A_13, %mul3A_636 : i32
      %dma_start3A_638 = tpu.memref_slice %arg4[%add3A_637] : memref<320000xi32, #tpu.memory_space<hbm>> -> memref<80xi32, #tpu.memory_space<hbm>>
      %dma_start3A_639 = tpu.memref_slice %arg4[%add3A_637] : memref<320000xi32, #tpu.memory_space<hbm>> -> memref<80xi32, #tpu.memory_space<hbm>>
      tpu.enqueue_dma source(%dma_start3A_639 : memref<80xi32, #tpu.memory_space<hbm>>) target(%arg17 : memref<80xi32, #tpu.memory_space<vmem>>) target_semaphore(%arg39 : memref<!tpu.dma_semaphore, #tpu.memory_space<semaphore_mem>>)
      %dma_wait3A_640 = arith.constant 0 : i32
      %dma_wait3A_641 = arith.constant 0 : i32
      %dma_wait3A_642 = tpu.memref_slice %arg27[%dma_wait3A_640, %dma_wait3A_641] : memref<10240x128xf32, #tpu.memory_space<vmem_shared>> -> memref<10240x128xf32, #tpu.memory_space<vmem_shared>>
      tpu.wait_indirect_dma semaphore(%arg34 : memref<!tpu.dma_semaphore, #tpu.memory_space<semaphore_mem>>) src(%arg24 : memref<80x128xf32, #tpu.memory_space<vmem>>) dst(%dma_wait3A_642 : memref<10240x128xf32, #tpu.memory_space<vmem_shared>>)
      %add3A_643 = arith.constant 3 : i32
      %add3A_644 = arith.addi %add3A_621, %add3A_643 : i32
      %mul3A_645 = arith.constant 80 : i32
      %mul3A_646 = arith.muli %add3A_644, %mul3A_645 : i32
      %add3A_647 = arith.addi %mul3A_13, %mul3A_646 : i32
      %dma_wait3A_648 = tpu.memref_slice %arg3[%add3A_647] : memref<320000xi32, #tpu.memory_space<hbm>> -> memref<80xi32, #tpu.memory_space<hbm>>
      %dma_wait3A_649 = tpu.memref_slice %arg3[%add3A_647] : memref<320000xi32, #tpu.memory_space<hbm>> -> memref<80xi32, #tpu.memory_space<hbm>>
      tpu.wait_dma2 semaphore(%arg38 : memref<!tpu.dma_semaphore, #tpu.memory_space<semaphore_mem>>) src(%dma_wait3A_649 : memref<80xi32, #tpu.memory_space<hbm>>) dst(%arg8 : memref<80xi32, #tpu.memory_space<vmem>>)
      %mul3A_650 = arith.constant 80 : i32
      %mul3A_651 = arith.muli %add3A_644, %mul3A_650 : i32
      %add3A_652 = arith.addi %mul3A_13, %mul3A_651 : i32
      %dma_wait3A_653 = tpu.memref_slice %arg4[%add3A_652] : memref<320000xi32, #tpu.memory_space<hbm>> -> memref<80xi32, #tpu.memory_space<hbm>>
      %dma_wait3A_654 = tpu.memref_slice %arg4[%add3A_652] : memref<320000xi32, #tpu.memory_space<hbm>> -> memref<80xi32, #tpu.memory_space<hbm>>
      tpu.wait_dma2 semaphore(%arg38 : memref<!tpu.dma_semaphore, #tpu.memory_space<semaphore_mem>>) src(%dma_wait3A_654 : memref<80xi32, #tpu.memory_space<hbm>>) dst(%arg16 : memref<80xi32, #tpu.memory_space<vmem>>)
      %dma_start3A_655 = arith.constant 0 : i32
      %dma_start3A_656 = arith.constant 0 : i32
      %dma_start3A_657 = tpu.memref_slice %arg2[%dma_start3A_655, %dma_start3A_656] : memref<10000x128xf32, #tpu.memory_space<hbm>> -> memref<10000x128xf32, #tpu.memory_space<hbm>>
      tpu.enqueue_indirect_dma source(%dma_start3A_657 : memref<10000x128xf32, #tpu.memory_space<hbm>>) target(%arg24 : memref<80x128xf32, #tpu.memory_space<vmem>>) offsets(%arg8 : memref<80xi32, #tpu.memory_space<vmem>>) semaphore(%arg30 : memref<!tpu.dma_semaphore, #tpu.memory_space<semaphore_mem>>)
      %add3A_658 = arith.constant 7 : i32
      %add3A_659 = arith.addi %add3A_391, %add3A_658 : i32
      %dma_wait3A_660 = arith.constant 0 : i32
      %dma_wait3A_661 = arith.constant 0 : i32
      %dma_wait3A_662 = tpu.memref_slice %arg2[%dma_wait3A_660, %dma_wait3A_661] : memref<10000x128xf32, #tpu.memory_space<hbm>> -> memref<10000x128xf32, #tpu.memory_space<hbm>>
      tpu.wait_indirect_dma semaphore(%arg28 : memref<!tpu.dma_semaphore, #tpu.memory_space<semaphore_mem>>) src(%dma_wait3A_662 : memref<10000x128xf32, #tpu.memory_space<hbm>>) dst(%arg22 : memref<80x128xf32, #tpu.memory_space<vmem>>)
      %dma_start3A_663 = arith.constant 0 : i32
      %dma_start3A_664 = arith.constant 0 : i32
      %dma_start3A_665 = tpu.memref_slice %arg27[%dma_start3A_663, %dma_start3A_664] : memref<10240x128xf32, #tpu.memory_space<vmem_shared>> -> memref<10240x128xf32, #tpu.memory_space<vmem_shared>>
      tpu.enqueue_indirect_dma source(%arg22 : memref<80x128xf32, #tpu.memory_space<vmem>>) target(%dma_start3A_665 : memref<10240x128xf32, #tpu.memory_space<vmem_shared>>) offsets(%arg14 : memref<80xi32, #tpu.memory_space<vmem>>) semaphore(%arg32 : memref<!tpu.dma_semaphore, #tpu.memory_space<semaphore_mem>>) {add = true}
      %add3A_666 = arith.constant 4 : i32
      %add3A_667 = arith.addi %add3A_659, %add3A_666 : i32
      %mul3A_668 = arith.constant 80 : i32
      %mul3A_669 = arith.muli %add3A_667, %mul3A_668 : i32
      %add3A_670 = arith.addi %mul3A_13, %mul3A_669 : i32
      %dma_start3A_671 = tpu.memref_slice %arg3[%add3A_670] : memref<320000xi32, #tpu.memory_space<hbm>> -> memref<80xi32, #tpu.memory_space<hbm>>
      %dma_start3A_672 = tpu.memref_slice %arg3[%add3A_670] : memref<320000xi32, #tpu.memory_space<hbm>> -> memref<80xi32, #tpu.memory_space<hbm>>
      tpu.enqueue_dma source(%dma_start3A_672 : memref<80xi32, #tpu.memory_space<hbm>>) target(%arg10 : memref<80xi32, #tpu.memory_space<vmem>>) target_semaphore(%arg40 : memref<!tpu.dma_semaphore, #tpu.memory_space<semaphore_mem>>)
      %mul3A_673 = arith.constant 80 : i32
      %mul3A_674 = arith.muli %add3A_667, %mul3A_673 : i32
      %add3A_675 = arith.addi %mul3A_13, %mul3A_674 : i32
      %dma_start3A_676 = tpu.memref_slice %arg4[%add3A_675] : memref<320000xi32, #tpu.memory_space<hbm>> -> memref<80xi32, #tpu.memory_space<hbm>>
      %dma_start3A_677 = tpu.memref_slice %arg4[%add3A_675] : memref<320000xi32, #tpu.memory_space<hbm>> -> memref<80xi32, #tpu.memory_space<hbm>>
      tpu.enqueue_dma source(%dma_start3A_677 : memref<80xi32, #tpu.memory_space<hbm>>) target(%arg18 : memref<80xi32, #tpu.memory_space<vmem>>) target_semaphore(%arg40 : memref<!tpu.dma_semaphore, #tpu.memory_space<semaphore_mem>>)
      %dma_wait3A_678 = arith.constant 0 : i32
      %dma_wait3A_679 = arith.constant 0 : i32
      %dma_wait3A_680 = tpu.memref_slice %arg27[%dma_wait3A_678, %dma_wait3A_679] : memref<10240x128xf32, #tpu.memory_space<vmem_shared>> -> memref<10240x128xf32, #tpu.memory_space<vmem_shared>>
      tpu.wait_indirect_dma semaphore(%arg35 : memref<!tpu.dma_semaphore, #tpu.memory_space<semaphore_mem>>) src(%arg25 : memref<80x128xf32, #tpu.memory_space<vmem>>) dst(%dma_wait3A_680 : memref<10240x128xf32, #tpu.memory_space<vmem_shared>>)
      %add3A_681 = arith.constant 3 : i32
      %add3A_682 = arith.addi %add3A_659, %add3A_681 : i32
      %mul3A_683 = arith.constant 80 : i32
      %mul3A_684 = arith.muli %add3A_682, %mul3A_683 : i32
      %add3A_685 = arith.addi %mul3A_13, %mul3A_684 : i32
      %dma_wait3A_686 = tpu.memref_slice %arg3[%add3A_685] : memref<320000xi32, #tpu.memory_space<hbm>> -> memref<80xi32, #tpu.memory_space<hbm>>
      %dma_wait3A_687 = tpu.memref_slice %arg3[%add3A_685] : memref<320000xi32, #tpu.memory_space<hbm>> -> memref<80xi32, #tpu.memory_space<hbm>>
      tpu.wait_dma2 semaphore(%arg39 : memref<!tpu.dma_semaphore, #tpu.memory_space<semaphore_mem>>) src(%dma_wait3A_687 : memref<80xi32, #tpu.memory_space<hbm>>) dst(%arg9 : memref<80xi32, #tpu.memory_space<vmem>>)
      %mul3A_688 = arith.constant 80 : i32
      %mul3A_689 = arith.muli %add3A_682, %mul3A_688 : i32
      %add3A_690 = arith.addi %mul3A_13, %mul3A_689 : i32
      %dma_wait3A_691 = tpu.memref_slice %arg4[%add3A_690] : memref<320000xi32, #tpu.memory_space<hbm>> -> memref<80xi32, #tpu.memory_space<hbm>>
      %dma_wait3A_692 = tpu.memref_slice %arg4[%add3A_690] : memref<320000xi32, #tpu.memory_space<hbm>> -> memref<80xi32, #tpu.memory_space<hbm>>
      tpu.wait_dma2 semaphore(%arg39 : memref<!tpu.dma_semaphore, #tpu.memory_space<semaphore_mem>>) src(%dma_wait3A_692 : memref<80xi32, #tpu.memory_space<hbm>>) dst(%arg17 : memref<80xi32, #tpu.memory_space<vmem>>)
      %dma_start3A_693 = arith.constant 0 : i32
      %dma_start3A_694 = arith.constant 0 : i32
      %dma_start3A_695 = tpu.memref_slice %arg2[%dma_start3A_693, %dma_start3A_694] : memref<10000x128xf32, #tpu.memory_space<hbm>> -> memref<10000x128xf32, #tpu.memory_space<hbm>>
      tpu.enqueue_indirect_dma source(%dma_start3A_695 : memref<10000x128xf32, #tpu.memory_space<hbm>>) target(%arg25 : memref<80x128xf32, #tpu.memory_space<vmem>>) offsets(%arg9 : memref<80xi32, #tpu.memory_space<vmem>>) semaphore(%arg31 : memref<!tpu.dma_semaphore, #tpu.memory_space<semaphore_mem>>)
    }
    %scan3A_107 = arith.constant 14 : i32
    %dma_wait3A_108 = arith.constant 0 : i32
    %dma_wait3A_109 = arith.constant 0 : i32
    %dma_wait3A_110 = tpu.memref_slice %arg2[%dma_wait3A_108, %dma_wait3A_109] : memref<10000x128xf32, #tpu.memory_space<hbm>> -> memref<10000x128xf32, #tpu.memory_space<hbm>>
    tpu.wait_indirect_dma semaphore(%arg29 : memref<!tpu.dma_semaphore, #tpu.memory_space<semaphore_mem>>) src(%dma_wait3A_110 : memref<10000x128xf32, #tpu.memory_space<hbm>>) dst(%arg23 : memref<80x128xf32, #tpu.memory_space<vmem>>)
    %dma_start3A_111 = arith.constant 0 : i32
    %dma_start3A_112 = arith.constant 0 : i32
    %dma_start3A_113 = tpu.memref_slice %arg27[%dma_start3A_111, %dma_start3A_112] : memref<10240x128xf32, #tpu.memory_space<vmem_shared>> -> memref<10240x128xf32, #tpu.memory_space<vmem_shared>>
    tpu.enqueue_indirect_dma source(%arg23 : memref<80x128xf32, #tpu.memory_space<vmem>>) target(%dma_start3A_113 : memref<10240x128xf32, #tpu.memory_space<vmem_shared>>) offsets(%arg15 : memref<80xi32, #tpu.memory_space<vmem>>) semaphore(%arg33 : memref<!tpu.dma_semaphore, #tpu.memory_space<semaphore_mem>>) {add = true}
    %add3A_114 = arith.constant 9360 : i32
    %add3A_115 = arith.addi %mul3A_13, %add3A_114 : i32
    %dma_start3A_116 = tpu.memref_slice %arg3[%add3A_115] : memref<320000xi32, #tpu.memory_space<hbm>> -> memref<80xi32, #tpu.memory_space<hbm>>
    %dma_start3A_117 = tpu.memref_slice %arg3[%add3A_115] : memref<320000xi32, #tpu.memory_space<hbm>> -> memref<80xi32, #tpu.memory_space<hbm>>
    tpu.enqueue_dma source(%dma_start3A_117 : memref<80xi32, #tpu.memory_space<hbm>>) target(%arg11 : memref<80xi32, #tpu.memory_space<vmem>>) target_semaphore(%arg41 : memref<!tpu.dma_semaphore, #tpu.memory_space<semaphore_mem>>)
    %add3A_118 = arith.constant 9360 : i32
    %add3A_119 = arith.addi %mul3A_13, %add3A_118 : i32
    %dma_start3A_120 = tpu.memref_slice %arg4[%add3A_119] : memref<320000xi32, #tpu.memory_space<hbm>> -> memref<80xi32, #tpu.memory_space<hbm>>
    %dma_start3A_121 = tpu.memref_slice %arg4[%add3A_119] : memref<320000xi32, #tpu.memory_space<hbm>> -> memref<80xi32, #tpu.memory_space<hbm>>
    tpu.enqueue_dma source(%dma_start3A_121 : memref<80xi32, #tpu.memory_space<hbm>>) target(%arg19 : memref<80xi32, #tpu.memory_space<vmem>>) target_semaphore(%arg41 : memref<!tpu.dma_semaphore, #tpu.memory_space<semaphore_mem>>)
    %dma_wait3A_122 = arith.constant 0 : i32
    %dma_wait3A_123 = arith.constant 0 : i32
    %dma_wait3A_124 = tpu.memref_slice %arg27[%dma_wait3A_122, %dma_wait3A_123] : memref<10240x128xf32, #tpu.memory_space<vmem_shared>> -> memref<10240x128xf32, #tpu.memory_space<vmem_shared>>
    tpu.wait_indirect_dma semaphore(%arg32 : memref<!tpu.dma_semaphore, #tpu.memory_space<semaphore_mem>>) src(%arg22 : memref<80x128xf32, #tpu.memory_space<vmem>>) dst(%dma_wait3A_124 : memref<10240x128xf32, #tpu.memory_space<vmem_shared>>)
    %add3A_125 = arith.constant 9280 : i32
    %add3A_126 = arith.addi %mul3A_13, %add3A_125 : i32
    %dma_wait3A_127 = tpu.memref_slice %arg3[%add3A_126] : memref<320000xi32, #tpu.memory_space<hbm>> -> memref<80xi32, #tpu.memory_space<hbm>>
    %dma_wait3A_128 = tpu.memref_slice %arg3[%add3A_126] : memref<320000xi32, #tpu.memory_space<hbm>> -> memref<80xi32, #tpu.memory_space<hbm>>
    tpu.wait_dma2 semaphore(%arg40 : memref<!tpu.dma_semaphore, #tpu.memory_space<semaphore_mem>>) src(%dma_wait3A_128 : memref<80xi32, #tpu.memory_space<hbm>>) dst(%arg10 : memref<80xi32, #tpu.memory_space<vmem>>)
    %add3A_129 = arith.constant 9280 : i32
    %add3A_130 = arith.addi %mul3A_13, %add3A_129 : i32
    %dma_wait3A_131 = tpu.memref_slice %arg4[%add3A_130] : memref<320000xi32, #tpu.memory_space<hbm>> -> memref<80xi32, #tpu.memory_space<hbm>>
    %dma_wait3A_132 = tpu.memref_slice %arg4[%add3A_130] : memref<320000xi32, #tpu.memory_space<hbm>> -> memref<80xi32, #tpu.memory_space<hbm>>
    tpu.wait_dma2 semaphore(%arg40 : memref<!tpu.dma_semaphore, #tpu.memory_space<semaphore_mem>>) src(%dma_wait3A_132 : memref<80xi32, #tpu.memory_space<hbm>>) dst(%arg18 : memref<80xi32, #tpu.memory_space<vmem>>)
    %dma_start3A_133 = arith.constant 0 : i32
    %dma_start3A_134 = arith.constant 0 : i32
    %dma_start3A_135 = tpu.memref_slice %arg2[%dma_start3A_133, %dma_start3A_134] : memref<10000x128xf32, #tpu.memory_space<hbm>> -> memref<10000x128xf32, #tpu.memory_space<hbm>>
    tpu.enqueue_indirect_dma source(%dma_start3A_135 : memref<10000x128xf32, #tpu.memory_space<hbm>>) target(%arg22 : memref<80x128xf32, #tpu.memory_space<vmem>>) offsets(%arg10 : memref<80xi32, #tpu.memory_space<vmem>>) semaphore(%arg28 : memref<!tpu.dma_semaphore, #tpu.memory_space<semaphore_mem>>)
    %dma_wait3A_136 = arith.constant 0 : i32
    %dma_wait3A_137 = arith.constant 0 : i32
    %dma_wait3A_138 = tpu.memref_slice %arg2[%dma_wait3A_136, %dma_wait3A_137] : memref<10000x128xf32, #tpu.memory_space<hbm>> -> memref<10000x128xf32, #tpu.memory_space<hbm>>
    tpu.wait_indirect_dma semaphore(%arg30 : memref<!tpu.dma_semaphore, #tpu.memory_space<semaphore_mem>>) src(%dma_wait3A_138 : memref<10000x128xf32, #tpu.memory_space<hbm>>) dst(%arg24 : memref<80x128xf32, #tpu.memory_space<vmem>>)
    %dma_start3A_139 = arith.constant 0 : i32
    %dma_start3A_140 = arith.constant 0 : i32
    %dma_start3A_141 = tpu.memref_slice %arg27[%dma_start3A_139, %dma_start3A_140] : memref<10240x128xf32, #tpu.memory_space<vmem_shared>> -> memref<10240x128xf32, #tpu.memory_space<vmem_shared>>
    tpu.enqueue_indirect_dma source(%arg24 : memref<80x128xf32, #tpu.memory_space<vmem>>) target(%dma_start3A_141 : memref<10240x128xf32, #tpu.memory_space<vmem_shared>>) offsets(%arg16 : memref<80xi32, #tpu.memory_space<vmem>>) semaphore(%arg34 : memref<!tpu.dma_semaphore, #tpu.memory_space<semaphore_mem>>) {add = true}
    %add3A_142 = arith.constant 9440 : i32
    %add3A_143 = arith.addi %mul3A_13, %add3A_142 : i32
    %dma_start3A_144 = tpu.memref_slice %arg3[%add3A_143] : memref<320000xi32, #tpu.memory_space<hbm>> -> memref<80xi32, #tpu.memory_space<hbm>>
    %dma_start3A_145 = tpu.memref_slice %arg3[%add3A_143] : memref<320000xi32, #tpu.memory_space<hbm>> -> memref<80xi32, #tpu.memory_space<hbm>>
    tpu.enqueue_dma source(%dma_start3A_145 : memref<80xi32, #tpu.memory_space<hbm>>) target(%arg12 : memref<80xi32, #tpu.memory_space<vmem>>) target_semaphore(%arg42 : memref<!tpu.dma_semaphore, #tpu.memory_space<semaphore_mem>>)
    %add3A_146 = arith.constant 9440 : i32
    %add3A_147 = arith.addi %mul3A_13, %add3A_146 : i32
    %dma_start3A_148 = tpu.memref_slice %arg4[%add3A_147] : memref<320000xi32, #tpu.memory_space<hbm>> -> memref<80xi32, #tpu.memory_space<hbm>>
    %dma_start3A_149 = tpu.memref_slice %arg4[%add3A_147] : memref<320000xi32, #tpu.memory_space<hbm>> -> memref<80xi32, #tpu.memory_space<hbm>>
    tpu.enqueue_dma source(%dma_start3A_149 : memref<80xi32, #tpu.memory_space<hbm>>) target(%arg20 : memref<80xi32, #tpu.memory_space<vmem>>) target_semaphore(%arg42 : memref<!tpu.dma_semaphore, #tpu.memory_space<semaphore_mem>>)
    %dma_wait3A_150 = arith.constant 0 : i32
    %dma_wait3A_151 = arith.constant 0 : i32
    %dma_wait3A_152 = tpu.memref_slice %arg27[%dma_wait3A_150, %dma_wait3A_151] : memref<10240x128xf32, #tpu.memory_space<vmem_shared>> -> memref<10240x128xf32, #tpu.memory_space<vmem_shared>>
    tpu.wait_indirect_dma semaphore(%arg33 : memref<!tpu.dma_semaphore, #tpu.memory_space<semaphore_mem>>) src(%arg23 : memref<80x128xf32, #tpu.memory_space<vmem>>) dst(%dma_wait3A_152 : memref<10240x128xf32, #tpu.memory_space<vmem_shared>>)
    %add3A_153 = arith.constant 9360 : i32
    %add3A_154 = arith.addi %mul3A_13, %add3A_153 : i32
    %dma_wait3A_155 = tpu.memref_slice %arg3[%add3A_154] : memref<320000xi32, #tpu.memory_space<hbm>> -> memref<80xi32, #tpu.memory_space<hbm>>
    %dma_wait3A_156 = tpu.memref_slice %arg3[%add3A_154] : memref<320000xi32, #tpu.memory_space<hbm>> -> memref<80xi32, #tpu.memory_space<hbm>>
    tpu.wait_dma2 semaphore(%arg41 : memref<!tpu.dma_semaphore, #tpu.memory_space<semaphore_mem>>) src(%dma_wait3A_156 : memref<80xi32, #tpu.memory_space<hbm>>) dst(%arg11 : memref<80xi32, #tpu.memory_space<vmem>>)
    %add3A_157 = arith.constant 9360 : i32
    %add3A_158 = arith.addi %mul3A_13, %add3A_157 : i32
    %dma_wait3A_159 = tpu.memref_slice %arg4[%add3A_158] : memref<320000xi32, #tpu.memory_space<hbm>> -> memref<80xi32, #tpu.memory_space<hbm>>
    %dma_wait3A_160 = tpu.memref_slice %arg4[%add3A_158] : memref<320000xi32, #tpu.memory_space<hbm>> -> memref<80xi32, #tpu.memory_space<hbm>>
    tpu.wait_dma2 semaphore(%arg41 : memref<!tpu.dma_semaphore, #tpu.memory_space<semaphore_mem>>) src(%dma_wait3A_160 : memref<80xi32, #tpu.memory_space<hbm>>) dst(%arg19 : memref<80xi32, #tpu.memory_space<vmem>>)
    %dma_start3A_161 = arith.constant 0 : i32
    %dma_start3A_162 = arith.constant 0 : i32
    %dma_start3A_163 = tpu.memref_slice %arg2[%dma_start3A_161, %dma_start3A_162] : memref<10000x128xf32, #tpu.memory_space<hbm>> -> memref<10000x128xf32, #tpu.memory_space<hbm>>
    tpu.enqueue_indirect_dma source(%dma_start3A_163 : memref<10000x128xf32, #tpu.memory_space<hbm>>) target(%arg23 : memref<80x128xf32, #tpu.memory_space<vmem>>) offsets(%arg11 : memref<80xi32, #tpu.memory_space<vmem>>) semaphore(%arg29 : memref<!tpu.dma_semaphore, #tpu.memory_space<semaphore_mem>>)
    %dma_wait3A_164 = arith.constant 0 : i32
    %dma_wait3A_165 = arith.constant 0 : i32
    %dma_wait3A_166 = tpu.memref_slice %arg2[%dma_wait3A_164, %dma_wait3A_165] : memref<10000x128xf32, #tpu.memory_space<hbm>> -> memref<10000x128xf32, #tpu.memory_space<hbm>>
    tpu.wait_indirect_dma semaphore(%arg31 : memref<!tpu.dma_semaphore, #tpu.memory_space<semaphore_mem>>) src(%dma_wait3A_166 : memref<10000x128xf32, #tpu.memory_space<hbm>>) dst(%arg25 : memref<80x128xf32, #tpu.memory_space<vmem>>)
    %dma_start3A_167 = arith.constant 0 : i32
    %dma_start3A_168 = arith.constant 0 : i32
    %dma_start3A_169 = tpu.memref_slice %arg27[%dma_start3A_167, %dma_start3A_168] : memref<10240x128xf32, #tpu.memory_space<vmem_shared>> -> memref<10240x128xf32, #tpu.memory_space<vmem_shared>>
    tpu.enqueue_indirect_dma source(%arg25 : memref<80x128xf32, #tpu.memory_space<vmem>>) target(%dma_start3A_169 : memref<10240x128xf32, #tpu.memory_space<vmem_shared>>) offsets(%arg17 : memref<80xi32, #tpu.memory_space<vmem>>) semaphore(%arg35 : memref<!tpu.dma_semaphore, #tpu.memory_space<semaphore_mem>>) {add = true}
    %add3A_170 = arith.constant 9520 : i32
    %add3A_171 = arith.addi %mul3A_13, %add3A_170 : i32
    %dma_start3A_172 = tpu.memref_slice %arg3[%add3A_171] : memref<320000xi32, #tpu.memory_space<hbm>> -> memref<80xi32, #tpu.memory_space<hbm>>
    %dma_start3A_173 = tpu.memref_slice %arg3[%add3A_171] : memref<320000xi32, #tpu.memory_space<hbm>> -> memref<80xi32, #tpu.memory_space<hbm>>
    tpu.enqueue_dma source(%dma_start3A_173 : memref<80xi32, #tpu.memory_space<hbm>>) target(%arg13 : memref<80xi32, #tpu.memory_space<vmem>>) target_semaphore(%arg43 : memref<!tpu.dma_semaphore, #tpu.memory_space<semaphore_mem>>)
    %add3A_174 = arith.constant 9520 : i32
    %add3A_175 = arith.addi %mul3A_13, %add3A_174 : i32
    %dma_start3A_176 = tpu.memref_slice %arg4[%add3A_175] : memref<320000xi32, #tpu.memory_space<hbm>> -> memref<80xi32, #tpu.memory_space<hbm>>
    %dma_start3A_177 = tpu.memref_slice %arg4[%add3A_175] : memref<320000xi32, #tpu.memory_space<hbm>> -> memref<80xi32, #tpu.memory_space<hbm>>
    tpu.enqueue_dma source(%dma_start3A_177 : memref<80xi32, #tpu.memory_space<hbm>>) target(%arg21 : memref<80xi32, #tpu.memory_space<vmem>>) target_semaphore(%arg43 : memref<!tpu.dma_semaphore, #tpu.memory_space<semaphore_mem>>)
    %dma_wait3A_178 = arith.constant 0 : i32
    %dma_wait3A_179 = arith.constant 0 : i32
    %dma_wait3A_180 = tpu.memref_slice %arg27[%dma_wait3A_178, %dma_wait3A_179] : memref<10240x128xf32, #tpu.memory_space<vmem_shared>> -> memref<10240x128xf32, #tpu.memory_space<vmem_shared>>
    tpu.wait_indirect_dma semaphore(%arg34 : memref<!tpu.dma_semaphore, #tpu.memory_space<semaphore_mem>>) src(%arg24 : memref<80x128xf32, #tpu.memory_space<vmem>>) dst(%dma_wait3A_180 : memref<10240x128xf32, #tpu.memory_space<vmem_shared>>)
    %add3A_181 = arith.constant 9440 : i32
    %add3A_182 = arith.addi %mul3A_13, %add3A_181 : i32
    %dma_wait3A_183 = tpu.memref_slice %arg3[%add3A_182] : memref<320000xi32, #tpu.memory_space<hbm>> -> memref<80xi32, #tpu.memory_space<hbm>>
    %dma_wait3A_184 = tpu.memref_slice %arg3[%add3A_182] : memref<320000xi32, #tpu.memory_space<hbm>> -> memref<80xi32, #tpu.memory_space<hbm>>
    tpu.wait_dma2 semaphore(%arg42 : memref<!tpu.dma_semaphore, #tpu.memory_space<semaphore_mem>>) src(%dma_wait3A_184 : memref<80xi32, #tpu.memory_space<hbm>>) dst(%arg12 : memref<80xi32, #tpu.memory_space<vmem>>)
    %add3A_185 = arith.constant 9440 : i32
    %add3A_186 = arith.addi %mul3A_13, %add3A_185 : i32
    %dma_wait3A_187 = tpu.memref_slice %arg4[%add3A_186] : memref<320000xi32, #tpu.memory_space<hbm>> -> memref<80xi32, #tpu.memory_space<hbm>>
    %dma_wait3A_188 = tpu.memref_slice %arg4[%add3A_186] : memref<320000xi32, #tpu.memory_space<hbm>> -> memref<80xi32, #tpu.memory_space<hbm>>
    tpu.wait_dma2 semaphore(%arg42 : memref<!tpu.dma_semaphore, #tpu.memory_space<semaphore_mem>>) src(%dma_wait3A_188 : memref<80xi32, #tpu.memory_space<hbm>>) dst(%arg20 : memref<80xi32, #tpu.memory_space<vmem>>)
    %dma_start3A_189 = arith.constant 0 : i32
    %dma_start3A_190 = arith.constant 0 : i32
    %dma_start3A_191 = tpu.memref_slice %arg2[%dma_start3A_189, %dma_start3A_190] : memref<10000x128xf32, #tpu.memory_space<hbm>> -> memref<10000x128xf32, #tpu.memory_space<hbm>>
    tpu.enqueue_indirect_dma source(%dma_start3A_191 : memref<10000x128xf32, #tpu.memory_space<hbm>>) target(%arg24 : memref<80x128xf32, #tpu.memory_space<vmem>>) offsets(%arg12 : memref<80xi32, #tpu.memory_space<vmem>>) semaphore(%arg30 : memref<!tpu.dma_semaphore, #tpu.memory_space<semaphore_mem>>)
    %dma_wait3A_192 = arith.constant 0 : i32
    %dma_wait3A_193 = arith.constant 0 : i32
    %dma_wait3A_194 = tpu.memref_slice %arg2[%dma_wait3A_192, %dma_wait3A_193] : memref<10000x128xf32, #tpu.memory_space<hbm>> -> memref<10000x128xf32, #tpu.memory_space<hbm>>
    tpu.wait_indirect_dma semaphore(%arg28 : memref<!tpu.dma_semaphore, #tpu.memory_space<semaphore_mem>>) src(%dma_wait3A_194 : memref<10000x128xf32, #tpu.memory_space<hbm>>) dst(%arg22 : memref<80x128xf32, #tpu.memory_space<vmem>>)
    %dma_start3A_195 = arith.constant 0 : i32
    %dma_start3A_196 = arith.constant 0 : i32
    %dma_start3A_197 = tpu.memref_slice %arg27[%dma_start3A_195, %dma_start3A_196] : memref<10240x128xf32, #tpu.memory_space<vmem_shared>> -> memref<10240x128xf32, #tpu.memory_space<vmem_shared>>
    tpu.enqueue_indirect_dma source(%arg22 : memref<80x128xf32, #tpu.memory_space<vmem>>) target(%dma_start3A_197 : memref<10240x128xf32, #tpu.memory_space<vmem_shared>>) offsets(%arg18 : memref<80xi32, #tpu.memory_space<vmem>>) semaphore(%arg32 : memref<!tpu.dma_semaphore, #tpu.memory_space<semaphore_mem>>) {add = true}
    %add3A_198 = arith.constant 9600 : i32
    %add3A_199 = arith.addi %mul3A_13, %add3A_198 : i32
    %dma_start3A_200 = tpu.memref_slice %arg3[%add3A_199] : memref<320000xi32, #tpu.memory_space<hbm>> -> memref<80xi32, #tpu.memory_space<hbm>>
    %dma_start3A_201 = tpu.memref_slice %arg3[%add3A_199] : memref<320000xi32, #tpu.memory_space<hbm>> -> memref<80xi32, #tpu.memory_space<hbm>>
    tpu.enqueue_dma source(%dma_start3A_201 : memref<80xi32, #tpu.memory_space<hbm>>) target(%arg6 : memref<80xi32, #tpu.memory_space<vmem>>) target_semaphore(%arg36 : memref<!tpu.dma_semaphore, #tpu.memory_space<semaphore_mem>>)
    %add3A_202 = arith.constant 9600 : i32
    %add3A_203 = arith.addi %mul3A_13, %add3A_202 : i32
    %dma_start3A_204 = tpu.memref_slice %arg4[%add3A_203] : memref<320000xi32, #tpu.memory_space<hbm>> -> memref<80xi32, #tpu.memory_space<hbm>>
    %dma_start3A_205 = tpu.memref_slice %arg4[%add3A_203] : memref<320000xi32, #tpu.memory_space<hbm>> -> memref<80xi32, #tpu.memory_space<hbm>>
    tpu.enqueue_dma source(%dma_start3A_205 : memref<80xi32, #tpu.memory_space<hbm>>) target(%arg14 : memref<80xi32, #tpu.memory_space<vmem>>) target_semaphore(%arg36 : memref<!tpu.dma_semaphore, #tpu.memory_space<semaphore_mem>>)
    %dma_wait3A_206 = arith.constant 0 : i32
    %dma_wait3A_207 = arith.constant 0 : i32
    %dma_wait3A_208 = tpu.memref_slice %arg27[%dma_wait3A_206, %dma_wait3A_207] : memref<10240x128xf32, #tpu.memory_space<vmem_shared>> -> memref<10240x128xf32, #tpu.memory_space<vmem_shared>>
    tpu.wait_indirect_dma semaphore(%arg35 : memref<!tpu.dma_semaphore, #tpu.memory_space<semaphore_mem>>) src(%arg25 : memref<80x128xf32, #tpu.memory_space<vmem>>) dst(%dma_wait3A_208 : memref<10240x128xf32, #tpu.memory_space<vmem_shared>>)
    %add3A_209 = arith.constant 9520 : i32
    %add3A_210 = arith.addi %mul3A_13, %add3A_209 : i32
    %dma_wait3A_211 = tpu.memref_slice %arg3[%add3A_210] : memref<320000xi32, #tpu.memory_space<hbm>> -> memref<80xi32, #tpu.memory_space<hbm>>
    %dma_wait3A_212 = tpu.memref_slice %arg3[%add3A_210] : memref<320000xi32, #tpu.memory_space<hbm>> -> memref<80xi32, #tpu.memory_space<hbm>>
    tpu.wait_dma2 semaphore(%arg43 : memref<!tpu.dma_semaphore, #tpu.memory_space<semaphore_mem>>) src(%dma_wait3A_212 : memref<80xi32, #tpu.memory_space<hbm>>) dst(%arg13 : memref<80xi32, #tpu.memory_space<vmem>>)
    %add3A_213 = arith.constant 9520 : i32
    %add3A_214 = arith.addi %mul3A_13, %add3A_213 : i32
    %dma_wait3A_215 = tpu.memref_slice %arg4[%add3A_214] : memref<320000xi32, #tpu.memory_space<hbm>> -> memref<80xi32, #tpu.memory_space<hbm>>
    %dma_wait3A_216 = tpu.memref_slice %arg4[%add3A_214] : memref<320000xi32, #tpu.memory_space<hbm>> -> memref<80xi32, #tpu.memory_space<hbm>>
    tpu.wait_dma2 semaphore(%arg43 : memref<!tpu.dma_semaphore, #tpu.memory_space<semaphore_mem>>) src(%dma_wait3A_216 : memref<80xi32, #tpu.memory_space<hbm>>) dst(%arg21 : memref<80xi32, #tpu.memory_space<vmem>>)
    %dma_start3A_217 = arith.constant 0 : i32
    %dma_start3A_218 = arith.constant 0 : i32
    %dma_start3A_219 = tpu.memref_slice %arg2[%dma_start3A_217, %dma_start3A_218] : memref<10000x128xf32, #tpu.memory_space<hbm>> -> memref<10000x128xf32, #tpu.memory_space<hbm>>
    tpu.enqueue_indirect_dma source(%dma_start3A_219 : memref<10000x128xf32, #tpu.memory_space<hbm>>) target(%arg25 : memref<80x128xf32, #tpu.memory_space<vmem>>) offsets(%arg13 : memref<80xi32, #tpu.memory_space<vmem>>) semaphore(%arg31 : memref<!tpu.dma_semaphore, #tpu.memory_space<semaphore_mem>>)
    %dma_wait3A_220 = arith.constant 0 : i32
    %dma_wait3A_221 = arith.constant 0 : i32
    %dma_wait3A_222 = tpu.memref_slice %arg2[%dma_wait3A_220, %dma_wait3A_221] : memref<10000x128xf32, #tpu.memory_space<hbm>> -> memref<10000x128xf32, #tpu.memory_space<hbm>>
    tpu.wait_indirect_dma semaphore(%arg29 : memref<!tpu.dma_semaphore, #tpu.memory_space<semaphore_mem>>) src(%dma_wait3A_222 : memref<10000x128xf32, #tpu.memory_space<hbm>>) dst(%arg23 : memref<80x128xf32, #tpu.memory_space<vmem>>)
    %dma_start3A_223 = arith.constant 0 : i32
    %dma_start3A_224 = arith.constant 0 : i32
    %dma_start3A_225 = tpu.memref_slice %arg27[%dma_start3A_223, %dma_start3A_224] : memref<10240x128xf32, #tpu.memory_space<vmem_shared>> -> memref<10240x128xf32, #tpu.memory_space<vmem_shared>>
    tpu.enqueue_indirect_dma source(%arg23 : memref<80x128xf32, #tpu.memory_space<vmem>>) target(%dma_start3A_225 : memref<10240x128xf32, #tpu.memory_space<vmem_shared>>) offsets(%arg19 : memref<80xi32, #tpu.memory_space<vmem>>) semaphore(%arg33 : memref<!tpu.dma_semaphore, #tpu.memory_space<semaphore_mem>>) {add = true}
    %add3A_226 = arith.constant 9680 : i32
    %add3A_227 = arith.addi %mul3A_13, %add3A_226 : i32
    %dma_start3A_228 = tpu.memref_slice %arg3[%add3A_227] : memref<320000xi32, #tpu.memory_space<hbm>> -> memref<80xi32, #tpu.memory_space<hbm>>
    %dma_start3A_229 = tpu.memref_slice %arg3[%add3A_227] : memref<320000xi32, #tpu.memory_space<hbm>> -> memref<80xi32, #tpu.memory_space<hbm>>
    tpu.enqueue_dma source(%dma_start3A_229 : memref<80xi32, #tpu.memory_space<hbm>>) target(%arg7 : memref<80xi32, #tpu.memory_space<vmem>>) target_semaphore(%arg37 : memref<!tpu.dma_semaphore, #tpu.memory_space<semaphore_mem>>)
    %add3A_230 = arith.constant 9680 : i32
    %add3A_231 = arith.addi %mul3A_13, %add3A_230 : i32
    %dma_start3A_232 = tpu.memref_slice %arg4[%add3A_231] : memref<320000xi32, #tpu.memory_space<hbm>> -> memref<80xi32, #tpu.memory_space<hbm>>
    %dma_start3A_233 = tpu.memref_slice %arg4[%add3A_231] : memref<320000xi32, #tpu.memory_space<hbm>> -> memref<80xi32, #tpu.memory_space<hbm>>
    tpu.enqueue_dma source(%dma_start3A_233 : memref<80xi32, #tpu.memory_space<hbm>>) target(%arg15 : memref<80xi32, #tpu.memory_space<vmem>>) target_semaphore(%arg37 : memref<!tpu.dma_semaphore, #tpu.memory_space<semaphore_mem>>)
    %dma_wait3A_234 = arith.constant 0 : i32
    %dma_wait3A_235 = arith.constant 0 : i32
    %dma_wait3A_236 = tpu.memref_slice %arg27[%dma_wait3A_234, %dma_wait3A_235] : memref<10240x128xf32, #tpu.memory_space<vmem_shared>> -> memref<10240x128xf32, #tpu.memory_space<vmem_shared>>
    tpu.wait_indirect_dma semaphore(%arg32 : memref<!tpu.dma_semaphore, #tpu.memory_space<semaphore_mem>>) src(%arg22 : memref<80x128xf32, #tpu.memory_space<vmem>>) dst(%dma_wait3A_236 : memref<10240x128xf32, #tpu.memory_space<vmem_shared>>)
    %add3A_237 = arith.constant 9600 : i32
    %add3A_238 = arith.addi %mul3A_13, %add3A_237 : i32
    %dma_wait3A_239 = tpu.memref_slice %arg3[%add3A_238] : memref<320000xi32, #tpu.memory_space<hbm>> -> memref<80xi32, #tpu.memory_space<hbm>>
    %dma_wait3A_240 = tpu.memref_slice %arg3[%add3A_238] : memref<320000xi32, #tpu.memory_space<hbm>> -> memref<80xi32, #tpu.memory_space<hbm>>
    tpu.wait_dma2 semaphore(%arg36 : memref<!tpu.dma_semaphore, #tpu.memory_space<semaphore_mem>>) src(%dma_wait3A_240 : memref<80xi32, #tpu.memory_space<hbm>>) dst(%arg6 : memref<80xi32, #tpu.memory_space<vmem>>)
    %add3A_241 = arith.constant 9600 : i32
    %add3A_242 = arith.addi %mul3A_13, %add3A_241 : i32
    %dma_wait3A_243 = tpu.memref_slice %arg4[%add3A_242] : memref<320000xi32, #tpu.memory_space<hbm>> -> memref<80xi32, #tpu.memory_space<hbm>>
    %dma_wait3A_244 = tpu.memref_slice %arg4[%add3A_242] : memref<320000xi32, #tpu.memory_space<hbm>> -> memref<80xi32, #tpu.memory_space<hbm>>
    tpu.wait_dma2 semaphore(%arg36 : memref<!tpu.dma_semaphore, #tpu.memory_space<semaphore_mem>>) src(%dma_wait3A_244 : memref<80xi32, #tpu.memory_space<hbm>>) dst(%arg14 : memref<80xi32, #tpu.memory_space<vmem>>)
    %dma_start3A_245 = arith.constant 0 : i32
    %dma_start3A_246 = arith.constant 0 : i32
    %dma_start3A_247 = tpu.memref_slice %arg2[%dma_start3A_245, %dma_start3A_246] : memref<10000x128xf32, #tpu.memory_space<hbm>> -> memref<10000x128xf32, #tpu.memory_space<hbm>>
    tpu.enqueue_indirect_dma source(%dma_start3A_247 : memref<10000x128xf32, #tpu.memory_space<hbm>>) target(%arg22 : memref<80x128xf32, #tpu.memory_space<vmem>>) offsets(%arg6 : memref<80xi32, #tpu.memory_space<vmem>>) semaphore(%arg28 : memref<!tpu.dma_semaphore, #tpu.memory_space<semaphore_mem>>)
    %dma_wait3A_248 = arith.constant 0 : i32
    %dma_wait3A_249 = arith.constant 0 : i32
    %dma_wait3A_250 = tpu.memref_slice %arg2[%dma_wait3A_248, %dma_wait3A_249] : memref<10000x128xf32, #tpu.memory_space<hbm>> -> memref<10000x128xf32, #tpu.memory_space<hbm>>
    tpu.wait_indirect_dma semaphore(%arg30 : memref<!tpu.dma_semaphore, #tpu.memory_space<semaphore_mem>>) src(%dma_wait3A_250 : memref<10000x128xf32, #tpu.memory_space<hbm>>) dst(%arg24 : memref<80x128xf32, #tpu.memory_space<vmem>>)
    %dma_start3A_251 = arith.constant 0 : i32
    %dma_start3A_252 = arith.constant 0 : i32
    %dma_start3A_253 = tpu.memref_slice %arg27[%dma_start3A_251, %dma_start3A_252] : memref<10240x128xf32, #tpu.memory_space<vmem_shared>> -> memref<10240x128xf32, #tpu.memory_space<vmem_shared>>
    tpu.enqueue_indirect_dma source(%arg24 : memref<80x128xf32, #tpu.memory_space<vmem>>) target(%dma_start3A_253 : memref<10240x128xf32, #tpu.memory_space<vmem_shared>>) offsets(%arg20 : memref<80xi32, #tpu.memory_space<vmem>>) semaphore(%arg34 : memref<!tpu.dma_semaphore, #tpu.memory_space<semaphore_mem>>) {add = true}
    %add3A_254 = arith.constant 9760 : i32
    %add3A_255 = arith.addi %mul3A_13, %add3A_254 : i32
    %dma_start3A_256 = tpu.memref_slice %arg3[%add3A_255] : memref<320000xi32, #tpu.memory_space<hbm>> -> memref<80xi32, #tpu.memory_space<hbm>>
    %dma_start3A_257 = tpu.memref_slice %arg3[%add3A_255] : memref<320000xi32, #tpu.memory_space<hbm>> -> memref<80xi32, #tpu.memory_space<hbm>>
    tpu.enqueue_dma source(%dma_start3A_257 : memref<80xi32, #tpu.memory_space<hbm>>) target(%arg8 : memref<80xi32, #tpu.memory_space<vmem>>) target_semaphore(%arg38 : memref<!tpu.dma_semaphore, #tpu.memory_space<semaphore_mem>>)
    %add3A_258 = arith.constant 9760 : i32
    %add3A_259 = arith.addi %mul3A_13, %add3A_258 : i32
    %dma_start3A_260 = tpu.memref_slice %arg4[%add3A_259] : memref<320000xi32, #tpu.memory_space<hbm>> -> memref<80xi32, #tpu.memory_space<hbm>>
    %dma_start3A_261 = tpu.memref_slice %arg4[%add3A_259] : memref<320000xi32, #tpu.memory_space<hbm>> -> memref<80xi32, #tpu.memory_space<hbm>>
    tpu.enqueue_dma source(%dma_start3A_261 : memref<80xi32, #tpu.memory_space<hbm>>) target(%arg16 : memref<80xi32, #tpu.memory_space<vmem>>) target_semaphore(%arg38 : memref<!tpu.dma_semaphore, #tpu.memory_space<semaphore_mem>>)
    %dma_wait3A_262 = arith.constant 0 : i32
    %dma_wait3A_263 = arith.constant 0 : i32
    %dma_wait3A_264 = tpu.memref_slice %arg27[%dma_wait3A_262, %dma_wait3A_263] : memref<10240x128xf32, #tpu.memory_space<vmem_shared>> -> memref<10240x128xf32, #tpu.memory_space<vmem_shared>>
    tpu.wait_indirect_dma semaphore(%arg33 : memref<!tpu.dma_semaphore, #tpu.memory_space<semaphore_mem>>) src(%arg23 : memref<80x128xf32, #tpu.memory_space<vmem>>) dst(%dma_wait3A_264 : memref<10240x128xf32, #tpu.memory_space<vmem_shared>>)
    %add3A_265 = arith.constant 9680 : i32
    %add3A_266 = arith.addi %mul3A_13, %add3A_265 : i32
    %dma_wait3A_267 = tpu.memref_slice %arg3[%add3A_266] : memref<320000xi32, #tpu.memory_space<hbm>> -> memref<80xi32, #tpu.memory_space<hbm>>
    %dma_wait3A_268 = tpu.memref_slice %arg3[%add3A_266] : memref<320000xi32, #tpu.memory_space<hbm>> -> memref<80xi32, #tpu.memory_space<hbm>>
    tpu.wait_dma2 semaphore(%arg37 : memref<!tpu.dma_semaphore, #tpu.memory_space<semaphore_mem>>) src(%dma_wait3A_268 : memref<80xi32, #tpu.memory_space<hbm>>) dst(%arg7 : memref<80xi32, #tpu.memory_space<vmem>>)
    %add3A_269 = arith.constant 9680 : i32
    %add3A_270 = arith.addi %mul3A_13, %add3A_269 : i32
    %dma_wait3A_271 = tpu.memref_slice %arg4[%add3A_270] : memref<320000xi32, #tpu.memory_space<hbm>> -> memref<80xi32, #tpu.memory_space<hbm>>
    %dma_wait3A_272 = tpu.memref_slice %arg4[%add3A_270] : memref<320000xi32, #tpu.memory_space<hbm>> -> memref<80xi32, #tpu.memory_space<hbm>>
    tpu.wait_dma2 semaphore(%arg37 : memref<!tpu.dma_semaphore, #tpu.memory_space<semaphore_mem>>) src(%dma_wait3A_272 : memref<80xi32, #tpu.memory_space<hbm>>) dst(%arg15 : memref<80xi32, #tpu.memory_space<vmem>>)
    %dma_start3A_273 = arith.constant 0 : i32
    %dma_start3A_274 = arith.constant 0 : i32
    %dma_start3A_275 = tpu.memref_slice %arg2[%dma_start3A_273, %dma_start3A_274] : memref<10000x128xf32, #tpu.memory_space<hbm>> -> memref<10000x128xf32, #tpu.memory_space<hbm>>
    tpu.enqueue_indirect_dma source(%dma_start3A_275 : memref<10000x128xf32, #tpu.memory_space<hbm>>) target(%arg23 : memref<80x128xf32, #tpu.memory_space<vmem>>) offsets(%arg7 : memref<80xi32, #tpu.memory_space<vmem>>) semaphore(%arg29 : memref<!tpu.dma_semaphore, #tpu.memory_space<semaphore_mem>>)
    %dma_wait3A_276 = arith.constant 0 : i32
    %dma_wait3A_277 = arith.constant 0 : i32
    %dma_wait3A_278 = tpu.memref_slice %arg2[%dma_wait3A_276, %dma_wait3A_277] : memref<10000x128xf32, #tpu.memory_space<hbm>> -> memref<10000x128xf32, #tpu.memory_space<hbm>>
    tpu.wait_indirect_dma semaphore(%arg31 : memref<!tpu.dma_semaphore, #tpu.memory_space<semaphore_mem>>) src(%dma_wait3A_278 : memref<10000x128xf32, #tpu.memory_space<hbm>>) dst(%arg25 : memref<80x128xf32, #tpu.memory_space<vmem>>)
    %dma_start3A_279 = arith.constant 0 : i32
    %dma_start3A_280 = arith.constant 0 : i32
    %dma_start3A_281 = tpu.memref_slice %arg27[%dma_start3A_279, %dma_start3A_280] : memref<10240x128xf32, #tpu.memory_space<vmem_shared>> -> memref<10240x128xf32, #tpu.memory_space<vmem_shared>>
    tpu.enqueue_indirect_dma source(%arg25 : memref<80x128xf32, #tpu.memory_space<vmem>>) target(%dma_start3A_281 : memref<10240x128xf32, #tpu.memory_space<vmem_shared>>) offsets(%arg21 : memref<80xi32, #tpu.memory_space<vmem>>) semaphore(%arg35 : memref<!tpu.dma_semaphore, #tpu.memory_space<semaphore_mem>>) {add = true}
    %add3A_282 = arith.constant 9840 : i32
    %add3A_283 = arith.addi %mul3A_13, %add3A_282 : i32
    %dma_start3A_284 = tpu.memref_slice %arg3[%add3A_283] : memref<320000xi32, #tpu.memory_space<hbm>> -> memref<80xi32, #tpu.memory_space<hbm>>
    %dma_start3A_285 = tpu.memref_slice %arg3[%add3A_283] : memref<320000xi32, #tpu.memory_space<hbm>> -> memref<80xi32, #tpu.memory_space<hbm>>
    tpu.enqueue_dma source(%dma_start3A_285 : memref<80xi32, #tpu.memory_space<hbm>>) target(%arg9 : memref<80xi32, #tpu.memory_space<vmem>>) target_semaphore(%arg39 : memref<!tpu.dma_semaphore, #tpu.memory_space<semaphore_mem>>)
    %add3A_286 = arith.constant 9840 : i32
    %add3A_287 = arith.addi %mul3A_13, %add3A_286 : i32
    %dma_start3A_288 = tpu.memref_slice %arg4[%add3A_287] : memref<320000xi32, #tpu.memory_space<hbm>> -> memref<80xi32, #tpu.memory_space<hbm>>
    %dma_start3A_289 = tpu.memref_slice %arg4[%add3A_287] : memref<320000xi32, #tpu.memory_space<hbm>> -> memref<80xi32, #tpu.memory_space<hbm>>
    tpu.enqueue_dma source(%dma_start3A_289 : memref<80xi32, #tpu.memory_space<hbm>>) target(%arg17 : memref<80xi32, #tpu.memory_space<vmem>>) target_semaphore(%arg39 : memref<!tpu.dma_semaphore, #tpu.memory_space<semaphore_mem>>)
    %dma_wait3A_290 = arith.constant 0 : i32
    %dma_wait3A_291 = arith.constant 0 : i32
    %dma_wait3A_292 = tpu.memref_slice %arg27[%dma_wait3A_290, %dma_wait3A_291] : memref<10240x128xf32, #tpu.memory_space<vmem_shared>> -> memref<10240x128xf32, #tpu.memory_space<vmem_shared>>
    tpu.wait_indirect_dma semaphore(%arg34 : memref<!tpu.dma_semaphore, #tpu.memory_space<semaphore_mem>>) src(%arg24 : memref<80x128xf32, #tpu.memory_space<vmem>>) dst(%dma_wait3A_292 : memref<10240x128xf32, #tpu.memory_space<vmem_shared>>)
    %add3A_293 = arith.constant 9760 : i32
    %add3A_294 = arith.addi %mul3A_13, %add3A_293 : i32
    %dma_wait3A_295 = tpu.memref_slice %arg3[%add3A_294] : memref<320000xi32, #tpu.memory_space<hbm>> -> memref<80xi32, #tpu.memory_space<hbm>>
    %dma_wait3A_296 = tpu.memref_slice %arg3[%add3A_294] : memref<320000xi32, #tpu.memory_space<hbm>> -> memref<80xi32, #tpu.memory_space<hbm>>
    tpu.wait_dma2 semaphore(%arg38 : memref<!tpu.dma_semaphore, #tpu.memory_space<semaphore_mem>>) src(%dma_wait3A_296 : memref<80xi32, #tpu.memory_space<hbm>>) dst(%arg8 : memref<80xi32, #tpu.memory_space<vmem>>)
    %add3A_297 = arith.constant 9760 : i32
    %add3A_298 = arith.addi %mul3A_13, %add3A_297 : i32
    %dma_wait3A_299 = tpu.memref_slice %arg4[%add3A_298] : memref<320000xi32, #tpu.memory_space<hbm>> -> memref<80xi32, #tpu.memory_space<hbm>>
    %dma_wait3A_300 = tpu.memref_slice %arg4[%add3A_298] : memref<320000xi32, #tpu.memory_space<hbm>> -> memref<80xi32, #tpu.memory_space<hbm>>
    tpu.wait_dma2 semaphore(%arg38 : memref<!tpu.dma_semaphore, #tpu.memory_space<semaphore_mem>>) src(%dma_wait3A_300 : memref<80xi32, #tpu.memory_space<hbm>>) dst(%arg16 : memref<80xi32, #tpu.memory_space<vmem>>)
    %dma_start3A_301 = arith.constant 0 : i32
    %dma_start3A_302 = arith.constant 0 : i32
    %dma_start3A_303 = tpu.memref_slice %arg2[%dma_start3A_301, %dma_start3A_302] : memref<10000x128xf32, #tpu.memory_space<hbm>> -> memref<10000x128xf32, #tpu.memory_space<hbm>>
    tpu.enqueue_indirect_dma source(%dma_start3A_303 : memref<10000x128xf32, #tpu.memory_space<hbm>>) target(%arg24 : memref<80x128xf32, #tpu.memory_space<vmem>>) offsets(%arg8 : memref<80xi32, #tpu.memory_space<vmem>>) semaphore(%arg30 : memref<!tpu.dma_semaphore, #tpu.memory_space<semaphore_mem>>)
    %dma_wait3A_304 = arith.constant 0 : i32
    %dma_wait3A_305 = arith.constant 0 : i32
    %dma_wait3A_306 = tpu.memref_slice %arg2[%dma_wait3A_304, %dma_wait3A_305] : memref<10000x128xf32, #tpu.memory_space<hbm>> -> memref<10000x128xf32, #tpu.memory_space<hbm>>
    tpu.wait_indirect_dma semaphore(%arg28 : memref<!tpu.dma_semaphore, #tpu.memory_space<semaphore_mem>>) src(%dma_wait3A_306 : memref<10000x128xf32, #tpu.memory_space<hbm>>) dst(%arg22 : memref<80x128xf32, #tpu.memory_space<vmem>>)
    %dma_start3A_307 = arith.constant 0 : i32
    %dma_start3A_308 = arith.constant 0 : i32
    %dma_start3A_309 = tpu.memref_slice %arg27[%dma_start3A_307, %dma_start3A_308] : memref<10240x128xf32, #tpu.memory_space<vmem_shared>> -> memref<10240x128xf32, #tpu.memory_space<vmem_shared>>
    tpu.enqueue_indirect_dma source(%arg22 : memref<80x128xf32, #tpu.memory_space<vmem>>) target(%dma_start3A_309 : memref<10240x128xf32, #tpu.memory_space<vmem_shared>>) offsets(%arg14 : memref<80xi32, #tpu.memory_space<vmem>>) semaphore(%arg32 : memref<!tpu.dma_semaphore, #tpu.memory_space<semaphore_mem>>) {add = true}
    %add3A_310 = arith.constant 9920 : i32
    %add3A_311 = arith.addi %mul3A_13, %add3A_310 : i32
    %dma_start3A_312 = tpu.memref_slice %arg3[%add3A_311] : memref<320000xi32, #tpu.memory_space<hbm>> -> memref<80xi32, #tpu.memory_space<hbm>>
    %dma_start3A_313 = tpu.memref_slice %arg3[%add3A_311] : memref<320000xi32, #tpu.memory_space<hbm>> -> memref<80xi32, #tpu.memory_space<hbm>>
    tpu.enqueue_dma source(%dma_start3A_313 : memref<80xi32, #tpu.memory_space<hbm>>) target(%arg10 : memref<80xi32, #tpu.memory_space<vmem>>) target_semaphore(%arg40 : memref<!tpu.dma_semaphore, #tpu.memory_space<semaphore_mem>>)
    %add3A_314 = arith.constant 9920 : i32
    %add3A_315 = arith.addi %mul3A_13, %add3A_314 : i32
    %dma_start3A_316 = tpu.memref_slice %arg4[%add3A_315] : memref<320000xi32, #tpu.memory_space<hbm>> -> memref<80xi32, #tpu.memory_space<hbm>>
    %dma_start3A_317 = tpu.memref_slice %arg4[%add3A_315] : memref<320000xi32, #tpu.memory_space<hbm>> -> memref<80xi32, #tpu.memory_space<hbm>>
    tpu.enqueue_dma source(%dma_start3A_317 : memref<80xi32, #tpu.memory_space<hbm>>) target(%arg18 : memref<80xi32, #tpu.memory_space<vmem>>) target_semaphore(%arg40 : memref<!tpu.dma_semaphore, #tpu.memory_space<semaphore_mem>>)
    %dma_wait3A_318 = arith.constant 0 : i32
    %dma_wait3A_319 = arith.constant 0 : i32
    %dma_wait3A_320 = tpu.memref_slice %arg27[%dma_wait3A_318, %dma_wait3A_319] : memref<10240x128xf32, #tpu.memory_space<vmem_shared>> -> memref<10240x128xf32, #tpu.memory_space<vmem_shared>>
    tpu.wait_indirect_dma semaphore(%arg35 : memref<!tpu.dma_semaphore, #tpu.memory_space<semaphore_mem>>) src(%arg25 : memref<80x128xf32, #tpu.memory_space<vmem>>) dst(%dma_wait3A_320 : memref<10240x128xf32, #tpu.memory_space<vmem_shared>>)
    %add3A_321 = arith.constant 9840 : i32
    %add3A_322 = arith.addi %mul3A_13, %add3A_321 : i32
    %dma_wait3A_323 = tpu.memref_slice %arg3[%add3A_322] : memref<320000xi32, #tpu.memory_space<hbm>> -> memref<80xi32, #tpu.memory_space<hbm>>
    %dma_wait3A_324 = tpu.memref_slice %arg3[%add3A_322] : memref<320000xi32, #tpu.memory_space<hbm>> -> memref<80xi32, #tpu.memory_space<hbm>>
    tpu.wait_dma2 semaphore(%arg39 : memref<!tpu.dma_semaphore, #tpu.memory_space<semaphore_mem>>) src(%dma_wait3A_324 : memref<80xi32, #tpu.memory_space<hbm>>) dst(%arg9 : memref<80xi32, #tpu.memory_space<vmem>>)
    %add3A_325 = arith.constant 9840 : i32
    %add3A_326 = arith.addi %mul3A_13, %add3A_325 : i32
    %dma_wait3A_327 = tpu.memref_slice %arg4[%add3A_326] : memref<320000xi32, #tpu.memory_space<hbm>> -> memref<80xi32, #tpu.memory_space<hbm>>
    %dma_wait3A_328 = tpu.memref_slice %arg4[%add3A_326] : memref<320000xi32, #tpu.memory_space<hbm>> -> memref<80xi32, #tpu.memory_space<hbm>>
    tpu.wait_dma2 semaphore(%arg39 : memref<!tpu.dma_semaphore, #tpu.memory_space<semaphore_mem>>) src(%dma_wait3A_328 : memref<80xi32, #tpu.memory_space<hbm>>) dst(%arg17 : memref<80xi32, #tpu.memory_space<vmem>>)
    %dma_start3A_329 = arith.constant 0 : i32
    %dma_start3A_330 = arith.constant 0 : i32
    %dma_start3A_331 = tpu.memref_slice %arg2[%dma_start3A_329, %dma_start3A_330] : memref<10000x128xf32, #tpu.memory_space<hbm>> -> memref<10000x128xf32, #tpu.memory_space<hbm>>
    tpu.enqueue_indirect_dma source(%dma_start3A_331 : memref<10000x128xf32, #tpu.memory_space<hbm>>) target(%arg25 : memref<80x128xf32, #tpu.memory_space<vmem>>) offsets(%arg9 : memref<80xi32, #tpu.memory_space<vmem>>) semaphore(%arg31 : memref<!tpu.dma_semaphore, #tpu.memory_space<semaphore_mem>>)
    %dma_wait3A_332 = arith.constant 0 : i32
    %dma_wait3A_333 = arith.constant 0 : i32
    %dma_wait3A_334 = tpu.memref_slice %arg2[%dma_wait3A_332, %dma_wait3A_333] : memref<10000x128xf32, #tpu.memory_space<hbm>> -> memref<10000x128xf32, #tpu.memory_space<hbm>>
    tpu.wait_indirect_dma semaphore(%arg29 : memref<!tpu.dma_semaphore, #tpu.memory_space<semaphore_mem>>) src(%dma_wait3A_334 : memref<10000x128xf32, #tpu.memory_space<hbm>>) dst(%arg23 : memref<80x128xf32, #tpu.memory_space<vmem>>)
    %dma_start3A_335 = arith.constant 0 : i32
    %dma_start3A_336 = arith.constant 0 : i32
    %dma_start3A_337 = tpu.memref_slice %arg27[%dma_start3A_335, %dma_start3A_336] : memref<10240x128xf32, #tpu.memory_space<vmem_shared>> -> memref<10240x128xf32, #tpu.memory_space<vmem_shared>>
    tpu.enqueue_indirect_dma source(%arg23 : memref<80x128xf32, #tpu.memory_space<vmem>>) target(%dma_start3A_337 : memref<10240x128xf32, #tpu.memory_space<vmem_shared>>) offsets(%arg15 : memref<80xi32, #tpu.memory_space<vmem>>) semaphore(%arg33 : memref<!tpu.dma_semaphore, #tpu.memory_space<semaphore_mem>>) {add = true}
    %dma_wait3A_338 = arith.constant 0 : i32
    %dma_wait3A_339 = arith.constant 0 : i32
    %dma_wait3A_340 = tpu.memref_slice %arg27[%dma_wait3A_338, %dma_wait3A_339] : memref<10240x128xf32, #tpu.memory_space<vmem_shared>> -> memref<10240x128xf32, #tpu.memory_space<vmem_shared>>
    tpu.wait_indirect_dma semaphore(%arg32 : memref<!tpu.dma_semaphore, #tpu.memory_space<semaphore_mem>>) src(%arg22 : memref<80x128xf32, #tpu.memory_space<vmem>>) dst(%dma_wait3A_340 : memref<10240x128xf32, #tpu.memory_space<vmem_shared>>)
    %add3A_341 = arith.constant 9920 : i32
    %add3A_342 = arith.addi %mul3A_13, %add3A_341 : i32
    %dma_wait3A_343 = tpu.memref_slice %arg3[%add3A_342] : memref<320000xi32, #tpu.memory_space<hbm>> -> memref<80xi32, #tpu.memory_space<hbm>>
    %dma_wait3A_344 = tpu.memref_slice %arg3[%add3A_342] : memref<320000xi32, #tpu.memory_space<hbm>> -> memref<80xi32, #tpu.memory_space<hbm>>
    tpu.wait_dma2 semaphore(%arg40 : memref<!tpu.dma_semaphore, #tpu.memory_space<semaphore_mem>>) src(%dma_wait3A_344 : memref<80xi32, #tpu.memory_space<hbm>>) dst(%arg10 : memref<80xi32, #tpu.memory_space<vmem>>)
    %add3A_345 = arith.constant 9920 : i32
    %add3A_346 = arith.addi %mul3A_13, %add3A_345 : i32
    %dma_wait3A_347 = tpu.memref_slice %arg4[%add3A_346] : memref<320000xi32, #tpu.memory_space<hbm>> -> memref<80xi32, #tpu.memory_space<hbm>>
    %dma_wait3A_348 = tpu.memref_slice %arg4[%add3A_346] : memref<320000xi32, #tpu.memory_space<hbm>> -> memref<80xi32, #tpu.memory_space<hbm>>
    tpu.wait_dma2 semaphore(%arg40 : memref<!tpu.dma_semaphore, #tpu.memory_space<semaphore_mem>>) src(%dma_wait3A_348 : memref<80xi32, #tpu.memory_space<hbm>>) dst(%arg18 : memref<80xi32, #tpu.memory_space<vmem>>)
    %dma_start3A_349 = arith.constant 0 : i32
    %dma_start3A_350 = arith.constant 0 : i32
    %dma_start3A_351 = tpu.memref_slice %arg2[%dma_start3A_349, %dma_start3A_350] : memref<10000x128xf32, #tpu.memory_space<hbm>> -> memref<10000x128xf32, #tpu.memory_space<hbm>>
    tpu.enqueue_indirect_dma source(%dma_start3A_351 : memref<10000x128xf32, #tpu.memory_space<hbm>>) target(%arg22 : memref<80x128xf32, #tpu.memory_space<vmem>>) offsets(%arg10 : memref<80xi32, #tpu.memory_space<vmem>>) semaphore(%arg28 : memref<!tpu.dma_semaphore, #tpu.memory_space<semaphore_mem>>)
    %dma_wait3A_352 = arith.constant 0 : i32
    %dma_wait3A_353 = arith.constant 0 : i32
    %dma_wait3A_354 = tpu.memref_slice %arg2[%dma_wait3A_352, %dma_wait3A_353] : memref<10000x128xf32, #tpu.memory_space<hbm>> -> memref<10000x128xf32, #tpu.memory_space<hbm>>
    tpu.wait_indirect_dma semaphore(%arg30 : memref<!tpu.dma_semaphore, #tpu.memory_space<semaphore_mem>>) src(%dma_wait3A_354 : memref<10000x128xf32, #tpu.memory_space<hbm>>) dst(%arg24 : memref<80x128xf32, #tpu.memory_space<vmem>>)
    %dma_start3A_355 = arith.constant 0 : i32
    %dma_start3A_356 = arith.constant 0 : i32
    %dma_start3A_357 = tpu.memref_slice %arg27[%dma_start3A_355, %dma_start3A_356] : memref<10240x128xf32, #tpu.memory_space<vmem_shared>> -> memref<10240x128xf32, #tpu.memory_space<vmem_shared>>
    tpu.enqueue_indirect_dma source(%arg24 : memref<80x128xf32, #tpu.memory_space<vmem>>) target(%dma_start3A_357 : memref<10240x128xf32, #tpu.memory_space<vmem_shared>>) offsets(%arg16 : memref<80xi32, #tpu.memory_space<vmem>>) semaphore(%arg34 : memref<!tpu.dma_semaphore, #tpu.memory_space<semaphore_mem>>) {add = true}
    %dma_wait3A_358 = arith.constant 0 : i32
    %dma_wait3A_359 = arith.constant 0 : i32
    %dma_wait3A_360 = tpu.memref_slice %arg27[%dma_wait3A_358, %dma_wait3A_359] : memref<10240x128xf32, #tpu.memory_space<vmem_shared>> -> memref<10240x128xf32, #tpu.memory_space<vmem_shared>>
    tpu.wait_indirect_dma semaphore(%arg33 : memref<!tpu.dma_semaphore, #tpu.memory_space<semaphore_mem>>) src(%arg23 : memref<80x128xf32, #tpu.memory_space<vmem>>) dst(%dma_wait3A_360 : memref<10240x128xf32, #tpu.memory_space<vmem_shared>>)
    %dma_wait3A_361 = arith.constant 0 : i32
    %dma_wait3A_362 = arith.constant 0 : i32
    %dma_wait3A_363 = tpu.memref_slice %arg2[%dma_wait3A_361, %dma_wait3A_362] : memref<10000x128xf32, #tpu.memory_space<hbm>> -> memref<10000x128xf32, #tpu.memory_space<hbm>>
    tpu.wait_indirect_dma semaphore(%arg31 : memref<!tpu.dma_semaphore, #tpu.memory_space<semaphore_mem>>) src(%dma_wait3A_363 : memref<10000x128xf32, #tpu.memory_space<hbm>>) dst(%arg25 : memref<80x128xf32, #tpu.memory_space<vmem>>)
    %dma_start3A_364 = arith.constant 0 : i32
    %dma_start3A_365 = arith.constant 0 : i32
    %dma_start3A_366 = tpu.memref_slice %arg27[%dma_start3A_364, %dma_start3A_365] : memref<10240x128xf32, #tpu.memory_space<vmem_shared>> -> memref<10240x128xf32, #tpu.memory_space<vmem_shared>>
    tpu.enqueue_indirect_dma source(%arg25 : memref<80x128xf32, #tpu.memory_space<vmem>>) target(%dma_start3A_366 : memref<10240x128xf32, #tpu.memory_space<vmem_shared>>) offsets(%arg17 : memref<80xi32, #tpu.memory_space<vmem>>) semaphore(%arg35 : memref<!tpu.dma_semaphore, #tpu.memory_space<semaphore_mem>>) {add = true}
    %dma_wait3A_367 = arith.constant 0 : i32
    %dma_wait3A_368 = arith.constant 0 : i32
    %dma_wait3A_369 = tpu.memref_slice %arg27[%dma_wait3A_367, %dma_wait3A_368] : memref<10240x128xf32, #tpu.memory_space<vmem_shared>> -> memref<10240x128xf32, #tpu.memory_space<vmem_shared>>
    tpu.wait_indirect_dma semaphore(%arg34 : memref<!tpu.dma_semaphore, #tpu.memory_space<semaphore_mem>>) src(%arg24 : memref<80x128xf32, #tpu.memory_space<vmem>>) dst(%dma_wait3A_369 : memref<10240x128xf32, #tpu.memory_space<vmem_shared>>)
    %dma_wait3A_370 = arith.constant 0 : i32
    %dma_wait3A_371 = arith.constant 0 : i32
    %dma_wait3A_372 = tpu.memref_slice %arg2[%dma_wait3A_370, %dma_wait3A_371] : memref<10000x128xf32, #tpu.memory_space<hbm>> -> memref<10000x128xf32, #tpu.memory_space<hbm>>
    tpu.wait_indirect_dma semaphore(%arg28 : memref<!tpu.dma_semaphore, #tpu.memory_space<semaphore_mem>>) src(%dma_wait3A_372 : memref<10000x128xf32, #tpu.memory_space<hbm>>) dst(%arg22 : memref<80x128xf32, #tpu.memory_space<vmem>>)
    %dma_start3A_373 = arith.constant 0 : i32
    %dma_start3A_374 = arith.constant 0 : i32
    %dma_start3A_375 = tpu.memref_slice %arg27[%dma_start3A_373, %dma_start3A_374] : memref<10240x128xf32, #tpu.memory_space<vmem_shared>> -> memref<10240x128xf32, #tpu.memory_space<vmem_shared>>
    tpu.enqueue_indirect_dma source(%arg22 : memref<80x128xf32, #tpu.memory_space<vmem>>) target(%dma_start3A_375 : memref<10240x128xf32, #tpu.memory_space<vmem_shared>>) offsets(%arg18 : memref<80xi32, #tpu.memory_space<vmem>>) semaphore(%arg32 : memref<!tpu.dma_semaphore, #tpu.memory_space<semaphore_mem>>) {add = true}
    %dma_wait3A_376 = arith.constant 0 : i32
    %dma_wait3A_377 = arith.constant 0 : i32
    %dma_wait3A_378 = tpu.memref_slice %arg27[%dma_wait3A_376, %dma_wait3A_377] : memref<10240x128xf32, #tpu.memory_space<vmem_shared>> -> memref<10240x128xf32, #tpu.memory_space<vmem_shared>>
    tpu.wait_indirect_dma semaphore(%arg35 : memref<!tpu.dma_semaphore, #tpu.memory_space<semaphore_mem>>) src(%arg25 : memref<80x128xf32, #tpu.memory_space<vmem>>) dst(%dma_wait3A_378 : memref<10240x128xf32, #tpu.memory_space<vmem_shared>>)
    %dma_wait3A_379 = arith.constant 0 : i32
    %dma_wait3A_380 = arith.constant 0 : i32
    %dma_wait3A_381 = tpu.memref_slice %arg27[%dma_wait3A_379, %dma_wait3A_380] : memref<10240x128xf32, #tpu.memory_space<vmem_shared>> -> memref<10240x128xf32, #tpu.memory_space<vmem_shared>>
    tpu.wait_indirect_dma semaphore(%arg32 : memref<!tpu.dma_semaphore, #tpu.memory_space<semaphore_mem>>) src(%arg22 : memref<80x128xf32, #tpu.memory_space<vmem>>) dst(%dma_wait3A_381 : memref<10240x128xf32, #tpu.memory_space<vmem_shared>>)
    %barrier3A_382 = arith.constant 0 : index
    tpu.barrier barrier_id(%barrier3A_382)
    %mul3A_383 = arith.constant 640 : i32
    %mul3A_384 = arith.muli %arg1, %mul3A_383 : i32
    %mul3A_385 = arith.constant 640 : i32
    %mul3A_386 = arith.muli %arg1, %mul3A_385 : i32
    "tpu.region"() ({
      %run_scoped3A = tpu.sem_alloc : memref<!tpu.dma_semaphore, #tpu.memory_space<semaphore_mem>>
      %dma_start3A_387 = arith.constant 0 : i32
      %dma_start3A_388 = tpu.memref_slice %arg5[%arg0, %mul3A_386, %dma_start3A_387] : memref<2x10240x128xf32, #tpu.memory_space<hbm>> -> memref<1x640x128xf32, #tpu.memory_space<hbm>>
      %dma_start3A_389 = tpu.memref_squeeze %dma_start3A_388 : memref<1x640x128xf32, #tpu.memory_space<hbm>> -> memref<640x128xf32, #tpu.memory_space<hbm>>
      %dma_start3A_390 = arith.constant 0 : i32
      %dma_start3A_391 = tpu.memref_slice %arg27[%mul3A_384, %dma_start3A_390] : memref<10240x128xf32, #tpu.memory_space<vmem_shared>> -> memref<640x128xf32, #tpu.memory_space<vmem_shared>>
      tpu.enqueue_dma source(%dma_start3A_391 : memref<640x128xf32, #tpu.memory_space<vmem_shared>>) target(%dma_start3A_389 : memref<640x128xf32, #tpu.memory_space<hbm>>) target_semaphore(%run_scoped3A : memref<!tpu.dma_semaphore, #tpu.memory_space<semaphore_mem>>)
      %dma_wait3A_392 = arith.constant 0 : i32
      %dma_wait3A_393 = tpu.memref_slice %arg5[%arg0, %mul3A_386, %dma_wait3A_392] : memref<2x10240x128xf32, #tpu.memory_space<hbm>> -> memref<1x640x128xf32, #tpu.memory_space<hbm>>
      %dma_wait3A_394 = tpu.memref_squeeze %dma_wait3A_393 : memref<1x640x128xf32, #tpu.memory_space<hbm>> -> memref<640x128xf32, #tpu.memory_space<hbm>>
      %dma_wait3A_395 = arith.constant 0 : i32
      %dma_wait3A_396 = tpu.memref_slice %arg27[%mul3A_384, %dma_wait3A_395] : memref<10240x128xf32, #tpu.memory_space<vmem_shared>> -> memref<640x128xf32, #tpu.memory_space<vmem_shared>>
      tpu.wait_dma2 semaphore(%run_scoped3A : memref<!tpu.dma_semaphore, #tpu.memory_space<semaphore_mem>>) src(%dma_wait3A_396 : memref<640x128xf32, #tpu.memory_space<vmem_shared>>) dst(%dma_wait3A_394 : memref<640x128xf32, #tpu.memory_space<hbm>>)
      tpu.yield
    }) : () -> ()
    return
  }
}

#map = affine_map<(d0, d1) -> (0, 0)>
#map1 = affine_map<(d0, d1) -> (0)>
#map2 = affine_map<(d0, d1) -> (0, 0, 0)>
module attributes {stable_mosaic.version = 14 : i64} {
  func.func @_scat_body(%arg0: i32, %arg1: i32, %arg2: memref<10000x128xf32, #tpu.memory_space<hbm>>, %arg3: memref<320000xi32, #tpu.memory_space<hbm>>, %arg4: memref<320000xi32, #tpu.memory_space<hbm>>, %arg5: memref<2x10240x128xf32, #tpu.memory_space<hbm>>, %arg6: memref<80xi32, #tpu.memory_space<vmem>>, %arg7: memref<80xi32, #tpu.memory_space<vmem>>, %arg8: memref<80xi32, #tpu.memory_space<vmem>>, %arg9: memref<80xi32, #tpu.memory_space<vmem>>, %arg10: memref<80xi32, #tpu.memory_space<vmem>>, %arg11: memref<80xi32, #tpu.memory_space<vmem>>, %arg12: memref<80xi32, #tpu.memory_space<vmem>>, %arg13: memref<80xi32, #tpu.memory_space<vmem>>, %arg14: memref<80xi32, #tpu.memory_space<vmem>>, %arg15: memref<80xi32, #tpu.memory_space<vmem>>, %arg16: memref<80xi32, #tpu.memory_space<vmem>>, %arg17: memref<80xi32, #tpu.memory_space<vmem>>, %arg18: memref<80xi32, #tpu.memory_space<vmem>>, %arg19: memref<80xi32, #tpu.memory_space<vmem>>, %arg20: memref<80xi32, #tpu.memory_space<vmem>>, %arg21: memref<80xi32, #tpu.memory_space<vmem>>, %arg22: memref<80x128xf32, #tpu.memory_space<vmem>>, %arg23: memref<80x128xf32, #tpu.memory_space<vmem>>, %arg24: memref<80x128xf32, #tpu.memory_space<vmem>>, %arg25: memref<80x128xf32, #tpu.memory_space<vmem>>, %arg26: memref<40x128xf32, #tpu.memory_space<vmem>>, %arg27: memref<10240x128xf32, #tpu.memory_space<vmem_shared>>, %arg28: memref<!tpu.dma_semaphore, #tpu.memory_space<semaphore_mem>>, %arg29: memref<!tpu.dma_semaphore, #tpu.memory_space<semaphore_mem>>, %arg30: memref<!tpu.dma_semaphore, #tpu.memory_space<semaphore_mem>>, %arg31: memref<!tpu.dma_semaphore, #tpu.memory_space<semaphore_mem>>, %arg32: memref<!tpu.dma_semaphore, #tpu.memory_space<semaphore_mem>>, %arg33: memref<!tpu.dma_semaphore, #tpu.memory_space<semaphore_mem>>, %arg34: memref<!tpu.dma_semaphore, #tpu.memory_space<semaphore_mem>>, %arg35: memref<!tpu.dma_semaphore, #tpu.memory_space<semaphore_mem>>, %arg36: memref<!tpu.dma_semaphore, #tpu.memory_space<semaphore_mem>>, %arg37: memref<!tpu.dma_semaphore, #tpu.memory_space<semaphore_mem>>, %arg38: memref<!tpu.dma_semaphore, #tpu.memory_space<semaphore_mem>>, %arg39: memref<!tpu.dma_semaphore, #tpu.memory_space<semaphore_mem>>, %arg40: memref<!tpu.dma_semaphore, #tpu.memory_space<semaphore_mem>>, %arg41: memref<!tpu.dma_semaphore, #tpu.memory_space<semaphore_mem>>, %arg42: memref<!tpu.dma_semaphore, #tpu.memory_space<semaphore_mem>>, %arg43: memref<!tpu.dma_semaphore, #tpu.memory_space<semaphore_mem>>) attributes {dimension_semantics = [#tpu.dimension_semantics<core_parallel>, #tpu.dimension_semantics<subcore_parallel>], iteration_bounds = array<i64: 2, 16>, scalar_prefetch = 0 : i64, scratch_operands = 38 : i64, tpu.core_type = #tpu.core_type<sc_vector_subcore>, window_params = [{transform_indices = #map}, {transform_indices = #map1}, {transform_indices = #map1}, {transform_indices = #map2}]} {
    %scan3A = arith.constant 0 : i32
    %scan3A_0 = arith.constant 0 : i32
    %scan3A_1 = arith.constant 40 : i32
    %scan3A_2 = arith.addi %scan3A_0, %scan3A_1 : i32
    %scan3A_3 = arith.constant 1 : i32
    scf.for %scan3A_387 = %scan3A_0 to %scan3A_2 step %scan3A_3  : i32 {
      %broadcast_in_dim3A = arith.constant 0.000000e+00 : f32
      %broadcast_in_dim3A_388 = vector.broadcast %broadcast_in_dim3A : f32 to vector<16xf32>
      %swap3A = arith.index_cast %scan3A_387 : i32 to index
      %swap3A_389 = arith.constant 0 : index
      %swap3A_390 = tpu.vector_load %arg26[%swap3A, %swap3A_389] {strides = array<i32>} : memref<40x128xf32, #tpu.memory_space<vmem>>, vector<1x16xf32>,
      %swap3A_391 = vector.shape_cast %swap3A_390 : vector<1x16xf32> to vector<16xf32>
      %swap3A_392 = vector.shape_cast %broadcast_in_dim3A_388 : vector<16xf32> to vector<1x16xf32>
      tpu.vector_store %arg26[%swap3A, %swap3A_389], %swap3A_392 {strides = array<i32>} : memref<40x128xf32, #tpu.memory_space<vmem>>, vector<1x16xf32>,
      %broadcast_in_dim3A_393 = arith.constant 0.000000e+00 : f32
      %broadcast_in_dim3A_394 = vector.broadcast %broadcast_in_dim3A_393 : f32 to vector<16xf32>
      %swap3A_395 = arith.index_cast %scan3A_387 : i32 to index
      %swap3A_396 = arith.constant 16 : index
      %swap3A_397 = tpu.vector_load %arg26[%swap3A_395, %swap3A_396] {strides = array<i32>} : memref<40x128xf32, #tpu.memory_space<vmem>>, vector<1x16xf32>,
      %swap3A_398 = vector.shape_cast %swap3A_397 : vector<1x16xf32> to vector<16xf32>
      %swap3A_399 = vector.shape_cast %broadcast_in_dim3A_394 : vector<16xf32> to vector<1x16xf32>
      tpu.vector_store %arg26[%swap3A_395, %swap3A_396], %swap3A_399 {strides = array<i32>} : memref<40x128xf32, #tpu.memory_space<vmem>>, vector<1x16xf32>,
      %broadcast_in_dim3A_400 = arith.constant 0.000000e+00 : f32
      %broadcast_in_dim3A_401 = vector.broadcast %broadcast_in_dim3A_400 : f32 to vector<16xf32>
      %swap3A_402 = arith.index_cast %scan3A_387 : i32 to index
      %swap3A_403 = arith.constant 32 : index
      %swap3A_404 = tpu.vector_load %arg26[%swap3A_402, %swap3A_403] {strides = array<i32>} : memref<40x128xf32, #tpu.memory_space<vmem>>, vector<1x16xf32>,
      %swap3A_405 = vector.shape_cast %swap3A_404 : vector<1x16xf32> to vector<16xf32>
      %swap3A_406 = vector.shape_cast %broadcast_in_dim3A_401 : vector<16xf32> to vector<1x16xf32>
      tpu.vector_store %arg26[%swap3A_402, %swap3A_403], %swap3A_406 {strides = array<i32>} : memref<40x128xf32, #tpu.memory_space<vmem>>, vector<1x16xf32>,
      %broadcast_in_dim3A_407 = arith.constant 0.000000e+00 : f32
      %broadcast_in_dim3A_408 = vector.broadcast %broadcast_in_dim3A_407 : f32 to vector<16xf32>
      %swap3A_409 = arith.index_cast %scan3A_387 : i32 to index
      %swap3A_410 = arith.constant 48 : index
      %swap3A_411 = tpu.vector_load %arg26[%swap3A_409, %swap3A_410] {strides = array<i32>} : memref<40x128xf32, #tpu.memory_space<vmem>>, vector<1x16xf32>,
      %swap3A_412 = vector.shape_cast %swap3A_411 : vector<1x16xf32> to vector<16xf32>
      %swap3A_413 = vector.shape_cast %broadcast_in_dim3A_408 : vector<16xf32> to vector<1x16xf32>
      tpu.vector_store %arg26[%swap3A_409, %swap3A_410], %swap3A_413 {strides = array<i32>} : memref<40x128xf32, #tpu.memory_space<vmem>>, vector<1x16xf32>,
      %broadcast_in_dim3A_414 = arith.constant 0.000000e+00 : f32
      %broadcast_in_dim3A_415 = vector.broadcast %broadcast_in_dim3A_414 : f32 to vector<16xf32>
      %swap3A_416 = arith.index_cast %scan3A_387 : i32 to index
      %swap3A_417 = arith.constant 64 : index
      %swap3A_418 = tpu.vector_load %arg26[%swap3A_416, %swap3A_417] {strides = array<i32>} : memref<40x128xf32, #tpu.memory_space<vmem>>, vector<1x16xf32>,
      %swap3A_419 = vector.shape_cast %swap3A_418 : vector<1x16xf32> to vector<16xf32>
      %swap3A_420 = vector.shape_cast %broadcast_in_dim3A_415 : vector<16xf32> to vector<1x16xf32>
      tpu.vector_store %arg26[%swap3A_416, %swap3A_417], %swap3A_420 {strides = array<i32>} : memref<40x128xf32, #tpu.memory_space<vmem>>, vector<1x16xf32>,
      %broadcast_in_dim3A_421 = arith.constant 0.000000e+00 : f32
      %broadcast_in_dim3A_422 = vector.broadcast %broadcast_in_dim3A_421 : f32 to vector<16xf32>
      %swap3A_423 = arith.index_cast %scan3A_387 : i32 to index
      %swap3A_424 = arith.constant 80 : index
      %swap3A_425 = tpu.vector_load %arg26[%swap3A_423, %swap3A_424] {strides = array<i32>} : memref<40x128xf32, #tpu.memory_space<vmem>>, vector<1x16xf32>,
      %swap3A_426 = vector.shape_cast %swap3A_425 : vector<1x16xf32> to vector<16xf32>
      %swap3A_427 = vector.shape_cast %broadcast_in_dim3A_422 : vector<16xf32> to vector<1x16xf32>
      tpu.vector_store %arg26[%swap3A_423, %swap3A_424], %swap3A_427 {strides = array<i32>} : memref<40x128xf32, #tpu.memory_space<vmem>>, vector<1x16xf32>,
      %broadcast_in_dim3A_428 = arith.constant 0.000000e+00 : f32
      %broadcast_in_dim3A_429 = vector.broadcast %broadcast_in_dim3A_428 : f32 to vector<16xf32>
      %swap3A_430 = arith.index_cast %scan3A_387 : i32 to index
      %swap3A_431 = arith.constant 96 : index
      %swap3A_432 = tpu.vector_load %arg26[%swap3A_430, %swap3A_431] {strides = array<i32>} : memref<40x128xf32, #tpu.memory_space<vmem>>, vector<1x16xf32>,
      %swap3A_433 = vector.shape_cast %swap3A_432 : vector<1x16xf32> to vector<16xf32>
      %swap3A_434 = vector.shape_cast %broadcast_in_dim3A_429 : vector<16xf32> to vector<1x16xf32>
      tpu.vector_store %arg26[%swap3A_430, %swap3A_431], %swap3A_434 {strides = array<i32>} : memref<40x128xf32, #tpu.memory_space<vmem>>, vector<1x16xf32>,
      %broadcast_in_dim3A_435 = arith.constant 0.000000e+00 : f32
      %broadcast_in_dim3A_436 = vector.broadcast %broadcast_in_dim3A_435 : f32 to vector<16xf32>
      %swap3A_437 = arith.index_cast %scan3A_387 : i32 to index
      %swap3A_438 = arith.constant 112 : index
      %swap3A_439 = tpu.vector_load %arg26[%swap3A_437, %swap3A_438] {strides = array<i32>} : memref<40x128xf32, #tpu.memory_space<vmem>>, vector<1x16xf32>,
      %swap3A_440 = vector.shape_cast %swap3A_439 : vector<1x16xf32> to vector<16xf32>
      %swap3A_441 = vector.shape_cast %broadcast_in_dim3A_436 : vector<16xf32> to vector<1x16xf32>
      tpu.vector_store %arg26[%swap3A_437, %swap3A_438], %swap3A_441 {strides = array<i32>} : memref<40x128xf32, #tpu.memory_space<vmem>>, vector<1x16xf32>,
    }
    %scan3A_4 = arith.constant 40 : i32
    %scan3A_5 = arith.constant 0 : i32
    %scan3A_6 = arith.constant 0 : i32
    %scan3A_7 = arith.constant 16 : i32
    %scan3A_8 = arith.addi %scan3A_6, %scan3A_7 : i32
    %scan3A_9 = arith.constant 1 : i32
    scf.for %scan3A_387 = %scan3A_6 to %scan3A_8 step %scan3A_9  : i32 {
      %mul3A_388 = arith.constant 640 : i32
      %mul3A_389 = arith.muli %arg1, %mul3A_388 : i32
      %mul3A_390 = arith.constant 40 : i32
      %mul3A_391 = arith.muli %scan3A_387, %mul3A_390 : i32
      %add3A_392 = arith.addi %mul3A_389, %mul3A_391 : i32
      "tpu.region"() ({
        %run_scoped3A = tpu.sem_alloc : memref<!tpu.dma_semaphore, #tpu.memory_space<semaphore_mem>>
        %dma_start3A_393 = arith.constant 0 : i32
        %dma_start3A_394 = tpu.memref_slice %arg27[%add3A_392, %dma_start3A_393] : memref<10240x128xf32, #tpu.memory_space<vmem_shared>> -> memref<40x128xf32, #tpu.memory_space<vmem_shared>>
        %dma_start3A_395 = arith.constant 0 : i32
        %dma_start3A_396 = tpu.memref_slice %arg27[%add3A_392, %dma_start3A_395] : memref<10240x128xf32, #tpu.memory_space<vmem_shared>> -> memref<40x128xf32, #tpu.memory_space<vmem_shared>>
        tpu.enqueue_dma source(%arg26 : memref<40x128xf32, #tpu.memory_space<vmem>>) target(%dma_start3A_396 : memref<40x128xf32, #tpu.memory_space<vmem_shared>>) target_semaphore(%run_scoped3A : memref<!tpu.dma_semaphore, #tpu.memory_space<semaphore_mem>>)
        %dma_wait3A_397 = arith.constant 0 : i32
        %dma_wait3A_398 = tpu.memref_slice %arg27[%add3A_392, %dma_wait3A_397] : memref<10240x128xf32, #tpu.memory_space<vmem_shared>> -> memref<40x128xf32, #tpu.memory_space<vmem_shared>>
        %dma_wait3A_399 = arith.constant 0 : i32
        %dma_wait3A_400 = tpu.memref_slice %arg27[%add3A_392, %dma_wait3A_399] : memref<10240x128xf32, #tpu.memory_space<vmem_shared>> -> memref<40x128xf32, #tpu.memory_space<vmem_shared>>
        tpu.wait_dma2 semaphore(%run_scoped3A : memref<!tpu.dma_semaphore, #tpu.memory_space<semaphore_mem>>) src(%arg26 : memref<40x128xf32, #tpu.memory_space<vmem>>) dst(%dma_wait3A_400 : memref<40x128xf32, #tpu.memory_space<vmem_shared>>)
        tpu.yield
      }) : () -> ()
    }
    %scan3A_10 = arith.constant 16 : i32
    %barrier3A = arith.constant 0 : index
    tpu.barrier barrier_id(%barrier3A)
    %mul3A = arith.constant 16 : i32
    %mul3A_11 = arith.muli %arg0, %mul3A : i32
    %add3A = arith.addi %mul3A_11, %arg1 : i32
    %mul3A_12 = arith.constant 10000 : i32
    %mul3A_13 = arith.muli %add3A, %mul3A_12 : i32
    %add3A_14 = arith.constant 0 : i32
    %add3A_15 = arith.addi %mul3A_13, %add3A_14 : i32
    %dma_start3A = tpu.memref_slice %arg3[%add3A_15] : memref<320000xi32, #tpu.memory_space<hbm>> -> memref<80xi32, #tpu.memory_space<hbm>>
    %dma_start3A_16 = tpu.memref_slice %arg3[%add3A_15] : memref<320000xi32, #tpu.memory_space<hbm>> -> memref<80xi32, #tpu.memory_space<hbm>>
    tpu.enqueue_dma source(%dma_start3A_16 : memref<80xi32, #tpu.memory_space<hbm>>) target(%arg6 : memref<80xi32, #tpu.memory_space<vmem>>) target_semaphore(%arg36 : memref<!tpu.dma_semaphore, #tpu.memory_space<semaphore_mem>>)
    %add3A_17 = arith.constant 0 : i32
    %add3A_18 = arith.addi %mul3A_13, %add3A_17 : i32
    %dma_start3A_19 = tpu.memref_slice %arg4[%add3A_18] : memref<320000xi32, #tpu.memory_space<hbm>> -> memref<80xi32, #tpu.memory_space<hbm>>
    %dma_start3A_20 = tpu.memref_slice %arg4[%add3A_18] : memref<320000xi32, #tpu.memory_space<hbm>> -> memref<80xi32, #tpu.memory_space<hbm>>
    tpu.enqueue_dma source(%dma_start3A_20 : memref<80xi32, #tpu.memory_space<hbm>>) target(%arg14 : memref<80xi32, #tpu.memory_space<vmem>>) target_semaphore(%arg36 : memref<!tpu.dma_semaphore, #tpu.memory_space<semaphore_mem>>)
    %add3A_21 = arith.constant 80 : i32
    %add3A_22 = arith.addi %mul3A_13, %add3A_21 : i32
    %dma_start3A_23 = tpu.memref_slice %arg3[%add3A_22] : memref<320000xi32, #tpu.memory_space<hbm>> -> memref<80xi32, #tpu.memory_space<hbm>>
    %dma_start3A_24 = tpu.memref_slice %arg3[%add3A_22] : memref<320000xi32, #tpu.memory_space<hbm>> -> memref<80xi32, #tpu.memory_space<hbm>>
    tpu.enqueue_dma source(%dma_start3A_24 : memref<80xi32, #tpu.memory_space<hbm>>) target(%arg7 : memref<80xi32, #tpu.memory_space<vmem>>) target_semaphore(%arg37 : memref<!tpu.dma_semaphore, #tpu.memory_space<semaphore_mem>>)
    %add3A_25 = arith.constant 80 : i32
    %add3A_26 = arith.addi %mul3A_13, %add3A_25 : i32
    %dma_start3A_27 = tpu.memref_slice %arg4[%add3A_26] : memref<320000xi32, #tpu.memory_space<hbm>> -> memref<80xi32, #tpu.memory_space<hbm>>
    %dma_start3A_28 = tpu.memref_slice %arg4[%add3A_26] : memref<320000xi32, #tpu.memory_space<hbm>> -> memref<80xi32, #tpu.memory_space<hbm>>
    tpu.enqueue_dma source(%dma_start3A_28 : memref<80xi32, #tpu.memory_space<hbm>>) target(%arg15 : memref<80xi32, #tpu.memory_space<vmem>>) target_semaphore(%arg37 : memref<!tpu.dma_semaphore, #tpu.memory_space<semaphore_mem>>)
    %add3A_29 = arith.constant 160 : i32
    %add3A_30 = arith.addi %mul3A_13, %add3A_29 : i32
    %dma_start3A_31 = tpu.memref_slice %arg3[%add3A_30] : memref<320000xi32, #tpu.memory_space<hbm>> -> memref<80xi32, #tpu.memory_space<hbm>>
    %dma_start3A_32 = tpu.memref_slice %arg3[%add3A_30] : memref<320000xi32, #tpu.memory_space<hbm>> -> memref<80xi32, #tpu.memory_space<hbm>>
    tpu.enqueue_dma source(%dma_start3A_32 : memref<80xi32, #tpu.memory_space<hbm>>) target(%arg8 : memref<80xi32, #tpu.memory_space<vmem>>) target_semaphore(%arg38 : memref<!tpu.dma_semaphore, #tpu.memory_space<semaphore_mem>>)
    %add3A_33 = arith.constant 160 : i32
    %add3A_34 = arith.addi %mul3A_13, %add3A_33 : i32
    %dma_start3A_35 = tpu.memref_slice %arg4[%add3A_34] : memref<320000xi32, #tpu.memory_space<hbm>> -> memref<80xi32, #tpu.memory_space<hbm>>
    %dma_start3A_36 = tpu.memref_slice %arg4[%add3A_34] : memref<320000xi32, #tpu.memory_space<hbm>> -> memref<80xi32, #tpu.memory_space<hbm>>
    tpu.enqueue_dma source(%dma_start3A_36 : memref<80xi32, #tpu.memory_space<hbm>>) target(%arg16 : memref<80xi32, #tpu.memory_space<vmem>>) target_semaphore(%arg38 : memref<!tpu.dma_semaphore, #tpu.memory_space<semaphore_mem>>)
    %add3A_37 = arith.constant 240 : i32
    %add3A_38 = arith.addi %mul3A_13, %add3A_37 : i32
    %dma_start3A_39 = tpu.memref_slice %arg3[%add3A_38] : memref<320000xi32, #tpu.memory_space<hbm>> -> memref<80xi32, #tpu.memory_space<hbm>>
    %dma_start3A_40 = tpu.memref_slice %arg3[%add3A_38] : memref<320000xi32, #tpu.memory_space<hbm>> -> memref<80xi32, #tpu.memory_space<hbm>>
    tpu.enqueue_dma source(%dma_start3A_40 : memref<80xi32, #tpu.memory_space<hbm>>) target(%arg9 : memref<80xi32, #tpu.memory_space<vmem>>) target_semaphore(%arg39 : memref<!tpu.dma_semaphore, #tpu.memory_space<semaphore_mem>>)
    %add3A_41 = arith.constant 240 : i32
    %add3A_42 = arith.addi %mul3A_13, %add3A_41 : i32
    %dma_start3A_43 = tpu.memref_slice %arg4[%add3A_42] : memref<320000xi32, #tpu.memory_space<hbm>> -> memref<80xi32, #tpu.memory_space<hbm>>
    %dma_start3A_44 = tpu.memref_slice %arg4[%add3A_42] : memref<320000xi32, #tpu.memory_space<hbm>> -> memref<80xi32, #tpu.memory_space<hbm>>
    tpu.enqueue_dma source(%dma_start3A_44 : memref<80xi32, #tpu.memory_space<hbm>>) target(%arg17 : memref<80xi32, #tpu.memory_space<vmem>>) target_semaphore(%arg39 : memref<!tpu.dma_semaphore, #tpu.memory_space<semaphore_mem>>)
    %add3A_45 = arith.constant 0 : i32
    %add3A_46 = arith.addi %mul3A_13, %add3A_45 : i32
    %dma_wait3A = tpu.memref_slice %arg3[%add3A_46] : memref<320000xi32, #tpu.memory_space<hbm>> -> memref<80xi32, #tpu.memory_space<hbm>>
    %dma_wait3A_47 = tpu.memref_slice %arg3[%add3A_46] : memref<320000xi32, #tpu.memory_space<hbm>> -> memref<80xi32, #tpu.memory_space<hbm>>
    tpu.wait_dma2 semaphore(%arg36 : memref<!tpu.dma_semaphore, #tpu.memory_space<semaphore_mem>>) src(%dma_wait3A_47 : memref<80xi32, #tpu.memory_space<hbm>>) dst(%arg6 : memref<80xi32, #tpu.memory_space<vmem>>)
    %add3A_48 = arith.constant 0 : i32
    %add3A_49 = arith.addi %mul3A_13, %add3A_48 : i32
    %dma_wait3A_50 = tpu.memref_slice %arg4[%add3A_49] : memref<320000xi32, #tpu.memory_space<hbm>> -> memref<80xi32, #tpu.memory_space<hbm>>
    %dma_wait3A_51 = tpu.memref_slice %arg4[%add3A_49] : memref<320000xi32, #tpu.memory_space<hbm>> -> memref<80xi32, #tpu.memory_space<hbm>>
    tpu.wait_dma2 semaphore(%arg36 : memref<!tpu.dma_semaphore, #tpu.memory_space<semaphore_mem>>) src(%dma_wait3A_51 : memref<80xi32, #tpu.memory_space<hbm>>) dst(%arg14 : memref<80xi32, #tpu.memory_space<vmem>>)
    %dma_start3A_52 = arith.constant 0 : i32
    %dma_start3A_53 = arith.constant 0 : i32
    %dma_start3A_54 = tpu.memref_slice %arg2[%dma_start3A_52, %dma_start3A_53] : memref<10000x128xf32, #tpu.memory_space<hbm>> -> memref<10000x128xf32, #tpu.memory_space<hbm>>
    tpu.enqueue_indirect_dma source(%dma_start3A_54 : memref<10000x128xf32, #tpu.memory_space<hbm>>) target(%arg22 : memref<80x128xf32, #tpu.memory_space<vmem>>) offsets(%arg6 : memref<80xi32, #tpu.memory_space<vmem>>) semaphore(%arg28 : memref<!tpu.dma_semaphore, #tpu.memory_space<semaphore_mem>>)
    %add3A_55 = arith.constant 80 : i32
    %add3A_56 = arith.addi %mul3A_13, %add3A_55 : i32
    %dma_wait3A_57 = tpu.memref_slice %arg3[%add3A_56] : memref<320000xi32, #tpu.memory_space<hbm>> -> memref<80xi32, #tpu.memory_space<hbm>>
    %dma_wait3A_58 = tpu.memref_slice %arg3[%add3A_56] : memref<320000xi32, #tpu.memory_space<hbm>> -> memref<80xi32, #tpu.memory_space<hbm>>
    tpu.wait_dma2 semaphore(%arg37 : memref<!tpu.dma_semaphore, #tpu.memory_space<semaphore_mem>>) src(%dma_wait3A_58 : memref<80xi32, #tpu.memory_space<hbm>>) dst(%arg7 : memref<80xi32, #tpu.memory_space<vmem>>)
    %add3A_59 = arith.constant 80 : i32
    %add3A_60 = arith.addi %mul3A_13, %add3A_59 : i32
    %dma_wait3A_61 = tpu.memref_slice %arg4[%add3A_60] : memref<320000xi32, #tpu.memory_space<hbm>> -> memref<80xi32, #tpu.memory_space<hbm>>
    %dma_wait3A_62 = tpu.memref_slice %arg4[%add3A_60] : memref<320000xi32, #tpu.memory_space<hbm>> -> memref<80xi32, #tpu.memory_space<hbm>>
    tpu.wait_dma2 semaphore(%arg37 : memref<!tpu.dma_semaphore, #tpu.memory_space<semaphore_mem>>) src(%dma_wait3A_62 : memref<80xi32, #tpu.memory_space<hbm>>) dst(%arg15 : memref<80xi32, #tpu.memory_space<vmem>>)
    %dma_start3A_63 = arith.constant 0 : i32
    %dma_start3A_64 = arith.constant 0 : i32
    %dma_start3A_65 = tpu.memref_slice %arg2[%dma_start3A_63, %dma_start3A_64] : memref<10000x128xf32, #tpu.memory_space<hbm>> -> memref<10000x128xf32, #tpu.memory_space<hbm>>
    tpu.enqueue_indirect_dma source(%dma_start3A_65 : memref<10000x128xf32, #tpu.memory_space<hbm>>) target(%arg23 : memref<80x128xf32, #tpu.memory_space<vmem>>) offsets(%arg7 : memref<80xi32, #tpu.memory_space<vmem>>) semaphore(%arg29 : memref<!tpu.dma_semaphore, #tpu.memory_space<semaphore_mem>>)
    %add3A_66 = arith.constant 160 : i32
    %add3A_67 = arith.addi %mul3A_13, %add3A_66 : i32
    %dma_wait3A_68 = tpu.memref_slice %arg3[%add3A_67] : memref<320000xi32, #tpu.memory_space<hbm>> -> memref<80xi32, #tpu.memory_space<hbm>>
    %dma_wait3A_69 = tpu.memref_slice %arg3[%add3A_67] : memref<320000xi32, #tpu.memory_space<hbm>> -> memref<80xi32, #tpu.memory_space<hbm>>
    tpu.wait_dma2 semaphore(%arg38 : memref<!tpu.dma_semaphore, #tpu.memory_space<semaphore_mem>>) src(%dma_wait3A_69 : memref<80xi32, #tpu.memory_space<hbm>>) dst(%arg8 : memref<80xi32, #tpu.memory_space<vmem>>)
    %add3A_70 = arith.constant 160 : i32
    %add3A_71 = arith.addi %mul3A_13, %add3A_70 : i32
    %dma_wait3A_72 = tpu.memref_slice %arg4[%add3A_71] : memref<320000xi32, #tpu.memory_space<hbm>> -> memref<80xi32, #tpu.memory_space<hbm>>
    %dma_wait3A_73 = tpu.memref_slice %arg4[%add3A_71] : memref<320000xi32, #tpu.memory_space<hbm>> -> memref<80xi32, #tpu.memory_space<hbm>>
    tpu.wait_dma2 semaphore(%arg38 : memref<!tpu.dma_semaphore, #tpu.memory_space<semaphore_mem>>) src(%dma_wait3A_73 : memref<80xi32, #tpu.memory_space<hbm>>) dst(%arg16 : memref<80xi32, #tpu.memory_space<vmem>>)
    %dma_start3A_74 = arith.constant 0 : i32
    %dma_start3A_75 = arith.constant 0 : i32
    %dma_start3A_76 = tpu.memref_slice %arg2[%dma_start3A_74, %dma_start3A_75] : memref<10000x128xf32, #tpu.memory_space<hbm>> -> memref<10000x128xf32, #tpu.memory_space<hbm>>
    tpu.enqueue_indirect_dma source(%dma_start3A_76 : memref<10000x128xf32, #tpu.memory_space<hbm>>) target(%arg24 : memref<80x128xf32, #tpu.memory_space<vmem>>) offsets(%arg8 : memref<80xi32, #tpu.memory_space<vmem>>) semaphore(%arg30 : memref<!tpu.dma_semaphore, #tpu.memory_space<semaphore_mem>>)
    %dma_wait3A_77 = arith.constant 0 : i32
    %dma_wait3A_78 = arith.constant 0 : i32
    %dma_wait3A_79 = tpu.memref_slice %arg2[%dma_wait3A_77, %dma_wait3A_78] : memref<10000x128xf32, #tpu.memory_space<hbm>> -> memref<10000x128xf32, #tpu.memory_space<hbm>>
    tpu.wait_indirect_dma semaphore(%arg28 : memref<!tpu.dma_semaphore, #tpu.memory_space<semaphore_mem>>) src(%dma_wait3A_79 : memref<10000x128xf32, #tpu.memory_space<hbm>>) dst(%arg22 : memref<80x128xf32, #tpu.memory_space<vmem>>)
    %dma_start3A_80 = arith.constant 0 : i32
    %dma_start3A_81 = arith.constant 0 : i32
    %dma_start3A_82 = tpu.memref_slice %arg27[%dma_start3A_80, %dma_start3A_81] : memref<10240x128xf32, #tpu.memory_space<vmem_shared>> -> memref<10240x128xf32, #tpu.memory_space<vmem_shared>>
    tpu.enqueue_indirect_dma source(%arg22 : memref<80x128xf32, #tpu.memory_space<vmem>>) target(%dma_start3A_82 : memref<10240x128xf32, #tpu.memory_space<vmem_shared>>) offsets(%arg14 : memref<80xi32, #tpu.memory_space<vmem>>) semaphore(%arg32 : memref<!tpu.dma_semaphore, #tpu.memory_space<semaphore_mem>>) {add = true}
    %add3A_83 = arith.constant 320 : i32
    %add3A_84 = arith.addi %mul3A_13, %add3A_83 : i32
    %dma_start3A_85 = tpu.memref_slice %arg3[%add3A_84] : memref<320000xi32, #tpu.memory_space<hbm>> -> memref<80xi32, #tpu.memory_space<hbm>>
    %dma_start3A_86 = tpu.memref_slice %arg3[%add3A_84] : memref<320000xi32, #tpu.memory_space<hbm>> -> memref<80xi32, #tpu.memory_space<hbm>>
    tpu.enqueue_dma source(%dma_start3A_86 : memref<80xi32, #tpu.memory_space<hbm>>) target(%arg10 : memref<80xi32, #tpu.memory_space<vmem>>) target_semaphore(%arg40 : memref<!tpu.dma_semaphore, #tpu.memory_space<semaphore_mem>>)
    %add3A_87 = arith.constant 320 : i32
    %add3A_88 = arith.addi %mul3A_13, %add3A_87 : i32
    %dma_start3A_89 = tpu.memref_slice %arg4[%add3A_88] : memref<320000xi32, #tpu.memory_space<hbm>> -> memref<80xi32, #tpu.memory_space<hbm>>
    %dma_start3A_90 = tpu.memref_slice %arg4[%add3A_88] : memref<320000xi32, #tpu.memory_space<hbm>> -> memref<80xi32, #tpu.memory_space<hbm>>
    tpu.enqueue_dma source(%dma_start3A_90 : memref<80xi32, #tpu.memory_space<hbm>>) target(%arg18 : memref<80xi32, #tpu.memory_space<vmem>>) target_semaphore(%arg40 : memref<!tpu.dma_semaphore, #tpu.memory_space<semaphore_mem>>)
    %add3A_91 = arith.constant 240 : i32
    %add3A_92 = arith.addi %mul3A_13, %add3A_91 : i32
    %dma_wait3A_93 = tpu.memref_slice %arg3[%add3A_92] : memref<320000xi32, #tpu.memory_space<hbm>> -> memref<80xi32, #tpu.memory_space<hbm>>
    %dma_wait3A_94 = tpu.memref_slice %arg3[%add3A_92] : memref<320000xi32, #tpu.memory_space<hbm>> -> memref<80xi32, #tpu.memory_space<hbm>>
    tpu.wait_dma2 semaphore(%arg39 : memref<!tpu.dma_semaphore, #tpu.memory_space<semaphore_mem>>) src(%dma_wait3A_94 : memref<80xi32, #tpu.memory_space<hbm>>) dst(%arg9 : memref<80xi32, #tpu.memory_space<vmem>>)
    %add3A_95 = arith.constant 240 : i32
    %add3A_96 = arith.addi %mul3A_13, %add3A_95 : i32
    %dma_wait3A_97 = tpu.memref_slice %arg4[%add3A_96] : memref<320000xi32, #tpu.memory_space<hbm>> -> memref<80xi32, #tpu.memory_space<hbm>>
    %dma_wait3A_98 = tpu.memref_slice %arg4[%add3A_96] : memref<320000xi32, #tpu.memory_space<hbm>> -> memref<80xi32, #tpu.memory_space<hbm>>
    tpu.wait_dma2 semaphore(%arg39 : memref<!tpu.dma_semaphore, #tpu.memory_space<semaphore_mem>>) src(%dma_wait3A_98 : memref<80xi32, #tpu.memory_space<hbm>>) dst(%arg17 : memref<80xi32, #tpu.memory_space<vmem>>)
    %dma_start3A_99 = arith.constant 0 : i32
    %dma_start3A_100 = arith.constant 0 : i32
    %dma_start3A_101 = tpu.memref_slice %arg2[%dma_start3A_99, %dma_start3A_100] : memref<10000x128xf32, #tpu.memory_space<hbm>> -> memref<10000x128xf32, #tpu.memory_space<hbm>>
    tpu.enqueue_indirect_dma source(%dma_start3A_101 : memref<10000x128xf32, #tpu.memory_space<hbm>>) target(%arg25 : memref<80x128xf32, #tpu.memory_space<vmem>>) offsets(%arg9 : memref<80xi32, #tpu.memory_space<vmem>>) semaphore(%arg31 : memref<!tpu.dma_semaphore, #tpu.memory_space<semaphore_mem>>)
    %scan3A_102 = arith.constant 0 : i32
    %scan3A_103 = arith.constant 0 : i32
    %scan3A_104 = arith.constant 14 : i32
    %scan3A_105 = arith.addi %scan3A_103, %scan3A_104 : i32
    %scan3A_106 = arith.constant 1 : i32
    scf.for %scan3A_387 = %scan3A_103 to %scan3A_105 step %scan3A_106  : i32 {
      %mul3A_388 = arith.constant 8 : i32
      %mul3A_389 = arith.muli %mul3A_388, %scan3A_387 : i32
      %add3A_390 = arith.constant 1 : i32
      %add3A_391 = arith.addi %mul3A_389, %add3A_390 : i32
      %add3A_392 = arith.constant 0 : i32
      %add3A_393 = arith.addi %add3A_391, %add3A_392 : i32
      %dma_wait3A_394 = arith.constant 0 : i32
      %dma_wait3A_395 = arith.constant 0 : i32
      %dma_wait3A_396 = tpu.memref_slice %arg2[%dma_wait3A_394, %dma_wait3A_395] : memref<10000x128xf32, #tpu.memory_space<hbm>> -> memref<10000x128xf32, #tpu.memory_space<hbm>>
      tpu.wait_indirect_dma semaphore(%arg29 : memref<!tpu.dma_semaphore, #tpu.memory_space<semaphore_mem>>) src(%dma_wait3A_396 : memref<10000x128xf32, #tpu.memory_space<hbm>>) dst(%arg23 : memref<80x128xf32, #tpu.memory_space<vmem>>)
      %dma_start3A_397 = arith.constant 0 : i32
      %dma_start3A_398 = arith.constant 0 : i32
      %dma_start3A_399 = tpu.memref_slice %arg27[%dma_start3A_397, %dma_start3A_398] : memref<10240x128xf32, #tpu.memory_space<vmem_shared>> -> memref<10240x128xf32, #tpu.memory_space<vmem_shared>>
      tpu.enqueue_indirect_dma source(%arg23 : memref<80x128xf32, #tpu.memory_space<vmem>>) target(%dma_start3A_399 : memref<10240x128xf32, #tpu.memory_space<vmem_shared>>) offsets(%arg15 : memref<80xi32, #tpu.memory_space<vmem>>) semaphore(%arg33 : memref<!tpu.dma_semaphore, #tpu.memory_space<semaphore_mem>>) {add = true}
      %add3A_400 = arith.constant 4 : i32
      %add3A_401 = arith.addi %add3A_393, %add3A_400 : i32
      %mul3A_402 = arith.constant 80 : i32
      %mul3A_403 = arith.muli %add3A_401, %mul3A_402 : i32
      %add3A_404 = arith.addi %mul3A_13, %mul3A_403 : i32
      %dma_start3A_405 = tpu.memref_slice %arg3[%add3A_404] : memref<320000xi32, #tpu.memory_space<hbm>> -> memref<80xi32, #tpu.memory_space<hbm>>
      %dma_start3A_406 = tpu.memref_slice %arg3[%add3A_404] : memref<320000xi32, #tpu.memory_space<hbm>> -> memref<80xi32, #tpu.memory_space<hbm>>
      tpu.enqueue_dma source(%dma_start3A_406 : memref<80xi32, #tpu.memory_space<hbm>>) target(%arg11 : memref<80xi32, #tpu.memory_space<vmem>>) target_semaphore(%arg41 : memref<!tpu.dma_semaphore, #tpu.memory_space<semaphore_mem>>)
      %mul3A_407 = arith.constant 80 : i32
      %mul3A_408 = arith.muli %add3A_401, %mul3A_407 : i32
      %add3A_409 = arith.addi %mul3A_13, %mul3A_408 : i32
      %dma_start3A_410 = tpu.memref_slice %arg4[%add3A_409] : memref<320000xi32, #tpu.memory_space<hbm>> -> memref<80xi32, #tpu.memory_space<hbm>>
      %dma_start3A_411 = tpu.memref_slice %arg4[%add3A_409] : memref<320000xi32, #tpu.memory_space<hbm>> -> memref<80xi32, #tpu.memory_space<hbm>>
      tpu.enqueue_dma source(%dma_start3A_411 : memref<80xi32, #tpu.memory_space<hbm>>) target(%arg19 : memref<80xi32, #tpu.memory_space<vmem>>) target_semaphore(%arg41 : memref<!tpu.dma_semaphore, #tpu.memory_space<semaphore_mem>>)
      %dma_wait3A_412 = arith.constant 0 : i32
      %dma_wait3A_413 = arith.constant 0 : i32
      %dma_wait3A_414 = tpu.memref_slice %arg27[%dma_wait3A_412, %dma_wait3A_413] : memref<10240x128xf32, #tpu.memory_space<vmem_shared>> -> memref<10240x128xf32, #tpu.memory_space<vmem_shared>>
      tpu.wait_indirect_dma semaphore(%arg32 : memref<!tpu.dma_semaphore, #tpu.memory_space<semaphore_mem>>) src(%arg22 : memref<80x128xf32, #tpu.memory_space<vmem>>) dst(%dma_wait3A_414 : memref<10240x128xf32, #tpu.memory_space<vmem_shared>>)
      %add3A_415 = arith.constant 3 : i32
      %add3A_416 = arith.addi %add3A_393, %add3A_415 : i32
      %mul3A_417 = arith.constant 80 : i32
      %mul3A_418 = arith.muli %add3A_416, %mul3A_417 : i32
      %add3A_419 = arith.addi %mul3A_13, %mul3A_418 : i32
      %dma_wait3A_420 = tpu.memref_slice %arg3[%add3A_419] : memref<320000xi32, #tpu.memory_space<hbm>> -> memref<80xi32, #tpu.memory_space<hbm>>
      %dma_wait3A_421 = tpu.memref_slice %arg3[%add3A_419] : memref<320000xi32, #tpu.memory_space<hbm>> -> memref<80xi32, #tpu.memory_space<hbm>>
      tpu.wait_dma2 semaphore(%arg40 : memref<!tpu.dma_semaphore, #tpu.memory_space<semaphore_mem>>) src(%dma_wait3A_421 : memref<80xi32, #tpu.memory_space<hbm>>) dst(%arg10 : memref<80xi32, #tpu.memory_space<vmem>>)
      %mul3A_422 = arith.constant 80 : i32
      %mul3A_423 = arith.muli %add3A_416, %mul3A_422 : i32
      %add3A_424 = arith.addi %mul3A_13, %mul3A_423 : i32
      %dma_wait3A_425 = tpu.memref_slice %arg4[%add3A_424] : memref<320000xi32, #tpu.memory_space<hbm>> -> memref<80xi32, #tpu.memory_space<hbm>>
      %dma_wait3A_426 = tpu.memref_slice %arg4[%add3A_424] : memref<320000xi32, #tpu.memory_space<hbm>> -> memref<80xi32, #tpu.memory_space<hbm>>
      tpu.wait_dma2 semaphore(%arg40 : memref<!tpu.dma_semaphore, #tpu.memory_space<semaphore_mem>>) src(%dma_wait3A_426 : memref<80xi32, #tpu.memory_space<hbm>>) dst(%arg18 : memref<80xi32, #tpu.memory_space<vmem>>)
      %dma_start3A_427 = arith.constant 0 : i32
      %dma_start3A_428 = arith.constant 0 : i32
      %dma_start3A_429 = tpu.memref_slice %arg2[%dma_start3A_427, %dma_start3A_428] : memref<10000x128xf32, #tpu.memory_space<hbm>> -> memref<10000x128xf32, #tpu.memory_space<hbm>>
      tpu.enqueue_indirect_dma source(%dma_start3A_429 : memref<10000x128xf32, #tpu.memory_space<hbm>>) target(%arg22 : memref<80x128xf32, #tpu.memory_space<vmem>>) offsets(%arg10 : memref<80xi32, #tpu.memory_space<vmem>>) semaphore(%arg28 : memref<!tpu.dma_semaphore, #tpu.memory_space<semaphore_mem>>)
      %add3A_430 = arith.constant 1 : i32
      %add3A_431 = arith.addi %add3A_391, %add3A_430 : i32
      %dma_wait3A_432 = arith.constant 0 : i32
      %dma_wait3A_433 = arith.constant 0 : i32
      %dma_wait3A_434 = tpu.memref_slice %arg2[%dma_wait3A_432, %dma_wait3A_433] : memref<10000x128xf32, #tpu.memory_space<hbm>> -> memref<10000x128xf32, #tpu.memory_space<hbm>>
      tpu.wait_indirect_dma semaphore(%arg30 : memref<!tpu.dma_semaphore, #tpu.memory_space<semaphore_mem>>) src(%dma_wait3A_434 : memref<10000x128xf32, #tpu.memory_space<hbm>>) dst(%arg24 : memref<80x128xf32, #tpu.memory_space<vmem>>)
      %dma_start3A_435 = arith.constant 0 : i32
      %dma_start3A_436 = arith.constant 0 : i32
      %dma_start3A_437 = tpu.memref_slice %arg27[%dma_start3A_435, %dma_start3A_436] : memref<10240x128xf32, #tpu.memory_space<vmem_shared>> -> memref<10240x128xf32, #tpu.memory_space<vmem_shared>>
      tpu.enqueue_indirect_dma source(%arg24 : memref<80x128xf32, #tpu.memory_space<vmem>>) target(%dma_start3A_437 : memref<10240x128xf32, #tpu.memory_space<vmem_shared>>) offsets(%arg16 : memref<80xi32, #tpu.memory_space<vmem>>) semaphore(%arg34 : memref<!tpu.dma_semaphore, #tpu.memory_space<semaphore_mem>>) {add = true}
      %add3A_438 = arith.constant 4 : i32
      %add3A_439 = arith.addi %add3A_431, %add3A_438 : i32
      %mul3A_440 = arith.constant 80 : i32
      %mul3A_441 = arith.muli %add3A_439, %mul3A_440 : i32
      %add3A_442 = arith.addi %mul3A_13, %mul3A_441 : i32
      %dma_start3A_443 = tpu.memref_slice %arg3[%add3A_442] : memref<320000xi32, #tpu.memory_space<hbm>> -> memref<80xi32, #tpu.memory_space<hbm>>
      %dma_start3A_444 = tpu.memref_slice %arg3[%add3A_442] : memref<320000xi32, #tpu.memory_space<hbm>> -> memref<80xi32, #tpu.memory_space<hbm>>
      tpu.enqueue_dma source(%dma_start3A_444 : memref<80xi32, #tpu.memory_space<hbm>>) target(%arg12 : memref<80xi32, #tpu.memory_space<vmem>>) target_semaphore(%arg42 : memref<!tpu.dma_semaphore, #tpu.memory_space<semaphore_mem>>)
      %mul3A_445 = arith.constant 80 : i32
      %mul3A_446 = arith.muli %add3A_439, %mul3A_445 : i32
      %add3A_447 = arith.addi %mul3A_13, %mul3A_446 : i32
      %dma_start3A_448 = tpu.memref_slice %arg4[%add3A_447] : memref<320000xi32, #tpu.memory_space<hbm>> -> memref<80xi32, #tpu.memory_space<hbm>>
      %dma_start3A_449 = tpu.memref_slice %arg4[%add3A_447] : memref<320000xi32, #tpu.memory_space<hbm>> -> memref<80xi32, #tpu.memory_space<hbm>>
      tpu.enqueue_dma source(%dma_start3A_449 : memref<80xi32, #tpu.memory_space<hbm>>) target(%arg20 : memref<80xi32, #tpu.memory_space<vmem>>) target_semaphore(%arg42 : memref<!tpu.dma_semaphore, #tpu.memory_space<semaphore_mem>>)
      %dma_wait3A_450 = arith.constant 0 : i32
      %dma_wait3A_451 = arith.constant 0 : i32
      %dma_wait3A_452 = tpu.memref_slice %arg27[%dma_wait3A_450, %dma_wait3A_451] : memref<10240x128xf32, #tpu.memory_space<vmem_shared>> -> memref<10240x128xf32, #tpu.memory_space<vmem_shared>>
      tpu.wait_indirect_dma semaphore(%arg33 : memref<!tpu.dma_semaphore, #tpu.memory_space<semaphore_mem>>) src(%arg23 : memref<80x128xf32, #tpu.memory_space<vmem>>) dst(%dma_wait3A_452 : memref<10240x128xf32, #tpu.memory_space<vmem_shared>>)
      %add3A_453 = arith.constant 3 : i32
      %add3A_454 = arith.addi %add3A_431, %add3A_453 : i32
      %mul3A_455 = arith.constant 80 : i32
      %mul3A_456 = arith.muli %add3A_454, %mul3A_455 : i32
      %add3A_457 = arith.addi %mul3A_13, %mul3A_456 : i32
      %dma_wait3A_458 = tpu.memref_slice %arg3[%add3A_457] : memref<320000xi32, #tpu.memory_space<hbm>> -> memref<80xi32, #tpu.memory_space<hbm>>
      %dma_wait3A_459 = tpu.memref_slice %arg3[%add3A_457] : memref<320000xi32, #tpu.memory_space<hbm>> -> memref<80xi32, #tpu.memory_space<hbm>>
      tpu.wait_dma2 semaphore(%arg41 : memref<!tpu.dma_semaphore, #tpu.memory_space<semaphore_mem>>) src(%dma_wait3A_459 : memref<80xi32, #tpu.memory_space<hbm>>) dst(%arg11 : memref<80xi32, #tpu.memory_space<vmem>>)
      %mul3A_460 = arith.constant 80 : i32
      %mul3A_461 = arith.muli %add3A_454, %mul3A_460 : i32
      %add3A_462 = arith.addi %mul3A_13, %mul3A_461 : i32
      %dma_wait3A_463 = tpu.memref_slice %arg4[%add3A_462] : memref<320000xi32, #tpu.memory_space<hbm>> -> memref<80xi32, #tpu.memory_space<hbm>>
      %dma_wait3A_464 = tpu.memref_slice %arg4[%add3A_462] : memref<320000xi32, #tpu.memory_space<hbm>> -> memref<80xi32, #tpu.memory_space<hbm>>
      tpu.wait_dma2 semaphore(%arg41 : memref<!tpu.dma_semaphore, #tpu.memory_space<semaphore_mem>>) src(%dma_wait3A_464 : memref<80xi32, #tpu.memory_space<hbm>>) dst(%arg19 : memref<80xi32, #tpu.memory_space<vmem>>)
      %dma_start3A_465 = arith.constant 0 : i32
      %dma_start3A_466 = arith.constant 0 : i32
      %dma_start3A_467 = tpu.memref_slice %arg2[%dma_start3A_465, %dma_start3A_466] : memref<10000x128xf32, #tpu.memory_space<hbm>> -> memref<10000x128xf32, #tpu.memory_space<hbm>>
      tpu.enqueue_indirect_dma source(%dma_start3A_467 : memref<10000x128xf32, #tpu.memory_space<hbm>>) target(%arg23 : memref<80x128xf32, #tpu.memory_space<vmem>>) offsets(%arg11 : memref<80xi32, #tpu.memory_space<vmem>>) semaphore(%arg29 : memref<!tpu.dma_semaphore, #tpu.memory_space<semaphore_mem>>)
      %add3A_468 = arith.constant 2 : i32
      %add3A_469 = arith.addi %add3A_391, %add3A_468 : i32
      %dma_wait3A_470 = arith.constant 0 : i32
      %dma_wait3A_471 = arith.constant 0 : i32
      %dma_wait3A_472 = tpu.memref_slice %arg2[%dma_wait3A_470, %dma_wait3A_471] : memref<10000x128xf32, #tpu.memory_space<hbm>> -> memref<10000x128xf32, #tpu.memory_space<hbm>>
      tpu.wait_indirect_dma semaphore(%arg31 : memref<!tpu.dma_semaphore, #tpu.memory_space<semaphore_mem>>) src(%dma_wait3A_472 : memref<10000x128xf32, #tpu.memory_space<hbm>>) dst(%arg25 : memref<80x128xf32, #tpu.memory_space<vmem>>)
      %dma_start3A_473 = arith.constant 0 : i32
      %dma_start3A_474 = arith.constant 0 : i32
      %dma_start3A_475 = tpu.memref_slice %arg27[%dma_start3A_473, %dma_start3A_474] : memref<10240x128xf32, #tpu.memory_space<vmem_shared>> -> memref<10240x128xf32, #tpu.memory_space<vmem_shared>>
      tpu.enqueue_indirect_dma source(%arg25 : memref<80x128xf32, #tpu.memory_space<vmem>>) target(%dma_start3A_475 : memref<10240x128xf32, #tpu.memory_space<vmem_shared>>) offsets(%arg17 : memref<80xi32, #tpu.memory_space<vmem>>) semaphore(%arg35 : memref<!tpu.dma_semaphore, #tpu.memory_space<semaphore_mem>>) {add = true}
      %add3A_476 = arith.constant 4 : i32
      %add3A_477 = arith.addi %add3A_469, %add3A_476 : i32
      %mul3A_478 = arith.constant 80 : i32
      %mul3A_479 = arith.muli %add3A_477, %mul3A_478 : i32
      %add3A_480 = arith.addi %mul3A_13, %mul3A_479 : i32
      %dma_start3A_481 = tpu.memref_slice %arg3[%add3A_480] : memref<320000xi32, #tpu.memory_space<hbm>> -> memref<80xi32, #tpu.memory_space<hbm>>
      %dma_start3A_482 = tpu.memref_slice %arg3[%add3A_480] : memref<320000xi32, #tpu.memory_space<hbm>> -> memref<80xi32, #tpu.memory_space<hbm>>
      tpu.enqueue_dma source(%dma_start3A_482 : memref<80xi32, #tpu.memory_space<hbm>>) target(%arg13 : memref<80xi32, #tpu.memory_space<vmem>>) target_semaphore(%arg43 : memref<!tpu.dma_semaphore, #tpu.memory_space<semaphore_mem>>)
      %mul3A_483 = arith.constant 80 : i32
      %mul3A_484 = arith.muli %add3A_477, %mul3A_483 : i32
      %add3A_485 = arith.addi %mul3A_13, %mul3A_484 : i32
      %dma_start3A_486 = tpu.memref_slice %arg4[%add3A_485] : memref<320000xi32, #tpu.memory_space<hbm>> -> memref<80xi32, #tpu.memory_space<hbm>>
      %dma_start3A_487 = tpu.memref_slice %arg4[%add3A_485] : memref<320000xi32, #tpu.memory_space<hbm>> -> memref<80xi32, #tpu.memory_space<hbm>>
      tpu.enqueue_dma source(%dma_start3A_487 : memref<80xi32, #tpu.memory_space<hbm>>) target(%arg21 : memref<80xi32, #tpu.memory_space<vmem>>) target_semaphore(%arg43 : memref<!tpu.dma_semaphore, #tpu.memory_space<semaphore_mem>>)
      %dma_wait3A_488 = arith.constant 0 : i32
      %dma_wait3A_489 = arith.constant 0 : i32
      %dma_wait3A_490 = tpu.memref_slice %arg27[%dma_wait3A_488, %dma_wait3A_489] : memref<10240x128xf32, #tpu.memory_space<vmem_shared>> -> memref<10240x128xf32, #tpu.memory_space<vmem_shared>>
      tpu.wait_indirect_dma semaphore(%arg34 : memref<!tpu.dma_semaphore, #tpu.memory_space<semaphore_mem>>) src(%arg24 : memref<80x128xf32, #tpu.memory_space<vmem>>) dst(%dma_wait3A_490 : memref<10240x128xf32, #tpu.memory_space<vmem_shared>>)
      %add3A_491 = arith.constant 3 : i32
      %add3A_492 = arith.addi %add3A_469, %add3A_491 : i32
      %mul3A_493 = arith.constant 80 : i32
      %mul3A_494 = arith.muli %add3A_492, %mul3A_493 : i32
      %add3A_495 = arith.addi %mul3A_13, %mul3A_494 : i32
      %dma_wait3A_496 = tpu.memref_slice %arg3[%add3A_495] : memref<320000xi32, #tpu.memory_space<hbm>> -> memref<80xi32, #tpu.memory_space<hbm>>
      %dma_wait3A_497 = tpu.memref_slice %arg3[%add3A_495] : memref<320000xi32, #tpu.memory_space<hbm>> -> memref<80xi32, #tpu.memory_space<hbm>>
      tpu.wait_dma2 semaphore(%arg42 : memref<!tpu.dma_semaphore, #tpu.memory_space<semaphore_mem>>) src(%dma_wait3A_497 : memref<80xi32, #tpu.memory_space<hbm>>) dst(%arg12 : memref<80xi32, #tpu.memory_space<vmem>>)
      %mul3A_498 = arith.constant 80 : i32
      %mul3A_499 = arith.muli %add3A_492, %mul3A_498 : i32
      %add3A_500 = arith.addi %mul3A_13, %mul3A_499 : i32
      %dma_wait3A_501 = tpu.memref_slice %arg4[%add3A_500] : memref<320000xi32, #tpu.memory_space<hbm>> -> memref<80xi32, #tpu.memory_space<hbm>>
      %dma_wait3A_502 = tpu.memref_slice %arg4[%add3A_500] : memref<320000xi32, #tpu.memory_space<hbm>> -> memref<80xi32, #tpu.memory_space<hbm>>
      tpu.wait_dma2 semaphore(%arg42 : memref<!tpu.dma_semaphore, #tpu.memory_space<semaphore_mem>>) src(%dma_wait3A_502 : memref<80xi32, #tpu.memory_space<hbm>>) dst(%arg20 : memref<80xi32, #tpu.memory_space<vmem>>)
      %dma_start3A_503 = arith.constant 0 : i32
      %dma_start3A_504 = arith.constant 0 : i32
      %dma_start3A_505 = tpu.memref_slice %arg2[%dma_start3A_503, %dma_start3A_504] : memref<10000x128xf32, #tpu.memory_space<hbm>> -> memref<10000x128xf32, #tpu.memory_space<hbm>>
      tpu.enqueue_indirect_dma source(%dma_start3A_505 : memref<10000x128xf32, #tpu.memory_space<hbm>>) target(%arg24 : memref<80x128xf32, #tpu.memory_space<vmem>>) offsets(%arg12 : memref<80xi32, #tpu.memory_space<vmem>>) semaphore(%arg30 : memref<!tpu.dma_semaphore, #tpu.memory_space<semaphore_mem>>)
      %add3A_506 = arith.constant 3 : i32
      %add3A_507 = arith.addi %add3A_391, %add3A_506 : i32
      %dma_wait3A_508 = arith.constant 0 : i32
      %dma_wait3A_509 = arith.constant 0 : i32
      %dma_wait3A_510 = tpu.memref_slice %arg2[%dma_wait3A_508, %dma_wait3A_509] : memref<10000x128xf32, #tpu.memory_space<hbm>> -> memref<10000x128xf32, #tpu.memory_space<hbm>>
      tpu.wait_indirect_dma semaphore(%arg28 : memref<!tpu.dma_semaphore, #tpu.memory_space<semaphore_mem>>) src(%dma_wait3A_510 : memref<10000x128xf32, #tpu.memory_space<hbm>>) dst(%arg22 : memref<80x128xf32, #tpu.memory_space<vmem>>)
      %dma_start3A_511 = arith.constant 0 : i32
      %dma_start3A_512 = arith.constant 0 : i32
      %dma_start3A_513 = tpu.memref_slice %arg27[%dma_start3A_511, %dma_start3A_512] : memref<10240x128xf32, #tpu.memory_space<vmem_shared>> -> memref<10240x128xf32, #tpu.memory_space<vmem_shared>>
      tpu.enqueue_indirect_dma source(%arg22 : memref<80x128xf32, #tpu.memory_space<vmem>>) target(%dma_start3A_513 : memref<10240x128xf32, #tpu.memory_space<vmem_shared>>) offsets(%arg18 : memref<80xi32, #tpu.memory_space<vmem>>) semaphore(%arg32 : memref<!tpu.dma_semaphore, #tpu.memory_space<semaphore_mem>>) {add = true}
      %add3A_514 = arith.constant 4 : i32
      %add3A_515 = arith.addi %add3A_507, %add3A_514 : i32
      %mul3A_516 = arith.constant 80 : i32
      %mul3A_517 = arith.muli %add3A_515, %mul3A_516 : i32
      %add3A_518 = arith.addi %mul3A_13, %mul3A_517 : i32
      %dma_start3A_519 = tpu.memref_slice %arg3[%add3A_518] : memref<320000xi32, #tpu.memory_space<hbm>> -> memref<80xi32, #tpu.memory_space<hbm>>
      %dma_start3A_520 = tpu.memref_slice %arg3[%add3A_518] : memref<320000xi32, #tpu.memory_space<hbm>> -> memref<80xi32, #tpu.memory_space<hbm>>
      tpu.enqueue_dma source(%dma_start3A_520 : memref<80xi32, #tpu.memory_space<hbm>>) target(%arg6 : memref<80xi32, #tpu.memory_space<vmem>>) target_semaphore(%arg36 : memref<!tpu.dma_semaphore, #tpu.memory_space<semaphore_mem>>)
      %mul3A_521 = arith.constant 80 : i32
      %mul3A_522 = arith.muli %add3A_515, %mul3A_521 : i32
      %add3A_523 = arith.addi %mul3A_13, %mul3A_522 : i32
      %dma_start3A_524 = tpu.memref_slice %arg4[%add3A_523] : memref<320000xi32, #tpu.memory_space<hbm>> -> memref<80xi32, #tpu.memory_space<hbm>>
      %dma_start3A_525 = tpu.memref_slice %arg4[%add3A_523] : memref<320000xi32, #tpu.memory_space<hbm>> -> memref<80xi32, #tpu.memory_space<hbm>>
      tpu.enqueue_dma source(%dma_start3A_525 : memref<80xi32, #tpu.memory_space<hbm>>) target(%arg14 : memref<80xi32, #tpu.memory_space<vmem>>) target_semaphore(%arg36 : memref<!tpu.dma_semaphore, #tpu.memory_space<semaphore_mem>>)
      %dma_wait3A_526 = arith.constant 0 : i32
      %dma_wait3A_527 = arith.constant 0 : i32
      %dma_wait3A_528 = tpu.memref_slice %arg27[%dma_wait3A_526, %dma_wait3A_527] : memref<10240x128xf32, #tpu.memory_space<vmem_shared>> -> memref<10240x128xf32, #tpu.memory_space<vmem_shared>>
      tpu.wait_indirect_dma semaphore(%arg35 : memref<!tpu.dma_semaphore, #tpu.memory_space<semaphore_mem>>) src(%arg25 : memref<80x128xf32, #tpu.memory_space<vmem>>) dst(%dma_wait3A_528 : memref<10240x128xf32, #tpu.memory_space<vmem_shared>>)
      %add3A_529 = arith.constant 3 : i32
      %add3A_530 = arith.addi %add3A_507, %add3A_529 : i32
      %mul3A_531 = arith.constant 80 : i32
      %mul3A_532 = arith.muli %add3A_530, %mul3A_531 : i32
      %add3A_533 = arith.addi %mul3A_13, %mul3A_532 : i32
      %dma_wait3A_534 = tpu.memref_slice %arg3[%add3A_533] : memref<320000xi32, #tpu.memory_space<hbm>> -> memref<80xi32, #tpu.memory_space<hbm>>
      %dma_wait3A_535 = tpu.memref_slice %arg3[%add3A_533] : memref<320000xi32, #tpu.memory_space<hbm>> -> memref<80xi32, #tpu.memory_space<hbm>>
      tpu.wait_dma2 semaphore(%arg43 : memref<!tpu.dma_semaphore, #tpu.memory_space<semaphore_mem>>) src(%dma_wait3A_535 : memref<80xi32, #tpu.memory_space<hbm>>) dst(%arg13 : memref<80xi32, #tpu.memory_space<vmem>>)
      %mul3A_536 = arith.constant 80 : i32
      %mul3A_537 = arith.muli %add3A_530, %mul3A_536 : i32
      %add3A_538 = arith.addi %mul3A_13, %mul3A_537 : i32
      %dma_wait3A_539 = tpu.memref_slice %arg4[%add3A_538] : memref<320000xi32, #tpu.memory_space<hbm>> -> memref<80xi32, #tpu.memory_space<hbm>>
      %dma_wait3A_540 = tpu.memref_slice %arg4[%add3A_538] : memref<320000xi32, #tpu.memory_space<hbm>> -> memref<80xi32, #tpu.memory_space<hbm>>
      tpu.wait_dma2 semaphore(%arg43 : memref<!tpu.dma_semaphore, #tpu.memory_space<semaphore_mem>>) src(%dma_wait3A_540 : memref<80xi32, #tpu.memory_space<hbm>>) dst(%arg21 : memref<80xi32, #tpu.memory_space<vmem>>)
      %dma_start3A_541 = arith.constant 0 : i32
      %dma_start3A_542 = arith.constant 0 : i32
      %dma_start3A_543 = tpu.memref_slice %arg2[%dma_start3A_541, %dma_start3A_542] : memref<10000x128xf32, #tpu.memory_space<hbm>> -> memref<10000x128xf32, #tpu.memory_space<hbm>>
      tpu.enqueue_indirect_dma source(%dma_start3A_543 : memref<10000x128xf32, #tpu.memory_space<hbm>>) target(%arg25 : memref<80x128xf32, #tpu.memory_space<vmem>>) offsets(%arg13 : memref<80xi32, #tpu.memory_space<vmem>>) semaphore(%arg31 : memref<!tpu.dma_semaphore, #tpu.memory_space<semaphore_mem>>)
      %add3A_544 = arith.constant 4 : i32
      %add3A_545 = arith.addi %add3A_391, %add3A_544 : i32
      %dma_wait3A_546 = arith.constant 0 : i32
      %dma_wait3A_547 = arith.constant 0 : i32
      %dma_wait3A_548 = tpu.memref_slice %arg2[%dma_wait3A_546, %dma_wait3A_547] : memref<10000x128xf32, #tpu.memory_space<hbm>> -> memref<10000x128xf32, #tpu.memory_space<hbm>>
      tpu.wait_indirect_dma semaphore(%arg29 : memref<!tpu.dma_semaphore, #tpu.memory_space<semaphore_mem>>) src(%dma_wait3A_548 : memref<10000x128xf32, #tpu.memory_space<hbm>>) dst(%arg23 : memref<80x128xf32, #tpu.memory_space<vmem>>)
      %dma_start3A_549 = arith.constant 0 : i32
      %dma_start3A_550 = arith.constant 0 : i32
      %dma_start3A_551 = tpu.memref_slice %arg27[%dma_start3A_549, %dma_start3A_550] : memref<10240x128xf32, #tpu.memory_space<vmem_shared>> -> memref<10240x128xf32, #tpu.memory_space<vmem_shared>>
      tpu.enqueue_indirect_dma source(%arg23 : memref<80x128xf32, #tpu.memory_space<vmem>>) target(%dma_start3A_551 : memref<10240x128xf32, #tpu.memory_space<vmem_shared>>) offsets(%arg19 : memref<80xi32, #tpu.memory_space<vmem>>) semaphore(%arg33 : memref<!tpu.dma_semaphore, #tpu.memory_space<semaphore_mem>>) {add = true}
      %add3A_552 = arith.constant 4 : i32
      %add3A_553 = arith.addi %add3A_545, %add3A_552 : i32
      %mul3A_554 = arith.constant 80 : i32
      %mul3A_555 = arith.muli %add3A_553, %mul3A_554 : i32
      %add3A_556 = arith.addi %mul3A_13, %mul3A_555 : i32
      %dma_start3A_557 = tpu.memref_slice %arg3[%add3A_556] : memref<320000xi32, #tpu.memory_space<hbm>> -> memref<80xi32, #tpu.memory_space<hbm>>
      %dma_start3A_558 = tpu.memref_slice %arg3[%add3A_556] : memref<320000xi32, #tpu.memory_space<hbm>> -> memref<80xi32, #tpu.memory_space<hbm>>
      tpu.enqueue_dma source(%dma_start3A_558 : memref<80xi32, #tpu.memory_space<hbm>>) target(%arg7 : memref<80xi32, #tpu.memory_space<vmem>>) target_semaphore(%arg37 : memref<!tpu.dma_semaphore, #tpu.memory_space<semaphore_mem>>)
      %mul3A_559 = arith.constant 80 : i32
      %mul3A_560 = arith.muli %add3A_553, %mul3A_559 : i32
      %add3A_561 = arith.addi %mul3A_13, %mul3A_560 : i32
      %dma_start3A_562 = tpu.memref_slice %arg4[%add3A_561] : memref<320000xi32, #tpu.memory_space<hbm>> -> memref<80xi32, #tpu.memory_space<hbm>>
      %dma_start3A_563 = tpu.memref_slice %arg4[%add3A_561] : memref<320000xi32, #tpu.memory_space<hbm>> -> memref<80xi32, #tpu.memory_space<hbm>>
      tpu.enqueue_dma source(%dma_start3A_563 : memref<80xi32, #tpu.memory_space<hbm>>) target(%arg15 : memref<80xi32, #tpu.memory_space<vmem>>) target_semaphore(%arg37 : memref<!tpu.dma_semaphore, #tpu.memory_space<semaphore_mem>>)
      %dma_wait3A_564 = arith.constant 0 : i32
      %dma_wait3A_565 = arith.constant 0 : i32
      %dma_wait3A_566 = tpu.memref_slice %arg27[%dma_wait3A_564, %dma_wait3A_565] : memref<10240x128xf32, #tpu.memory_space<vmem_shared>> -> memref<10240x128xf32, #tpu.memory_space<vmem_shared>>
      tpu.wait_indirect_dma semaphore(%arg32 : memref<!tpu.dma_semaphore, #tpu.memory_space<semaphore_mem>>) src(%arg22 : memref<80x128xf32, #tpu.memory_space<vmem>>) dst(%dma_wait3A_566 : memref<10240x128xf32, #tpu.memory_space<vmem_shared>>)
      %add3A_567 = arith.constant 3 : i32
      %add3A_568 = arith.addi %add3A_545, %add3A_567 : i32
      %mul3A_569 = arith.constant 80 : i32
      %mul3A_570 = arith.muli %add3A_568, %mul3A_569 : i32
      %add3A_571 = arith.addi %mul3A_13, %mul3A_570 : i32
      %dma_wait3A_572 = tpu.memref_slice %arg3[%add3A_571] : memref<320000xi32, #tpu.memory_space<hbm>> -> memref<80xi32, #tpu.memory_space<hbm>>
      %dma_wait3A_573 = tpu.memref_slice %arg3[%add3A_571] : memref<320000xi32, #tpu.memory_space<hbm>> -> memref<80xi32, #tpu.memory_space<hbm>>
      tpu.wait_dma2 semaphore(%arg36 : memref<!tpu.dma_semaphore, #tpu.memory_space<semaphore_mem>>) src(%dma_wait3A_573 : memref<80xi32, #tpu.memory_space<hbm>>) dst(%arg6 : memref<80xi32, #tpu.memory_space<vmem>>)
      %mul3A_574 = arith.constant 80 : i32
      %mul3A_575 = arith.muli %add3A_568, %mul3A_574 : i32
      %add3A_576 = arith.addi %mul3A_13, %mul3A_575 : i32
      %dma_wait3A_577 = tpu.memref_slice %arg4[%add3A_576] : memref<320000xi32, #tpu.memory_space<hbm>> -> memref<80xi32, #tpu.memory_space<hbm>>
      %dma_wait3A_578 = tpu.memref_slice %arg4[%add3A_576] : memref<320000xi32, #tpu.memory_space<hbm>> -> memref<80xi32, #tpu.memory_space<hbm>>
      tpu.wait_dma2 semaphore(%arg36 : memref<!tpu.dma_semaphore, #tpu.memory_space<semaphore_mem>>) src(%dma_wait3A_578 : memref<80xi32, #tpu.memory_space<hbm>>) dst(%arg14 : memref<80xi32, #tpu.memory_space<vmem>>)
      %dma_start3A_579 = arith.constant 0 : i32
      %dma_start3A_580 = arith.constant 0 : i32
      %dma_start3A_581 = tpu.memref_slice %arg2[%dma_start3A_579, %dma_start3A_580] : memref<10000x128xf32, #tpu.memory_space<hbm>> -> memref<10000x128xf32, #tpu.memory_space<hbm>>
      tpu.enqueue_indirect_dma source(%dma_start3A_581 : memref<10000x128xf32, #tpu.memory_space<hbm>>) target(%arg22 : memref<80x128xf32, #tpu.memory_space<vmem>>) offsets(%arg6 : memref<80xi32, #tpu.memory_space<vmem>>) semaphore(%arg28 : memref<!tpu.dma_semaphore, #tpu.memory_space<semaphore_mem>>)
      %add3A_582 = arith.constant 5 : i32
      %add3A_583 = arith.addi %add3A_391, %add3A_582 : i32
      %dma_wait3A_584 = arith.constant 0 : i32
      %dma_wait3A_585 = arith.constant 0 : i32
      %dma_wait3A_586 = tpu.memref_slice %arg2[%dma_wait3A_584, %dma_wait3A_585] : memref<10000x128xf32, #tpu.memory_space<hbm>> -> memref<10000x128xf32, #tpu.memory_space<hbm>>
      tpu.wait_indirect_dma semaphore(%arg30 : memref<!tpu.dma_semaphore, #tpu.memory_space<semaphore_mem>>) src(%dma_wait3A_586 : memref<10000x128xf32, #tpu.memory_space<hbm>>) dst(%arg24 : memref<80x128xf32, #tpu.memory_space<vmem>>)
      %dma_start3A_587 = arith.constant 0 : i32
      %dma_start3A_588 = arith.constant 0 : i32
      %dma_start3A_589 = tpu.memref_slice %arg27[%dma_start3A_587, %dma_start3A_588] : memref<10240x128xf32, #tpu.memory_space<vmem_shared>> -> memref<10240x128xf32, #tpu.memory_space<vmem_shared>>
      tpu.enqueue_indirect_dma source(%arg24 : memref<80x128xf32, #tpu.memory_space<vmem>>) target(%dma_start3A_589 : memref<10240x128xf32, #tpu.memory_space<vmem_shared>>) offsets(%arg20 : memref<80xi32, #tpu.memory_space<vmem>>) semaphore(%arg34 : memref<!tpu.dma_semaphore, #tpu.memory_space<semaphore_mem>>) {add = true}
      %add3A_590 = arith.constant 4 : i32
      %add3A_591 = arith.addi %add3A_583, %add3A_590 : i32
      %mul3A_592 = arith.constant 80 : i32
      %mul3A_593 = arith.muli %add3A_591, %mul3A_592 : i32
      %add3A_594 = arith.addi %mul3A_13, %mul3A_593 : i32
      %dma_start3A_595 = tpu.memref_slice %arg3[%add3A_594] : memref<320000xi32, #tpu.memory_space<hbm>> -> memref<80xi32, #tpu.memory_space<hbm>>
      %dma_start3A_596 = tpu.memref_slice %arg3[%add3A_594] : memref<320000xi32, #tpu.memory_space<hbm>> -> memref<80xi32, #tpu.memory_space<hbm>>
      tpu.enqueue_dma source(%dma_start3A_596 : memref<80xi32, #tpu.memory_space<hbm>>) target(%arg8 : memref<80xi32, #tpu.memory_space<vmem>>) target_semaphore(%arg38 : memref<!tpu.dma_semaphore, #tpu.memory_space<semaphore_mem>>)
      %mul3A_597 = arith.constant 80 : i32
      %mul3A_598 = arith.muli %add3A_591, %mul3A_597 : i32
      %add3A_599 = arith.addi %mul3A_13, %mul3A_598 : i32
      %dma_start3A_600 = tpu.memref_slice %arg4[%add3A_599] : memref<320000xi32, #tpu.memory_space<hbm>> -> memref<80xi32, #tpu.memory_space<hbm>>
      %dma_start3A_601 = tpu.memref_slice %arg4[%add3A_599] : memref<320000xi32, #tpu.memory_space<hbm>> -> memref<80xi32, #tpu.memory_space<hbm>>
      tpu.enqueue_dma source(%dma_start3A_601 : memref<80xi32, #tpu.memory_space<hbm>>) target(%arg16 : memref<80xi32, #tpu.memory_space<vmem>>) target_semaphore(%arg38 : memref<!tpu.dma_semaphore, #tpu.memory_space<semaphore_mem>>)
      %dma_wait3A_602 = arith.constant 0 : i32
      %dma_wait3A_603 = arith.constant 0 : i32
      %dma_wait3A_604 = tpu.memref_slice %arg27[%dma_wait3A_602, %dma_wait3A_603] : memref<10240x128xf32, #tpu.memory_space<vmem_shared>> -> memref<10240x128xf32, #tpu.memory_space<vmem_shared>>
      tpu.wait_indirect_dma semaphore(%arg33 : memref<!tpu.dma_semaphore, #tpu.memory_space<semaphore_mem>>) src(%arg23 : memref<80x128xf32, #tpu.memory_space<vmem>>) dst(%dma_wait3A_604 : memref<10240x128xf32, #tpu.memory_space<vmem_shared>>)
      %add3A_605 = arith.constant 3 : i32
      %add3A_606 = arith.addi %add3A_583, %add3A_605 : i32
      %mul3A_607 = arith.constant 80 : i32
      %mul3A_608 = arith.muli %add3A_606, %mul3A_607 : i32
      %add3A_609 = arith.addi %mul3A_13, %mul3A_608 : i32
      %dma_wait3A_610 = tpu.memref_slice %arg3[%add3A_609] : memref<320000xi32, #tpu.memory_space<hbm>> -> memref<80xi32, #tpu.memory_space<hbm>>
      %dma_wait3A_611 = tpu.memref_slice %arg3[%add3A_609] : memref<320000xi32, #tpu.memory_space<hbm>> -> memref<80xi32, #tpu.memory_space<hbm>>
      tpu.wait_dma2 semaphore(%arg37 : memref<!tpu.dma_semaphore, #tpu.memory_space<semaphore_mem>>) src(%dma_wait3A_611 : memref<80xi32, #tpu.memory_space<hbm>>) dst(%arg7 : memref<80xi32, #tpu.memory_space<vmem>>)
      %mul3A_612 = arith.constant 80 : i32
      %mul3A_613 = arith.muli %add3A_606, %mul3A_612 : i32
      %add3A_614 = arith.addi %mul3A_13, %mul3A_613 : i32
      %dma_wait3A_615 = tpu.memref_slice %arg4[%add3A_614] : memref<320000xi32, #tpu.memory_space<hbm>> -> memref<80xi32, #tpu.memory_space<hbm>>
      %dma_wait3A_616 = tpu.memref_slice %arg4[%add3A_614] : memref<320000xi32, #tpu.memory_space<hbm>> -> memref<80xi32, #tpu.memory_space<hbm>>
      tpu.wait_dma2 semaphore(%arg37 : memref<!tpu.dma_semaphore, #tpu.memory_space<semaphore_mem>>) src(%dma_wait3A_616 : memref<80xi32, #tpu.memory_space<hbm>>) dst(%arg15 : memref<80xi32, #tpu.memory_space<vmem>>)
      %dma_start3A_617 = arith.constant 0 : i32
      %dma_start3A_618 = arith.constant 0 : i32
      %dma_start3A_619 = tpu.memref_slice %arg2[%dma_start3A_617, %dma_start3A_618] : memref<10000x128xf32, #tpu.memory_space<hbm>> -> memref<10000x128xf32, #tpu.memory_space<hbm>>
      tpu.enqueue_indirect_dma source(%dma_start3A_619 : memref<10000x128xf32, #tpu.memory_space<hbm>>) target(%arg23 : memref<80x128xf32, #tpu.memory_space<vmem>>) offsets(%arg7 : memref<80xi32, #tpu.memory_space<vmem>>) semaphore(%arg29 : memref<!tpu.dma_semaphore, #tpu.memory_space<semaphore_mem>>)
      %add3A_620 = arith.constant 6 : i32
      %add3A_621 = arith.addi %add3A_391, %add3A_620 : i32
      %dma_wait3A_622 = arith.constant 0 : i32
      %dma_wait3A_623 = arith.constant 0 : i32
      %dma_wait3A_624 = tpu.memref_slice %arg2[%dma_wait3A_622, %dma_wait3A_623] : memref<10000x128xf32, #tpu.memory_space<hbm>> -> memref<10000x128xf32, #tpu.memory_space<hbm>>
      tpu.wait_indirect_dma semaphore(%arg31 : memref<!tpu.dma_semaphore, #tpu.memory_space<semaphore_mem>>) src(%dma_wait3A_624 : memref<10000x128xf32, #tpu.memory_space<hbm>>) dst(%arg25 : memref<80x128xf32, #tpu.memory_space<vmem>>)
      %dma_start3A_625 = arith.constant 0 : i32
      %dma_start3A_626 = arith.constant 0 : i32
      %dma_start3A_627 = tpu.memref_slice %arg27[%dma_start3A_625, %dma_start3A_626] : memref<10240x128xf32, #tpu.memory_space<vmem_shared>> -> memref<10240x128xf32, #tpu.memory_space<vmem_shared>>
      tpu.enqueue_indirect_dma source(%arg25 : memref<80x128xf32, #tpu.memory_space<vmem>>) target(%dma_start3A_627 : memref<10240x128xf32, #tpu.memory_space<vmem_shared>>) offsets(%arg21 : memref<80xi32, #tpu.memory_space<vmem>>) semaphore(%arg35 : memref<!tpu.dma_semaphore, #tpu.memory_space<semaphore_mem>>) {add = true}
      %add3A_628 = arith.constant 4 : i32
      %add3A_629 = arith.addi %add3A_621, %add3A_628 : i32
      %mul3A_630 = arith.constant 80 : i32
      %mul3A_631 = arith.muli %add3A_629, %mul3A_630 : i32
      %add3A_632 = arith.addi %mul3A_13, %mul3A_631 : i32
      %dma_start3A_633 = tpu.memref_slice %arg3[%add3A_632] : memref<320000xi32, #tpu.memory_space<hbm>> -> memref<80xi32, #tpu.memory_space<hbm>>
      %dma_start3A_634 = tpu.memref_slice %arg3[%add3A_632] : memref<320000xi32, #tpu.memory_space<hbm>> -> memref<80xi32, #tpu.memory_space<hbm>>
      tpu.enqueue_dma source(%dma_start3A_634 : memref<80xi32, #tpu.memory_space<hbm>>) target(%arg9 : memref<80xi32, #tpu.memory_space<vmem>>) target_semaphore(%arg39 : memref<!tpu.dma_semaphore, #tpu.memory_space<semaphore_mem>>)
      %mul3A_635 = arith.constant 80 : i32
      %mul3A_636 = arith.muli %add3A_629, %mul3A_635 : i32
      %add3A_637 = arith.addi %mul3A_13, %mul3A_636 : i32
      %dma_start3A_638 = tpu.memref_slice %arg4[%add3A_637] : memref<320000xi32, #tpu.memory_space<hbm>> -> memref<80xi32, #tpu.memory_space<hbm>>
      %dma_start3A_639 = tpu.memref_slice %arg4[%add3A_637] : memref<320000xi32, #tpu.memory_space<hbm>> -> memref<80xi32, #tpu.memory_space<hbm>>
      tpu.enqueue_dma source(%dma_start3A_639 : memref<80xi32, #tpu.memory_space<hbm>>) target(%arg17 : memref<80xi32, #tpu.memory_space<vmem>>) target_semaphore(%arg39 : memref<!tpu.dma_semaphore, #tpu.memory_space<semaphore_mem>>)
      %dma_wait3A_640 = arith.constant 0 : i32
      %dma_wait3A_641 = arith.constant 0 : i32
      %dma_wait3A_642 = tpu.memref_slice %arg27[%dma_wait3A_640, %dma_wait3A_641] : memref<10240x128xf32, #tpu.memory_space<vmem_shared>> -> memref<10240x128xf32, #tpu.memory_space<vmem_shared>>
      tpu.wait_indirect_dma semaphore(%arg34 : memref<!tpu.dma_semaphore, #tpu.memory_space<semaphore_mem>>) src(%arg24 : memref<80x128xf32, #tpu.memory_space<vmem>>) dst(%dma_wait3A_642 : memref<10240x128xf32, #tpu.memory_space<vmem_shared>>)
      %add3A_643 = arith.constant 3 : i32
      %add3A_644 = arith.addi %add3A_621, %add3A_643 : i32
      %mul3A_645 = arith.constant 80 : i32
      %mul3A_646 = arith.muli %add3A_644, %mul3A_645 : i32
      %add3A_647 = arith.addi %mul3A_13, %mul3A_646 : i32
      %dma_wait3A_648 = tpu.memref_slice %arg3[%add3A_647] : memref<320000xi32, #tpu.memory_space<hbm>> -> memref<80xi32, #tpu.memory_space<hbm>>
      %dma_wait3A_649 = tpu.memref_slice %arg3[%add3A_647] : memref<320000xi32, #tpu.memory_space<hbm>> -> memref<80xi32, #tpu.memory_space<hbm>>
      tpu.wait_dma2 semaphore(%arg38 : memref<!tpu.dma_semaphore, #tpu.memory_space<semaphore_mem>>) src(%dma_wait3A_649 : memref<80xi32, #tpu.memory_space<hbm>>) dst(%arg8 : memref<80xi32, #tpu.memory_space<vmem>>)
      %mul3A_650 = arith.constant 80 : i32
      %mul3A_651 = arith.muli %add3A_644, %mul3A_650 : i32
      %add3A_652 = arith.addi %mul3A_13, %mul3A_651 : i32
      %dma_wait3A_653 = tpu.memref_slice %arg4[%add3A_652] : memref<320000xi32, #tpu.memory_space<hbm>> -> memref<80xi32, #tpu.memory_space<hbm>>
      %dma_wait3A_654 = tpu.memref_slice %arg4[%add3A_652] : memref<320000xi32, #tpu.memory_space<hbm>> -> memref<80xi32, #tpu.memory_space<hbm>>
      tpu.wait_dma2 semaphore(%arg38 : memref<!tpu.dma_semaphore, #tpu.memory_space<semaphore_mem>>) src(%dma_wait3A_654 : memref<80xi32, #tpu.memory_space<hbm>>) dst(%arg16 : memref<80xi32, #tpu.memory_space<vmem>>)
      %dma_start3A_655 = arith.constant 0 : i32
      %dma_start3A_656 = arith.constant 0 : i32
      %dma_start3A_657 = tpu.memref_slice %arg2[%dma_start3A_655, %dma_start3A_656] : memref<10000x128xf32, #tpu.memory_space<hbm>> -> memref<10000x128xf32, #tpu.memory_space<hbm>>
      tpu.enqueue_indirect_dma source(%dma_start3A_657 : memref<10000x128xf32, #tpu.memory_space<hbm>>) target(%arg24 : memref<80x128xf32, #tpu.memory_space<vmem>>) offsets(%arg8 : memref<80xi32, #tpu.memory_space<vmem>>) semaphore(%arg30 : memref<!tpu.dma_semaphore, #tpu.memory_space<semaphore_mem>>)
      %add3A_658 = arith.constant 7 : i32
      %add3A_659 = arith.addi %add3A_391, %add3A_658 : i32
      %dma_wait3A_660 = arith.constant 0 : i32
      %dma_wait3A_661 = arith.constant 0 : i32
      %dma_wait3A_662 = tpu.memref_slice %arg2[%dma_wait3A_660, %dma_wait3A_661] : memref<10000x128xf32, #tpu.memory_space<hbm>> -> memref<10000x128xf32, #tpu.memory_space<hbm>>
      tpu.wait_indirect_dma semaphore(%arg28 : memref<!tpu.dma_semaphore, #tpu.memory_space<semaphore_mem>>) src(%dma_wait3A_662 : memref<10000x128xf32, #tpu.memory_space<hbm>>) dst(%arg22 : memref<80x128xf32, #tpu.memory_space<vmem>>)
      %dma_start3A_663 = arith.constant 0 : i32
      %dma_start3A_664 = arith.constant 0 : i32
      %dma_start3A_665 = tpu.memref_slice %arg27[%dma_start3A_663, %dma_start3A_664] : memref<10240x128xf32, #tpu.memory_space<vmem_shared>> -> memref<10240x128xf32, #tpu.memory_space<vmem_shared>>
      tpu.enqueue_indirect_dma source(%arg22 : memref<80x128xf32, #tpu.memory_space<vmem>>) target(%dma_start3A_665 : memref<10240x128xf32, #tpu.memory_space<vmem_shared>>) offsets(%arg14 : memref<80xi32, #tpu.memory_space<vmem>>) semaphore(%arg32 : memref<!tpu.dma_semaphore, #tpu.memory_space<semaphore_mem>>) {add = true}
      %add3A_666 = arith.constant 4 : i32
      %add3A_667 = arith.addi %add3A_659, %add3A_666 : i32
      %mul3A_668 = arith.constant 80 : i32
      %mul3A_669 = arith.muli %add3A_667, %mul3A_668 : i32
      %add3A_670 = arith.addi %mul3A_13, %mul3A_669 : i32
      %dma_start3A_671 = tpu.memref_slice %arg3[%add3A_670] : memref<320000xi32, #tpu.memory_space<hbm>> -> memref<80xi32, #tpu.memory_space<hbm>>
      %dma_start3A_672 = tpu.memref_slice %arg3[%add3A_670] : memref<320000xi32, #tpu.memory_space<hbm>> -> memref<80xi32, #tpu.memory_space<hbm>>
      tpu.enqueue_dma source(%dma_start3A_672 : memref<80xi32, #tpu.memory_space<hbm>>) target(%arg10 : memref<80xi32, #tpu.memory_space<vmem>>) target_semaphore(%arg40 : memref<!tpu.dma_semaphore, #tpu.memory_space<semaphore_mem>>)
      %mul3A_673 = arith.constant 80 : i32
      %mul3A_674 = arith.muli %add3A_667, %mul3A_673 : i32
      %add3A_675 = arith.addi %mul3A_13, %mul3A_674 : i32
      %dma_start3A_676 = tpu.memref_slice %arg4[%add3A_675] : memref<320000xi32, #tpu.memory_space<hbm>> -> memref<80xi32, #tpu.memory_space<hbm>>
      %dma_start3A_677 = tpu.memref_slice %arg4[%add3A_675] : memref<320000xi32, #tpu.memory_space<hbm>> -> memref<80xi32, #tpu.memory_space<hbm>>
      tpu.enqueue_dma source(%dma_start3A_677 : memref<80xi32, #tpu.memory_space<hbm>>) target(%arg18 : memref<80xi32, #tpu.memory_space<vmem>>) target_semaphore(%arg40 : memref<!tpu.dma_semaphore, #tpu.memory_space<semaphore_mem>>)
      %dma_wait3A_678 = arith.constant 0 : i32
      %dma_wait3A_679 = arith.constant 0 : i32
      %dma_wait3A_680 = tpu.memref_slice %arg27[%dma_wait3A_678, %dma_wait3A_679] : memref<10240x128xf32, #tpu.memory_space<vmem_shared>> -> memref<10240x128xf32, #tpu.memory_space<vmem_shared>>
      tpu.wait_indirect_dma semaphore(%arg35 : memref<!tpu.dma_semaphore, #tpu.memory_space<semaphore_mem>>) src(%arg25 : memref<80x128xf32, #tpu.memory_space<vmem>>) dst(%dma_wait3A_680 : memref<10240x128xf32, #tpu.memory_space<vmem_shared>>)
      %add3A_681 = arith.constant 3 : i32
      %add3A_682 = arith.addi %add3A_659, %add3A_681 : i32
      %mul3A_683 = arith.constant 80 : i32
      %mul3A_684 = arith.muli %add3A_682, %mul3A_683 : i32
      %add3A_685 = arith.addi %mul3A_13, %mul3A_684 : i32
      %dma_wait3A_686 = tpu.memref_slice %arg3[%add3A_685] : memref<320000xi32, #tpu.memory_space<hbm>> -> memref<80xi32, #tpu.memory_space<hbm>>
      %dma_wait3A_687 = tpu.memref_slice %arg3[%add3A_685] : memref<320000xi32, #tpu.memory_space<hbm>> -> memref<80xi32, #tpu.memory_space<hbm>>
      tpu.wait_dma2 semaphore(%arg39 : memref<!tpu.dma_semaphore, #tpu.memory_space<semaphore_mem>>) src(%dma_wait3A_687 : memref<80xi32, #tpu.memory_space<hbm>>) dst(%arg9 : memref<80xi32, #tpu.memory_space<vmem>>)
      %mul3A_688 = arith.constant 80 : i32
      %mul3A_689 = arith.muli %add3A_682, %mul3A_688 : i32
      %add3A_690 = arith.addi %mul3A_13, %mul3A_689 : i32
      %dma_wait3A_691 = tpu.memref_slice %arg4[%add3A_690] : memref<320000xi32, #tpu.memory_space<hbm>> -> memref<80xi32, #tpu.memory_space<hbm>>
      %dma_wait3A_692 = tpu.memref_slice %arg4[%add3A_690] : memref<320000xi32, #tpu.memory_space<hbm>> -> memref<80xi32, #tpu.memory_space<hbm>>
      tpu.wait_dma2 semaphore(%arg39 : memref<!tpu.dma_semaphore, #tpu.memory_space<semaphore_mem>>) src(%dma_wait3A_692 : memref<80xi32, #tpu.memory_space<hbm>>) dst(%arg17 : memref<80xi32, #tpu.memory_space<vmem>>)
      %dma_start3A_693 = arith.constant 0 : i32
      %dma_start3A_694 = arith.constant 0 : i32
      %dma_start3A_695 = tpu.memref_slice %arg2[%dma_start3A_693, %dma_start3A_694] : memref<10000x128xf32, #tpu.memory_space<hbm>> -> memref<10000x128xf32, #tpu.memory_space<hbm>>
      tpu.enqueue_indirect_dma source(%dma_start3A_695 : memref<10000x128xf32, #tpu.memory_space<hbm>>) target(%arg25 : memref<80x128xf32, #tpu.memory_space<vmem>>) offsets(%arg9 : memref<80xi32, #tpu.memory_space<vmem>>) semaphore(%arg31 : memref<!tpu.dma_semaphore, #tpu.memory_space<semaphore_mem>>)
    }
    %scan3A_107 = arith.constant 14 : i32
    %dma_wait3A_108 = arith.constant 0 : i32
    %dma_wait3A_109 = arith.constant 0 : i32
    %dma_wait3A_110 = tpu.memref_slice %arg2[%dma_wait3A_108, %dma_wait3A_109] : memref<10000x128xf32, #tpu.memory_space<hbm>> -> memref<10000x128xf32, #tpu.memory_space<hbm>>
    tpu.wait_indirect_dma semaphore(%arg29 : memref<!tpu.dma_semaphore, #tpu.memory_space<semaphore_mem>>) src(%dma_wait3A_110 : memref<10000x128xf32, #tpu.memory_space<hbm>>) dst(%arg23 : memref<80x128xf32, #tpu.memory_space<vmem>>)
    %dma_start3A_111 = arith.constant 0 : i32
    %dma_start3A_112 = arith.constant 0 : i32
    %dma_start3A_113 = tpu.memref_slice %arg27[%dma_start3A_111, %dma_start3A_112] : memref<10240x128xf32, #tpu.memory_space<vmem_shared>> -> memref<10240x128xf32, #tpu.memory_space<vmem_shared>>
    tpu.enqueue_indirect_dma source(%arg23 : memref<80x128xf32, #tpu.memory_space<vmem>>) target(%dma_start3A_113 : memref<10240x128xf32, #tpu.memory_space<vmem_shared>>) offsets(%arg15 : memref<80xi32, #tpu.memory_space<vmem>>) semaphore(%arg33 : memref<!tpu.dma_semaphore, #tpu.memory_space<semaphore_mem>>) {add = true}
    %add3A_114 = arith.constant 9360 : i32
    %add3A_115 = arith.addi %mul3A_13, %add3A_114 : i32
    %dma_start3A_116 = tpu.memref_slice %arg3[%add3A_115] : memref<320000xi32, #tpu.memory_space<hbm>> -> memref<80xi32, #tpu.memory_space<hbm>>
    %dma_start3A_117 = tpu.memref_slice %arg3[%add3A_115] : memref<320000xi32, #tpu.memory_space<hbm>> -> memref<80xi32, #tpu.memory_space<hbm>>
    tpu.enqueue_dma source(%dma_start3A_117 : memref<80xi32, #tpu.memory_space<hbm>>) target(%arg11 : memref<80xi32, #tpu.memory_space<vmem>>) target_semaphore(%arg41 : memref<!tpu.dma_semaphore, #tpu.memory_space<semaphore_mem>>)
    %add3A_118 = arith.constant 9360 : i32
    %add3A_119 = arith.addi %mul3A_13, %add3A_118 : i32
    %dma_start3A_120 = tpu.memref_slice %arg4[%add3A_119] : memref<320000xi32, #tpu.memory_space<hbm>> -> memref<80xi32, #tpu.memory_space<hbm>>
    %dma_start3A_121 = tpu.memref_slice %arg4[%add3A_119] : memref<320000xi32, #tpu.memory_space<hbm>> -> memref<80xi32, #tpu.memory_space<hbm>>
    tpu.enqueue_dma source(%dma_start3A_121 : memref<80xi32, #tpu.memory_space<hbm>>) target(%arg19 : memref<80xi32, #tpu.memory_space<vmem>>) target_semaphore(%arg41 : memref<!tpu.dma_semaphore, #tpu.memory_space<semaphore_mem>>)
    %dma_wait3A_122 = arith.constant 0 : i32
    %dma_wait3A_123 = arith.constant 0 : i32
    %dma_wait3A_124 = tpu.memref_slice %arg27[%dma_wait3A_122, %dma_wait3A_123] : memref<10240x128xf32, #tpu.memory_space<vmem_shared>> -> memref<10240x128xf32, #tpu.memory_space<vmem_shared>>
    tpu.wait_indirect_dma semaphore(%arg32 : memref<!tpu.dma_semaphore, #tpu.memory_space<semaphore_mem>>) src(%arg22 : memref<80x128xf32, #tpu.memory_space<vmem>>) dst(%dma_wait3A_124 : memref<10240x128xf32, #tpu.memory_space<vmem_shared>>)
    %add3A_125 = arith.constant 9280 : i32
    %add3A_126 = arith.addi %mul3A_13, %add3A_125 : i32
    %dma_wait3A_127 = tpu.memref_slice %arg3[%add3A_126] : memref<320000xi32, #tpu.memory_space<hbm>> -> memref<80xi32, #tpu.memory_space<hbm>>
    %dma_wait3A_128 = tpu.memref_slice %arg3[%add3A_126] : memref<320000xi32, #tpu.memory_space<hbm>> -> memref<80xi32, #tpu.memory_space<hbm>>
    tpu.wait_dma2 semaphore(%arg40 : memref<!tpu.dma_semaphore, #tpu.memory_space<semaphore_mem>>) src(%dma_wait3A_128 : memref<80xi32, #tpu.memory_space<hbm>>) dst(%arg10 : memref<80xi32, #tpu.memory_space<vmem>>)
    %add3A_129 = arith.constant 9280 : i32
    %add3A_130 = arith.addi %mul3A_13, %add3A_129 : i32
    %dma_wait3A_131 = tpu.memref_slice %arg4[%add3A_130] : memref<320000xi32, #tpu.memory_space<hbm>> -> memref<80xi32, #tpu.memory_space<hbm>>
    %dma_wait3A_132 = tpu.memref_slice %arg4[%add3A_130] : memref<320000xi32, #tpu.memory_space<hbm>> -> memref<80xi32, #tpu.memory_space<hbm>>
    tpu.wait_dma2 semaphore(%arg40 : memref<!tpu.dma_semaphore, #tpu.memory_space<semaphore_mem>>) src(%dma_wait3A_132 : memref<80xi32, #tpu.memory_space<hbm>>) dst(%arg18 : memref<80xi32, #tpu.memory_space<vmem>>)
    %dma_start3A_133 = arith.constant 0 : i32
    %dma_start3A_134 = arith.constant 0 : i32
    %dma_start3A_135 = tpu.memref_slice %arg2[%dma_start3A_133, %dma_start3A_134] : memref<10000x128xf32, #tpu.memory_space<hbm>> -> memref<10000x128xf32, #tpu.memory_space<hbm>>
    tpu.enqueue_indirect_dma source(%dma_start3A_135 : memref<10000x128xf32, #tpu.memory_space<hbm>>) target(%arg22 : memref<80x128xf32, #tpu.memory_space<vmem>>) offsets(%arg10 : memref<80xi32, #tpu.memory_space<vmem>>) semaphore(%arg28 : memref<!tpu.dma_semaphore, #tpu.memory_space<semaphore_mem>>)
    %dma_wait3A_136 = arith.constant 0 : i32
    %dma_wait3A_137 = arith.constant 0 : i32
    %dma_wait3A_138 = tpu.memref_slice %arg2[%dma_wait3A_136, %dma_wait3A_137] : memref<10000x128xf32, #tpu.memory_space<hbm>> -> memref<10000x128xf32, #tpu.memory_space<hbm>>
    tpu.wait_indirect_dma semaphore(%arg30 : memref<!tpu.dma_semaphore, #tpu.memory_space<semaphore_mem>>) src(%dma_wait3A_138 : memref<10000x128xf32, #tpu.memory_space<hbm>>) dst(%arg24 : memref<80x128xf32, #tpu.memory_space<vmem>>)
    %dma_start3A_139 = arith.constant 0 : i32
    %dma_start3A_140 = arith.constant 0 : i32
    %dma_start3A_141 = tpu.memref_slice %arg27[%dma_start3A_139, %dma_start3A_140] : memref<10240x128xf32, #tpu.memory_space<vmem_shared>> -> memref<10240x128xf32, #tpu.memory_space<vmem_shared>>
    tpu.enqueue_indirect_dma source(%arg24 : memref<80x128xf32, #tpu.memory_space<vmem>>) target(%dma_start3A_141 : memref<10240x128xf32, #tpu.memory_space<vmem_shared>>) offsets(%arg16 : memref<80xi32, #tpu.memory_space<vmem>>) semaphore(%arg34 : memref<!tpu.dma_semaphore, #tpu.memory_space<semaphore_mem>>) {add = true}
    %add3A_142 = arith.constant 9440 : i32
    %add3A_143 = arith.addi %mul3A_13, %add3A_142 : i32
    %dma_start3A_144 = tpu.memref_slice %arg3[%add3A_143] : memref<320000xi32, #tpu.memory_space<hbm>> -> memref<80xi32, #tpu.memory_space<hbm>>
    %dma_start3A_145 = tpu.memref_slice %arg3[%add3A_143] : memref<320000xi32, #tpu.memory_space<hbm>> -> memref<80xi32, #tpu.memory_space<hbm>>
    tpu.enqueue_dma source(%dma_start3A_145 : memref<80xi32, #tpu.memory_space<hbm>>) target(%arg12 : memref<80xi32, #tpu.memory_space<vmem>>) target_semaphore(%arg42 : memref<!tpu.dma_semaphore, #tpu.memory_space<semaphore_mem>>)
    %add3A_146 = arith.constant 9440 : i32
    %add3A_147 = arith.addi %mul3A_13, %add3A_146 : i32
    %dma_start3A_148 = tpu.memref_slice %arg4[%add3A_147] : memref<320000xi32, #tpu.memory_space<hbm>> -> memref<80xi32, #tpu.memory_space<hbm>>
    %dma_start3A_149 = tpu.memref_slice %arg4[%add3A_147] : memref<320000xi32, #tpu.memory_space<hbm>> -> memref<80xi32, #tpu.memory_space<hbm>>
    tpu.enqueue_dma source(%dma_start3A_149 : memref<80xi32, #tpu.memory_space<hbm>>) target(%arg20 : memref<80xi32, #tpu.memory_space<vmem>>) target_semaphore(%arg42 : memref<!tpu.dma_semaphore, #tpu.memory_space<semaphore_mem>>)
    %dma_wait3A_150 = arith.constant 0 : i32
    %dma_wait3A_151 = arith.constant 0 : i32
    %dma_wait3A_152 = tpu.memref_slice %arg27[%dma_wait3A_150, %dma_wait3A_151] : memref<10240x128xf32, #tpu.memory_space<vmem_shared>> -> memref<10240x128xf32, #tpu.memory_space<vmem_shared>>
    tpu.wait_indirect_dma semaphore(%arg33 : memref<!tpu.dma_semaphore, #tpu.memory_space<semaphore_mem>>) src(%arg23 : memref<80x128xf32, #tpu.memory_space<vmem>>) dst(%dma_wait3A_152 : memref<10240x128xf32, #tpu.memory_space<vmem_shared>>)
    %add3A_153 = arith.constant 9360 : i32
    %add3A_154 = arith.addi %mul3A_13, %add3A_153 : i32
    %dma_wait3A_155 = tpu.memref_slice %arg3[%add3A_154] : memref<320000xi32, #tpu.memory_space<hbm>> -> memref<80xi32, #tpu.memory_space<hbm>>
    %dma_wait3A_156 = tpu.memref_slice %arg3[%add3A_154] : memref<320000xi32, #tpu.memory_space<hbm>> -> memref<80xi32, #tpu.memory_space<hbm>>
    tpu.wait_dma2 semaphore(%arg41 : memref<!tpu.dma_semaphore, #tpu.memory_space<semaphore_mem>>) src(%dma_wait3A_156 : memref<80xi32, #tpu.memory_space<hbm>>) dst(%arg11 : memref<80xi32, #tpu.memory_space<vmem>>)
    %add3A_157 = arith.constant 9360 : i32
    %add3A_158 = arith.addi %mul3A_13, %add3A_157 : i32
    %dma_wait3A_159 = tpu.memref_slice %arg4[%add3A_158] : memref<320000xi32, #tpu.memory_space<hbm>> -> memref<80xi32, #tpu.memory_space<hbm>>
    %dma_wait3A_160 = tpu.memref_slice %arg4[%add3A_158] : memref<320000xi32, #tpu.memory_space<hbm>> -> memref<80xi32, #tpu.memory_space<hbm>>
    tpu.wait_dma2 semaphore(%arg41 : memref<!tpu.dma_semaphore, #tpu.memory_space<semaphore_mem>>) src(%dma_wait3A_160 : memref<80xi32, #tpu.memory_space<hbm>>) dst(%arg19 : memref<80xi32, #tpu.memory_space<vmem>>)
    %dma_start3A_161 = arith.constant 0 : i32
    %dma_start3A_162 = arith.constant 0 : i32
    %dma_start3A_163 = tpu.memref_slice %arg2[%dma_start3A_161, %dma_start3A_162] : memref<10000x128xf32, #tpu.memory_space<hbm>> -> memref<10000x128xf32, #tpu.memory_space<hbm>>
    tpu.enqueue_indirect_dma source(%dma_start3A_163 : memref<10000x128xf32, #tpu.memory_space<hbm>>) target(%arg23 : memref<80x128xf32, #tpu.memory_space<vmem>>) offsets(%arg11 : memref<80xi32, #tpu.memory_space<vmem>>) semaphore(%arg29 : memref<!tpu.dma_semaphore, #tpu.memory_space<semaphore_mem>>)
    %dma_wait3A_164 = arith.constant 0 : i32
    %dma_wait3A_165 = arith.constant 0 : i32
    %dma_wait3A_166 = tpu.memref_slice %arg2[%dma_wait3A_164, %dma_wait3A_165] : memref<10000x128xf32, #tpu.memory_space<hbm>> -> memref<10000x128xf32, #tpu.memory_space<hbm>>
    tpu.wait_indirect_dma semaphore(%arg31 : memref<!tpu.dma_semaphore, #tpu.memory_space<semaphore_mem>>) src(%dma_wait3A_166 : memref<10000x128xf32, #tpu.memory_space<hbm>>) dst(%arg25 : memref<80x128xf32, #tpu.memory_space<vmem>>)
    %dma_start3A_167 = arith.constant 0 : i32
    %dma_start3A_168 = arith.constant 0 : i32
    %dma_start3A_169 = tpu.memref_slice %arg27[%dma_start3A_167, %dma_start3A_168] : memref<10240x128xf32, #tpu.memory_space<vmem_shared>> -> memref<10240x128xf32, #tpu.memory_space<vmem_shared>>
    tpu.enqueue_indirect_dma source(%arg25 : memref<80x128xf32, #tpu.memory_space<vmem>>) target(%dma_start3A_169 : memref<10240x128xf32, #tpu.memory_space<vmem_shared>>) offsets(%arg17 : memref<80xi32, #tpu.memory_space<vmem>>) semaphore(%arg35 : memref<!tpu.dma_semaphore, #tpu.memory_space<semaphore_mem>>) {add = true}
    %add3A_170 = arith.constant 9520 : i32
    %add3A_171 = arith.addi %mul3A_13, %add3A_170 : i32
    %dma_start3A_172 = tpu.memref_slice %arg3[%add3A_171] : memref<320000xi32, #tpu.memory_space<hbm>> -> memref<80xi32, #tpu.memory_space<hbm>>
    %dma_start3A_173 = tpu.memref_slice %arg3[%add3A_171] : memref<320000xi32, #tpu.memory_space<hbm>> -> memref<80xi32, #tpu.memory_space<hbm>>
    tpu.enqueue_dma source(%dma_start3A_173 : memref<80xi32, #tpu.memory_space<hbm>>) target(%arg13 : memref<80xi32, #tpu.memory_space<vmem>>) target_semaphore(%arg43 : memref<!tpu.dma_semaphore, #tpu.memory_space<semaphore_mem>>)
    %add3A_174 = arith.constant 9520 : i32
    %add3A_175 = arith.addi %mul3A_13, %add3A_174 : i32
    %dma_start3A_176 = tpu.memref_slice %arg4[%add3A_175] : memref<320000xi32, #tpu.memory_space<hbm>> -> memref<80xi32, #tpu.memory_space<hbm>>
    %dma_start3A_177 = tpu.memref_slice %arg4[%add3A_175] : memref<320000xi32, #tpu.memory_space<hbm>> -> memref<80xi32, #tpu.memory_space<hbm>>
    tpu.enqueue_dma source(%dma_start3A_177 : memref<80xi32, #tpu.memory_space<hbm>>) target(%arg21 : memref<80xi32, #tpu.memory_space<vmem>>) target_semaphore(%arg43 : memref<!tpu.dma_semaphore, #tpu.memory_space<semaphore_mem>>)
    %dma_wait3A_178 = arith.constant 0 : i32
    %dma_wait3A_179 = arith.constant 0 : i32
    %dma_wait3A_180 = tpu.memref_slice %arg27[%dma_wait3A_178, %dma_wait3A_179] : memref<10240x128xf32, #tpu.memory_space<vmem_shared>> -> memref<10240x128xf32, #tpu.memory_space<vmem_shared>>
    tpu.wait_indirect_dma semaphore(%arg34 : memref<!tpu.dma_semaphore, #tpu.memory_space<semaphore_mem>>) src(%arg24 : memref<80x128xf32, #tpu.memory_space<vmem>>) dst(%dma_wait3A_180 : memref<10240x128xf32, #tpu.memory_space<vmem_shared>>)
    %add3A_181 = arith.constant 9440 : i32
    %add3A_182 = arith.addi %mul3A_13, %add3A_181 : i32
    %dma_wait3A_183 = tpu.memref_slice %arg3[%add3A_182] : memref<320000xi32, #tpu.memory_space<hbm>> -> memref<80xi32, #tpu.memory_space<hbm>>
    %dma_wait3A_184 = tpu.memref_slice %arg3[%add3A_182] : memref<320000xi32, #tpu.memory_space<hbm>> -> memref<80xi32, #tpu.memory_space<hbm>>
    tpu.wait_dma2 semaphore(%arg42 : memref<!tpu.dma_semaphore, #tpu.memory_space<semaphore_mem>>) src(%dma_wait3A_184 : memref<80xi32, #tpu.memory_space<hbm>>) dst(%arg12 : memref<80xi32, #tpu.memory_space<vmem>>)
    %add3A_185 = arith.constant 9440 : i32
    %add3A_186 = arith.addi %mul3A_13, %add3A_185 : i32
    %dma_wait3A_187 = tpu.memref_slice %arg4[%add3A_186] : memref<320000xi32, #tpu.memory_space<hbm>> -> memref<80xi32, #tpu.memory_space<hbm>>
    %dma_wait3A_188 = tpu.memref_slice %arg4[%add3A_186] : memref<320000xi32, #tpu.memory_space<hbm>> -> memref<80xi32, #tpu.memory_space<hbm>>
    tpu.wait_dma2 semaphore(%arg42 : memref<!tpu.dma_semaphore, #tpu.memory_space<semaphore_mem>>) src(%dma_wait3A_188 : memref<80xi32, #tpu.memory_space<hbm>>) dst(%arg20 : memref<80xi32, #tpu.memory_space<vmem>>)
    %dma_start3A_189 = arith.constant 0 : i32
    %dma_start3A_190 = arith.constant 0 : i32
    %dma_start3A_191 = tpu.memref_slice %arg2[%dma_start3A_189, %dma_start3A_190] : memref<10000x128xf32, #tpu.memory_space<hbm>> -> memref<10000x128xf32, #tpu.memory_space<hbm>>
    tpu.enqueue_indirect_dma source(%dma_start3A_191 : memref<10000x128xf32, #tpu.memory_space<hbm>>) target(%arg24 : memref<80x128xf32, #tpu.memory_space<vmem>>) offsets(%arg12 : memref<80xi32, #tpu.memory_space<vmem>>) semaphore(%arg30 : memref<!tpu.dma_semaphore, #tpu.memory_space<semaphore_mem>>)
    %dma_wait3A_192 = arith.constant 0 : i32
    %dma_wait3A_193 = arith.constant 0 : i32
    %dma_wait3A_194 = tpu.memref_slice %arg2[%dma_wait3A_192, %dma_wait3A_193] : memref<10000x128xf32, #tpu.memory_space<hbm>> -> memref<10000x128xf32, #tpu.memory_space<hbm>>
    tpu.wait_indirect_dma semaphore(%arg28 : memref<!tpu.dma_semaphore, #tpu.memory_space<semaphore_mem>>) src(%dma_wait3A_194 : memref<10000x128xf32, #tpu.memory_space<hbm>>) dst(%arg22 : memref<80x128xf32, #tpu.memory_space<vmem>>)
    %dma_start3A_195 = arith.constant 0 : i32
    %dma_start3A_196 = arith.constant 0 : i32
    %dma_start3A_197 = tpu.memref_slice %arg27[%dma_start3A_195, %dma_start3A_196] : memref<10240x128xf32, #tpu.memory_space<vmem_shared>> -> memref<10240x128xf32, #tpu.memory_space<vmem_shared>>
    tpu.enqueue_indirect_dma source(%arg22 : memref<80x128xf32, #tpu.memory_space<vmem>>) target(%dma_start3A_197 : memref<10240x128xf32, #tpu.memory_space<vmem_shared>>) offsets(%arg18 : memref<80xi32, #tpu.memory_space<vmem>>) semaphore(%arg32 : memref<!tpu.dma_semaphore, #tpu.memory_space<semaphore_mem>>) {add = true}
    %add3A_198 = arith.constant 9600 : i32
    %add3A_199 = arith.addi %mul3A_13, %add3A_198 : i32
    %dma_start3A_200 = tpu.memref_slice %arg3[%add3A_199] : memref<320000xi32, #tpu.memory_space<hbm>> -> memref<80xi32, #tpu.memory_space<hbm>>
    %dma_start3A_201 = tpu.memref_slice %arg3[%add3A_199] : memref<320000xi32, #tpu.memory_space<hbm>> -> memref<80xi32, #tpu.memory_space<hbm>>
    tpu.enqueue_dma source(%dma_start3A_201 : memref<80xi32, #tpu.memory_space<hbm>>) target(%arg6 : memref<80xi32, #tpu.memory_space<vmem>>) target_semaphore(%arg36 : memref<!tpu.dma_semaphore, #tpu.memory_space<semaphore_mem>>)
    %add3A_202 = arith.constant 9600 : i32
    %add3A_203 = arith.addi %mul3A_13, %add3A_202 : i32
    %dma_start3A_204 = tpu.memref_slice %arg4[%add3A_203] : memref<320000xi32, #tpu.memory_space<hbm>> -> memref<80xi32, #tpu.memory_space<hbm>>
    %dma_start3A_205 = tpu.memref_slice %arg4[%add3A_203] : memref<320000xi32, #tpu.memory_space<hbm>> -> memref<80xi32, #tpu.memory_space<hbm>>
    tpu.enqueue_dma source(%dma_start3A_205 : memref<80xi32, #tpu.memory_space<hbm>>) target(%arg14 : memref<80xi32, #tpu.memory_space<vmem>>) target_semaphore(%arg36 : memref<!tpu.dma_semaphore, #tpu.memory_space<semaphore_mem>>)
    %dma_wait3A_206 = arith.constant 0 : i32
    %dma_wait3A_207 = arith.constant 0 : i32
    %dma_wait3A_208 = tpu.memref_slice %arg27[%dma_wait3A_206, %dma_wait3A_207] : memref<10240x128xf32, #tpu.memory_space<vmem_shared>> -> memref<10240x128xf32, #tpu.memory_space<vmem_shared>>
    tpu.wait_indirect_dma semaphore(%arg35 : memref<!tpu.dma_semaphore, #tpu.memory_space<semaphore_mem>>) src(%arg25 : memref<80x128xf32, #tpu.memory_space<vmem>>) dst(%dma_wait3A_208 : memref<10240x128xf32, #tpu.memory_space<vmem_shared>>)
    %add3A_209 = arith.constant 9520 : i32
    %add3A_210 = arith.addi %mul3A_13, %add3A_209 : i32
    %dma_wait3A_211 = tpu.memref_slice %arg3[%add3A_210] : memref<320000xi32, #tpu.memory_space<hbm>> -> memref<80xi32, #tpu.memory_space<hbm>>
    %dma_wait3A_212 = tpu.memref_slice %arg3[%add3A_210] : memref<320000xi32, #tpu.memory_space<hbm>> -> memref<80xi32, #tpu.memory_space<hbm>>
    tpu.wait_dma2 semaphore(%arg43 : memref<!tpu.dma_semaphore, #tpu.memory_space<semaphore_mem>>) src(%dma_wait3A_212 : memref<80xi32, #tpu.memory_space<hbm>>) dst(%arg13 : memref<80xi32, #tpu.memory_space<vmem>>)
    %add3A_213 = arith.constant 9520 : i32
    %add3A_214 = arith.addi %mul3A_13, %add3A_213 : i32
    %dma_wait3A_215 = tpu.memref_slice %arg4[%add3A_214] : memref<320000xi32, #tpu.memory_space<hbm>> -> memref<80xi32, #tpu.memory_space<hbm>>
    %dma_wait3A_216 = tpu.memref_slice %arg4[%add3A_214] : memref<320000xi32, #tpu.memory_space<hbm>> -> memref<80xi32, #tpu.memory_space<hbm>>
    tpu.wait_dma2 semaphore(%arg43 : memref<!tpu.dma_semaphore, #tpu.memory_space<semaphore_mem>>) src(%dma_wait3A_216 : memref<80xi32, #tpu.memory_space<hbm>>) dst(%arg21 : memref<80xi32, #tpu.memory_space<vmem>>)
    %dma_start3A_217 = arith.constant 0 : i32
    %dma_start3A_218 = arith.constant 0 : i32
    %dma_start3A_219 = tpu.memref_slice %arg2[%dma_start3A_217, %dma_start3A_218] : memref<10000x128xf32, #tpu.memory_space<hbm>> -> memref<10000x128xf32, #tpu.memory_space<hbm>>
    tpu.enqueue_indirect_dma source(%dma_start3A_219 : memref<10000x128xf32, #tpu.memory_space<hbm>>) target(%arg25 : memref<80x128xf32, #tpu.memory_space<vmem>>) offsets(%arg13 : memref<80xi32, #tpu.memory_space<vmem>>) semaphore(%arg31 : memref<!tpu.dma_semaphore, #tpu.memory_space<semaphore_mem>>)
    %dma_wait3A_220 = arith.constant 0 : i32
    %dma_wait3A_221 = arith.constant 0 : i32
    %dma_wait3A_222 = tpu.memref_slice %arg2[%dma_wait3A_220, %dma_wait3A_221] : memref<10000x128xf32, #tpu.memory_space<hbm>> -> memref<10000x128xf32, #tpu.memory_space<hbm>>
    tpu.wait_indirect_dma semaphore(%arg29 : memref<!tpu.dma_semaphore, #tpu.memory_space<semaphore_mem>>) src(%dma_wait3A_222 : memref<10000x128xf32, #tpu.memory_space<hbm>>) dst(%arg23 : memref<80x128xf32, #tpu.memory_space<vmem>>)
    %dma_start3A_223 = arith.constant 0 : i32
    %dma_start3A_224 = arith.constant 0 : i32
    %dma_start3A_225 = tpu.memref_slice %arg27[%dma_start3A_223, %dma_start3A_224] : memref<10240x128xf32, #tpu.memory_space<vmem_shared>> -> memref<10240x128xf32, #tpu.memory_space<vmem_shared>>
    tpu.enqueue_indirect_dma source(%arg23 : memref<80x128xf32, #tpu.memory_space<vmem>>) target(%dma_start3A_225 : memref<10240x128xf32, #tpu.memory_space<vmem_shared>>) offsets(%arg19 : memref<80xi32, #tpu.memory_space<vmem>>) semaphore(%arg33 : memref<!tpu.dma_semaphore, #tpu.memory_space<semaphore_mem>>) {add = true}
    %add3A_226 = arith.constant 9680 : i32
    %add3A_227 = arith.addi %mul3A_13, %add3A_226 : i32
    %dma_start3A_228 = tpu.memref_slice %arg3[%add3A_227] : memref<320000xi32, #tpu.memory_space<hbm>> -> memref<80xi32, #tpu.memory_space<hbm>>
    %dma_start3A_229 = tpu.memref_slice %arg3[%add3A_227] : memref<320000xi32, #tpu.memory_space<hbm>> -> memref<80xi32, #tpu.memory_space<hbm>>
    tpu.enqueue_dma source(%dma_start3A_229 : memref<80xi32, #tpu.memory_space<hbm>>) target(%arg7 : memref<80xi32, #tpu.memory_space<vmem>>) target_semaphore(%arg37 : memref<!tpu.dma_semaphore, #tpu.memory_space<semaphore_mem>>)
    %add3A_230 = arith.constant 9680 : i32
    %add3A_231 = arith.addi %mul3A_13, %add3A_230 : i32
    %dma_start3A_232 = tpu.memref_slice %arg4[%add3A_231] : memref<320000xi32, #tpu.memory_space<hbm>> -> memref<80xi32, #tpu.memory_space<hbm>>
    %dma_start3A_233 = tpu.memref_slice %arg4[%add3A_231] : memref<320000xi32, #tpu.memory_space<hbm>> -> memref<80xi32, #tpu.memory_space<hbm>>
    tpu.enqueue_dma source(%dma_start3A_233 : memref<80xi32, #tpu.memory_space<hbm>>) target(%arg15 : memref<80xi32, #tpu.memory_space<vmem>>) target_semaphore(%arg37 : memref<!tpu.dma_semaphore, #tpu.memory_space<semaphore_mem>>)
    %dma_wait3A_234 = arith.constant 0 : i32
    %dma_wait3A_235 = arith.constant 0 : i32
    %dma_wait3A_236 = tpu.memref_slice %arg27[%dma_wait3A_234, %dma_wait3A_235] : memref<10240x128xf32, #tpu.memory_space<vmem_shared>> -> memref<10240x128xf32, #tpu.memory_space<vmem_shared>>
    tpu.wait_indirect_dma semaphore(%arg32 : memref<!tpu.dma_semaphore, #tpu.memory_space<semaphore_mem>>) src(%arg22 : memref<80x128xf32, #tpu.memory_space<vmem>>) dst(%dma_wait3A_236 : memref<10240x128xf32, #tpu.memory_space<vmem_shared>>)
    %add3A_237 = arith.constant 9600 : i32
    %add3A_238 = arith.addi %mul3A_13, %add3A_237 : i32
    %dma_wait3A_239 = tpu.memref_slice %arg3[%add3A_238] : memref<320000xi32, #tpu.memory_space<hbm>> -> memref<80xi32, #tpu.memory_space<hbm>>
    %dma_wait3A_240 = tpu.memref_slice %arg3[%add3A_238] : memref<320000xi32, #tpu.memory_space<hbm>> -> memref<80xi32, #tpu.memory_space<hbm>>
    tpu.wait_dma2 semaphore(%arg36 : memref<!tpu.dma_semaphore, #tpu.memory_space<semaphore_mem>>) src(%dma_wait3A_240 : memref<80xi32, #tpu.memory_space<hbm>>) dst(%arg6 : memref<80xi32, #tpu.memory_space<vmem>>)
    %add3A_241 = arith.constant 9600 : i32
    %add3A_242 = arith.addi %mul3A_13, %add3A_241 : i32
    %dma_wait3A_243 = tpu.memref_slice %arg4[%add3A_242] : memref<320000xi32, #tpu.memory_space<hbm>> -> memref<80xi32, #tpu.memory_space<hbm>>
    %dma_wait3A_244 = tpu.memref_slice %arg4[%add3A_242] : memref<320000xi32, #tpu.memory_space<hbm>> -> memref<80xi32, #tpu.memory_space<hbm>>
    tpu.wait_dma2 semaphore(%arg36 : memref<!tpu.dma_semaphore, #tpu.memory_space<semaphore_mem>>) src(%dma_wait3A_244 : memref<80xi32, #tpu.memory_space<hbm>>) dst(%arg14 : memref<80xi32, #tpu.memory_space<vmem>>)
    %dma_start3A_245 = arith.constant 0 : i32
    %dma_start3A_246 = arith.constant 0 : i32
    %dma_start3A_247 = tpu.memref_slice %arg2[%dma_start3A_245, %dma_start3A_246] : memref<10000x128xf32, #tpu.memory_space<hbm>> -> memref<10000x128xf32, #tpu.memory_space<hbm>>
    tpu.enqueue_indirect_dma source(%dma_start3A_247 : memref<10000x128xf32, #tpu.memory_space<hbm>>) target(%arg22 : memref<80x128xf32, #tpu.memory_space<vmem>>) offsets(%arg6 : memref<80xi32, #tpu.memory_space<vmem>>) semaphore(%arg28 : memref<!tpu.dma_semaphore, #tpu.memory_space<semaphore_mem>>)
    %dma_wait3A_248 = arith.constant 0 : i32
    %dma_wait3A_249 = arith.constant 0 : i32
    %dma_wait3A_250 = tpu.memref_slice %arg2[%dma_wait3A_248, %dma_wait3A_249] : memref<10000x128xf32, #tpu.memory_space<hbm>> -> memref<10000x128xf32, #tpu.memory_space<hbm>>
    tpu.wait_indirect_dma semaphore(%arg30 : memref<!tpu.dma_semaphore, #tpu.memory_space<semaphore_mem>>) src(%dma_wait3A_250 : memref<10000x128xf32, #tpu.memory_space<hbm>>) dst(%arg24 : memref<80x128xf32, #tpu.memory_space<vmem>>)
    %dma_start3A_251 = arith.constant 0 : i32
    %dma_start3A_252 = arith.constant 0 : i32
    %dma_start3A_253 = tpu.memref_slice %arg27[%dma_start3A_251, %dma_start3A_252] : memref<10240x128xf32, #tpu.memory_space<vmem_shared>> -> memref<10240x128xf32, #tpu.memory_space<vmem_shared>>
    tpu.enqueue_indirect_dma source(%arg24 : memref<80x128xf32, #tpu.memory_space<vmem>>) target(%dma_start3A_253 : memref<10240x128xf32, #tpu.memory_space<vmem_shared>>) offsets(%arg20 : memref<80xi32, #tpu.memory_space<vmem>>) semaphore(%arg34 : memref<!tpu.dma_semaphore, #tpu.memory_space<semaphore_mem>>) {add = true}
    %add3A_254 = arith.constant 9760 : i32
    %add3A_255 = arith.addi %mul3A_13, %add3A_254 : i32
    %dma_start3A_256 = tpu.memref_slice %arg3[%add3A_255] : memref<320000xi32, #tpu.memory_space<hbm>> -> memref<80xi32, #tpu.memory_space<hbm>>
    %dma_start3A_257 = tpu.memref_slice %arg3[%add3A_255] : memref<320000xi32, #tpu.memory_space<hbm>> -> memref<80xi32, #tpu.memory_space<hbm>>
    tpu.enqueue_dma source(%dma_start3A_257 : memref<80xi32, #tpu.memory_space<hbm>>) target(%arg8 : memref<80xi32, #tpu.memory_space<vmem>>) target_semaphore(%arg38 : memref<!tpu.dma_semaphore, #tpu.memory_space<semaphore_mem>>)
    %add3A_258 = arith.constant 9760 : i32
    %add3A_259 = arith.addi %mul3A_13, %add3A_258 : i32
    %dma_start3A_260 = tpu.memref_slice %arg4[%add3A_259] : memref<320000xi32, #tpu.memory_space<hbm>> -> memref<80xi32, #tpu.memory_space<hbm>>
    %dma_start3A_261 = tpu.memref_slice %arg4[%add3A_259] : memref<320000xi32, #tpu.memory_space<hbm>> -> memref<80xi32, #tpu.memory_space<hbm>>
    tpu.enqueue_dma source(%dma_start3A_261 : memref<80xi32, #tpu.memory_space<hbm>>) target(%arg16 : memref<80xi32, #tpu.memory_space<vmem>>) target_semaphore(%arg38 : memref<!tpu.dma_semaphore, #tpu.memory_space<semaphore_mem>>)
    %dma_wait3A_262 = arith.constant 0 : i32
    %dma_wait3A_263 = arith.constant 0 : i32
    %dma_wait3A_264 = tpu.memref_slice %arg27[%dma_wait3A_262, %dma_wait3A_263] : memref<10240x128xf32, #tpu.memory_space<vmem_shared>> -> memref<10240x128xf32, #tpu.memory_space<vmem_shared>>
    tpu.wait_indirect_dma semaphore(%arg33 : memref<!tpu.dma_semaphore, #tpu.memory_space<semaphore_mem>>) src(%arg23 : memref<80x128xf32, #tpu.memory_space<vmem>>) dst(%dma_wait3A_264 : memref<10240x128xf32, #tpu.memory_space<vmem_shared>>)
    %add3A_265 = arith.constant 9680 : i32
    %add3A_266 = arith.addi %mul3A_13, %add3A_265 : i32
    %dma_wait3A_267 = tpu.memref_slice %arg3[%add3A_266] : memref<320000xi32, #tpu.memory_space<hbm>> -> memref<80xi32, #tpu.memory_space<hbm>>
    %dma_wait3A_268 = tpu.memref_slice %arg3[%add3A_266] : memref<320000xi32, #tpu.memory_space<hbm>> -> memref<80xi32, #tpu.memory_space<hbm>>
    tpu.wait_dma2 semaphore(%arg37 : memref<!tpu.dma_semaphore, #tpu.memory_space<semaphore_mem>>) src(%dma_wait3A_268 : memref<80xi32, #tpu.memory_space<hbm>>) dst(%arg7 : memref<80xi32, #tpu.memory_space<vmem>>)
    %add3A_269 = arith.constant 9680 : i32
    %add3A_270 = arith.addi %mul3A_13, %add3A_269 : i32
    %dma_wait3A_271 = tpu.memref_slice %arg4[%add3A_270] : memref<320000xi32, #tpu.memory_space<hbm>> -> memref<80xi32, #tpu.memory_space<hbm>>
    %dma_wait3A_272 = tpu.memref_slice %arg4[%add3A_270] : memref<320000xi32, #tpu.memory_space<hbm>> -> memref<80xi32, #tpu.memory_space<hbm>>
    tpu.wait_dma2 semaphore(%arg37 : memref<!tpu.dma_semaphore, #tpu.memory_space<semaphore_mem>>) src(%dma_wait3A_272 : memref<80xi32, #tpu.memory_space<hbm>>) dst(%arg15 : memref<80xi32, #tpu.memory_space<vmem>>)
    %dma_start3A_273 = arith.constant 0 : i32
    %dma_start3A_274 = arith.constant 0 : i32
    %dma_start3A_275 = tpu.memref_slice %arg2[%dma_start3A_273, %dma_start3A_274] : memref<10000x128xf32, #tpu.memory_space<hbm>> -> memref<10000x128xf32, #tpu.memory_space<hbm>>
    tpu.enqueue_indirect_dma source(%dma_start3A_275 : memref<10000x128xf32, #tpu.memory_space<hbm>>) target(%arg23 : memref<80x128xf32, #tpu.memory_space<vmem>>) offsets(%arg7 : memref<80xi32, #tpu.memory_space<vmem>>) semaphore(%arg29 : memref<!tpu.dma_semaphore, #tpu.memory_space<semaphore_mem>>)
    %dma_wait3A_276 = arith.constant 0 : i32
    %dma_wait3A_277 = arith.constant 0 : i32
    %dma_wait3A_278 = tpu.memref_slice %arg2[%dma_wait3A_276, %dma_wait3A_277] : memref<10000x128xf32, #tpu.memory_space<hbm>> -> memref<10000x128xf32, #tpu.memory_space<hbm>>
    tpu.wait_indirect_dma semaphore(%arg31 : memref<!tpu.dma_semaphore, #tpu.memory_space<semaphore_mem>>) src(%dma_wait3A_278 : memref<10000x128xf32, #tpu.memory_space<hbm>>) dst(%arg25 : memref<80x128xf32, #tpu.memory_space<vmem>>)
    %dma_start3A_279 = arith.constant 0 : i32
    %dma_start3A_280 = arith.constant 0 : i32
    %dma_start3A_281 = tpu.memref_slice %arg27[%dma_start3A_279, %dma_start3A_280] : memref<10240x128xf32, #tpu.memory_space<vmem_shared>> -> memref<10240x128xf32, #tpu.memory_space<vmem_shared>>
    tpu.enqueue_indirect_dma source(%arg25 : memref<80x128xf32, #tpu.memory_space<vmem>>) target(%dma_start3A_281 : memref<10240x128xf32, #tpu.memory_space<vmem_shared>>) offsets(%arg21 : memref<80xi32, #tpu.memory_space<vmem>>) semaphore(%arg35 : memref<!tpu.dma_semaphore, #tpu.memory_space<semaphore_mem>>) {add = true}
    %add3A_282 = arith.constant 9840 : i32
    %add3A_283 = arith.addi %mul3A_13, %add3A_282 : i32
    %dma_start3A_284 = tpu.memref_slice %arg3[%add3A_283] : memref<320000xi32, #tpu.memory_space<hbm>> -> memref<80xi32, #tpu.memory_space<hbm>>
    %dma_start3A_285 = tpu.memref_slice %arg3[%add3A_283] : memref<320000xi32, #tpu.memory_space<hbm>> -> memref<80xi32, #tpu.memory_space<hbm>>
    tpu.enqueue_dma source(%dma_start3A_285 : memref<80xi32, #tpu.memory_space<hbm>>) target(%arg9 : memref<80xi32, #tpu.memory_space<vmem>>) target_semaphore(%arg39 : memref<!tpu.dma_semaphore, #tpu.memory_space<semaphore_mem>>)
    %add3A_286 = arith.constant 9840 : i32
    %add3A_287 = arith.addi %mul3A_13, %add3A_286 : i32
    %dma_start3A_288 = tpu.memref_slice %arg4[%add3A_287] : memref<320000xi32, #tpu.memory_space<hbm>> -> memref<80xi32, #tpu.memory_space<hbm>>
    %dma_start3A_289 = tpu.memref_slice %arg4[%add3A_287] : memref<320000xi32, #tpu.memory_space<hbm>> -> memref<80xi32, #tpu.memory_space<hbm>>
    tpu.enqueue_dma source(%dma_start3A_289 : memref<80xi32, #tpu.memory_space<hbm>>) target(%arg17 : memref<80xi32, #tpu.memory_space<vmem>>) target_semaphore(%arg39 : memref<!tpu.dma_semaphore, #tpu.memory_space<semaphore_mem>>)
    %dma_wait3A_290 = arith.constant 0 : i32
    %dma_wait3A_291 = arith.constant 0 : i32
    %dma_wait3A_292 = tpu.memref_slice %arg27[%dma_wait3A_290, %dma_wait3A_291] : memref<10240x128xf32, #tpu.memory_space<vmem_shared>> -> memref<10240x128xf32, #tpu.memory_space<vmem_shared>>
    tpu.wait_indirect_dma semaphore(%arg34 : memref<!tpu.dma_semaphore, #tpu.memory_space<semaphore_mem>>) src(%arg24 : memref<80x128xf32, #tpu.memory_space<vmem>>) dst(%dma_wait3A_292 : memref<10240x128xf32, #tpu.memory_space<vmem_shared>>)
    %add3A_293 = arith.constant 9760 : i32
    %add3A_294 = arith.addi %mul3A_13, %add3A_293 : i32
    %dma_wait3A_295 = tpu.memref_slice %arg3[%add3A_294] : memref<320000xi32, #tpu.memory_space<hbm>> -> memref<80xi32, #tpu.memory_space<hbm>>
    %dma_wait3A_296 = tpu.memref_slice %arg3[%add3A_294] : memref<320000xi32, #tpu.memory_space<hbm>> -> memref<80xi32, #tpu.memory_space<hbm>>
    tpu.wait_dma2 semaphore(%arg38 : memref<!tpu.dma_semaphore, #tpu.memory_space<semaphore_mem>>) src(%dma_wait3A_296 : memref<80xi32, #tpu.memory_space<hbm>>) dst(%arg8 : memref<80xi32, #tpu.memory_space<vmem>>)
    %add3A_297 = arith.constant 9760 : i32
    %add3A_298 = arith.addi %mul3A_13, %add3A_297 : i32
    %dma_wait3A_299 = tpu.memref_slice %arg4[%add3A_298] : memref<320000xi32, #tpu.memory_space<hbm>> -> memref<80xi32, #tpu.memory_space<hbm>>
    %dma_wait3A_300 = tpu.memref_slice %arg4[%add3A_298] : memref<320000xi32, #tpu.memory_space<hbm>> -> memref<80xi32, #tpu.memory_space<hbm>>
    tpu.wait_dma2 semaphore(%arg38 : memref<!tpu.dma_semaphore, #tpu.memory_space<semaphore_mem>>) src(%dma_wait3A_300 : memref<80xi32, #tpu.memory_space<hbm>>) dst(%arg16 : memref<80xi32, #tpu.memory_space<vmem>>)
    %dma_start3A_301 = arith.constant 0 : i32
    %dma_start3A_302 = arith.constant 0 : i32
    %dma_start3A_303 = tpu.memref_slice %arg2[%dma_start3A_301, %dma_start3A_302] : memref<10000x128xf32, #tpu.memory_space<hbm>> -> memref<10000x128xf32, #tpu.memory_space<hbm>>
    tpu.enqueue_indirect_dma source(%dma_start3A_303 : memref<10000x128xf32, #tpu.memory_space<hbm>>) target(%arg24 : memref<80x128xf32, #tpu.memory_space<vmem>>) offsets(%arg8 : memref<80xi32, #tpu.memory_space<vmem>>) semaphore(%arg30 : memref<!tpu.dma_semaphore, #tpu.memory_space<semaphore_mem>>)
    %dma_wait3A_304 = arith.constant 0 : i32
    %dma_wait3A_305 = arith.constant 0 : i32
    %dma_wait3A_306 = tpu.memref_slice %arg2[%dma_wait3A_304, %dma_wait3A_305] : memref<10000x128xf32, #tpu.memory_space<hbm>> -> memref<10000x128xf32, #tpu.memory_space<hbm>>
    tpu.wait_indirect_dma semaphore(%arg28 : memref<!tpu.dma_semaphore, #tpu.memory_space<semaphore_mem>>) src(%dma_wait3A_306 : memref<10000x128xf32, #tpu.memory_space<hbm>>) dst(%arg22 : memref<80x128xf32, #tpu.memory_space<vmem>>)
    %dma_start3A_307 = arith.constant 0 : i32
    %dma_start3A_308 = arith.constant 0 : i32
    %dma_start3A_309 = tpu.memref_slice %arg27[%dma_start3A_307, %dma_start3A_308] : memref<10240x128xf32, #tpu.memory_space<vmem_shared>> -> memref<10240x128xf32, #tpu.memory_space<vmem_shared>>
    tpu.enqueue_indirect_dma source(%arg22 : memref<80x128xf32, #tpu.memory_space<vmem>>) target(%dma_start3A_309 : memref<10240x128xf32, #tpu.memory_space<vmem_shared>>) offsets(%arg14 : memref<80xi32, #tpu.memory_space<vmem>>) semaphore(%arg32 : memref<!tpu.dma_semaphore, #tpu.memory_space<semaphore_mem>>) {add = true}
    %add3A_310 = arith.constant 9920 : i32
    %add3A_311 = arith.addi %mul3A_13, %add3A_310 : i32
    %dma_start3A_312 = tpu.memref_slice %arg3[%add3A_311] : memref<320000xi32, #tpu.memory_space<hbm>> -> memref<80xi32, #tpu.memory_space<hbm>>
    %dma_start3A_313 = tpu.memref_slice %arg3[%add3A_311] : memref<320000xi32, #tpu.memory_space<hbm>> -> memref<80xi32, #tpu.memory_space<hbm>>
    tpu.enqueue_dma source(%dma_start3A_313 : memref<80xi32, #tpu.memory_space<hbm>>) target(%arg10 : memref<80xi32, #tpu.memory_space<vmem>>) target_semaphore(%arg40 : memref<!tpu.dma_semaphore, #tpu.memory_space<semaphore_mem>>)
    %add3A_314 = arith.constant 9920 : i32
    %add3A_315 = arith.addi %mul3A_13, %add3A_314 : i32
    %dma_start3A_316 = tpu.memref_slice %arg4[%add3A_315] : memref<320000xi32, #tpu.memory_space<hbm>> -> memref<80xi32, #tpu.memory_space<hbm>>
    %dma_start3A_317 = tpu.memref_slice %arg4[%add3A_315] : memref<320000xi32, #tpu.memory_space<hbm>> -> memref<80xi32, #tpu.memory_space<hbm>>
    tpu.enqueue_dma source(%dma_start3A_317 : memref<80xi32, #tpu.memory_space<hbm>>) target(%arg18 : memref<80xi32, #tpu.memory_space<vmem>>) target_semaphore(%arg40 : memref<!tpu.dma_semaphore, #tpu.memory_space<semaphore_mem>>)
    %dma_wait3A_318 = arith.constant 0 : i32
    %dma_wait3A_319 = arith.constant 0 : i32
    %dma_wait3A_320 = tpu.memref_slice %arg27[%dma_wait3A_318, %dma_wait3A_319] : memref<10240x128xf32, #tpu.memory_space<vmem_shared>> -> memref<10240x128xf32, #tpu.memory_space<vmem_shared>>
    tpu.wait_indirect_dma semaphore(%arg35 : memref<!tpu.dma_semaphore, #tpu.memory_space<semaphore_mem>>) src(%arg25 : memref<80x128xf32, #tpu.memory_space<vmem>>) dst(%dma_wait3A_320 : memref<10240x128xf32, #tpu.memory_space<vmem_shared>>)
    %add3A_321 = arith.constant 9840 : i32
    %add3A_322 = arith.addi %mul3A_13, %add3A_321 : i32
    %dma_wait3A_323 = tpu.memref_slice %arg3[%add3A_322] : memref<320000xi32, #tpu.memory_space<hbm>> -> memref<80xi32, #tpu.memory_space<hbm>>
    %dma_wait3A_324 = tpu.memref_slice %arg3[%add3A_322] : memref<320000xi32, #tpu.memory_space<hbm>> -> memref<80xi32, #tpu.memory_space<hbm>>
    tpu.wait_dma2 semaphore(%arg39 : memref<!tpu.dma_semaphore, #tpu.memory_space<semaphore_mem>>) src(%dma_wait3A_324 : memref<80xi32, #tpu.memory_space<hbm>>) dst(%arg9 : memref<80xi32, #tpu.memory_space<vmem>>)
    %add3A_325 = arith.constant 9840 : i32
    %add3A_326 = arith.addi %mul3A_13, %add3A_325 : i32
    %dma_wait3A_327 = tpu.memref_slice %arg4[%add3A_326] : memref<320000xi32, #tpu.memory_space<hbm>> -> memref<80xi32, #tpu.memory_space<hbm>>
    %dma_wait3A_328 = tpu.memref_slice %arg4[%add3A_326] : memref<320000xi32, #tpu.memory_space<hbm>> -> memref<80xi32, #tpu.memory_space<hbm>>
    tpu.wait_dma2 semaphore(%arg39 : memref<!tpu.dma_semaphore, #tpu.memory_space<semaphore_mem>>) src(%dma_wait3A_328 : memref<80xi32, #tpu.memory_space<hbm>>) dst(%arg17 : memref<80xi32, #tpu.memory_space<vmem>>)
    %dma_start3A_329 = arith.constant 0 : i32
    %dma_start3A_330 = arith.constant 0 : i32
    %dma_start3A_331 = tpu.memref_slice %arg2[%dma_start3A_329, %dma_start3A_330] : memref<10000x128xf32, #tpu.memory_space<hbm>> -> memref<10000x128xf32, #tpu.memory_space<hbm>>
    tpu.enqueue_indirect_dma source(%dma_start3A_331 : memref<10000x128xf32, #tpu.memory_space<hbm>>) target(%arg25 : memref<80x128xf32, #tpu.memory_space<vmem>>) offsets(%arg9 : memref<80xi32, #tpu.memory_space<vmem>>) semaphore(%arg31 : memref<!tpu.dma_semaphore, #tpu.memory_space<semaphore_mem>>)
    %dma_wait3A_332 = arith.constant 0 : i32
    %dma_wait3A_333 = arith.constant 0 : i32
    %dma_wait3A_334 = tpu.memref_slice %arg2[%dma_wait3A_332, %dma_wait3A_333] : memref<10000x128xf32, #tpu.memory_space<hbm>> -> memref<10000x128xf32, #tpu.memory_space<hbm>>
    tpu.wait_indirect_dma semaphore(%arg29 : memref<!tpu.dma_semaphore, #tpu.memory_space<semaphore_mem>>) src(%dma_wait3A_334 : memref<10000x128xf32, #tpu.memory_space<hbm>>) dst(%arg23 : memref<80x128xf32, #tpu.memory_space<vmem>>)
    %dma_start3A_335 = arith.constant 0 : i32
    %dma_start3A_336 = arith.constant 0 : i32
    %dma_start3A_337 = tpu.memref_slice %arg27[%dma_start3A_335, %dma_start3A_336] : memref<10240x128xf32, #tpu.memory_space<vmem_shared>> -> memref<10240x128xf32, #tpu.memory_space<vmem_shared>>
    tpu.enqueue_indirect_dma source(%arg23 : memref<80x128xf32, #tpu.memory_space<vmem>>) target(%dma_start3A_337 : memref<10240x128xf32, #tpu.memory_space<vmem_shared>>) offsets(%arg15 : memref<80xi32, #tpu.memory_space<vmem>>) semaphore(%arg33 : memref<!tpu.dma_semaphore, #tpu.memory_space<semaphore_mem>>) {add = true}
    %dma_wait3A_338 = arith.constant 0 : i32
    %dma_wait3A_339 = arith.constant 0 : i32
    %dma_wait3A_340 = tpu.memref_slice %arg27[%dma_wait3A_338, %dma_wait3A_339] : memref<10240x128xf32, #tpu.memory_space<vmem_shared>> -> memref<10240x128xf32, #tpu.memory_space<vmem_shared>>
    tpu.wait_indirect_dma semaphore(%arg32 : memref<!tpu.dma_semaphore, #tpu.memory_space<semaphore_mem>>) src(%arg22 : memref<80x128xf32, #tpu.memory_space<vmem>>) dst(%dma_wait3A_340 : memref<10240x128xf32, #tpu.memory_space<vmem_shared>>)
    %add3A_341 = arith.constant 9920 : i32
    %add3A_342 = arith.addi %mul3A_13, %add3A_341 : i32
    %dma_wait3A_343 = tpu.memref_slice %arg3[%add3A_342] : memref<320000xi32, #tpu.memory_space<hbm>> -> memref<80xi32, #tpu.memory_space<hbm>>
    %dma_wait3A_344 = tpu.memref_slice %arg3[%add3A_342] : memref<320000xi32, #tpu.memory_space<hbm>> -> memref<80xi32, #tpu.memory_space<hbm>>
    tpu.wait_dma2 semaphore(%arg40 : memref<!tpu.dma_semaphore, #tpu.memory_space<semaphore_mem>>) src(%dma_wait3A_344 : memref<80xi32, #tpu.memory_space<hbm>>) dst(%arg10 : memref<80xi32, #tpu.memory_space<vmem>>)
    %add3A_345 = arith.constant 9920 : i32
    %add3A_346 = arith.addi %mul3A_13, %add3A_345 : i32
    %dma_wait3A_347 = tpu.memref_slice %arg4[%add3A_346] : memref<320000xi32, #tpu.memory_space<hbm>> -> memref<80xi32, #tpu.memory_space<hbm>>
    %dma_wait3A_348 = tpu.memref_slice %arg4[%add3A_346] : memref<320000xi32, #tpu.memory_space<hbm>> -> memref<80xi32, #tpu.memory_space<hbm>>
    tpu.wait_dma2 semaphore(%arg40 : memref<!tpu.dma_semaphore, #tpu.memory_space<semaphore_mem>>) src(%dma_wait3A_348 : memref<80xi32, #tpu.memory_space<hbm>>) dst(%arg18 : memref<80xi32, #tpu.memory_space<vmem>>)
    %dma_start3A_349 = arith.constant 0 : i32
    %dma_start3A_350 = arith.constant 0 : i32
    %dma_start3A_351 = tpu.memref_slice %arg2[%dma_start3A_349, %dma_start3A_350] : memref<10000x128xf32, #tpu.memory_space<hbm>> -> memref<10000x128xf32, #tpu.memory_space<hbm>>
    tpu.enqueue_indirect_dma source(%dma_start3A_351 : memref<10000x128xf32, #tpu.memory_space<hbm>>) target(%arg22 : memref<80x128xf32, #tpu.memory_space<vmem>>) offsets(%arg10 : memref<80xi32, #tpu.memory_space<vmem>>) semaphore(%arg28 : memref<!tpu.dma_semaphore, #tpu.memory_space<semaphore_mem>>)
    %dma_wait3A_352 = arith.constant 0 : i32
    %dma_wait3A_353 = arith.constant 0 : i32
    %dma_wait3A_354 = tpu.memref_slice %arg2[%dma_wait3A_352, %dma_wait3A_353] : memref<10000x128xf32, #tpu.memory_space<hbm>> -> memref<10000x128xf32, #tpu.memory_space<hbm>>
    tpu.wait_indirect_dma semaphore(%arg30 : memref<!tpu.dma_semaphore, #tpu.memory_space<semaphore_mem>>) src(%dma_wait3A_354 : memref<10000x128xf32, #tpu.memory_space<hbm>>) dst(%arg24 : memref<80x128xf32, #tpu.memory_space<vmem>>)
    %dma_start3A_355 = arith.constant 0 : i32
    %dma_start3A_356 = arith.constant 0 : i32
    %dma_start3A_357 = tpu.memref_slice %arg27[%dma_start3A_355, %dma_start3A_356] : memref<10240x128xf32, #tpu.memory_space<vmem_shared>> -> memref<10240x128xf32, #tpu.memory_space<vmem_shared>>
    tpu.enqueue_indirect_dma source(%arg24 : memref<80x128xf32, #tpu.memory_space<vmem>>) target(%dma_start3A_357 : memref<10240x128xf32, #tpu.memory_space<vmem_shared>>) offsets(%arg16 : memref<80xi32, #tpu.memory_space<vmem>>) semaphore(%arg34 : memref<!tpu.dma_semaphore, #tpu.memory_space<semaphore_mem>>) {add = true}
    %dma_wait3A_358 = arith.constant 0 : i32
    %dma_wait3A_359 = arith.constant 0 : i32
    %dma_wait3A_360 = tpu.memref_slice %arg27[%dma_wait3A_358, %dma_wait3A_359] : memref<10240x128xf32, #tpu.memory_space<vmem_shared>> -> memref<10240x128xf32, #tpu.memory_space<vmem_shared>>
    tpu.wait_indirect_dma semaphore(%arg33 : memref<!tpu.dma_semaphore, #tpu.memory_space<semaphore_mem>>) src(%arg23 : memref<80x128xf32, #tpu.memory_space<vmem>>) dst(%dma_wait3A_360 : memref<10240x128xf32, #tpu.memory_space<vmem_shared>>)
    %dma_wait3A_361 = arith.constant 0 : i32
    %dma_wait3A_362 = arith.constant 0 : i32
    %dma_wait3A_363 = tpu.memref_slice %arg2[%dma_wait3A_361, %dma_wait3A_362] : memref<10000x128xf32, #tpu.memory_space<hbm>> -> memref<10000x128xf32, #tpu.memory_space<hbm>>
    tpu.wait_indirect_dma semaphore(%arg31 : memref<!tpu.dma_semaphore, #tpu.memory_space<semaphore_mem>>) src(%dma_wait3A_363 : memref<10000x128xf32, #tpu.memory_space<hbm>>) dst(%arg25 : memref<80x128xf32, #tpu.memory_space<vmem>>)
    %dma_start3A_364 = arith.constant 0 : i32
    %dma_start3A_365 = arith.constant 0 : i32
    %dma_start3A_366 = tpu.memref_slice %arg27[%dma_start3A_364, %dma_start3A_365] : memref<10240x128xf32, #tpu.memory_space<vmem_shared>> -> memref<10240x128xf32, #tpu.memory_space<vmem_shared>>
    tpu.enqueue_indirect_dma source(%arg25 : memref<80x128xf32, #tpu.memory_space<vmem>>) target(%dma_start3A_366 : memref<10240x128xf32, #tpu.memory_space<vmem_shared>>) offsets(%arg17 : memref<80xi32, #tpu.memory_space<vmem>>) semaphore(%arg35 : memref<!tpu.dma_semaphore, #tpu.memory_space<semaphore_mem>>) {add = true}
    %dma_wait3A_367 = arith.constant 0 : i32
    %dma_wait3A_368 = arith.constant 0 : i32
    %dma_wait3A_369 = tpu.memref_slice %arg27[%dma_wait3A_367, %dma_wait3A_368] : memref<10240x128xf32, #tpu.memory_space<vmem_shared>> -> memref<10240x128xf32, #tpu.memory_space<vmem_shared>>
    tpu.wait_indirect_dma semaphore(%arg34 : memref<!tpu.dma_semaphore, #tpu.memory_space<semaphore_mem>>) src(%arg24 : memref<80x128xf32, #tpu.memory_space<vmem>>) dst(%dma_wait3A_369 : memref<10240x128xf32, #tpu.memory_space<vmem_shared>>)
    %dma_wait3A_370 = arith.constant 0 : i32
    %dma_wait3A_371 = arith.constant 0 : i32
    %dma_wait3A_372 = tpu.memref_slice %arg2[%dma_wait3A_370, %dma_wait3A_371] : memref<10000x128xf32, #tpu.memory_space<hbm>> -> memref<10000x128xf32, #tpu.memory_space<hbm>>
    tpu.wait_indirect_dma semaphore(%arg28 : memref<!tpu.dma_semaphore, #tpu.memory_space<semaphore_mem>>) src(%dma_wait3A_372 : memref<10000x128xf32, #tpu.memory_space<hbm>>) dst(%arg22 : memref<80x128xf32, #tpu.memory_space<vmem>>)
    %dma_start3A_373 = arith.constant 0 : i32
    %dma_start3A_374 = arith.constant 0 : i32
    %dma_start3A_375 = tpu.memref_slice %arg27[%dma_start3A_373, %dma_start3A_374] : memref<10240x128xf32, #tpu.memory_space<vmem_shared>> -> memref<10240x128xf32, #tpu.memory_space<vmem_shared>>
    tpu.enqueue_indirect_dma source(%arg22 : memref<80x128xf32, #tpu.memory_space<vmem>>) target(%dma_start3A_375 : memref<10240x128xf32, #tpu.memory_space<vmem_shared>>) offsets(%arg18 : memref<80xi32, #tpu.memory_space<vmem>>) semaphore(%arg32 : memref<!tpu.dma_semaphore, #tpu.memory_space<semaphore_mem>>) {add = true}
    %dma_wait3A_376 = arith.constant 0 : i32
    %dma_wait3A_377 = arith.constant 0 : i32
    %dma_wait3A_378 = tpu.memref_slice %arg27[%dma_wait3A_376, %dma_wait3A_377] : memref<10240x128xf32, #tpu.memory_space<vmem_shared>> -> memref<10240x128xf32, #tpu.memory_space<vmem_shared>>
    tpu.wait_indirect_dma semaphore(%arg35 : memref<!tpu.dma_semaphore, #tpu.memory_space<semaphore_mem>>) src(%arg25 : memref<80x128xf32, #tpu.memory_space<vmem>>) dst(%dma_wait3A_378 : memref<10240x128xf32, #tpu.memory_space<vmem_shared>>)
    %dma_wait3A_379 = arith.constant 0 : i32
    %dma_wait3A_380 = arith.constant 0 : i32
    %dma_wait3A_381 = tpu.memref_slice %arg27[%dma_wait3A_379, %dma_wait3A_380] : memref<10240x128xf32, #tpu.memory_space<vmem_shared>> -> memref<10240x128xf32, #tpu.memory_space<vmem_shared>>
    tpu.wait_indirect_dma semaphore(%arg32 : memref<!tpu.dma_semaphore, #tpu.memory_space<semaphore_mem>>) src(%arg22 : memref<80x128xf32, #tpu.memory_space<vmem>>) dst(%dma_wait3A_381 : memref<10240x128xf32, #tpu.memory_space<vmem_shared>>)
    %barrier3A_382 = arith.constant 0 : index
    tpu.barrier barrier_id(%barrier3A_382)
    %mul3A_383 = arith.constant 640 : i32
    %mul3A_384 = arith.muli %arg1, %mul3A_383 : i32
    %mul3A_385 = arith.constant 640 : i32
    %mul3A_386 = arith.muli %arg1, %mul3A_385 : i32
    "tpu.region"() ({
      %run_scoped3A = tpu.sem_alloc : memref<!tpu.dma_semaphore, #tpu.memory_space<semaphore_mem>>
      %dma_start3A_387 = arith.constant 0 : i32
      %dma_start3A_388 = tpu.memref_slice %arg5[%arg0, %mul3A_386, %dma_start3A_387] : memref<2x10240x128xf32, #tpu.memory_space<hbm>> -> memref<1x640x128xf32, #tpu.memory_space<hbm>>
      %dma_start3A_389 = tpu.memref_squeeze %dma_start3A_388 : memref<1x640x128xf32, #tpu.memory_space<hbm>> -> memref<640x128xf32, #tpu.memory_space<hbm>>
      %dma_start3A_390 = arith.constant 0 : i32
      %dma_start3A_391 = tpu.memref_slice %arg27[%mul3A_384, %dma_start3A_390] : memref<10240x128xf32, #tpu.memory_space<vmem_shared>> -> memref<640x128xf32, #tpu.memory_space<vmem_shared>>
      tpu.enqueue_dma source(%dma_start3A_391 : memref<640x128xf32, #tpu.memory_space<vmem_shared>>) target(%dma_start3A_389 : memref<640x128xf32, #tpu.memory_space<hbm>>) target_semaphore(%run_scoped3A : memref<!tpu.dma_semaphore, #tpu.memory_space<semaphore_mem>>)
      %dma_wait3A_392 = arith.constant 0 : i32
      %dma_wait3A_393 = tpu.memref_slice %arg5[%arg0, %mul3A_386, %dma_wait3A_392] : memref<2x10240x128xf32, #tpu.memory_space<hbm>> -> memref<1x640x128xf32, #tpu.memory_space<hbm>>
      %dma_wait3A_394 = tpu.memref_squeeze %dma_wait3A_393 : memref<1x640x128xf32, #tpu.memory_space<hbm>> -> memref<640x128xf32, #tpu.memory_space<hbm>>
      %dma_wait3A_395 = arith.constant 0 : i32
      %dma_wait3A_396 = tpu.memref_slice %arg27[%mul3A_384, %dma_wait3A_395] : memref<10240x128xf32, #tpu.memory_space<vmem_shared>> -> memref<640x128xf32, #tpu.memory_space<vmem_shared>>
      tpu.wait_dma2 semaphore(%run_scoped3A : memref<!tpu.dma_semaphore, #tpu.memory_space<semaphore_mem>>) src(%dma_wait3A_396 : memref<640x128xf32, #tpu.memory_space<vmem_shared>>) dst(%dma_wait3A_394 : memref<640x128xf32, #tpu.memory_space<hbm>>)
      tpu.yield
    }) : () -> ()
    return
  }
}

module attributes {stable_mosaic.version = 14 : i64} {
  func.func @_fuse_mid_body(%arg0: memref<2x10240x128xf32, #tpu.memory_space<vmem>>, %arg1: memref<10000x128xf32, #tpu.memory_space<vmem>>, %arg2: memref<10000x1xf32, #tpu.memory_space<vmem>>, %arg3: memref<1x128xf32, #tpu.memory_space<vmem>>, %arg4: memref<1x128xf32, #tpu.memory_space<vmem>>, %arg5: memref<1x128xf32, #tpu.memory_space<vmem>>, %arg6: memref<128x128xf32, #tpu.memory_space<vmem>>, %arg7: memref<10000x128xf32, #tpu.memory_space<vmem>>) attributes {dimension_semantics = [], scalar_prefetch = 0 : i64, scratch_operands = 0 : i64, tpu.core_type = #tpu.core_type<tc>} {
    %get3A = arith.constant 0 : index
    %get3A_0 = arith.constant 0 : index
    %get3A_1 = vector.load %arg2[%get3A, %get3A_0] : memref<10000x1xf32, #tpu.memory_space<vmem>>, vector<10000x1xf32>
    %get3A_2 = arith.constant 0 : index
    %get3A_3 = arith.constant 0 : index
    %get3A_4 = arith.constant 0 : index
    %get3A_5 = vector.load %arg0[%get3A_2, %get3A_3, %get3A_4] : memref<2x10240x128xf32, #tpu.memory_space<vmem>>, vector<1x10000x128xf32>
    %get3A_6 = vector.shape_cast %get3A_5 : vector<1x10000x128xf32> to vector<10000x128xf32>
    %get3A_7 = arith.constant 1 : index
    %get3A_8 = arith.constant 0 : index
    %get3A_9 = arith.constant 0 : index
    %get3A_10 = vector.load %arg0[%get3A_7, %get3A_8, %get3A_9] : memref<2x10240x128xf32, #tpu.memory_space<vmem>>, vector<1x10000x128xf32>
    %get3A_11 = vector.shape_cast %get3A_10 : vector<1x10000x128xf32> to vector<10000x128xf32>
    %add3A = arith.addf %get3A_6, %get3A_11 : vector<10000x128xf32>
    %get3A_12 = arith.constant 0 : index
    %get3A_13 = arith.constant 0 : index
    %get3A_14 = vector.load %arg1[%get3A_12, %get3A_13] : memref<10000x128xf32, #tpu.memory_space<vmem>>, vector<10000x128xf32>
    %add3A_15 = arith.addf %add3A, %get3A_14 : vector<10000x128xf32>
    %mul3A = vector.broadcast %get3A_1 : vector<10000x1xf32> to vector<10000x128xf32>
    %mul3A_16 = arith.mulf %add3A_15, %mul3A : vector<10000x128xf32>
    %get3A_17 = arith.constant 0 : index
    %get3A_18 = arith.constant 0 : index
    %get3A_19 = vector.load %arg3[%get3A_17, %get3A_18] : memref<1x128xf32, #tpu.memory_space<vmem>>, vector<1x128xf32>
    %add3A_20 = vector.broadcast %get3A_19 : vector<1x128xf32> to vector<10000x128xf32>
    %add3A_21 = arith.addf %mul3A_16, %add3A_20 : vector<10000x128xf32>
    %reduce_sum3A = arith.constant dense<0.000000e+00> : vector<128xf32>
    %reduce_sum3A_22 = vector.multi_reduction <add>, %add3A_21, %reduce_sum3A [0] : vector<10000x128xf32> to vector<128xf32>
    %broadcast_in_dim3A = vector.shape_cast %reduce_sum3A_22 : vector<128xf32> to vector<1x128xf32>
    %div3A = arith.constant 1.000000e+04 : f32
    %div3A_23 = vector.broadcast %div3A : f32 to vector<1x128xf32>
    %div3A_24 = arith.divf %broadcast_in_dim3A, %div3A_23 : vector<1x128xf32>
    %sub3A = vector.broadcast %div3A_24 : vector<1x128xf32> to vector<10000x128xf32>
    %sub3A_25 = arith.subf %add3A_21, %sub3A : vector<10000x128xf32>
    %mul3A_26 = arith.mulf %sub3A_25, %sub3A_25 : vector<10000x128xf32>
    %reduce_sum3A_27 = arith.constant dense<0.000000e+00> : vector<128xf32>
    %reduce_sum3A_28 = vector.multi_reduction <add>, %mul3A_26, %reduce_sum3A_27 [0] : vector<10000x128xf32> to vector<128xf32>
    %broadcast_in_dim3A_29 = vector.shape_cast %reduce_sum3A_28 : vector<128xf32> to vector<1x128xf32>
    %div3A_30 = arith.constant 1.000000e+04 : f32
    %div3A_31 = vector.broadcast %div3A_30 : f32 to vector<1x128xf32>
    %div3A_32 = arith.divf %broadcast_in_dim3A_29, %div3A_31 : vector<1x128xf32>
    %get3A_33 = arith.constant 0 : index
    %get3A_34 = arith.constant 0 : index
    %get3A_35 = vector.load %arg4[%get3A_33, %get3A_34] : memref<1x128xf32, #tpu.memory_space<vmem>>, vector<1x128xf32>
    %add3A_36 = arith.constant 9.99999974E-6 : f32
    %add3A_37 = vector.broadcast %add3A_36 : f32 to vector<1x128xf32>
    %add3A_38 = arith.addf %div3A_32, %add3A_37 : vector<1x128xf32>
    %rsqrt3A = math.rsqrt %add3A_38 : vector<1x128xf32>
    %mul3A_39 = vector.broadcast %rsqrt3A : vector<1x128xf32> to vector<10000x128xf32>
    %mul3A_40 = arith.mulf %sub3A_25, %mul3A_39 : vector<10000x128xf32>
    %mul3A_41 = vector.broadcast %get3A_35 : vector<1x128xf32> to vector<10000x128xf32>
    %mul3A_42 = arith.mulf %mul3A_41, %mul3A_40 : vector<10000x128xf32>
    %get3A_43 = arith.constant 0 : index
    %get3A_44 = arith.constant 0 : index
    %get3A_45 = vector.load %arg5[%get3A_43, %get3A_44] : memref<1x128xf32, #tpu.memory_space<vmem>>, vector<1x128xf32>
    %add3A_46 = vector.broadcast %get3A_45 : vector<1x128xf32> to vector<10000x128xf32>
    %add3A_47 = arith.addf %mul3A_42, %add3A_46 : vector<10000x128xf32>
    %max3A = arith.constant 0.000000e+00 : f32
    %max3A_48 = vector.broadcast %max3A : f32 to vector<10000x128xf32>
    %max3A_49 = arith.maximumf %add3A_47, %max3A_48 : vector<10000x128xf32>
    %get3A_50 = arith.constant 0 : index
    %get3A_51 = arith.constant 0 : index
    %get3A_52 = vector.load %arg6[%get3A_50, %get3A_51] : memref<128x128xf32, #tpu.memory_space<vmem>>, vector<128x128xf32>
    %dot_general3A = arith.constant dense<0.000000e+00> : vector<10000x128xf32>
    %dot_general3A_53 = tpu.matmul %max3A_49, %get3A_52, %dot_general3A {dimension_numbers = #tpu.dot_dimension_numbers<[1], [0], [0], [1], [0, 0, 1, 1], [], []>, transpose_lhs_hint = false} : vector<10000x128xf32>, vector<128x128xf32>, vector<10000x128xf32> -> vector<10000x128xf32>
    %mul3A_54 = vector.broadcast %get3A_1 : vector<10000x1xf32> to vector<10000x128xf32>
    %mul3A_55 = arith.mulf %dot_general3A_53, %mul3A_54 : vector<10000x128xf32>
    %swap3A = arith.constant 0 : index
    %swap3A_56 = arith.constant 0 : index
    %swap3A_57 = vector.load %arg7[%swap3A, %swap3A_56] : memref<10000x128xf32, #tpu.memory_space<vmem>>, vector<10000x128xf32>
    tpu.vector_store %arg7[%swap3A, %swap3A_56], %mul3A_55 {strides = array<i32>} : memref<10000x128xf32, #tpu.memory_space<vmem>>, vector<10000x128xf32>,
    return
  }
}

module attributes {stable_mosaic.version = 14 : i64} {
  func.func @_mm_body(%arg0: memref<10000x128xf32, #tpu.memory_space<vmem>>, %arg1: memref<128x128xf32, #tpu.memory_space<vmem>>, %arg2: memref<2x10240xf32, #tpu.memory_space<vmem>>, %arg3: memref<10000x128xf32, #tpu.memory_space<vmem>>, %arg4: memref<10000x1xf32, #tpu.memory_space<vmem>>) attributes {dimension_semantics = [], scalar_prefetch = 0 : i64, scratch_operands = 0 : i64, tpu.core_type = #tpu.core_type<tc>} {
    %get3A = arith.constant 0 : index
    %get3A_0 = arith.constant 0 : index
    %get3A_1 = vector.load %arg2[%get3A, %get3A_0] : memref<2x10240xf32, #tpu.memory_space<vmem>>, vector<1x10240xf32>
    %get3A_2 = vector.shape_cast %get3A_1 : vector<1x10240xf32> to vector<10240xf32>
    %get3A_3 = arith.constant 1 : index
    %get3A_4 = arith.constant 0 : index
    %get3A_5 = vector.load %arg2[%get3A_3, %get3A_4] : memref<2x10240xf32, #tpu.memory_space<vmem>>, vector<1x10240xf32>
    %get3A_6 = vector.shape_cast %get3A_5 : vector<1x10240xf32> to vector<10240xf32>
    %add3A = arith.addf %get3A_2, %get3A_6 : vector<10240xf32>
    %add3A_7 = arith.constant 1.000000e+00 : f32
    %add3A_8 = vector.broadcast %add3A_7 : f32 to vector<10240xf32>
    %add3A_9 = arith.addf %add3A, %add3A_8 : vector<10240xf32>
    %rsqrt3A = math.rsqrt %add3A_9 : vector<10240xf32>
    %slice3A = vector.extract_strided_slice %rsqrt3A {offsets = [0], sizes = [10000], strides = [1]} : vector<10240xf32> to vector<10000xf32>
    %broadcast_in_dim3A = vector.shape_cast %slice3A : vector<10000xf32> to vector<10000x1xf32>
    %get3A_10 = arith.constant 0 : index
    %get3A_11 = arith.constant 0 : index
    %get3A_12 = vector.load %arg0[%get3A_10, %get3A_11] : memref<10000x128xf32, #tpu.memory_space<vmem>>, vector<10000x128xf32>
    %get3A_13 = arith.constant 0 : index
    %get3A_14 = arith.constant 0 : index
    %get3A_15 = vector.load %arg1[%get3A_13, %get3A_14] : memref<128x128xf32, #tpu.memory_space<vmem>>, vector<128x128xf32>
    %dot_general3A = arith.constant dense<0.000000e+00> : vector<10000x128xf32>
    %dot_general3A_16 = tpu.matmul %get3A_12, %get3A_15, %dot_general3A {dimension_numbers = #tpu.dot_dimension_numbers<[1], [0], [0], [1], [0, 0, 1, 1], [], []>, transpose_lhs_hint = false} : vector<10000x128xf32>, vector<128x128xf32>, vector<10000x128xf32> -> vector<10000x128xf32>
    %mul3A = vector.broadcast %broadcast_in_dim3A : vector<10000x1xf32> to vector<10000x128xf32>
    %mul3A_17 = arith.mulf %dot_general3A_16, %mul3A : vector<10000x128xf32>
    %swap3A = arith.constant 0 : index
    %swap3A_18 = arith.constant 0 : index
    %swap3A_19 = vector.load %arg3[%swap3A, %swap3A_18] : memref<10000x128xf32, #tpu.memory_space<vmem>>, vector<10000x128xf32>
    tpu.vector_store %arg3[%swap3A, %swap3A_18], %mul3A_17 {strides = array<i32>} : memref<10000x128xf32, #tpu.memory_space<vmem>>, vector<10000x128xf32>,
    %swap3A_20 = arith.constant 0 : index
    %swap3A_21 = arith.constant 0 : index
    %swap3A_22 = vector.load %arg4[%swap3A_20, %swap3A_21] : memref<10000x1xf32, #tpu.memory_space<vmem>>, vector<10000x1xf32>
    tpu.vector_store %arg4[%swap3A_20, %swap3A_21], %broadcast_in_dim3A {strides = array<i32>} : memref<10000x1xf32, #tpu.memory_space<vmem>>, vector<10000x1xf32>,
    return
  }
}

module attributes {stable_mosaic.version = 14 : i64} {
  func.func @_fuse_out_body(%arg0: memref<2x10240x128xf32, #tpu.memory_space<vmem>>, %arg1: memref<10000x128xf32, #tpu.memory_space<vmem>>, %arg2: memref<10000x1xf32, #tpu.memory_space<vmem>>, %arg3: memref<1x128xf32, #tpu.memory_space<vmem>>, %arg4: memref<1x128xf32, #tpu.memory_space<vmem>>, %arg5: memref<1x128xf32, #tpu.memory_space<vmem>>, %arg6: memref<10000x128xf32, #tpu.memory_space<vmem>>) attributes {dimension_semantics = [], scalar_prefetch = 0 : i64, scratch_operands = 0 : i64, tpu.core_type = #tpu.core_type<tc>} {
    %get3A = arith.constant 0 : index
    %get3A_0 = arith.constant 0 : index
    %get3A_1 = vector.load %arg2[%get3A, %get3A_0] : memref<10000x1xf32, #tpu.memory_space<vmem>>, vector<10000x1xf32>
    %get3A_2 = arith.constant 0 : index
    %get3A_3 = arith.constant 0 : index
    %get3A_4 = arith.constant 0 : index
    %get3A_5 = vector.load %arg0[%get3A_2, %get3A_3, %get3A_4] : memref<2x10240x128xf32, #tpu.memory_space<vmem>>, vector<1x10000x128xf32>
    %get3A_6 = vector.shape_cast %get3A_5 : vector<1x10000x128xf32> to vector<10000x128xf32>
    %get3A_7 = arith.constant 1 : index
    %get3A_8 = arith.constant 0 : index
    %get3A_9 = arith.constant 0 : index
    %get3A_10 = vector.load %arg0[%get3A_7, %get3A_8, %get3A_9] : memref<2x10240x128xf32, #tpu.memory_space<vmem>>, vector<1x10000x128xf32>
    %get3A_11 = vector.shape_cast %get3A_10 : vector<1x10000x128xf32> to vector<10000x128xf32>
    %add3A = arith.addf %get3A_6, %get3A_11 : vector<10000x128xf32>
    %get3A_12 = arith.constant 0 : index
    %get3A_13 = arith.constant 0 : index
    %get3A_14 = vector.load %arg1[%get3A_12, %get3A_13] : memref<10000x128xf32, #tpu.memory_space<vmem>>, vector<10000x128xf32>
    %add3A_15 = arith.addf %add3A, %get3A_14 : vector<10000x128xf32>
    %mul3A = vector.broadcast %get3A_1 : vector<10000x1xf32> to vector<10000x128xf32>
    %mul3A_16 = arith.mulf %add3A_15, %mul3A : vector<10000x128xf32>
    %get3A_17 = arith.constant 0 : index
    %get3A_18 = arith.constant 0 : index
    %get3A_19 = vector.load %arg3[%get3A_17, %get3A_18] : memref<1x128xf32, #tpu.memory_space<vmem>>, vector<1x128xf32>
    %add3A_20 = vector.broadcast %get3A_19 : vector<1x128xf32> to vector<10000x128xf32>
    %add3A_21 = arith.addf %mul3A_16, %add3A_20 : vector<10000x128xf32>
    %reduce_sum3A = arith.constant dense<0.000000e+00> : vector<128xf32>
    %reduce_sum3A_22 = vector.multi_reduction <add>, %add3A_21, %reduce_sum3A [0] : vector<10000x128xf32> to vector<128xf32>
    %broadcast_in_dim3A = vector.shape_cast %reduce_sum3A_22 : vector<128xf32> to vector<1x128xf32>
    %div3A = arith.constant 1.000000e+04 : f32
    %div3A_23 = vector.broadcast %div3A : f32 to vector<1x128xf32>
    %div3A_24 = arith.divf %broadcast_in_dim3A, %div3A_23 : vector<1x128xf32>
    %sub3A = vector.broadcast %div3A_24 : vector<1x128xf32> to vector<10000x128xf32>
    %sub3A_25 = arith.subf %add3A_21, %sub3A : vector<10000x128xf32>
    %mul3A_26 = arith.mulf %sub3A_25, %sub3A_25 : vector<10000x128xf32>
    %reduce_sum3A_27 = arith.constant dense<0.000000e+00> : vector<128xf32>
    %reduce_sum3A_28 = vector.multi_reduction <add>, %mul3A_26, %reduce_sum3A_27 [0] : vector<10000x128xf32> to vector<128xf32>
    %broadcast_in_dim3A_29 = vector.shape_cast %reduce_sum3A_28 : vector<128xf32> to vector<1x128xf32>
    %div3A_30 = arith.constant 1.000000e+04 : f32
    %div3A_31 = vector.broadcast %div3A_30 : f32 to vector<1x128xf32>
    %div3A_32 = arith.divf %broadcast_in_dim3A_29, %div3A_31 : vector<1x128xf32>
    %get3A_33 = arith.constant 0 : index
    %get3A_34 = arith.constant 0 : index
    %get3A_35 = vector.load %arg4[%get3A_33, %get3A_34] : memref<1x128xf32, #tpu.memory_space<vmem>>, vector<1x128xf32>
    %add3A_36 = arith.constant 9.99999974E-6 : f32
    %add3A_37 = vector.broadcast %add3A_36 : f32 to vector<1x128xf32>
    %add3A_38 = arith.addf %div3A_32, %add3A_37 : vector<1x128xf32>
    %rsqrt3A = math.rsqrt %add3A_38 : vector<1x128xf32>
    %mul3A_39 = vector.broadcast %rsqrt3A : vector<1x128xf32> to vector<10000x128xf32>
    %mul3A_40 = arith.mulf %sub3A_25, %mul3A_39 : vector<10000x128xf32>
    %mul3A_41 = vector.broadcast %get3A_35 : vector<1x128xf32> to vector<10000x128xf32>
    %mul3A_42 = arith.mulf %mul3A_41, %mul3A_40 : vector<10000x128xf32>
    %get3A_43 = arith.constant 0 : index
    %get3A_44 = arith.constant 0 : index
    %get3A_45 = vector.load %arg5[%get3A_43, %get3A_44] : memref<1x128xf32, #tpu.memory_space<vmem>>, vector<1x128xf32>
    %add3A_46 = vector.broadcast %get3A_45 : vector<1x128xf32> to vector<10000x128xf32>
    %add3A_47 = arith.addf %mul3A_42, %add3A_46 : vector<10000x128xf32>
    %swap3A = arith.constant 0 : index
    %swap3A_48 = arith.constant 0 : index
    %swap3A_49 = vector.load %arg6[%swap3A, %swap3A_48] : memref<10000x128xf32, #tpu.memory_space<vmem>>, vector<10000x128xf32>
    tpu.vector_store %arg6[%swap3A, %swap3A_48], %add3A_47 {strides = array<i32>} : memref<10000x128xf32, #tpu.memory_space<vmem>>, vector<10000x128xf32>,
    return
  }
}

</mosaic_0001>

<sc_bundles>
// kernel: kernel.11.cloned.1.call-start
scs
__scs_entry_jumppad:
0x0: {  	(pc) =	sbr.rel $0x88, $3  }
0x1: {  	(tag) =	ssettag $0x0;
	lr =	simm.s32 $0x1  }
0x2: {  	[smem:$0x3F97] =	sst lr;
	_ =	strace $0xD0000000  }
0x3: {  	_ = 	snop  }
0x4: {  	_ = 	snop  }
0x5: {  	_ = 	snop  }
0x6: {  	_ = 	snop  }
0x7: {  	_ = 	snop  }
__scs_overlays_trampoline_lowered:
0x8: {  	[smem:$0x3FA6] =	sst s0  }
0x9: {  	[smem:$0x3FA7] =	sst s1  }
0xa: {  	[smem:$0x3FA8] =	sst s2  }
0xb: {  	[smem:$0x3FA9] =	sst s3  }
0xc: {  	[smem:$0x3FAA] =	sst s4  }
0xd: {  	[smem:$0x3FAB] =	sst s5  }
0xe: {  	[smem:$0x3FAC] =	sst s6  }
0xf: {  	[smem:$0x3FAD] =	sst s7  }
0x10: {  	[smem:$0x3FAE] =	sst s8  }
0x11: {  	[smem:$0x3FAF] =	sst s9;
	s0 =	simm.s32 @!p0 $0x0  }
0x12: {  	s1 =	sld [smem:$0x3F95];
	s0 =	simm.s32 @p0 $0x1  }
0x13: {  	[smem:$0x3FB0] =	sst s0;
	s0 =	simm.s32 @!p1 $0x0  }
0x14: {  	s2 =	sld [smem:$0x3F94];
	s0 =	simm.s32 @p1 $0x1  }
0x15: {  	[smem:$0x3FB1] =	sst s0;
	s0 =	simm.s32 @!p2 $0x0  }
0x16: {  	s3 =	sld [smem:$0x3FDB];
	s0 =	simm.s32 @p2 $0x1  }
0x17: {  	s4 =	simm.s32 $0x1BF5;
	[smem:$0x3FB3] =	sst s0  }
0x18: {  	s0 =	sld [smem:$0x3F96];
	_ =	swait.ge [sflag:s4], $0x0  }
0x19: {  	s7 =	sld [smem:$0x3F97]  }
0x1a: {  	s8 =	sadd.s32 $0xFFFFE003, lr  }
0x1b: {  	s9 =	sadd.s32 $0xFFFFFEF7, lr;
	s5 =	simm.s32 $0xFFFFFFFF;
	p2 =	slt.u32 s8, $0xFFFFF086  }
0x1c: {  	p1 =	slt.u32 s9, $0xF7A;
	s5 =	simm.s32 @!p2 $0x0  }
0x1d: {  	s5 =	simm.s32 @p1 $0x1;
	p0 =	seq.s32 s7, s2  }
0x1e: {  	s7 =	smul.u32 @!p0 $0xF7A, s2;
	p2 =	seq.s32 @!p0 s5, $0x0  }
0x1f: {  	s9 =	smul.u32 $0xF7A, s1;
	s8 =	simm.s32 @!p0 $0x1BF5;
	p2 =	por !p2, p0  }
0x20: {  	[sflag:s8] =	ssyncset.s32 @!p0 $0xFFFFF086;
	s6 =	sadd.s32 @!p0 s3, s7;
	s7 =	simm.s32 @!p0 $0x108  }
0x21: {  	s3 =	sadd.s32 s3, s9;
	s6 =	sadd.s32 @!p0 $0x88, s6;
	s7 =	simm.s32 @p2 $0x1082  }
0x22: {  	[simem:s7], [sflag:s8] =	dma.local @!p0 [hbm:s6], $0xF7A  }
0x23: {  	s9 =	sor.u32 $0xD0000000, s2;
	s6 =	simm.s32 $0x108;
	_ =	swait.ge @!p0 [sflag:s8], $0x0  }
0x24: {  	s3 =	sadd.s32 $0x88, s3;
	s6 =	simm.s32 @!p1 $0x1082;
	[sflag:s4] =	ssyncset.s32 $0xFFFFF086  }
0x25: {  	[simem:s6], [sflag:s4] =	dma.local [hbm:s3], $0xF7A  }
0x26: {  	[smem:$0x3F97] =	sst s1;
	(tag) =	ssettag s2;
	_ =	strace s9  }
0x27: {  	s1 =	sld [smem:$0x3FA7]  }
0x28: {  	s2 =	sld [smem:$0x3FA8]  }
0x29: {  	s4 =	sld [smem:$0x3FAA]  }
0x2a: {  	p0 =	seq.s32 s5, $0x0;
	s5 =	sld [smem:$0x3FAB]  }
0x2b: {  	s6 =	sld [smem:$0x3FAC]  }
0x2c: {  	s7 =	sld [smem:$0x3FAD]  }
0x2d: {  	s3 =	simm.s32 $0x108;
	s8 =	sld [smem:$0x3FAE]  }
0x2e: {  	s3 =	simm.s32 @!p0 $0x1082;
	s9 =	sld [smem:$0x3FAF]  }
0x2f: {  	lr =	sadd.s32 s0, s3;
	s0 =	sld [smem:$0x3FA6]  }
0x30: {  	s3 =	sld [smem:$0x3FA9]  }
0x31: {  	[smem:$0x3FB2] =	sst s10  }
0x32: {  	s10 =	sld [smem:$0x3FB0];
	_ =	sdelay $0x3  }
0x33: {  	p0 =	seq.s32 s10, $0x1;
	s10 =	sld [smem:$0x3FB2];
	_ =	sdelay $0x3  }
0x34: {  	[smem:$0x3FB2] =	sst s10  }
0x35: {  	s10 =	sld [smem:$0x3FB1];
	_ =	sdelay $0x3  }
0x36: {  	p1 =	seq.s32 s10, $0x1;
	s10 =	sld [smem:$0x3FB2];
	_ =	sdelay $0x3  }
0x37: {  	[smem:$0x3FB2] =	sst s10  }
0x38: {  	s10 =	sld [smem:$0x3FB3]  }
0x39: {  	_ = 	snop;
	(pc) =	sbr.ind lr, $3  }
0x3a: {  	_ = 	snop  }
0x3b: {  	_ = 	snop  }
0x3c: {  	p2 =	seq.s32 s10, $0x1;
	s10 =	sld [smem:$0x3FB2]  }
0x3d: {  	_ =	shalt  }
0x3e: {  	_ =	shalt  }
0x3f: {  	_ =	shalt  }
0x40: {  	_ =	shalt  }
0x41: {  	_ =	shalt  }
0x42: {  	_ =	shalt  }
0x43: {  	_ =	shalt  }
0x44: {  	_ =	shalt  }
0x45: {  	_ =	shalt  }
0x46: {  	_ =	shalt  }
0x47: {  	_ =	shalt  }
0x48: {  	_ =	shalt  }
0x49: {  	_ =	shalt  }
0x4a: {  	_ =	shalt  }
0x4b: {  	_ =	shalt  }
0x4c: {  	_ =	shalt  }
0x4d: {  	_ =	shalt  }
0x4e: {  	_ =	shalt  }
0x4f: {  	_ =	shalt  }
0x50: {  	_ =	shalt  }
0x51: {  	_ =	shalt  }
0x52: {  	_ =	shalt  }
0x53: {  	_ =	shalt  }
0x54: {  	_ =	shalt  }
0x55: {  	_ =	shalt  }
0x56: {  	_ =	shalt  }
0x57: {  	_ =	shalt  }
0x58: {  	_ =	shalt  }
0x59: {  	_ =	shalt  }
0x5a: {  	_ =	shalt  }
0x5b: {  	_ =	shalt  }
0x5c: {  	_ =	shalt  }
0x5d: {  	_ =	shalt  }
0x5e: {  	_ =	shalt  }
0x5f: {  	_ =	shalt  }
0x60: {  	_ =	shalt  }
0x61: {  	_ =	shalt  }
0x62: {  	_ =	shalt  }
0x63: {  	_ =	shalt  }
0x64: {  	_ =	shalt  }
0x65: {  	_ =	shalt  }
0x66: {  	_ =	shalt  }
0x67: {  	_ =	shalt  }
0x68: {  	_ =	shalt  }
0x69: {  	_ =	shalt  }
0x6a: {  	_ =	shalt  }
0x6b: {  	_ =	shalt  }
0x6c: {  	_ =	shalt  }
0x6d: {  	_ =	shalt  }
0x6e: {  	_ =	shalt  }
0x6f: {  	_ =	shalt  }
0x70: {  	_ =	shalt  }
0x71: {  	_ =	shalt  }
0x72: {  	_ =	shalt  }
0x73: {  	_ =	shalt  }
0x74: {  	_ =	shalt  }
0x75: {  	_ =	shalt  }
0x76: {  	_ =	shalt  }
0x77: {  	_ =	shalt  }
0x78: {  	_ =	shalt  }
0x79: {  	_ =	shalt  }
0x7a: {  	_ =	shalt  }
0x7b: {  	_ =	shalt  }
0x7c: {  	_ =	shalt  }
0x7d: {  	_ =	shalt  }
0x7e: {  	_ =	shalt  }
0x7f: {  	_ =	shalt  }
0x80: {  	_ =	shalt  }
0x81: {  	_ =	shalt  }
0x82: {  	_ =	shalt  }
0x83: {  	_ =	shalt  }
0x84: {  	_ =	shalt  }
0x85: {  	_ =	shalt  }
0x86: {  	_ =	shalt  }
0x87: {  	_ =	shalt  }
.Lfunc_end0:
.L_simem_size_0:
called_computation.1_lowered:
.L_overlay_start_0:
0x88: {  	s2 =	sld [smem:$0x3FD9]  }
0x89: {  	s3 =	sld [smem:$0x3FFE];
	_ =	sdelay $0x1  }
0x8a: {  	s1 =	srdreg.scid  }
0x8b: {  	s0 =	sand.u32 $0x1, s1  }
0x8c: {  	s17 =	sshll.u32 s0, $0xA;
	s2 =	sadd.s32 s3, s2  }
0x8d: {  	s2 =	sadd.s32 s2, s17  }
0x8e: {  	[smem:$0x3FBE] =	sst s2  }
0x8f: {  	_ = 	snop  }
0x90: {  	s2 =	sld [smem:$0x3FD0];
	(tm) =	ssettm $0x1  }
0x91: {  	s18 =	sld [smem:$0x3FFB];
	_ =	sdelay $0x3  }
0x92: {  	_ =	strace s18  }
0x93: {  	s3 =	sld [smem:$0x3FFC];
	_ =	sdelay $0x3  }
0x94: {  	_ =	strace s3  }
0x95: {  	s3 =	sld [smem:$0x3FFD];
	_ =	sdelay $0x3  }
0x96: {  	_ =	strace s3  }
0x97: {  	_ =	strace $0x8FFFFFFF  }
0x98: {  	s19 =	sld [smem:$0x3FDB];
	_ =	sdelay $0x1  }
0x99: {  	s4 =	simm.s32 $_scs_section_size  }
0x9a: {  	s5 =	simm.s32 $_size__tile_overlayer_lowered;
	s6 =	simm.s32 $_tile_overlayer_lowered  }
0x9b: {  	s22 =	simm.s32 $0x1BFF;
	s21 =	sshll.u32 s6, $0x1;
	s3 =	sadd.s32 s4, s19  }
0x9c: {  	s7 =	simm.s32 $0x0;
	s20 =	sshll.u32 s5, $0x1;
	s5 =	sadd.s32 s21, s3  }
0x9d: {  	[timem:s7], [sflag:s22] =	dma.local [hbm:s5], s20  }
0x9e: {  	_ =	swait.ge [sflag:s22], s20  }
0x9f: {  	s4 =	ssub.s32 $0x0, s20;
	[sflag:s22] =	ssyncset.done $0x0  }
0xa0: {  	[sflag:s22] =	ssyncadd.s32 s4;
	_ =	sdelay $0x1  }
0xa1: {  	s23 =	simm.s32 $0x1B8B  }
0xa2: {  	_ =	swait.ge [sflag:s23], $0x1  }
0xa3: {  	[sflag:s23] =	ssyncset.done $0x0  }
0xa4: {  	s25 =	simm.s32 $0x1B8E;
	s24 =	sld [smem:$0x3FFE];
	[sflag:s23] =	ssyncadd.s32 $0xFFFFFFFF  }
0xa5: {  	s26 =	simm.s32 $execute0_lowered;
	[smem:$0x3FD2] =	sst s25  }
0xa6: {  	s5 =	sshll.u32 s26, $0x1;
	_ =	strace $0x80000049;
	[dreg:$0x1] =	wrdreg $0xFFFFFFFF  }
0xa7: {  	s28 =	simm.s32 $_size_execute0_lowered;
	s3 =	sadd.s32 s3, s5;
	[dreg:$0x0] =	wrdreg $0x0  }
0xa8: {  	s5 =	sshll.u32 s28, $0x1;
	[dreg:$0x2] =	wrdreg s3  }
0xa9: {  	[dreg:$0x3] =	wrdreg s5  }
0xaa: {  	[dreg:$0x4] =	wrdreg $0xC0  }
0xab: {  	_ =	task [dreg:s7], $0x5FFFF  }
0xac: {  	[dreg:$0x1] =	wrdreg $0xFFFFFFFF  }
0xad: {  	[dreg:$0x0] =	wrdreg $0x60  }
0xae: {  	[dreg:$0x2] =	wrdreg s2  }
0xaf: {  	[dreg:$0x3] =	wrdreg s24  }
0xb0: {  	[dreg:$0x4] =	wrdreg $0xBC000  }
0xb1: {  	[dreg:$0x5] =	wrdreg $0x9  }
0xb2: {  	_ =	task.clear_ibuf [dreg:s7], $0x6FFFF;
	_ =	strace $0x90000049  }
0xb3: {  	s29 =	simm.s32 $0x9;
	_ =	strace $0x8000004B  }
0xb4: {  	_ =	swait.ge [sflag:s29], $0x1  }
0xb5: {  	[sflag:s29] =	ssyncadd.s32 $0xFFFFFFFF  }
0xb6: {  	_ =	strace $0x9000004B  }
0xb7: {  	_ =	sfence  }
0xb8: {  	s30 =	sld [smem:$0x0];
	_ =	sdelay $0x2  }
0xb9: {  	s31 =	sshll.u32 s1, $0xD;
	s1 =	sshrl.u32 s1, $0x2  }
0xba: {  	s3 =	sand.u32 $0x4000, s31;
	s1 =	sadd.s32 s1, s30  }
0xbb: {  	s0 =	sor.u32 s3, s0;
	s1 =	sshll.u32 s1, $0x11  }
0xbc: {  	s0 =	sor.u32 s1, s0  }
0xbd: {  	s0 =	sadd.s32 $0x8F2B, s0  }
0xbe: {  	[sflag:s0] =	ssyncadd.remote.s32 $0x1  }
0xbf: {  	_ =	sfence.sel $0xFFFF  }
0xc0: {  	[dreg:$0x0] =	wrdreg $0xFFFFFFFF;
	(pc) =	sbr.abs _section_cstart, $3  }
0xc1: {  	[dreg:$0x1] =	wrdreg $0xFFFFFFFF  }
0xc2: {  	_ =	task.clear_ibuf [dreg:s7], $0x2FFFF;
	_ =	strace $0x9FFFFFFF  }
0xc3: {  	(tm) =	ssettm $0x7FFFFFFF  }
tec
execute0_lowered:
.L_overlay_start_1:
0x0: {  	(tag) =	ssettag $0x1  }
0x1: {  	s3 =	rddreg [dreg:$0x0]  }
0x2: {  	s0 =	rddreg [dreg:$0x1]  }
0x3: {  	s21 =	rddreg [dreg:$0x2];
	s11 =	stileid.u32  }
0x4: {  	s2 =	srdreg.scid;
	s7 =	smul.u32 $0x14000, s11  }
0x5: {  	s4 =	simm.s32 $0x0;
	s6 =	sand.u32 $0x1, s2;
	s12 =	smul.u32 $0x2710, s11  }
0x6: {  	[smem:$0x7FF] =	sst s4;
	s2 =	smul.u32 $0x140000, s6  }
0x7: {  	s5 =	sshll.u32 s6, $0x4;
	s26 =	ssub.s32 $0x2, s6;
	s6 =	smul.u32 $0x27100, s6  }
0x8: {  	s1 =	sadd.s32 $0x3200, s0;
	s13 =	sadd.s32 $0xD000, s0;
	_ =	strace $0x8000004A  }
0x9: {  	[dreg:$0x13] =	wrdreg s13;
	s5 =	sor.u32 s11, s5;
	s6 =	sadd.s32 s12, s6  }
0xa: {  	s5 =	smul.u32 $0x2710, s5;
	s2 =	sadd.s32 s7, s2;
	s18 =	sadd.s32 $0x3C0, s6  }
0xb: {  	s8 =	sshrl.u32 s26, $0x1;
	s2 =	sshrl.u32 s2, $0x3;
	s20 =	sshrl.u32 s18, $0x3  }
0xc: {  	s5 =	sshrl.u32 s5, $0x3;
	s2 =	sadd.s32 s2, s0;
	s22 =	sadd.s32 s20, s13  }
0xd: {  	s0 =	ssub.s32 s26, s8;
	s2 =	sadd.s32 $0x16E00, s2;
	[dreg:$0x4] =	wrdreg s22  }
0xe: {  	s9 =	sadd.s32 $0xA, s5;
	s0 =	smax.u32 s0, $0x1;
	[smem:$0x7EB] =	sst s2  }
0xf: {  	s29 =	sadd.s32 s1, s9;
	[smem:$0x7EC] =	sst s0  }
0x10: {  	s31 =	sadd.s32 $0x14, s5;
	s30 =	sadd.s32 s13, s9;
	[dreg:$0x14] =	wrdreg s29  }
0x11: {  	s9 =	sadd.s32 s1, s31;
	[dreg:$0x15] =	wrdreg s30  }
0x12: {  	s10 =	sadd.s32 $0x1E, s5;
	s7 =	sadd.s32 s13, s31;
	[dreg:$0x16] =	wrdreg s9  }
0x13: {  	s14 =	sadd.s32 s1, s10;
	[dreg:$0x17] =	wrdreg s7  }
0x14: {  	s15 =	sadd.s32 $0x28, s5;
	s8 =	sadd.s32 s13, s10;
	[dreg:$0x18] =	wrdreg s14  }
0x15: {  	s17 =	sadd.s32 $0x492, s5;
	s16 =	sadd.s32 s1, s15;
	[dreg:$0x19] =	wrdreg s8  }
0x16: {  	s19 =	sadd.s32 s1, s17;
	[dreg:$0x1a] =	wrdreg s16  }
0x17: {  	s7 =	sadd.s32 s13, s15;
	[dreg:$0x1c] =	wrdreg s19  }
0x18: {  	s10 =	sadd.s32 $0x370, s6;
	s9 =	smov.u32 s1;
	[dreg:$0x1b] =	wrdreg s7  }
0x19: {  	s23 =	sshrl.u32 s10, $0x3;
	s7 =	sadd.s32 s13, s17;
	[dreg:$0x12] =	wrdreg s9  }
0x1a: {  	s25 =	sadd.s32 $0x320, s6;
	s24 =	sadd.s32 s23, s13;
	[dreg:$0x1d] =	wrdreg s7  }
0x1b: {  	s29 =	sshrl.u32 s25, $0x3;
	s26 =	sadd.s32 s23, s1;
	[dreg:$0x6] =	wrdreg s24  }
0x1c: {  	s31 =	sadd.s32 $0x2D0, s6;
	s30 =	sadd.s32 s29, s13;
	[dreg:$0x7] =	wrdreg s26  }
0x1d: {  	s14 =	sshrl.u32 s31, $0x3;
	s12 =	sadd.s32 s29, s1;
	[dreg:$0x8] =	wrdreg s30  }
0x1e: {  	s16 =	sadd.s32 $0x230, s6;
	s15 =	sadd.s32 s14, s13;
	[dreg:$0x9] =	wrdreg s12  }
0x1f: {  	s25 =	sadd.s32 $0x190, s6;
	s17 =	sadd.s32 s14, s1;
	[dreg:$0xa] =	wrdreg s15  }
0x20: {  	s29 =	sshrl.u32 s25, $0x3;
	s25 =	sadd.s32 s1, s5;
	[dreg:$0xb] =	wrdreg s17  }
0x21: {  	s18 =	sshrl.u32 s16, $0x3;
	s7 =	sadd.s32 s20, s1;
	[smem:$0x7E5] =	sst s25  }
0x22: {  	s19 =	sadd.s32 s18, s13;
	[dreg:$0x5] =	wrdreg s7  }
0x23: {  	s8 =	sadd.s32 $0x49C, s5;
	s22 =	sadd.s32 s18, s1;
	[dreg:$0xc] =	wrdreg s19  }
0x24: {  	s30 =	sadd.s32 s1, s8;
	[dreg:$0xd] =	wrdreg s22  }
0x25: {  	s8 =	sadd.s32 s13, s8;
	[dreg:$0x1e] =	wrdreg s30  }
0x26: {  	s31 =	sadd.s32 s29, s13;
	[dreg:$0x1f] =	wrdreg s8  }
0x27: {  	s14 =	sadd.s32 $0x4B0, s5;
	s10 =	sadd.s32 s29, s1;
	[dreg:$0x10] =	wrdreg s31  }
0x28: {  	s17 =	sadd.s32 s1, s14;
	[dreg:$0x11] =	wrdreg s10  }
0x29: {  	s12 =	sadd.s32 $0x4A6, s5;
	s18 =	sadd.s32 s13, s14;
	[smem:$0x7DF] =	sst s17  }
0x2a: {  	s15 =	sadd.s32 s1, s12;
	[smem:$0x7E0] =	sst s18  }
0x2b: {  	s29 =	sadd.s32 $0x4CE, s5;
	s16 =	sadd.s32 s13, s12;
	[smem:$0x7DD] =	sst s15  }
0x2c: {  	s20 =	sadd.s32 $0x1E0, s6;
	s31 =	sadd.s32 s1, s29;
	[smem:$0x7DE] =	sst s16  }
0x2d: {  	s23 =	sshrl.u32 s20, $0x3;
	s12 =	sadd.s32 $0x280, s6;
	[smem:$0x7E7] =	sst s31  }
0x2e: {  	s24 =	sadd.s32 s23, s13;
	[smem:$0x7ED] =	sst s12  }
0x2f: {  	s19 =	sadd.s32 $0x4BA, s5;
	s26 =	sadd.s32 s23, s1;
	[dreg:$0xe] =	wrdreg s24  }
0x30: {  	s22 =	sadd.s32 s1, s19;
	[dreg:$0xf] =	wrdreg s26  }
0x31: {  	s20 =	sadd.s32 $0x4C4, s5;
	s7 =	sadd.s32 s13, s19;
	[smem:$0x7E1] =	sst s22  }
0x32: {  	s23 =	sadd.s32 s1, s20;
	[smem:$0x7E2] =	sst s7  }
0x33: {  	[smem:$0x7E3] =	sst s23;
	s24 =	sadd.s32 s13, s20  }
0x34: {  	s30 =	smul.u32 $0x50000, s11;
	s26 =	sadd.s32 s13, s5;
	[smem:$0x7E4] =	sst s24  }
0x35: {  	s5 =	sadd.s32 $0x4D8, s5;
	s7 =	sadd.s32 s13, s29;
	[smem:$0x7E6] =	sst s26  }
0x36: {  	[smem:$0x7E8] =	sst s7;
	s10 =	sadd.s32 s1, s5  }
0x37: {  	s11 =	sshrl.u32 s30, $0x2;
	s5 =	sadd.s32 s13, s5;
	[smem:$0x7E9] =	sst s10  }
0x38: {  	s28 =	sadd.s32 s11, s21;
	[smem:$0x7EA] =	sst s5  }
0x39: {  	s14 =	sadd.s32 $0x1400, s28;
	[smem:$0x7FD] =	sst s28  }
0x3a: {  	s15 =	sadd.s32 $0x2800, s28;
	[smem:$0x7EE] =	sst s14  }
0x3b: {  	s16 =	sadd.s32 $0x3C00, s28;
	[smem:$0x7EF] =	sst s15  }
0x3c: {  	s17 =	sadd.s32 $0x5000, s28;
	[smem:$0x7F0] =	sst s16  }
0x3d: {  	s18 =	sadd.s32 $0x6400, s28;
	[smem:$0x7F1] =	sst s17  }
0x3e: {  	s19 =	sadd.s32 $0x7800, s28;
	[smem:$0x7F2] =	sst s18  }
0x3f: {  	s20 =	sadd.s32 $0x8C00, s28;
	[smem:$0x7F3] =	sst s19  }
0x40: {  	s22 =	sadd.s32 $0xA000, s28;
	[smem:$0x7F4] =	sst s20  }
0x41: {  	s23 =	sadd.s32 $0xB400, s28;
	[smem:$0x7F5] =	sst s22  }
0x42: {  	s24 =	sadd.s32 $0xC800, s28;
	[smem:$0x7F6] =	sst s23  }
0x43: {  	s25 =	sadd.s32 $0xDC00, s28;
	[smem:$0x7F7] =	sst s24  }
0x44: {  	s26 =	sadd.s32 $0xF000, s28;
	[smem:$0x7F8] =	sst s25  }
0x45: {  	s29 =	sadd.s32 $0x10400, s28;
	[smem:$0x7F9] =	sst s26  }
0x46: {  	s30 =	sadd.s32 $0x11800, s28;
	[smem:$0x7FA] =	sst s29  }
0x47: {  	s0 =	simm.s32 $0x0;
	s31 =	sadd.s32 $0x12C00, s28;
	[smem:$0x7FB] =	sst s30  }
0x48: {  	v0 =	vimm.f32 $0.0e+00;
	s12 =	simm.s32 $0x50;
	[smem:$0x7FC] =	sst s31;
	s22 =	simm.s32 $0x9  }
.LBB2_1:
0x49: {  	[smem:$0x7DC] =	sst s0;
	s20 =	simm.s32 $0x0;
	s24 =	simm.s32 $0x200  }
.LBB2_2:
0x4a: {  	p0 =	sne.s32 s24, $0x4E00;
	[tilespmem:s20+$0xA870] =	vst v0  }
0x4b: {  	[tilespmem:s20+$0xA800] =	vst v0  }
0x4c: {  	[tilespmem:s20+$0xA810] =	vst v0  }
.Ltmp0:
0x4d: {  	[tilespmem:s20+$0xA820] =	vst v0;
	(pc) =	sbr.rel @p0 .LBB2_2-.Ltmp0, $4  }
0x4e: {  	[tilespmem:s20+$0xA830] =	vst v0  }
0x4f: {  	[tilespmem:s20+$0xA840] =	vst v0  }
0x50: {  	[tilespmem:s20+$0xA850] =	vst v0  }
0x51: {  	[tilespmem:s20+$0xA860] =	vst v0;
	s20 =	sshra.s32 s24, $0x2;
	s24 =	sadd.s32 $0x200, s24  }
0x52: {  	[tilespmem:s20+$0xA870] =	vst v0  }
0x53: {  	[tilespmem:s20+$0xA800] =	vst v0  }
0x54: {  	[tilespmem:s20+$0xA810] =	vst v0  }
0x55: {  	[tilespmem:s20+$0xA820] =	vst v0  }
0x56: {  	[tilespmem:s20+$0xA830] =	vst v0  }
0x57: {  	[tilespmem:s20+$0xA840] =	vst v0  }
0x58: {  	[tilespmem:s20+$0xA850] =	vst v0  }
0x59: {  	[tilespmem:s20+$0xA860] =	vst v0;
	s5 =	simm.s32 $0xA800;
	s1 =	simm.s32 $0x11  }
0x5a: {  	[spmem:s28] =	stream.linear.scatter [tilespmem:s5], [sflag:$0x11], $0x1400, $0x38;
	[tilespmem:$0x1FC00] =	vst v63  }
0x5b: {  	_ =	swait.ge [sflag:s1], $0x1400  }
0x5c: {  	s0 =	sld [smem:$0x7EE]  }
0x5d: {  	[sflag:s1] =	ssyncset.done $0x0  }
0x5e: {  	[sflag:s1] =	ssyncadd.s32 $0xFFFFEC00  }
0x5f: {  	[spmem:s0] =	stream.linear.scatter [tilespmem:s5], [sflag:$0x11], $0x1400, $0x38;
	[tilespmem:$0x1FC00] =	vst v63  }
0x60: {  	_ =	swait.ge [sflag:s1], $0x1400  }
0x61: {  	s2 =	sld [smem:$0x7EF]  }
0x62: {  	[sflag:s1] =	ssyncset.done $0x0  }
0x63: {  	[sflag:s1] =	ssyncadd.s32 $0xFFFFEC00  }
0x64: {  	[spmem:s2] =	stream.linear.scatter [tilespmem:s5], [sflag:$0x11], $0x1400, $0x38;
	[tilespmem:$0x1FC00] =	vst v63  }
0x65: {  	_ =	swait.ge [sflag:s1], $0x1400  }
0x66: {  	s6 =	sld [smem:$0x7F0]  }
0x67: {  	[sflag:s1] =	ssyncset.done $0x0  }
0x68: {  	[sflag:s1] =	ssyncadd.s32 $0xFFFFEC00  }
0x69: {  	[spmem:s6] =	stream.linear.scatter [tilespmem:s5], [sflag:$0x11], $0x1400, $0x38;
	[tilespmem:$0x1FC00] =	vst v63  }
0x6a: {  	_ =	swait.ge [sflag:s1], $0x1400  }
0x6b: {  	s7 =	sld [smem:$0x7F1]  }
0x6c: {  	[sflag:s1] =	ssyncset.done $0x0  }
0x6d: {  	[sflag:s1] =	ssyncadd.s32 $0xFFFFEC00  }
0x6e: {  	[spmem:s7] =	stream.linear.scatter [tilespmem:s5], [sflag:$0x11], $0x1400, $0x38;
	[tilespmem:$0x1FC00] =	vst v63  }
0x6f: {  	_ =	swait.ge [sflag:s1], $0x1400  }
0x70: {  	s8 =	sld [smem:$0x7F2]  }
0x71: {  	[sflag:s1] =	ssyncset.done $0x0  }
0x72: {  	[sflag:s1] =	ssyncadd.s32 $0xFFFFEC00  }
0x73: {  	[spmem:s8] =	stream.linear.scatter [tilespmem:s5], [sflag:$0x11], $0x1400, $0x38;
	[tilespmem:$0x1FC00] =	vst v63  }
0x74: {  	_ =	swait.ge [sflag:s1], $0x1400  }
0x75: {  	s10 =	sld [smem:$0x7F3]  }
0x76: {  	[sflag:s1] =	ssyncset.done $0x0  }
0x77: {  	[sflag:s1] =	ssyncadd.s32 $0xFFFFEC00  }
0x78: {  	[spmem:s10] =	stream.linear.scatter [tilespmem:s5], [sflag:$0x11], $0x1400, $0x38;
	[tilespmem:$0x1FC00] =	vst v63  }
0x79: {  	_ =	swait.ge [sflag:s1], $0x1400  }
0x7a: {  	s11 =	sld [smem:$0x7F4]  }
0x7b: {  	[sflag:s1] =	ssyncset.done $0x0  }
0x7c: {  	[sflag:s1] =	ssyncadd.s32 $0xFFFFEC00  }
0x7d: {  	[spmem:s11] =	stream.linear.scatter [tilespmem:s5], [sflag:$0x11], $0x1400, $0x38;
	[tilespmem:$0x1FC00] =	vst v63  }
0x7e: {  	_ =	swait.ge [sflag:s1], $0x1400  }
0x7f: {  	s13 =	sld [smem:$0x7F5]  }
0x80: {  	[sflag:s1] =	ssyncset.done $0x0  }
0x81: {  	[sflag:s1] =	ssyncadd.s32 $0xFFFFEC00  }
0x82: {  	[spmem:s13] =	stream.linear.scatter [tilespmem:s5], [sflag:$0x11], $0x1400, $0x38;
	[tilespmem:$0x1FC00] =	vst v63  }
0x83: {  	_ =	swait.ge [sflag:s1], $0x1400  }
0x84: {  	s14 =	sld [smem:$0x7F6]  }
0x85: {  	[sflag:s1] =	ssyncset.done $0x0  }
0x86: {  	[sflag:s1] =	ssyncadd.s32 $0xFFFFEC00  }
0x87: {  	[spmem:s14] =	stream.linear.scatter [tilespmem:s5], [sflag:$0x11], $0x1400, $0x38;
	[tilespmem:$0x1FC00] =	vst v63  }
0x88: {  	_ =	swait.ge [sflag:s1], $0x1400  }
0x89: {  	s15 =	sld [smem:$0x7F7]  }
0x8a: {  	[sflag:s1] =	ssyncset.done $0x0  }
0x8b: {  	[sflag:s1] =	ssyncadd.s32 $0xFFFFEC00  }
0x8c: {  	[spmem:s15] =	stream.linear.scatter [tilespmem:s5], [sflag:$0x11], $0x1400, $0x38;
	[tilespmem:$0x1FC00] =	vst v63  }
0x8d: {  	_ =	swait.ge [sflag:s1], $0x1400  }
0x8e: {  	s16 =	sld [smem:$0x7F8]  }
0x8f: {  	[sflag:s1] =	ssyncset.done $0x0  }
0x90: {  	[sflag:s1] =	ssyncadd.s32 $0xFFFFEC00  }
0x91: {  	[spmem:s16] =	stream.linear.scatter [tilespmem:s5], [sflag:$0x11], $0x1400, $0x38;
	[tilespmem:$0x1FC00] =	vst v63  }
0x92: {  	_ =	swait.ge [sflag:s1], $0x1400  }
0x93: {  	s17 =	sld [smem:$0x7F9]  }
0x94: {  	[sflag:s1] =	ssyncset.done $0x0  }
0x95: {  	[sflag:s1] =	ssyncadd.s32 $0xFFFFEC00  }
0x96: {  	[spmem:s17] =	stream.linear.scatter [tilespmem:s5], [sflag:$0x11], $0x1400, $0x38;
	[tilespmem:$0x1FC00] =	vst v63  }
0x97: {  	_ =	swait.ge [sflag:s1], $0x1400  }
0x98: {  	s18 =	sld [smem:$0x7FA]  }
0x99: {  	[sflag:s1] =	ssyncset.done $0x0  }
0x9a: {  	[sflag:s1] =	ssyncadd.s32 $0xFFFFEC00  }
0x9b: {  	[spmem:s18] =	stream.linear.scatter [tilespmem:s5], [sflag:$0x11], $0x1400, $0x38;
	[tilespmem:$0x1FC00] =	vst v63  }
0x9c: {  	_ =	swait.ge [sflag:s1], $0x1400  }
0x9d: {  	s19 =	sld [smem:$0x7FB]  }
0x9e: {  	[sflag:s1] =	ssyncset.done $0x0  }
0x9f: {  	[sflag:s1] =	ssyncadd.s32 $0xFFFFEC00  }
0xa0: {  	[spmem:s19] =	stream.linear.scatter [tilespmem:s5], [sflag:$0x11], $0x1400, $0x38;
	[tilespmem:$0x1FC00] =	vst v63  }
0xa1: {  	_ =	swait.ge [sflag:s1], $0x1400  }
0xa2: {  	s23 =	sld [smem:$0x7FC]  }
0xa3: {  	[sflag:s1] =	ssyncset.done $0x0  }
0xa4: {  	[sflag:s1] =	ssyncadd.s32 $0xFFFFEC00  }
0xa5: {  	[spmem:s23] =	stream.linear.scatter [tilespmem:s5], [sflag:$0x11], $0x1400, $0x38;
	[tilespmem:$0x1FC00] =	vst v63  }
0xa6: {  	_ =	swait.ge [sflag:s1], $0x1400  }
0xa7: {  	[sflag:s1] =	ssyncset.done $0x0  }
0xa8: {  	[sflag:s1] =	ssyncadd.s32 $0xFFFFEC00  }
0xa9: {  	[bflag:$0x0] =	sbarrier.arrive $0xFFFF  }
0xaa: {  	s25 =	sld [smem:$0x7E5];
	_ =	sdelay $0x1  }
0xab: {  	s24 =	simm.s32 $0x0;
	s26 =	sld [smem:$0x7E6]  }
0xac: {  	[tilespmem:s24], [sflag:$0x9] =	stream.linear.gather [hbm4b:s25+s24], $0x50, $0x38;
	[tilespmem:$0x1FC00] =	vst v63  }
0xad: {  	s1 =	simm.s32 $0x400  }
0xae: {  	[tilespmem:s1], [sflag:$0x9] =	stream.linear.gather [hbm4b:s26+s24], $0x50, $0x38;
	[tilespmem:$0x1FC00] =	vst v63  }
0xaf: {  	s30 =	simm.s32 $0x80;
	s29 =	rddreg [dreg:$0x14]  }
0xb0: {  	[tilespmem:s30], [sflag:$0xA] =	stream.linear.gather [hbm4b:s29+s24], $0x50, $0x38;
	[tilespmem:$0x1FC00] =	vst v63  }
0xb1: {  	s31 =	simm.s32 $0x480;
	s1 =	rddreg [dreg:$0x15]  }
0xb2: {  	[tilespmem:s31], [sflag:$0xA] =	stream.linear.gather [hbm4b:s1+s24], $0x50, $0x38;
	[tilespmem:$0x1FC00] =	vst v63  }
0xb3: {  	s7 =	simm.s32 $0x100;
	s5 =	rddreg [dreg:$0x16]  }
0xb4: {  	[tilespmem:s7], [sflag:$0xB] =	stream.linear.gather [hbm4b:s5+s24], $0x50, $0x38;
	[tilespmem:$0x1FC00] =	vst v63  }
0xb5: {  	s11 =	simm.s32 $0x500;
	s10 =	rddreg [dreg:$0x17]  }
0xb6: {  	[tilespmem:s11], [sflag:$0xB] =	stream.linear.gather [hbm4b:s10+s24], $0x50, $0x38;
	[tilespmem:$0x1FC00] =	vst v63  }
0xb7: {  	s28 =	simm.s32 $0x180;
	s13 =	rddreg [dreg:$0x18]  }
0xb8: {  	[tilespmem:s28], [sflag:$0xC] =	stream.linear.gather [hbm4b:s13+s24], $0x50, $0x38;
	[tilespmem:$0x1FC00] =	vst v63  }
0xb9: {  	s15 =	simm.s32 $0x580;
	s14 =	rddreg [dreg:$0x19]  }
0xba: {  	[tilespmem:s15], [sflag:$0xC] =	stream.linear.gather [hbm4b:s14+s24], $0x50, $0x38;
	[tilespmem:$0x1FC00] =	vst v63  }
0xbb: {  	_ =	swait.ge [sflag:s22], $0x50  }
0xbc: {  	[sflag:s22] =	ssyncset.done $0x0  }
0xbd: {  	[sflag:s22] =	ssyncadd.s32 $0xFFFFFFB0  }
0xbe: {  	_ =	swait.ge [sflag:s22], $0x50  }
0xbf: {  	[sflag:s22] =	ssyncset.done $0x0  }
0xc0: {  	s1 =	simm.s32 $0xA;
	s15 =	simm.s32 $0x800;
	[sflag:s22] =	ssyncadd.s32 $0xFFFFFFB0  }
0xc1: {  	[tilespmem:s15], [sflag:$0x1] =	stream.indirect.gather [hbm4b:s3+s12], $0x80, s24, s12, $0xb8;
	[tilespmem:$0x1FC00] =	vst v63  }
0xc2: {  	_ =	swait.ge [sflag:s1], $0x50  }
0xc3: {  	[sflag:s1] =	ssyncset.done $0x0  }
0xc4: {  	[sflag:s1] =	ssyncadd.s32 $0xFFFFFFB0  }
0xc5: {  	_ =	swait.ge [sflag:s1], $0x50  }
0xc6: {  	s6 =	simm.s32 $0x80;
	[sflag:s1] =	ssyncset.done $0x0  }
0xc7: {  	s17 =	simm.s32 $0x3000;
	s30 =	simm.s32 $0xB;
	[sflag:s1] =	ssyncadd.s32 $0xFFFFFFB0  }
0xc8: {  	[tilespmem:s17], [sflag:$0x2] =	stream.indirect.gather [hbm4b:s3+s12], $0x80, s6, s12, $0xb8;
	[tilespmem:$0x1FC00] =	vst v63  }
0xc9: {  	_ =	swait.ge [sflag:s30], $0x50  }
0xca: {  	[sflag:s30] =	ssyncset.done $0x0  }
0xcb: {  	[sflag:s30] =	ssyncadd.s32 $0xFFFFFFB0  }
0xcc: {  	_ =	swait.ge [sflag:s30], $0x50  }
0xcd: {  	[sflag:s30] =	ssyncset.done $0x0  }
0xce: {  	s8 =	simm.s32 $0x100;
	s14 =	simm.s32 $0x5800;
	[sflag:s30] =	ssyncadd.s32 $0xFFFFFFB0  }
0xcf: {  	[tilespmem:s14], [sflag:$0x3] =	stream.indirect.gather [hbm4b:s3+s12], $0x80, s8, s12, $0xb8;
	[tilespmem:$0x1FC00] =	vst v63  }
0xd0: {  	s8 =	simm.s32 $0x1  }
0xd1: {  	_ =	swait.ge [sflag:s8], $0x2800  }
0xd2: {  	[sflag:s8] =	ssyncset.done $0x0  }
0xd3: {  	s2 =	simm.s32 $0x400;
	[sflag:s8] =	ssyncadd.s32 $0xFFFFD800  }
0xd4: {  	[spmem:s21] =	stream.indirect.scatter.add.f32 [tilespmem:s15], [sflag:$0x5], $0x80, s2, s12, $0xb8;
	[tilespmem:$0x1FC00] =	vst v63  }
0xd5: {  	s18 =	simm.s32 $0x200;
	s16 =	rddreg [dreg:$0x1a]  }
0xd6: {  	[tilespmem:s18], [sflag:$0xD] =	stream.linear.gather [hbm4b:s16+s24], $0x50, $0x38;
	[tilespmem:$0x1FC00] =	vst v63  }
0xd7: {  	s26 =	simm.s32 $0x600;
	s25 =	rddreg [dreg:$0x1b]  }
0xd8: {  	[tilespmem:s26], [sflag:$0xD] =	stream.linear.gather [hbm4b:s25+s24], $0x50, $0x38;
	[tilespmem:$0x1FC00] =	vst v63  }
0xd9: {  	s26 =	simm.s32 $0xC  }
0xda: {  	_ =	swait.ge [sflag:s26], $0x50  }
0xdb: {  	[sflag:s26] =	ssyncset.done $0x0  }
0xdc: {  	[sflag:s26] =	ssyncadd.s32 $0xFFFFFFB0  }
0xdd: {  	_ =	swait.ge [sflag:s26], $0x50  }
0xde: {  	[sflag:s26] =	ssyncset.done $0x0  }
0xdf: {  	s22 =	simm.s32 $0x8000;
	s25 =	simm.s32 $0x2;
	[sflag:s26] =	ssyncadd.s32 $0xFFFFFFB0  }
0xe0: {  	[tilespmem:s22], [sflag:$0x4] =	stream.indirect.gather [hbm4b:s3+s12], $0x80, s28, s12, $0xb8;
	[tilespmem:$0x1FC00] =	vst v63  }
0xe1: {  	_ =	swait.ge [sflag:s25], $0x2800  }
0xe2: {  	[sflag:s25] =	ssyncset.done $0x0  }
0xe3: {  	s29 =	rddreg [dreg:$0x11];
	[sflag:s25] =	ssyncadd.s32 $0xFFFFD800  }
0xe4: {  	[spmem:s21] =	stream.indirect.scatter.add.f32 [tilespmem:s17], [sflag:$0x6], $0x80, s31, s12, $0xb8;
	[tilespmem:$0x1FC00] =	vst v63  }
0xe5: {  	s5 =	simm.s32 $0x280;
	s24 =	rddreg [dreg:$0x10];
	s20 =	sadd.s32 $0x0, s29  }
0xe6: {  	[tilespmem:s5], [sflag:$0xE] =	stream.linear.gather [hbm4b:s20+s4], $0x50, $0x38;
	[tilespmem:$0x1FC00] =	vst v63  }
0xe7: {  	s23 =	simm.s32 $0x680;
	s10 =	simm.s32 $0x5;
	s0 =	sadd.s32 $0x0, s24  }
0xe8: {  	[tilespmem:s23], [sflag:$0xE] =	stream.linear.gather [hbm4b:s0+s4], $0x50, $0x38;
	[tilespmem:$0x1FC00] =	vst v63  }
0xe9: {  	_ =	swait.ge [sflag:s10], $0x2800  }
0xea: {  	[sflag:s10] =	ssyncset.done $0x0  }
0xeb: {  	s2 =	simm.s32 $0xD;
	[sflag:s10] =	ssyncadd.s32 $0xFFFFD800  }
0xec: {  	_ =	swait.ge [sflag:s2], $0x50  }
0xed: {  	[sflag:s2] =	ssyncset.done $0x0  }
0xee: {  	[sflag:s2] =	ssyncadd.s32 $0xFFFFFFB0  }
0xef: {  	_ =	swait.ge [sflag:s2], $0x50  }
0xf0: {  	[sflag:s2] =	ssyncset.done $0x0  }
0xf1: {  	s19 =	simm.s32 $0x200;
	s16 =	simm.s32 $0x3;
	[sflag:s2] =	ssyncadd.s32 $0xFFFFFFB0  }
0xf2: {  	[tilespmem:s15], [sflag:$0x1] =	stream.indirect.gather [hbm4b:s3+s12], $0x80, s19, s12, $0xb8;
	[tilespmem:$0x1FC00] =	vst v63  }
0xf3: {  	_ =	swait.ge [sflag:s16], $0x2800  }
0xf4: {  	[sflag:s16] =	ssyncset.done $0x0  }
0xf5: {  	s7 =	simm.s32 $0x500;
	s6 =	rddreg [dreg:$0xf];
	[sflag:s16] =	ssyncadd.s32 $0xFFFFD800  }
0xf6: {  	[spmem:s21] =	stream.indirect.scatter.add.f32 [tilespmem:s14], [sflag:$0x7], $0x80, s7, s12, $0xb8;
	[tilespmem:$0x1FC00] =	vst v63  }
0xf7: {  	s0 =	simm.s32 $0x300;
	s18 =	rddreg [dreg:$0xe];
	s20 =	sadd.s32 $0x0, s6  }
0xf8: {  	[tilespmem:s0], [sflag:$0xF] =	stream.linear.gather [hbm4b:s20+s4], $0x50, $0x38;
	[tilespmem:$0x1FC00] =	vst v63  }
0xf9: {  	s29 =	simm.s32 $0x700;
	s2 =	simm.s32 $0x6;
	s19 =	sadd.s32 $0x0, s18  }
0xfa: {  	[tilespmem:s29], [sflag:$0xF] =	stream.linear.gather [hbm4b:s19+s4], $0x50, $0x38;
	[tilespmem:$0x1FC00] =	vst v63  }
0xfb: {  	_ =	swait.ge [sflag:s2], $0x2800  }
0xfc: {  	[sflag:s2] =	ssyncset.done $0x0  }
0xfd: {  	s24 =	simm.s32 $0xE;
	[sflag:s2] =	ssyncadd.s32 $0xFFFFD800  }
0xfe: {  	_ =	swait.ge [sflag:s24], $0x50  }
0xff: {  	[sflag:s24] =	ssyncset.done $0x0  }
0x100: {  	[sflag:s24] =	ssyncadd.s32 $0xFFFFFFB0  }
0x101: {  	_ =	swait.ge [sflag:s24], $0x50  }
0x102: {  	[sflag:s24] =	ssyncset.done $0x0  }
0x103: {  	s7 =	simm.s32 $0x4;
	[sflag:s24] =	ssyncadd.s32 $0xFFFFFFB0  }
0x104: {  	[tilespmem:s17], [sflag:$0x2] =	stream.indirect.gather [hbm4b:s3+s12], $0x80, s5, s12, $0xb8;
	[tilespmem:$0x1FC00] =	vst v63  }
0x105: {  	_ =	swait.ge [sflag:s7], $0x2800  }
0x106: {  	[sflag:s7] =	ssyncset.done $0x0  }
0x107: {  	s13 =	simm.s32 $0x580;
	s6 =	rddreg [dreg:$0xd];
	[sflag:s7] =	ssyncadd.s32 $0xFFFFD800  }
0x108: {  	[spmem:s21] =	stream.indirect.scatter.add.f32 [tilespmem:s22], [sflag:$0x8], $0x80, s13, s12, $0xb8;
	[tilespmem:$0x1FC00] =	vst v63  }
0x109: {  	s18 =	rddreg [dreg:$0xc];
	s20 =	sadd.s32 $0x0, s6;
	s6 =	simm.s32 $0x380  }
0x10a: {  	[tilespmem:s6], [sflag:$0x10] =	stream.linear.gather [hbm4b:s20+s4], $0x50, $0x38;
	[tilespmem:$0x1FC00] =	vst v63  }
0x10b: {  	s19 =	sadd.s32 $0x0, s18;
	s18 =	simm.s32 $0x780  }
0x10c: {  	[tilespmem:s18], [sflag:$0x10] =	stream.linear.gather [hbm4b:s19+s4], $0x50, $0x38;
	[tilespmem:$0x1FC00] =	vst v63  }
0x10d: {  	s19 =	simm.s32 $0x7  }
0x10e: {  	_ =	swait.ge [sflag:s19], $0x2800  }
0x10f: {  	[sflag:s19] =	ssyncset.done $0x0  }
0x110: {  	s24 =	simm.s32 $0xF;
	[sflag:s19] =	ssyncadd.s32 $0xFFFFD800  }
0x111: {  	_ =	swait.ge [sflag:s24], $0x50  }
0x112: {  	[sflag:s24] =	ssyncset.done $0x0  }
0x113: {  	[sflag:s24] =	ssyncadd.s32 $0xFFFFFFB0  }
0x114: {  	_ =	swait.ge [sflag:s24], $0x50  }
0x115: {  	[sflag:s24] =	ssyncset.done $0x0  }
0x116: {  	[sflag:s24] =	ssyncadd.s32 $0xFFFFFFB0  }
0x117: {  	[tilespmem:s14], [sflag:$0x3] =	stream.indirect.gather [hbm4b:s3+s12], $0x80, s0, s12, $0xb8;
	[tilespmem:$0x1FC00] =	vst v63  }
0x118: {  	_ =	swait.ge [sflag:s8], $0x2800  }
0x119: {  	[sflag:s8] =	ssyncset.done $0x0;
	s13 =	sld [smem:$0x7ED]  }
0x11a: {  	s11 =	simm.s32 $0x600;
	[sflag:s8] =	ssyncadd.s32 $0xFFFFD800  }
0x11b: {  	[spmem:s21] =	stream.indirect.scatter.add.f32 [tilespmem:s15], [sflag:$0x5], $0x80, s11, s12, $0xb8;
	[tilespmem:$0x1FC00] =	vst v63  }
0x11c: {  	s20 =	sshrl.u32 s13, $0x3  }
0x11d: {  	s5 =	rddreg [dreg:$0x13];
	s0 =	sadd.s32 s9, s20  }
0x11e: {  	[tilespmem:s4], [sflag:$0x9] =	stream.linear.gather [hbm4b:s0+s4], $0x50, $0x38;
	[tilespmem:$0x1FC00] =	vst v63  }
0x11f: {  	s20 =	sadd.s32 s5, s20;
	s9 =	simm.s32 $0x400;
	s5 =	simm.s32 $0x8  }
0x120: {  	[tilespmem:s9], [sflag:$0x9] =	stream.linear.gather [hbm4b:s20+s4], $0x50, $0x38;
	[tilespmem:$0x1FC00] =	vst v63  }
0x121: {  	_ =	swait.ge [sflag:s5], $0x2800  }
0x122: {  	[sflag:s5] =	ssyncset.done $0x0  }
0x123: {  	s0 =	simm.s32 $0x10;
	[sflag:s5] =	ssyncadd.s32 $0xFFFFD800  }
0x124: {  	_ =	swait.ge [sflag:s0], $0x50  }
0x125: {  	[sflag:s0] =	ssyncset.done $0x0  }
0x126: {  	[sflag:s0] =	ssyncadd.s32 $0xFFFFFFB0  }
0x127: {  	_ =	swait.ge [sflag:s0], $0x50  }
0x128: {  	[sflag:s0] =	ssyncset.done $0x0  }
0x129: {  	[sflag:s0] =	ssyncadd.s32 $0xFFFFFFB0  }
0x12a: {  	[tilespmem:s22], [sflag:$0x4] =	stream.indirect.gather [hbm4b:s3+s12], $0x80, s6, s12, $0xb8;
	[tilespmem:$0x1FC00] =	vst v63  }
0x12b: {  	_ =	swait.ge [sflag:s25], $0x2800  }
0x12c: {  	[sflag:s25] =	ssyncset.done $0x0  }
0x12d: {  	s24 =	rddreg [dreg:$0xb];
	[sflag:s25] =	ssyncadd.s32 $0xFFFFD800  }
0x12e: {  	[spmem:s21] =	stream.indirect.scatter.add.f32 [tilespmem:s17], [sflag:$0x6], $0x80, s23, s12, $0xb8;
	[tilespmem:$0x1FC00] =	vst v63  }
0x12f: {  	s6 =	simm.s32 $0x80;
	s25 =	rddreg [dreg:$0xa];
	s20 =	sadd.s32 $0x0, s24  }
0x130: {  	[tilespmem:s6], [sflag:$0xA] =	stream.linear.gather [hbm4b:s20+s4], $0x50, $0x38;
	[tilespmem:$0x1FC00] =	vst v63  }
0x131: {  	s9 =	sadd.s32 $0x0, s25  }
0x132: {  	[tilespmem:s31], [sflag:$0xA] =	stream.linear.gather [hbm4b:s9+s4], $0x50, $0x38;
	[tilespmem:$0x1FC00] =	vst v63  }
0x133: {  	_ =	swait.ge [sflag:s10], $0x2800  }
0x134: {  	[sflag:s10] =	ssyncset.done $0x0  }
0x135: {  	s11 =	simm.s32 $0x9;
	[sflag:s10] =	ssyncadd.s32 $0xFFFFD800  }
0x136: {  	_ =	swait.ge [sflag:s11], $0x50  }
0x137: {  	[sflag:s11] =	ssyncset.done $0x0  }
0x138: {  	[sflag:s11] =	ssyncadd.s32 $0xFFFFFFB0  }
0x139: {  	_ =	swait.ge [sflag:s11], $0x50  }
0x13a: {  	[sflag:s11] =	ssyncset.done $0x0  }
0x13b: {  	[sflag:s11] =	ssyncadd.s32 $0xFFFFFFB0  }
0x13c: {  	[tilespmem:s15], [sflag:$0x1] =	stream.indirect.gather [hbm4b:s3+s12], $0x80, s4, s12, $0xb8;
	[tilespmem:$0x1FC00] =	vst v63  }
0x13d: {  	_ =	swait.ge [sflag:s16], $0x2800  }
0x13e: {  	[sflag:s16] =	ssyncset.done $0x0  }
0x13f: {  	s11 =	rddreg [dreg:$0x9];
	[sflag:s16] =	ssyncadd.s32 $0xFFFFD800  }
0x140: {  	[spmem:s21] =	stream.indirect.scatter.add.f32 [tilespmem:s14], [sflag:$0x7], $0x80, s29, s12, $0xb8;
	[tilespmem:$0x1FC00] =	vst v63  }
0x141: {  	s25 =	simm.s32 $0x100;
	s22 =	rddreg [dreg:$0x8];
	s20 =	sadd.s32 $0x0, s11  }
0x142: {  	[tilespmem:s25], [sflag:$0xB] =	stream.linear.gather [hbm4b:s20+s4], $0x50, $0x38;
	[tilespmem:$0x1FC00] =	vst v63  }
0x143: {  	s9 =	simm.s32 $0x500;
	s29 =	sadd.s32 $0x0, s22  }
0x144: {  	[tilespmem:s9], [sflag:$0xB] =	stream.linear.gather [hbm4b:s29+s4], $0x50, $0x38;
	[tilespmem:$0x1FC00] =	vst v63  }
0x145: {  	_ =	swait.ge [sflag:s2], $0x2800  }
0x146: {  	[sflag:s2] =	ssyncset.done $0x0  }
0x147: {  	[sflag:s2] =	ssyncadd.s32 $0xFFFFD800  }
0x148: {  	_ =	swait.ge [sflag:s1], $0x50  }
0x149: {  	[sflag:s1] =	ssyncset.done $0x0  }
0x14a: {  	[sflag:s1] =	ssyncadd.s32 $0xFFFFFFB0  }
0x14b: {  	_ =	swait.ge [sflag:s1], $0x50  }
0x14c: {  	[sflag:s1] =	ssyncset.done $0x0  }
0x14d: {  	s15 =	simm.s32 $0x3000;
	[sflag:s1] =	ssyncadd.s32 $0xFFFFFFB0  }
0x14e: {  	[tilespmem:s15], [sflag:$0x2] =	stream.indirect.gather [hbm4b:s3+s12], $0x80, s6, s12, $0xb8;
	[tilespmem:$0x1FC00] =	vst v63  }
0x14f: {  	_ =	swait.ge [sflag:s7], $0x2800  }
0x150: {  	[sflag:s7] =	ssyncset.done $0x0  }
0x151: {  	s17 =	simm.s32 $0x8000;
	s10 =	rddreg [dreg:$0x7];
	[sflag:s7] =	ssyncadd.s32 $0xFFFFD800  }
0x152: {  	[spmem:s21] =	stream.indirect.scatter.add.f32 [tilespmem:s17], [sflag:$0x8], $0x80, s18, s12, $0xb8;
	[tilespmem:$0x1FC00] =	vst v63  }
0x153: {  	s11 =	rddreg [dreg:$0x6];
	s20 =	sadd.s32 $0x0, s10  }
0x154: {  	[tilespmem:s28], [sflag:$0xC] =	stream.linear.gather [hbm4b:s20+s4], $0x50, $0x38;
	[tilespmem:$0x1FC00] =	vst v63  }
0x155: {  	s16 =	sadd.s32 $0x0, s11;
	s18 =	simm.s32 $0x580  }
0x156: {  	[tilespmem:s18], [sflag:$0xC] =	stream.linear.gather [hbm4b:s16+s4], $0x50, $0x38;
	[tilespmem:$0x1FC00] =	vst v63  }
0x157: {  	_ =	swait.ge [sflag:s19], $0x2800  }
0x158: {  	[sflag:s19] =	ssyncset.done $0x0  }
0x159: {  	[sflag:s19] =	ssyncadd.s32 $0xFFFFD800  }
0x15a: {  	_ =	swait.ge [sflag:s30], $0x50  }
0x15b: {  	[sflag:s30] =	ssyncset.done $0x0  }
0x15c: {  	[sflag:s30] =	ssyncadd.s32 $0xFFFFFFB0  }
0x15d: {  	_ =	swait.ge [sflag:s30], $0x50  }
0x15e: {  	[sflag:s30] =	ssyncset.done $0x0  }
0x15f: {  	[sflag:s30] =	ssyncadd.s32 $0xFFFFFFB0  }
0x160: {  	[tilespmem:s14], [sflag:$0x3] =	stream.indirect.gather [hbm4b:s3+s12], $0x80, s25, s12, $0xb8;
	[tilespmem:$0x1FC00] =	vst v63  }
0x161: {  	_ =	swait.ge [sflag:s8], $0x2800  }
0x162: {  	s23 =	simm.s32 $0x400;
	[sflag:s8] =	ssyncset.done $0x0  }
0x163: {  	s31 =	simm.s32 $0x800;
	s19 =	rddreg [dreg:$0x5];
	[sflag:s8] =	ssyncadd.s32 $0xFFFFD800  }
0x164: {  	[spmem:s21] =	stream.indirect.scatter.add.f32 [tilespmem:s31], [sflag:$0x5], $0x80, s23, s12, $0xb8;
	[tilespmem:$0x1FC00] =	vst v63  }
0x165: {  	s25 =	simm.s32 $0x200;
	s22 =	rddreg [dreg:$0x4];
	s20 =	sadd.s32 $0x0, s19  }
0x166: {  	[tilespmem:s25], [sflag:$0xD] =	stream.linear.gather [hbm4b:s20+s4], $0x50, $0x38;
	[tilespmem:$0x1FC00] =	vst v63  }
0x167: {  	s30 =	simm.s32 $0x600;
	s29 =	sadd.s32 $0x0, s22  }
0x168: {  	[tilespmem:s30], [sflag:$0xD] =	stream.linear.gather [hbm4b:s29+s4], $0x50, $0x38;
	[tilespmem:$0x1FC00] =	vst v63  }
0x169: {  	_ =	swait.ge [sflag:s5], $0x2800  }
0x16a: {  	[sflag:s5] =	ssyncset.done $0x0  }
0x16b: {  	[sflag:s5] =	ssyncadd.s32 $0xFFFFD800  }
0x16c: {  	_ =	swait.ge [sflag:s26], $0x50  }
0x16d: {  	[sflag:s26] =	ssyncset.done $0x0  }
0x16e: {  	[sflag:s26] =	ssyncadd.s32 $0xFFFFFFB0  }
0x16f: {  	_ =	swait.ge [sflag:s26], $0x50  }
0x170: {  	[sflag:s26] =	ssyncset.done $0x0  }
0x171: {  	s24 =	sadd.s32 $0x280, s13;
	s20 =	simm.s32 $0x50;
	[sflag:s26] =	ssyncadd.s32 $0xFFFFFFB0  }
.LBB2_4:
0x172: {  	[tilespmem:s17], [sflag:$0x4] =	stream.indirect.gather [hbm4b:s3+s12], $0x80, s28, s12, $0xb8;
	[tilespmem:$0x1FC00] =	vst v63  }
0x173: {  	s26 =	simm.s32 $0x2  }
0x174: {  	_ =	swait.ge [sflag:s26], $0x2800  }
0x175: {  	s25 =	smov.u32 s20;
	[sflag:s26] =	ssyncset.done $0x0  }
0x176: {  	s11 =	simm.s32 $0x480;
	s28 =	rddreg [dreg:$0x11];
	[sflag:s26] =	ssyncadd.s32 $0xFFFFD800  }
0x177: {  	[spmem:s21] =	stream.indirect.scatter.add.f32 [tilespmem:s15], [sflag:$0x6], $0x80, s11, s12, $0xb8;
	[tilespmem:$0x1FC00] =	vst v63  }
0x178: {  	s7 =	simm.s32 $0x280;
	s5 =	rddreg [dreg:$0x10];
	s28 =	sadd.s32 s25, s28  }
0x179: {  	[tilespmem:s7], [sflag:$0xE] =	stream.linear.gather [hbm4b:s28+s4], $0x50, $0x38;
	[tilespmem:$0x1FC00] =	vst v63  }
0x17a: {  	s6 =	simm.s32 $0x680;
	s10 =	simm.s32 $0x5;
	s5 =	sadd.s32 s25, s5  }
0x17b: {  	[tilespmem:s6], [sflag:$0xE] =	stream.linear.gather [hbm4b:s5+s4], $0x50, $0x38;
	[tilespmem:$0x1FC00] =	vst v63  }
0x17c: {  	_ =	swait.ge [sflag:s10], $0x2800  }
0x17d: {  	[sflag:s10] =	ssyncset.done $0x0  }
0x17e: {  	s1 =	simm.s32 $0xD;
	[sflag:s10] =	ssyncadd.s32 $0xFFFFD800  }
0x17f: {  	_ =	swait.ge [sflag:s1], $0x50  }
0x180: {  	[sflag:s1] =	ssyncset.done $0x0  }
0x181: {  	[sflag:s1] =	ssyncadd.s32 $0xFFFFFFB0  }
0x182: {  	_ =	swait.ge [sflag:s1], $0x50  }
0x183: {  	[sflag:s1] =	ssyncset.done $0x0  }
0x184: {  	s8 =	simm.s32 $0x200;
	s16 =	simm.s32 $0x3;
	[sflag:s1] =	ssyncadd.s32 $0xFFFFFFB0  }
0x185: {  	[tilespmem:s31], [sflag:$0x1] =	stream.indirect.gather [hbm4b:s3+s12], $0x80, s8, s12, $0xb8;
	[tilespmem:$0x1FC00] =	vst v63  }
0x186: {  	_ =	swait.ge [sflag:s16], $0x2800  }
0x187: {  	s1 =	simm.s32 $0x5800;
	[sflag:s16] =	ssyncset.done $0x0  }
0x188: {  	s31 =	simm.s32 $0x500;
	s9 =	rddreg [dreg:$0xf];
	[sflag:s16] =	ssyncadd.s32 $0xFFFFD800  }
0x189: {  	[spmem:s21] =	stream.indirect.scatter.add.f32 [tilespmem:s1], [sflag:$0x7], $0x80, s31, s12, $0xb8;
	[tilespmem:$0x1FC00] =	vst v63  }
0x18a: {  	s8 =	simm.s32 $0x300;
	s28 =	rddreg [dreg:$0xe];
	s5 =	sadd.s32 s25, s9  }
0x18b: {  	[tilespmem:s8], [sflag:$0xF] =	stream.linear.gather [hbm4b:s5+s4], $0x50, $0x38;
	[tilespmem:$0x1FC00] =	vst v63  }
0x18c: {  	s29 =	simm.s32 $0x700;
	s2 =	simm.s32 $0x6;
	s13 =	sadd.s32 s25, s28  }
0x18d: {  	[tilespmem:s29], [sflag:$0xF] =	stream.linear.gather [hbm4b:s13+s4], $0x50, $0x38;
	[tilespmem:$0x1FC00] =	vst v63  }
0x18e: {  	_ =	swait.ge [sflag:s2], $0x2800  }
0x18f: {  	[sflag:s2] =	ssyncset.done $0x0  }
0x190: {  	s14 =	simm.s32 $0xE;
	[sflag:s2] =	ssyncadd.s32 $0xFFFFD800  }
0x191: {  	_ =	swait.ge [sflag:s14], $0x50  }
0x192: {  	[sflag:s14] =	ssyncset.done $0x0  }
0x193: {  	[sflag:s14] =	ssyncadd.s32 $0xFFFFFFB0  }
0x194: {  	_ =	swait.ge [sflag:s14], $0x50  }
0x195: {  	[sflag:s14] =	ssyncset.done $0x0  }
0x196: {  	s17 =	simm.s32 $0x3000;
	[sflag:s14] =	ssyncadd.s32 $0xFFFFFFB0  }
0x197: {  	[tilespmem:s17], [sflag:$0x2] =	stream.indirect.gather [hbm4b:s3+s12], $0x80, s7, s12, $0xb8;
	[tilespmem:$0x1FC00] =	vst v63  }
0x198: {  	s7 =	simm.s32 $0x4  }
0x199: {  	_ =	swait.ge [sflag:s7], $0x2800  }
0x19a: {  	s22 =	simm.s32 $0x8000;
	[sflag:s7] =	ssyncset.done $0x0  }
0x19b: {  	s13 =	simm.s32 $0x580;
	s18 =	rddreg [dreg:$0xd];
	[sflag:s7] =	ssyncadd.s32 $0xFFFFD800  }
0x19c: {  	[spmem:s21] =	stream.indirect.scatter.add.f32 [tilespmem:s22], [sflag:$0x8], $0x80, s13, s12, $0xb8;
	[tilespmem:$0x1FC00] =	vst v63  }
0x19d: {  	s9 =	simm.s32 $0x380;
	s28 =	rddreg [dreg:$0xc];
	s5 =	sadd.s32 s25, s18  }
0x19e: {  	[tilespmem:s9], [sflag:$0x10] =	stream.linear.gather [hbm4b:s5+s4], $0x50, $0x38;
	[tilespmem:$0x1FC00] =	vst v63  }
0x19f: {  	s19 =	sadd.s32 s25, s28;
	s18 =	simm.s32 $0x780  }
0x1a0: {  	[tilespmem:s18], [sflag:$0x10] =	stream.linear.gather [hbm4b:s19+s4], $0x50, $0x38;
	[tilespmem:$0x1FC00] =	vst v63  }
0x1a1: {  	s19 =	simm.s32 $0x7  }
0x1a2: {  	_ =	swait.ge [sflag:s19], $0x2800  }
0x1a3: {  	[sflag:s19] =	ssyncset.done $0x0  }
0x1a4: {  	s23 =	simm.s32 $0xF;
	[sflag:s19] =	ssyncadd.s32 $0xFFFFD800  }
0x1a5: {  	_ =	swait.ge [sflag:s23], $0x50  }
0x1a6: {  	[sflag:s23] =	ssyncset.done $0x0  }
0x1a7: {  	[sflag:s23] =	ssyncadd.s32 $0xFFFFFFB0  }
0x1a8: {  	_ =	swait.ge [sflag:s23], $0x50  }
0x1a9: {  	[sflag:s23] =	ssyncset.done $0x0  }
0x1aa: {  	[sflag:s23] =	ssyncadd.s32 $0xFFFFFFB0  }
0x1ab: {  	[tilespmem:s1], [sflag:$0x3] =	stream.indirect.gather [hbm4b:s3+s12], $0x80, s8, s12, $0xb8;
	[tilespmem:$0x1FC00] =	vst v63  }
0x1ac: {  	s8 =	simm.s32 $0x1  }
0x1ad: {  	_ =	swait.ge [sflag:s8], $0x2800  }
0x1ae: {  	s15 =	simm.s32 $0x800;
	s14 =	simm.s32 $0x600;
	[sflag:s8] =	ssyncset.done $0x0  }
0x1af: {  	s5 =	sshrl.u32 s24, $0x3;
	s23 =	rddreg [dreg:$0x12];
	[sflag:s8] =	ssyncadd.s32 $0xFFFFD800  }
0x1b0: {  	[spmem:s21] =	stream.indirect.scatter.add.f32 [tilespmem:s15], [sflag:$0x5], $0x80, s14, s12, $0xb8;
	[tilespmem:$0x1FC00] =	vst v63  }
0x1b1: {  	s30 =	rddreg [dreg:$0x13];
	s28 =	sadd.s32 s23, s5  }
0x1b2: {  	[tilespmem:s4], [sflag:$0x9] =	stream.linear.gather [hbm4b:s28+s4], $0x50, $0x38;
	[tilespmem:$0x1FC00] =	vst v63  }
0x1b3: {  	s5 =	sadd.s32 s30, s5;
	s23 =	simm.s32 $0x400;
	s30 =	simm.s32 $0x8  }
0x1b4: {  	[tilespmem:s23], [sflag:$0x9] =	stream.linear.gather [hbm4b:s5+s4], $0x50, $0x38;
	[tilespmem:$0x1FC00] =	vst v63  }
0x1b5: {  	_ =	swait.ge [sflag:s30], $0x2800  }
0x1b6: {  	[sflag:s30] =	ssyncset.done $0x0  }
0x1b7: {  	[sflag:s30] =	ssyncadd.s32 $0xFFFFD800  }
0x1b8: {  	_ =	swait.ge [sflag:s0], $0x50  }
0x1b9: {  	[sflag:s0] =	ssyncset.done $0x0  }
0x1ba: {  	[sflag:s0] =	ssyncadd.s32 $0xFFFFFFB0  }
0x1bb: {  	_ =	swait.ge [sflag:s0], $0x50  }
0x1bc: {  	[sflag:s0] =	ssyncset.done $0x0  }
0x1bd: {  	[sflag:s0] =	ssyncadd.s32 $0xFFFFFFB0  }
0x1be: {  	[tilespmem:s22], [sflag:$0x4] =	stream.indirect.gather [hbm4b:s3+s12], $0x80, s9, s12, $0xb8;
	[tilespmem:$0x1FC00] =	vst v63  }
0x1bf: {  	_ =	swait.ge [sflag:s26], $0x2800  }
0x1c0: {  	[sflag:s26] =	ssyncset.done $0x0  }
0x1c1: {  	s9 =	rddreg [dreg:$0xb];
	[sflag:s26] =	ssyncadd.s32 $0xFFFFD800  }
0x1c2: {  	[spmem:s21] =	stream.indirect.scatter.add.f32 [tilespmem:s17], [sflag:$0x6], $0x80, s6, s12, $0xb8;
	[tilespmem:$0x1FC00] =	vst v63  }
0x1c3: {  	s28 =	rddreg [dreg:$0xa];
	s5 =	sadd.s32 s25, s9;
	s6 =	simm.s32 $0x80  }
0x1c4: {  	[tilespmem:s6], [sflag:$0xA] =	stream.linear.gather [hbm4b:s5+s4], $0x50, $0x38;
	[tilespmem:$0x1FC00] =	vst v63  }
0x1c5: {  	s9 =	sadd.s32 s25, s28  }
0x1c6: {  	[tilespmem:s11], [sflag:$0xA] =	stream.linear.gather [hbm4b:s9+s4], $0x50, $0x38;
	[tilespmem:$0x1FC00] =	vst v63  }
0x1c7: {  	_ =	swait.ge [sflag:s10], $0x2800  }
0x1c8: {  	[sflag:s10] =	ssyncset.done $0x0  }
0x1c9: {  	s22 =	simm.s32 $0x9;
	[sflag:s10] =	ssyncadd.s32 $0xFFFFD800  }
0x1ca: {  	_ =	swait.ge [sflag:s22], $0x50  }
0x1cb: {  	[sflag:s22] =	ssyncset.done $0x0  }
0x1cc: {  	[sflag:s22] =	ssyncadd.s32 $0xFFFFFFB0  }
0x1cd: {  	_ =	swait.ge [sflag:s22], $0x50  }
0x1ce: {  	[sflag:s22] =	ssyncset.done $0x0  }
0x1cf: {  	[sflag:s22] =	ssyncadd.s32 $0xFFFFFFB0  }
0x1d0: {  	[tilespmem:s15], [sflag:$0x1] =	stream.indirect.gather [hbm4b:s3+s12], $0x80, s4, s12, $0xb8;
	[tilespmem:$0x1FC00] =	vst v63  }
0x1d1: {  	_ =	swait.ge [sflag:s16], $0x2800  }
0x1d2: {  	[sflag:s16] =	ssyncset.done $0x0  }
0x1d3: {  	s11 =	rddreg [dreg:$0x9];
	[sflag:s16] =	ssyncadd.s32 $0xFFFFD800  }
0x1d4: {  	[spmem:s21] =	stream.indirect.scatter.add.f32 [tilespmem:s1], [sflag:$0x7], $0x80, s29, s12, $0xb8;
	[tilespmem:$0x1FC00] =	vst v63  }
0x1d5: {  	s10 =	simm.s32 $0x100;
	s28 =	rddreg [dreg:$0x8];
	s5 =	sadd.s32 s25, s11  }
0x1d6: {  	[tilespmem:s10], [sflag:$0xB] =	stream.linear.gather [hbm4b:s5+s4], $0x50, $0x38;
	[tilespmem:$0x1FC00] =	vst v63  }
0x1d7: {  	s29 =	sadd.s32 s25, s28  }
0x1d8: {  	[tilespmem:s31], [sflag:$0xB] =	stream.linear.gather [hbm4b:s29+s4], $0x50, $0x38;
	[tilespmem:$0x1FC00] =	vst v63  }
0x1d9: {  	_ =	swait.ge [sflag:s2], $0x2800  }
0x1da: {  	[sflag:s2] =	ssyncset.done $0x0  }
0x1db: {  	[sflag:s2] =	ssyncadd.s32 $0xFFFFD800;
	s2 =	simm.s32 $0xA  }
0x1dc: {  	_ =	swait.ge [sflag:s2], $0x50  }
0x1dd: {  	[sflag:s2] =	ssyncset.done $0x0  }
0x1de: {  	[sflag:s2] =	ssyncadd.s32 $0xFFFFFFB0  }
0x1df: {  	_ =	swait.ge [sflag:s2], $0x50  }
0x1e0: {  	[sflag:s2] =	ssyncset.done $0x0  }
0x1e1: {  	s15 =	simm.s32 $0x3000;
	[sflag:s2] =	ssyncadd.s32 $0xFFFFFFB0  }
0x1e2: {  	[tilespmem:s15], [sflag:$0x2] =	stream.indirect.gather [hbm4b:s3+s12], $0x80, s6, s12, $0xb8;
	[tilespmem:$0x1FC00] =	vst v63  }
0x1e3: {  	_ =	swait.ge [sflag:s7], $0x2800  }
0x1e4: {  	[sflag:s7] =	ssyncset.done $0x0  }
0x1e5: {  	s17 =	simm.s32 $0x8000;
	s6 =	rddreg [dreg:$0x7];
	[sflag:s7] =	ssyncadd.s32 $0xFFFFD800  }
0x1e6: {  	[spmem:s21] =	stream.indirect.scatter.add.f32 [tilespmem:s17], [sflag:$0x8], $0x80, s18, s12, $0xb8;
	[tilespmem:$0x1FC00] =	vst v63  }
0x1e7: {  	s9 =	simm.s32 $0x180;
	s28 =	rddreg [dreg:$0x6];
	s5 =	sadd.s32 s25, s6  }
0x1e8: {  	[tilespmem:s9], [sflag:$0xC] =	stream.linear.gather [hbm4b:s5+s4], $0x50, $0x38;
	[tilespmem:$0x1FC00] =	vst v63  }
0x1e9: {  	s16 =	sadd.s32 s25, s28  }
0x1ea: {  	[tilespmem:s13], [sflag:$0xC] =	stream.linear.gather [hbm4b:s16+s4], $0x50, $0x38;
	[tilespmem:$0x1FC00] =	vst v63  }
0x1eb: {  	_ =	swait.ge [sflag:s19], $0x2800  }
0x1ec: {  	[sflag:s19] =	ssyncset.done $0x0  }
0x1ed: {  	s18 =	simm.s32 $0xB;
	[sflag:s19] =	ssyncadd.s32 $0xFFFFD800  }
0x1ee: {  	_ =	swait.ge [sflag:s18], $0x50  }
0x1ef: {  	[sflag:s18] =	ssyncset.done $0x0  }
0x1f0: {  	[sflag:s18] =	ssyncadd.s32 $0xFFFFFFB0  }
0x1f1: {  	_ =	swait.ge [sflag:s18], $0x50  }
0x1f2: {  	[sflag:s18] =	ssyncset.done $0x0  }
0x1f3: {  	[sflag:s18] =	ssyncadd.s32 $0xFFFFFFB0  }
0x1f4: {  	[tilespmem:s1], [sflag:$0x3] =	stream.indirect.gather [hbm4b:s3+s12], $0x80, s10, s12, $0xb8;
	[tilespmem:$0x1FC00] =	vst v63  }
0x1f5: {  	_ =	swait.ge [sflag:s8], $0x2800  }
0x1f6: {  	[sflag:s8] =	ssyncset.done $0x0  }
0x1f7: {  	s31 =	simm.s32 $0x800;
	s19 =	rddreg [dreg:$0x5];
	[sflag:s8] =	ssyncadd.s32 $0xFFFFD800  }
0x1f8: {  	[spmem:s21] =	stream.indirect.scatter.add.f32 [tilespmem:s31], [sflag:$0x5], $0x80, s23, s12, $0xb8;
	[tilespmem:$0x1FC00] =	vst v63  }
0x1f9: {  	s26 =	simm.s32 $0x200;
	s28 =	rddreg [dreg:$0x4];
	s5 =	sadd.s32 s25, s19  }
0x1fa: {  	[tilespmem:s26], [sflag:$0xD] =	stream.linear.gather [hbm4b:s5+s4], $0x50, $0x38;
	[tilespmem:$0x1FC00] =	vst v63  }
0x1fb: {  	s29 =	sadd.s32 s25, s28  }
0x1fc: {  	[tilespmem:s14], [sflag:$0xD] =	stream.linear.gather [hbm4b:s29+s4], $0x50, $0x38;
	[tilespmem:$0x1FC00] =	vst v63  }
0x1fd: {  	_ =	swait.ge [sflag:s30], $0x2800  }
0x1fe: {  	[sflag:s30] =	ssyncset.done $0x0  }
0x1ff: {  	[sflag:s30] =	ssyncadd.s32 $0xFFFFD800;
	s30 =	simm.s32 $0xC  }
0x200: {  	p0 =	sne.s32 s20, $0x410;
	_ =	swait.ge [sflag:s30], $0x50  }
.Ltmp1:
0x201: {  	[sflag:s30] =	ssyncset.done $0x0;
	(pc) =	sbr.rel @p0 .LBB2_4-.Ltmp1, $4  }
0x202: {  	[sflag:s30] =	ssyncadd.s32 $0xFFFFFFB0  }
0x203: {  	_ =	swait.ge [sflag:s30], $0x50  }
0x204: {  	s20 =	sadd.s32 $0x50, s20;
	[sflag:s30] =	ssyncset.done $0x0  }
0x205: {  	s24 =	sadd.s32 $0x280, s24;
	s28 =	simm.s32 $0x180;
	[sflag:s30] =	ssyncadd.s32 $0xFFFFFFB0  }
0x206: {  	[tilespmem:s17], [sflag:$0x4] =	stream.indirect.gather [hbm4b:s3+s12], $0x80, s28, s12, $0xb8;
	[tilespmem:$0x1FC00] =	vst v63  }
0x207: {  	s24 =	simm.s32 $0x2  }
0x208: {  	_ =	swait.ge [sflag:s24], $0x2800  }
0x209: {  	[sflag:s24] =	ssyncset.done $0x0  }
0x20a: {  	s11 =	simm.s32 $0x480;
	[sflag:s24] =	ssyncadd.s32 $0xFFFFD800  }
0x20b: {  	[spmem:s21] =	stream.indirect.scatter.add.f32 [tilespmem:s15], [sflag:$0x6], $0x80, s11, s12, $0xb8;
	[tilespmem:$0x1FC00] =	vst v63  }
0x20c: {  	s7 =	simm.s32 $0x280;
	s5 =	rddreg [dreg:$0x1c]  }
0x20d: {  	[tilespmem:s7], [sflag:$0xE] =	stream.linear.gather [hbm4b:s5+s4], $0x50, $0x38;
	[tilespmem:$0x1FC00] =	vst v63  }
0x20e: {  	s6 =	simm.s32 $0x680;
	s23 =	simm.s32 $0x5;
	s29 =	rddreg [dreg:$0x1d]  }
0x20f: {  	[tilespmem:s6], [sflag:$0xE] =	stream.linear.gather [hbm4b:s29+s4], $0x50, $0x38;
	[tilespmem:$0x1FC00] =	vst v63  }
0x210: {  	_ =	swait.ge [sflag:s23], $0x2800  }
0x211: {  	[sflag:s23] =	ssyncset.done $0x0  }
0x212: {  	s25 =	simm.s32 $0xD;
	[sflag:s23] =	ssyncadd.s32 $0xFFFFD800  }
0x213: {  	_ =	swait.ge [sflag:s25], $0x50  }
0x214: {  	[sflag:s25] =	ssyncset.done $0x0  }
0x215: {  	[sflag:s25] =	ssyncadd.s32 $0xFFFFFFB0  }
0x216: {  	_ =	swait.ge [sflag:s25], $0x50  }
0x217: {  	[sflag:s25] =	ssyncset.done $0x0  }
0x218: {  	s10 =	simm.s32 $0x200;
	s16 =	simm.s32 $0x3;
	[sflag:s25] =	ssyncadd.s32 $0xFFFFFFB0  }
0x219: {  	[tilespmem:s31], [sflag:$0x1] =	stream.indirect.gather [hbm4b:s3+s12], $0x80, s10, s12, $0xb8;
	[tilespmem:$0x1FC00] =	vst v63  }
0x21a: {  	_ =	swait.ge [sflag:s16], $0x2800  }
0x21b: {  	[sflag:s16] =	ssyncset.done $0x0  }
0x21c: {  	s13 =	simm.s32 $0x500;
	s1 =	simm.s32 $0x5800;
	[sflag:s16] =	ssyncadd.s32 $0xFFFFD800  }
0x21d: {  	[spmem:s21] =	stream.indirect.scatter.add.f32 [tilespmem:s1], [sflag:$0x7], $0x80, s13, s12, $0xb8;
	[tilespmem:$0x1FC00] =	vst v63  }
0x21e: {  	s8 =	simm.s32 $0x300;
	s30 =	rddreg [dreg:$0x1e]  }
0x21f: {  	[tilespmem:s8], [sflag:$0xF] =	stream.linear.gather [hbm4b:s30+s4], $0x50, $0x38;
	[tilespmem:$0x1FC00] =	vst v63  }
0x220: {  	s26 =	simm.s32 $0x700;
	s2 =	rddreg [dreg:$0x1f]  }
0x221: {  	[tilespmem:s26], [sflag:$0xF] =	stream.linear.gather [hbm4b:s2+s4], $0x50, $0x38;
	[tilespmem:$0x1FC00] =	vst v63  }
0x222: {  	s2 =	simm.s32 $0x6  }
0x223: {  	_ =	swait.ge [sflag:s2], $0x2800  }
0x224: {  	[sflag:s2] =	ssyncset.done $0x0  }
0x225: {  	s9 =	simm.s32 $0xE;
	[sflag:s2] =	ssyncadd.s32 $0xFFFFD800  }
0x226: {  	_ =	swait.ge [sflag:s9], $0x50  }
0x227: {  	[sflag:s9] =	ssyncset.done $0x0  }
0x228: {  	[sflag:s9] =	ssyncadd.s32 $0xFFFFFFB0  }
0x229: {  	_ =	swait.ge [sflag:s9], $0x50  }
0x22a: {  	[sflag:s9] =	ssyncset.done $0x0  }
0x22b: {  	[sflag:s9] =	ssyncadd.s32 $0xFFFFFFB0  }
0x22c: {  	[tilespmem:s15], [sflag:$0x2] =	stream.indirect.gather [hbm4b:s3+s12], $0x80, s7, s12, $0xb8;
	[tilespmem:$0x1FC00] =	vst v63  }
0x22d: {  	s7 =	simm.s32 $0x4  }
0x22e: {  	_ =	swait.ge [sflag:s7], $0x2800  }
0x22f: {  	[sflag:s7] =	ssyncset.done $0x0  }
0x230: {  	s20 =	simm.s32 $0x580;
	s14 =	sld [smem:$0x7DD];
	[sflag:s7] =	ssyncadd.s32 $0xFFFFD800  }
0x231: {  	[spmem:s21] =	stream.indirect.scatter.add.f32 [tilespmem:s17], [sflag:$0x8], $0x80, s20, s12, $0xb8;
	[tilespmem:$0x1FC00] =	vst v63  }
0x232: {  	s18 =	simm.s32 $0x380;
	s19 =	sld [smem:$0x7DE]  }
0x233: {  	[tilespmem:s18], [sflag:$0x10] =	stream.linear.gather [hbm4b:s14+s4], $0x50, $0x38;
	[tilespmem:$0x1FC00] =	vst v63  }
0x234: {  	s30 =	simm.s32 $0x780  }
0x235: {  	[tilespmem:s30], [sflag:$0x10] =	stream.linear.gather [hbm4b:s19+s4], $0x50, $0x38;
	[tilespmem:$0x1FC00] =	vst v63  }
0x236: {  	s19 =	simm.s32 $0x7  }
0x237: {  	_ =	swait.ge [sflag:s19], $0x2800  }
0x238: {  	[sflag:s19] =	ssyncset.done $0x0  }
0x239: {  	s29 =	simm.s32 $0xF;
	[sflag:s19] =	ssyncadd.s32 $0xFFFFD800  }
0x23a: {  	_ =	swait.ge [sflag:s29], $0x50  }
0x23b: {  	[sflag:s29] =	ssyncset.done $0x0  }
0x23c: {  	[sflag:s29] =	ssyncadd.s32 $0xFFFFFFB0  }
0x23d: {  	_ =	swait.ge [sflag:s29], $0x50  }
0x23e: {  	[sflag:s29] =	ssyncset.done $0x0  }
0x23f: {  	[sflag:s29] =	ssyncadd.s32 $0xFFFFFFB0  }
0x240: {  	[tilespmem:s1], [sflag:$0x3] =	stream.indirect.gather [hbm4b:s3+s12], $0x80, s8, s12, $0xb8;
	[tilespmem:$0x1FC00] =	vst v63  }
0x241: {  	s8 =	simm.s32 $0x1  }
0x242: {  	_ =	swait.ge [sflag:s8], $0x2800  }
0x243: {  	[sflag:s8] =	ssyncset.done $0x0  }
0x244: {  	s14 =	simm.s32 $0x600;
	s9 =	sld [smem:$0x7DF];
	[sflag:s8] =	ssyncadd.s32 $0xFFFFD800  }
0x245: {  	[spmem:s21] =	stream.indirect.scatter.add.f32 [tilespmem:s31], [sflag:$0x5], $0x80, s14, s12, $0xb8;
	[tilespmem:$0x1FC00] =	vst v63  }
0x246: {  	s29 =	sld [smem:$0x7E0]  }
0x247: {  	[tilespmem:s4], [sflag:$0x9] =	stream.linear.gather [hbm4b:s9+s4], $0x50, $0x38;
	[tilespmem:$0x1FC00] =	vst v63  }
0x248: {  	s9 =	simm.s32 $0x400  }
0x249: {  	[tilespmem:s9], [sflag:$0x9] =	stream.linear.gather [hbm4b:s29+s4], $0x50, $0x38;
	[tilespmem:$0x1FC00] =	vst v63  }
0x24a: {  	s29 =	simm.s32 $0x8  }
0x24b: {  	_ =	swait.ge [sflag:s29], $0x2800  }
0x24c: {  	[sflag:s29] =	ssyncset.done $0x0  }
0x24d: {  	[sflag:s29] =	ssyncadd.s32 $0xFFFFD800  }
0x24e: {  	_ =	swait.ge [sflag:s0], $0x50  }
0x24f: {  	[sflag:s0] =	ssyncset.done $0x0  }
0x250: {  	[sflag:s0] =	ssyncadd.s32 $0xFFFFFFB0  }
0x251: {  	_ =	swait.ge [sflag:s0], $0x50  }
0x252: {  	[sflag:s0] =	ssyncset.done $0x0  }
0x253: {  	[sflag:s0] =	ssyncadd.s32 $0xFFFFFFB0  }
0x254: {  	[tilespmem:s17], [sflag:$0x4] =	stream.indirect.gather [hbm4b:s3+s12], $0x80, s18, s12, $0xb8;
	[tilespmem:$0x1FC00] =	vst v63  }
0x255: {  	_ =	swait.ge [sflag:s24], $0x2800  }
0x256: {  	[sflag:s24] =	ssyncset.done $0x0  }
0x257: {  	[sflag:s24] =	ssyncadd.s32 $0xFFFFD800  }
0x258: {  	[spmem:s21] =	stream.indirect.scatter.add.f32 [tilespmem:s15], [sflag:$0x6], $0x80, s6, s12, $0xb8;
	[tilespmem:$0x1FC00] =	vst v63  }
0x259: {  	s6 =	sld [smem:$0x7E1];
	_ =	sdelay $0x1  }
0x25a: {  	s18 =	simm.s32 $0x80;
	s0 =	sld [smem:$0x7E2]  }
0x25b: {  	[tilespmem:s18], [sflag:$0xA] =	stream.linear.gather [hbm4b:s6+s4], $0x50, $0x38;
	[tilespmem:$0x1FC00] =	vst v63  }
0x25c: {  	_ = 	snop  }
0x25d: {  	[tilespmem:s11], [sflag:$0xA] =	stream.linear.gather [hbm4b:s0+s4], $0x50, $0x38;
	[tilespmem:$0x1FC00] =	vst v63  }
0x25e: {  	_ =	swait.ge [sflag:s23], $0x2800  }
0x25f: {  	[sflag:s23] =	ssyncset.done $0x0  }
0x260: {  	[sflag:s23] =	ssyncadd.s32 $0xFFFFD800  }
0x261: {  	_ =	swait.ge [sflag:s22], $0x50  }
0x262: {  	[sflag:s22] =	ssyncset.done $0x0  }
0x263: {  	[sflag:s22] =	ssyncadd.s32 $0xFFFFFFB0  }
0x264: {  	_ =	swait.ge [sflag:s22], $0x50  }
0x265: {  	[sflag:s22] =	ssyncset.done $0x0  }
0x266: {  	[sflag:s22] =	ssyncadd.s32 $0xFFFFFFB0  }
0x267: {  	[tilespmem:s31], [sflag:$0x1] =	stream.indirect.gather [hbm4b:s3+s12], $0x80, s4, s12, $0xb8;
	[tilespmem:$0x1FC00] =	vst v63  }
0x268: {  	_ =	swait.ge [sflag:s16], $0x2800  }
0x269: {  	[sflag:s16] =	ssyncset.done $0x0  }
0x26a: {  	s6 =	sld [smem:$0x7E3];
	[sflag:s16] =	ssyncadd.s32 $0xFFFFD800  }
0x26b: {  	[spmem:s21] =	stream.indirect.scatter.add.f32 [tilespmem:s1], [sflag:$0x7], $0x80, s26, s12, $0xb8;
	[tilespmem:$0x1FC00] =	vst v63  }
0x26c: {  	s0 =	simm.s32 $0x100;
	s26 =	sld [smem:$0x7E4]  }
0x26d: {  	[tilespmem:s0], [sflag:$0xB] =	stream.linear.gather [hbm4b:s6+s4], $0x50, $0x38;
	[tilespmem:$0x1FC00] =	vst v63  }
0x26e: {  	_ = 	snop  }
0x26f: {  	[tilespmem:s13], [sflag:$0xB] =	stream.linear.gather [hbm4b:s26+s4], $0x50, $0x38;
	[tilespmem:$0x1FC00] =	vst v63  }
0x270: {  	_ =	swait.ge [sflag:s2], $0x2800  }
0x271: {  	[sflag:s2] =	ssyncset.done $0x0  }
0x272: {  	s6 =	simm.s32 $0xA;
	[sflag:s2] =	ssyncadd.s32 $0xFFFFD800  }
0x273: {  	_ =	swait.ge [sflag:s6], $0x50  }
0x274: {  	[sflag:s6] =	ssyncset.done $0x0  }
0x275: {  	[sflag:s6] =	ssyncadd.s32 $0xFFFFFFB0  }
0x276: {  	_ =	swait.ge [sflag:s6], $0x50  }
0x277: {  	[sflag:s6] =	ssyncset.done $0x0  }
0x278: {  	[sflag:s6] =	ssyncadd.s32 $0xFFFFFFB0  }
0x279: {  	[tilespmem:s15], [sflag:$0x2] =	stream.indirect.gather [hbm4b:s3+s12], $0x80, s18, s12, $0xb8;
	[tilespmem:$0x1FC00] =	vst v63  }
0x27a: {  	_ =	swait.ge [sflag:s7], $0x2800  }
0x27b: {  	[sflag:s7] =	ssyncset.done $0x0  }
0x27c: {  	s18 =	sld [smem:$0x7E7];
	[sflag:s7] =	ssyncadd.s32 $0xFFFFD800  }
0x27d: {  	[spmem:s21] =	stream.indirect.scatter.add.f32 [tilespmem:s17], [sflag:$0x8], $0x80, s30, s12, $0xb8;
	[tilespmem:$0x1FC00] =	vst v63  }
0x27e: {  	s26 =	sld [smem:$0x7E8]  }
0x27f: {  	[tilespmem:s28], [sflag:$0xC] =	stream.linear.gather [hbm4b:s18+s4], $0x50, $0x38;
	[tilespmem:$0x1FC00] =	vst v63  }
0x280: {  	_ = 	snop  }
0x281: {  	[tilespmem:s20], [sflag:$0xC] =	stream.linear.gather [hbm4b:s26+s4], $0x50, $0x38;
	[tilespmem:$0x1FC00] =	vst v63  }
0x282: {  	_ =	swait.ge [sflag:s19], $0x2800  }
0x283: {  	[sflag:s19] =	ssyncset.done $0x0  }
0x284: {  	s30 =	simm.s32 $0xB;
	[sflag:s19] =	ssyncadd.s32 $0xFFFFD800  }
0x285: {  	_ =	swait.ge [sflag:s30], $0x50  }
0x286: {  	[sflag:s30] =	ssyncset.done $0x0  }
0x287: {  	[sflag:s30] =	ssyncadd.s32 $0xFFFFFFB0  }
0x288: {  	_ =	swait.ge [sflag:s30], $0x50  }
0x289: {  	[sflag:s30] =	ssyncset.done $0x0  }
0x28a: {  	[sflag:s30] =	ssyncadd.s32 $0xFFFFFFB0  }
0x28b: {  	[tilespmem:s1], [sflag:$0x3] =	stream.indirect.gather [hbm4b:s3+s12], $0x80, s0, s12, $0xb8;
	[tilespmem:$0x1FC00] =	vst v63  }
0x28c: {  	_ =	swait.ge [sflag:s8], $0x2800  }
0x28d: {  	[sflag:s8] =	ssyncset.done $0x0  }
0x28e: {  	s6 =	sld [smem:$0x7E9];
	[sflag:s8] =	ssyncadd.s32 $0xFFFFD800  }
0x28f: {  	[spmem:s21] =	stream.indirect.scatter.add.f32 [tilespmem:s31], [sflag:$0x5], $0x80, s9, s12, $0xb8;
	[tilespmem:$0x1FC00] =	vst v63  }
0x290: {  	s9 =	sld [smem:$0x7EA]  }
0x291: {  	[tilespmem:s10], [sflag:$0xD] =	stream.linear.gather [hbm4b:s6+s4], $0x50, $0x38;
	[tilespmem:$0x1FC00] =	vst v63  }
0x292: {  	_ = 	snop  }
0x293: {  	[tilespmem:s14], [sflag:$0xD] =	stream.linear.gather [hbm4b:s9+s4], $0x50, $0x38;
	[tilespmem:$0x1FC00] =	vst v63  }
0x294: {  	_ =	swait.ge [sflag:s29], $0x2800  }
0x295: {  	[sflag:s29] =	ssyncset.done $0x0  }
0x296: {  	s18 =	simm.s32 $0xC;
	[sflag:s29] =	ssyncadd.s32 $0xFFFFD800  }
0x297: {  	_ =	swait.ge [sflag:s18], $0x50  }
0x298: {  	[sflag:s18] =	ssyncset.done $0x0  }
0x299: {  	[sflag:s18] =	ssyncadd.s32 $0xFFFFFFB0  }
0x29a: {  	_ =	swait.ge [sflag:s18], $0x50  }
0x29b: {  	[sflag:s18] =	ssyncset.done $0x0  }
0x29c: {  	[sflag:s18] =	ssyncadd.s32 $0xFFFFFFB0  }
0x29d: {  	[tilespmem:s17], [sflag:$0x4] =	stream.indirect.gather [hbm4b:s3+s12], $0x80, s28, s12, $0xb8;
	[tilespmem:$0x1FC00] =	vst v63  }
0x29e: {  	_ =	swait.ge [sflag:s24], $0x2800  }
0x29f: {  	[sflag:s24] =	ssyncset.done $0x0  }
0x2a0: {  	[sflag:s24] =	ssyncadd.s32 $0xFFFFD800  }
0x2a1: {  	[spmem:s21] =	stream.indirect.scatter.add.f32 [tilespmem:s15], [sflag:$0x6], $0x80, s11, s12, $0xb8;
	[tilespmem:$0x1FC00] =	vst v63  }
0x2a2: {  	_ =	swait.ge [sflag:s23], $0x2800  }
0x2a3: {  	[sflag:s23] =	ssyncset.done $0x0  }
0x2a4: {  	[sflag:s23] =	ssyncadd.s32 $0xFFFFD800  }
0x2a5: {  	_ =	swait.ge [sflag:s25], $0x50  }
0x2a6: {  	[sflag:s25] =	ssyncset.done $0x0  }
0x2a7: {  	[sflag:s25] =	ssyncadd.s32 $0xFFFFFFB0  }
0x2a8: {  	_ =	swait.ge [sflag:s25], $0x50  }
0x2a9: {  	[sflag:s25] =	ssyncset.done $0x0  }
0x2aa: {  	[sflag:s25] =	ssyncadd.s32 $0xFFFFFFB0  }
0x2ab: {  	[tilespmem:s31], [sflag:$0x1] =	stream.indirect.gather [hbm4b:s3+s12], $0x80, s10, s12, $0xb8;
	[tilespmem:$0x1FC00] =	vst v63  }
0x2ac: {  	_ =	swait.ge [sflag:s16], $0x2800  }
0x2ad: {  	[sflag:s16] =	ssyncset.done $0x0  }
0x2ae: {  	[sflag:s16] =	ssyncadd.s32 $0xFFFFD800  }
0x2af: {  	[spmem:s21] =	stream.indirect.scatter.add.f32 [tilespmem:s1], [sflag:$0x7], $0x80, s13, s12, $0xb8;
	[tilespmem:$0x1FC00] =	vst v63  }
0x2b0: {  	_ =	swait.ge [sflag:s2], $0x2800  }
0x2b1: {  	[sflag:s2] =	ssyncset.done $0x0  }
0x2b2: {  	[sflag:s2] =	ssyncadd.s32 $0xFFFFD800  }
0x2b3: {  	_ =	swait.ge [sflag:s7], $0x2800  }
0x2b4: {  	[sflag:s7] =	ssyncset.done $0x0  }
0x2b5: {  	[sflag:s7] =	ssyncadd.s32 $0xFFFFD800  }
0x2b6: {  	[spmem:s21] =	stream.indirect.scatter.add.f32 [tilespmem:s17], [sflag:$0x8], $0x80, s20, s12, $0xb8;
	[tilespmem:$0x1FC00] =	vst v63  }
0x2b7: {  	_ =	swait.ge [sflag:s19], $0x2800  }
0x2b8: {  	[sflag:s19] =	ssyncset.done $0x0  }
0x2b9: {  	[sflag:s19] =	ssyncadd.s32 $0xFFFFD800  }
0x2ba: {  	_ =	swait.ge [sflag:s8], $0x2800  }
0x2bb: {  	[sflag:s8] =	ssyncset.done $0x0  }
0x2bc: {  	[sflag:s8] =	ssyncadd.s32 $0xFFFFD800  }
0x2bd: {  	[spmem:s21] =	stream.indirect.scatter.add.f32 [tilespmem:s31], [sflag:$0x5], $0x80, s14, s12, $0xb8;
	[tilespmem:$0x1FC00] =	vst v63  }
0x2be: {  	_ =	swait.ge [sflag:s29], $0x2800  }
0x2bf: {  	[sflag:s29] =	ssyncset.done $0x0  }
0x2c0: {  	[sflag:s29] =	ssyncadd.s32 $0xFFFFD800  }
0x2c1: {  	_ =	swait.ge [sflag:s23], $0x2800  }
0x2c2: {  	[sflag:s23] =	ssyncset.done $0x0  }
0x2c3: {  	[sflag:s23] =	ssyncadd.s32 $0xFFFFD800  }
0x2c4: {  	[bflag:$0x0] =	sbarrier.arrive $0xFFFF  }
0x2c5: {  	s28 =	sld [smem:$0x7FD]  }
0x2c6: {  	s24 =	stileid.u32;
	s26 =	sld [smem:$0x7EB]  }
0x2c7: {  	s5 =	sshll.u32 s24, $0x6  }
0x2c8: {  	s5 =	sor.u32 $0x1C11, s5;
	s29 =	simm.s32 $0x11;
	s25 =	sshrl.u32 s28, $0x3  }
0x2c9: {  	[hbm:s26], [sflag:s5] =	dma.local [spmem:s25], $0x2800  }
0x2ca: {  	_ =	swait.ge [sflag:s29], $0x2800  }
0x2cb: {  	s30 =	sld [smem:$0x7DC]  }
0x2cc: {  	s31 =	sld [smem:$0x7EC];
	_ =	sdelay $0x1  }
0x2cd: {  	s0 =	sadd.s32 $0x1, s30  }
0x2ce: {  	p0 =	sne.s32 s0, s31  }
.Ltmp2:
0x2cf: {  	_ = 	snop;
	(pc) =	sbr.rel @p0 .LBB2_1-.Ltmp2, $3  }
0x2d0: {  	_ =	sdelay $0x1  }
0x2d1: {  	[sflag:s29] =	ssyncset.done $0x0  }
0x2d2: {  	s9 =	rddreg [dreg:$0x12];
	[sflag:s29] =	ssyncadd.s32 $0xFFFFD800  }
0x2d3: {  	_ =	sfence.sel $0x180000  }
0x2d4: {  	[bflag:$0x0] =	sbarrier.arrive $0xFFFF  }
0x2d5: {  	_ =	strace $0x9000004A  }
0x2d6: {  	s0 =	stileid.u32;
	[bflag:$0x2] =	sbarrier.arrive $0xFFFF  }
0x2d7: {  	p0 =	sne.s32 s0, $0x0;
	s0 =	rddreg [dreg:$0x3]  }
0x2d8: {  	s0 =	sadd.s32 @!p0 $0x100000, s0  }
0x2d9: {  	[sflag:s0] =	ssyncadd.tile.s32 @!p0 $0x1;
	_ =	shalt  }
.Lfunc_end2:
_tile_overlayer_lowered:
.L_overlay_start_2:
0x2da: {  	(tag) =	ssettag $0x2  }
0x2db: {  	s0 =	rddreg [dreg:$0x0];
	s2 =	stileid.u32  }
0x2dc: {  	s1 =	rddreg [dreg:$0x1];
	p0 =	sne.s32 s2, $0x0  }
0x2dd: {  	s3 =	rddreg [dreg:$0x2];
	[bflag:$0x3] =	sbarrier.arrive $0xFFFF;
	s2 =	simm.s32 @!p0 $0x1C11  }
0x2de: {  	[timem:s3], [sflag:s2] =	dma.local @!p0 [hbm:s0], s1  }
0x2df: {  	s0 =	simm.s32 @!p0 $0x11  }
0x2e0: {  	_ =	swait.ge @!p0 [sflag:s0], s1  }
0x2e1: {  	s1 =	ssub.s32 @!p0 $0x0, s1;
	[sflag:s0] =	ssyncset.done @!p0 $0x0  }
0x2e2: {  	[sflag:s0] =	ssyncadd.s32 @!p0 s1  }
0x2e3: {  	[bflag:$0x3] =	sbarrier.arrive $0xFFFF  }
0x2e4: {  	_ =	shalt  }

// kernel: kernel.14.cloned.1.call-start
scs
__scs_entry_jumppad:
0x0: {  	(pc) =	sbr.rel $0x88, $3  }
0x1: {  	(tag) =	ssettag $0x0;
	lr =	simm.s32 $0x1  }
0x2: {  	[smem:$0x3F97] =	sst lr;
	_ =	strace $0xD0000000  }
0x3: {  	_ = 	snop  }
0x4: {  	_ = 	snop  }
0x5: {  	_ = 	snop  }
0x6: {  	_ = 	snop  }
0x7: {  	_ = 	snop  }
__scs_overlays_trampoline_lowered:
0x8: {  	[smem:$0x3FA6] =	sst s0  }
0x9: {  	[smem:$0x3FA7] =	sst s1  }
0xa: {  	[smem:$0x3FA8] =	sst s2  }
0xb: {  	[smem:$0x3FA9] =	sst s3  }
0xc: {  	[smem:$0x3FAA] =	sst s4  }
0xd: {  	[smem:$0x3FAB] =	sst s5  }
0xe: {  	[smem:$0x3FAC] =	sst s6  }
0xf: {  	[smem:$0x3FAD] =	sst s7  }
0x10: {  	[smem:$0x3FAE] =	sst s8  }
0x11: {  	[smem:$0x3FAF] =	sst s9;
	s0 =	simm.s32 @!p0 $0x0  }
0x12: {  	s1 =	sld [smem:$0x3F95];
	s0 =	simm.s32 @p0 $0x1  }
0x13: {  	[smem:$0x3FB0] =	sst s0;
	s0 =	simm.s32 @!p1 $0x0  }
0x14: {  	s2 =	sld [smem:$0x3F94];
	s0 =	simm.s32 @p1 $0x1  }
0x15: {  	[smem:$0x3FB1] =	sst s0;
	s0 =	simm.s32 @!p2 $0x0  }
0x16: {  	s3 =	sld [smem:$0x3FDB];
	s0 =	simm.s32 @p2 $0x1  }
0x17: {  	s4 =	simm.s32 $0x1BF5;
	[smem:$0x3FB3] =	sst s0  }
0x18: {  	s0 =	sld [smem:$0x3F96];
	_ =	swait.ge [sflag:s4], $0x0  }
0x19: {  	s7 =	sld [smem:$0x3F97]  }
0x1a: {  	s8 =	sadd.s32 $0xFFFFE003, lr  }
0x1b: {  	s9 =	sadd.s32 $0xFFFFFEF7, lr;
	s5 =	simm.s32 $0xFFFFFFFF;
	p2 =	slt.u32 s8, $0xFFFFF086  }
0x1c: {  	p1 =	slt.u32 s9, $0xF7A;
	s5 =	simm.s32 @!p2 $0x0  }
0x1d: {  	s5 =	simm.s32 @p1 $0x1;
	p0 =	seq.s32 s7, s2  }
0x1e: {  	s7 =	smul.u32 @!p0 $0xF7A, s2;
	p2 =	seq.s32 @!p0 s5, $0x0  }
0x1f: {  	s9 =	smul.u32 $0xF7A, s1;
	s8 =	simm.s32 @!p0 $0x1BF5;
	p2 =	por !p2, p0  }
0x20: {  	[sflag:s8] =	ssyncset.s32 @!p0 $0xFFFFF086;
	s6 =	sadd.s32 @!p0 s3, s7;
	s7 =	simm.s32 @!p0 $0x108  }
0x21: {  	s3 =	sadd.s32 s3, s9;
	s6 =	sadd.s32 @!p0 $0x88, s6;
	s7 =	simm.s32 @p2 $0x1082  }
0x22: {  	[simem:s7], [sflag:s8] =	dma.local @!p0 [hbm:s6], $0xF7A  }
0x23: {  	s9 =	sor.u32 $0xD0000000, s2;
	s6 =	simm.s32 $0x108;
	_ =	swait.ge @!p0 [sflag:s8], $0x0  }
0x24: {  	s3 =	sadd.s32 $0x88, s3;
	s6 =	simm.s32 @!p1 $0x1082;
	[sflag:s4] =	ssyncset.s32 $0xFFFFF086  }
0x25: {  	[simem:s6], [sflag:s4] =	dma.local [hbm:s3], $0xF7A  }
0x26: {  	[smem:$0x3F97] =	sst s1;
	(tag) =	ssettag s2;
	_ =	strace s9  }
0x27: {  	s1 =	sld [smem:$0x3FA7]  }
0x28: {  	s2 =	sld [smem:$0x3FA8]  }
0x29: {  	s4 =	sld [smem:$0x3FAA]  }
0x2a: {  	p0 =	seq.s32 s5, $0x0;
	s5 =	sld [smem:$0x3FAB]  }
0x2b: {  	s6 =	sld [smem:$0x3FAC]  }
0x2c: {  	s7 =	sld [smem:$0x3FAD]  }
0x2d: {  	s3 =	simm.s32 $0x108;
	s8 =	sld [smem:$0x3FAE]  }
0x2e: {  	s3 =	simm.s32 @!p0 $0x1082;
	s9 =	sld [smem:$0x3FAF]  }
0x2f: {  	lr =	sadd.s32 s0, s3;
	s0 =	sld [smem:$0x3FA6]  }
0x30: {  	s3 =	sld [smem:$0x3FA9]  }
0x31: {  	[smem:$0x3FB2] =	sst s10  }
0x32: {  	s10 =	sld [smem:$0x3FB0];
	_ =	sdelay $0x3  }
0x33: {  	p0 =	seq.s32 s10, $0x1;
	s10 =	sld [smem:$0x3FB2];
	_ =	sdelay $0x3  }
0x34: {  	[smem:$0x3FB2] =	sst s10  }
0x35: {  	s10 =	sld [smem:$0x3FB1];
	_ =	sdelay $0x3  }
0x36: {  	p1 =	seq.s32 s10, $0x1;
	s10 =	sld [smem:$0x3FB2];
	_ =	sdelay $0x3  }
0x37: {  	[smem:$0x3FB2] =	sst s10  }
0x38: {  	s10 =	sld [smem:$0x3FB3]  }
0x39: {  	_ = 	snop;
	(pc) =	sbr.ind lr, $3  }
0x3a: {  	_ = 	snop  }
0x3b: {  	_ = 	snop  }
0x3c: {  	p2 =	seq.s32 s10, $0x1;
	s10 =	sld [smem:$0x3FB2]  }
0x3d: {  	_ =	shalt  }
0x3e: {  	_ =	shalt  }
0x3f: {  	_ =	shalt  }
0x40: {  	_ =	shalt  }
0x41: {  	_ =	shalt  }
0x42: {  	_ =	shalt  }
0x43: {  	_ =	shalt  }
0x44: {  	_ =	shalt  }
0x45: {  	_ =	shalt  }
0x46: {  	_ =	shalt  }
0x47: {  	_ =	shalt  }
0x48: {  	_ =	shalt  }
0x49: {  	_ =	shalt  }
0x4a: {  	_ =	shalt  }
0x4b: {  	_ =	shalt  }
0x4c: {  	_ =	shalt  }
0x4d: {  	_ =	shalt  }
0x4e: {  	_ =	shalt  }
0x4f: {  	_ =	shalt  }
0x50: {  	_ =	shalt  }
0x51: {  	_ =	shalt  }
0x52: {  	_ =	shalt  }
0x53: {  	_ =	shalt  }
0x54: {  	_ =	shalt  }
0x55: {  	_ =	shalt  }
0x56: {  	_ =	shalt  }
0x57: {  	_ =	shalt  }
0x58: {  	_ =	shalt  }
0x59: {  	_ =	shalt  }
0x5a: {  	_ =	shalt  }
0x5b: {  	_ =	shalt  }
0x5c: {  	_ =	shalt  }
0x5d: {  	_ =	shalt  }
0x5e: {  	_ =	shalt  }
0x5f: {  	_ =	shalt  }
0x60: {  	_ =	shalt  }
0x61: {  	_ =	shalt  }
0x62: {  	_ =	shalt  }
0x63: {  	_ =	shalt  }
0x64: {  	_ =	shalt  }
0x65: {  	_ =	shalt  }
0x66: {  	_ =	shalt  }
0x67: {  	_ =	shalt  }
0x68: {  	_ =	shalt  }
0x69: {  	_ =	shalt  }
0x6a: {  	_ =	shalt  }
0x6b: {  	_ =	shalt  }
0x6c: {  	_ =	shalt  }
0x6d: {  	_ =	shalt  }
0x6e: {  	_ =	shalt  }
0x6f: {  	_ =	shalt  }
0x70: {  	_ =	shalt  }
0x71: {  	_ =	shalt  }
0x72: {  	_ =	shalt  }
0x73: {  	_ =	shalt  }
0x74: {  	_ =	shalt  }
0x75: {  	_ =	shalt  }
0x76: {  	_ =	shalt  }
0x77: {  	_ =	shalt  }
0x78: {  	_ =	shalt  }
0x79: {  	_ =	shalt  }
0x7a: {  	_ =	shalt  }
0x7b: {  	_ =	shalt  }
0x7c: {  	_ =	shalt  }
0x7d: {  	_ =	shalt  }
0x7e: {  	_ =	shalt  }
0x7f: {  	_ =	shalt  }
0x80: {  	_ =	shalt  }
0x81: {  	_ =	shalt  }
0x82: {  	_ =	shalt  }
0x83: {  	_ =	shalt  }
0x84: {  	_ =	shalt  }
0x85: {  	_ =	shalt  }
0x86: {  	_ =	shalt  }
0x87: {  	_ =	shalt  }
.Lfunc_end0:
.L_simem_size_0:
called_computation.2_lowered:
.L_overlay_start_0:
0x88: {  	s2 =	sld [smem:$0x3FD9]  }
0x89: {  	s3 =	sld [smem:$0x3FFE];
	_ =	sdelay $0x1  }
0x8a: {  	s1 =	srdreg.scid  }
0x8b: {  	s0 =	sand.u32 $0x1, s1  }
0x8c: {  	s17 =	sshll.u32 s0, $0xA;
	s2 =	sadd.s32 s3, s2  }
0x8d: {  	s2 =	sadd.s32 s2, s17  }
0x8e: {  	[smem:$0x3FBE] =	sst s2  }
0x8f: {  	_ = 	snop  }
0x90: {  	s2 =	sld [smem:$0x3FD0];
	(tm) =	ssettm $0x1  }
0x91: {  	s18 =	sld [smem:$0x3FFB];
	_ =	sdelay $0x3  }
0x92: {  	_ =	strace s18  }
0x93: {  	s3 =	sld [smem:$0x3FFC];
	_ =	sdelay $0x3  }
0x94: {  	_ =	strace s3  }
0x95: {  	s3 =	sld [smem:$0x3FFD];
	_ =	sdelay $0x3  }
0x96: {  	_ =	strace s3  }
0x97: {  	_ =	strace $0x8FFFFFFF  }
0x98: {  	s19 =	sld [smem:$0x3FDB];
	_ =	sdelay $0x1  }
0x99: {  	s4 =	simm.s32 $_scs_section_size  }
0x9a: {  	s5 =	simm.s32 $_size__tile_overlayer_lowered;
	s6 =	simm.s32 $_tile_overlayer_lowered  }
0x9b: {  	s22 =	simm.s32 $0x1BFF;
	s21 =	sshll.u32 s6, $0x1;
	s3 =	sadd.s32 s4, s19  }
0x9c: {  	s7 =	simm.s32 $0x0;
	s20 =	sshll.u32 s5, $0x1;
	s5 =	sadd.s32 s21, s3  }
0x9d: {  	[timem:s7], [sflag:s22] =	dma.local [hbm:s5], s20  }
0x9e: {  	_ =	swait.ge [sflag:s22], s20  }
0x9f: {  	s4 =	ssub.s32 $0x0, s20;
	[sflag:s22] =	ssyncset.done $0x0  }
0xa0: {  	[sflag:s22] =	ssyncadd.s32 s4;
	_ =	sdelay $0x1  }
0xa1: {  	s23 =	simm.s32 $0x1B8B  }
0xa2: {  	_ =	swait.ge [sflag:s23], $0x1  }
0xa3: {  	[sflag:s23] =	ssyncset.done $0x0  }
0xa4: {  	s25 =	simm.s32 $0x1B8E;
	s24 =	sld [smem:$0x3FFE];
	[sflag:s23] =	ssyncadd.s32 $0xFFFFFFFF  }
0xa5: {  	s26 =	simm.s32 $execute0_lowered;
	[smem:$0x3FD2] =	sst s25  }
0xa6: {  	s5 =	sshll.u32 s26, $0x1;
	_ =	strace $0x8000004C;
	[dreg:$0x1] =	wrdreg $0xFFFFFFFF  }
0xa7: {  	s28 =	simm.s32 $_size_execute0_lowered;
	s3 =	sadd.s32 s3, s5;
	[dreg:$0x0] =	wrdreg $0x0  }
0xa8: {  	s5 =	sshll.u32 s28, $0x1;
	[dreg:$0x2] =	wrdreg s3  }
0xa9: {  	[dreg:$0x3] =	wrdreg s5  }
0xaa: {  	[dreg:$0x4] =	wrdreg $0xC0  }
0xab: {  	_ =	task [dreg:s7], $0x5FFFF  }
0xac: {  	[dreg:$0x1] =	wrdreg $0xFFFFFFFF  }
0xad: {  	[dreg:$0x0] =	wrdreg $0x60  }
0xae: {  	[dreg:$0x2] =	wrdreg s2  }
0xaf: {  	[dreg:$0x3] =	wrdreg s24  }
0xb0: {  	[dreg:$0x4] =	wrdreg $0xBC000  }
0xb1: {  	[dreg:$0x5] =	wrdreg $0x9  }
0xb2: {  	_ =	task.clear_ibuf [dreg:s7], $0x6FFFF;
	_ =	strace $0x9000004C  }
0xb3: {  	s29 =	simm.s32 $0x9;
	_ =	strace $0x8000004E  }
0xb4: {  	_ =	swait.ge [sflag:s29], $0x1  }
0xb5: {  	[sflag:s29] =	ssyncadd.s32 $0xFFFFFFFF  }
0xb6: {  	_ =	strace $0x9000004E  }
0xb7: {  	_ =	sfence  }
0xb8: {  	s30 =	sld [smem:$0x0];
	_ =	sdelay $0x2  }
0xb9: {  	s31 =	sshll.u32 s1, $0xD;
	s1 =	sshrl.u32 s1, $0x2  }
0xba: {  	s3 =	sand.u32 $0x4000, s31;
	s1 =	sadd.s32 s1, s30  }
0xbb: {  	s0 =	sor.u32 s3, s0;
	s1 =	sshll.u32 s1, $0x11  }
0xbc: {  	s0 =	sor.u32 s1, s0  }
0xbd: {  	s0 =	sadd.s32 $0x8F2B, s0  }
0xbe: {  	[sflag:s0] =	ssyncadd.remote.s32 $0x1  }
0xbf: {  	_ =	sfence.sel $0xFFFF  }
0xc0: {  	[dreg:$0x0] =	wrdreg $0xFFFFFFFF;
	(pc) =	sbr.abs _section_cstart, $3  }
0xc1: {  	[dreg:$0x1] =	wrdreg $0xFFFFFFFF  }
0xc2: {  	_ =	task.clear_ibuf [dreg:s7], $0x2FFFF;
	_ =	strace $0x9FFFFFFF  }
0xc3: {  	(tm) =	ssettm $0x7FFFFFFF  }
tec
execute0_lowered:
.L_overlay_start_1:
0x0: {  	(tag) =	ssettag $0x1  }
0x1: {  	s3 =	rddreg [dreg:$0x0]  }
0x2: {  	s0 =	rddreg [dreg:$0x1]  }
0x3: {  	s21 =	rddreg [dreg:$0x2];
	s11 =	stileid.u32  }
0x4: {  	s2 =	srdreg.scid;
	s7 =	smul.u32 $0x14000, s11  }
0x5: {  	s4 =	simm.s32 $0x0;
	s6 =	sand.u32 $0x1, s2;
	s12 =	smul.u32 $0x2710, s11  }
0x6: {  	[smem:$0x7FF] =	sst s4;
	s2 =	smul.u32 $0x140000, s6  }
0x7: {  	s5 =	sshll.u32 s6, $0x4;
	s26 =	ssub.s32 $0x2, s6;
	s6 =	smul.u32 $0x27100, s6  }
0x8: {  	s1 =	sadd.s32 $0x3200, s0;
	s13 =	sadd.s32 $0xD000, s0;
	_ =	strace $0x8000004D  }
0x9: {  	[dreg:$0x13] =	wrdreg s13;
	s5 =	sor.u32 s11, s5;
	s6 =	sadd.s32 s12, s6  }
0xa: {  	s5 =	smul.u32 $0x2710, s5;
	s2 =	sadd.s32 s7, s2;
	s18 =	sadd.s32 $0x3C0, s6  }
0xb: {  	s8 =	sshrl.u32 s26, $0x1;
	s2 =	sshrl.u32 s2, $0x3;
	s20 =	sshrl.u32 s18, $0x3  }
0xc: {  	s5 =	sshrl.u32 s5, $0x3;
	s2 =	sadd.s32 s2, s0;
	s22 =	sadd.s32 s20, s13  }
0xd: {  	s0 =	ssub.s32 s26, s8;
	s2 =	sadd.s32 $0x16E00, s2;
	[dreg:$0x4] =	wrdreg s22  }
0xe: {  	s9 =	sadd.s32 $0xA, s5;
	s0 =	smax.u32 s0, $0x1;
	[smem:$0x7EB] =	sst s2  }
0xf: {  	s29 =	sadd.s32 s1, s9;
	[smem:$0x7EC] =	sst s0  }
0x10: {  	s31 =	sadd.s32 $0x14, s5;
	s30 =	sadd.s32 s13, s9;
	[dreg:$0x14] =	wrdreg s29  }
0x11: {  	s9 =	sadd.s32 s1, s31;
	[dreg:$0x15] =	wrdreg s30  }
0x12: {  	s10 =	sadd.s32 $0x1E, s5;
	s7 =	sadd.s32 s13, s31;
	[dreg:$0x16] =	wrdreg s9  }
0x13: {  	s14 =	sadd.s32 s1, s10;
	[dreg:$0x17] =	wrdreg s7  }
0x14: {  	s15 =	sadd.s32 $0x28, s5;
	s8 =	sadd.s32 s13, s10;
	[dreg:$0x18] =	wrdreg s14  }
0x15: {  	s17 =	sadd.s32 $0x492, s5;
	s16 =	sadd.s32 s1, s15;
	[dreg:$0x19] =	wrdreg s8  }
0x16: {  	s19 =	sadd.s32 s1, s17;
	[dreg:$0x1a] =	wrdreg s16  }
0x17: {  	s7 =	sadd.s32 s13, s15;
	[dreg:$0x1c] =	wrdreg s19  }
0x18: {  	s10 =	sadd.s32 $0x370, s6;
	s9 =	smov.u32 s1;
	[dreg:$0x1b] =	wrdreg s7  }
0x19: {  	s23 =	sshrl.u32 s10, $0x3;
	s7 =	sadd.s32 s13, s17;
	[dreg:$0x12] =	wrdreg s9  }
0x1a: {  	s25 =	sadd.s32 $0x320, s6;
	s24 =	sadd.s32 s23, s13;
	[dreg:$0x1d] =	wrdreg s7  }
0x1b: {  	s29 =	sshrl.u32 s25, $0x3;
	s26 =	sadd.s32 s23, s1;
	[dreg:$0x6] =	wrdreg s24  }
0x1c: {  	s31 =	sadd.s32 $0x2D0, s6;
	s30 =	sadd.s32 s29, s13;
	[dreg:$0x7] =	wrdreg s26  }
0x1d: {  	s14 =	sshrl.u32 s31, $0x3;
	s12 =	sadd.s32 s29, s1;
	[dreg:$0x8] =	wrdreg s30  }
0x1e: {  	s16 =	sadd.s32 $0x230, s6;
	s15 =	sadd.s32 s14, s13;
	[dreg:$0x9] =	wrdreg s12  }
0x1f: {  	s25 =	sadd.s32 $0x190, s6;
	s17 =	sadd.s32 s14, s1;
	[dreg:$0xa] =	wrdreg s15  }
0x20: {  	s29 =	sshrl.u32 s25, $0x3;
	s25 =	sadd.s32 s1, s5;
	[dreg:$0xb] =	wrdreg s17  }
0x21: {  	s18 =	sshrl.u32 s16, $0x3;
	s7 =	sadd.s32 s20, s1;
	[smem:$0x7E5] =	sst s25  }
0x22: {  	s19 =	sadd.s32 s18, s13;
	[dreg:$0x5] =	wrdreg s7  }
0x23: {  	s8 =	sadd.s32 $0x49C, s5;
	s22 =	sadd.s32 s18, s1;
	[dreg:$0xc] =	wrdreg s19  }
0x24: {  	s30 =	sadd.s32 s1, s8;
	[dreg:$0xd] =	wrdreg s22  }
0x25: {  	s8 =	sadd.s32 s13, s8;
	[dreg:$0x1e] =	wrdreg s30  }
0x26: {  	s31 =	sadd.s32 s29, s13;
	[dreg:$0x1f] =	wrdreg s8  }
0x27: {  	s14 =	sadd.s32 $0x4B0, s5;
	s10 =	sadd.s32 s29, s1;
	[dreg:$0x10] =	wrdreg s31  }
0x28: {  	s17 =	sadd.s32 s1, s14;
	[dreg:$0x11] =	wrdreg s10  }
0x29: {  	s12 =	sadd.s32 $0x4A6, s5;
	s18 =	sadd.s32 s13, s14;
	[smem:$0x7DF] =	sst s17  }
0x2a: {  	s15 =	sadd.s32 s1, s12;
	[smem:$0x7E0] =	sst s18  }
0x2b: {  	s29 =	sadd.s32 $0x4CE, s5;
	s16 =	sadd.s32 s13, s12;
	[smem:$0x7DD] =	sst s15  }
0x2c: {  	s20 =	sadd.s32 $0x1E0, s6;
	s31 =	sadd.s32 s1, s29;
	[smem:$0x7DE] =	sst s16  }
0x2d: {  	s23 =	sshrl.u32 s20, $0x3;
	s12 =	sadd.s32 $0x280, s6;
	[smem:$0x7E7] =	sst s31  }
0x2e: {  	s24 =	sadd.s32 s23, s13;
	[smem:$0x7ED] =	sst s12  }
0x2f: {  	s19 =	sadd.s32 $0x4BA, s5;
	s26 =	sadd.s32 s23, s1;
	[dreg:$0xe] =	wrdreg s24  }
0x30: {  	s22 =	sadd.s32 s1, s19;
	[dreg:$0xf] =	wrdreg s26  }
0x31: {  	s20 =	sadd.s32 $0x4C4, s5;
	s7 =	sadd.s32 s13, s19;
	[smem:$0x7E1] =	sst s22  }
0x32: {  	s23 =	sadd.s32 s1, s20;
	[smem:$0x7E2] =	sst s7  }
0x33: {  	[smem:$0x7E3] =	sst s23;
	s24 =	sadd.s32 s13, s20  }
0x34: {  	s30 =	smul.u32 $0x50000, s11;
	s26 =	sadd.s32 s13, s5;
	[smem:$0x7E4] =	sst s24  }
0x35: {  	s5 =	sadd.s32 $0x4D8, s5;
	s7 =	sadd.s32 s13, s29;
	[smem:$0x7E6] =	sst s26  }
0x36: {  	[smem:$0x7E8] =	sst s7;
	s10 =	sadd.s32 s1, s5  }
0x37: {  	s11 =	sshrl.u32 s30, $0x2;
	s5 =	sadd.s32 s13, s5;
	[smem:$0x7E9] =	sst s10  }
0x38: {  	s28 =	sadd.s32 s11, s21;
	[smem:$0x7EA] =	sst s5  }
0x39: {  	s14 =	sadd.s32 $0x1400, s28;
	[smem:$0x7FD] =	sst s28  }
0x3a: {  	s15 =	sadd.s32 $0x2800, s28;
	[smem:$0x7EE] =	sst s14  }
0x3b: {  	s16 =	sadd.s32 $0x3C00, s28;
	[smem:$0x7EF] =	sst s15  }
0x3c: {  	s17 =	sadd.s32 $0x5000, s28;
	[smem:$0x7F0] =	sst s16  }
0x3d: {  	s18 =	sadd.s32 $0x6400, s28;
	[smem:$0x7F1] =	sst s17  }
0x3e: {  	s19 =	sadd.s32 $0x7800, s28;
	[smem:$0x7F2] =	sst s18  }
0x3f: {  	s20 =	sadd.s32 $0x8C00, s28;
	[smem:$0x7F3] =	sst s19  }
0x40: {  	s22 =	sadd.s32 $0xA000, s28;
	[smem:$0x7F4] =	sst s20  }
0x41: {  	s23 =	sadd.s32 $0xB400, s28;
	[smem:$0x7F5] =	sst s22  }
0x42: {  	s24 =	sadd.s32 $0xC800, s28;
	[smem:$0x7F6] =	sst s23  }
0x43: {  	s25 =	sadd.s32 $0xDC00, s28;
	[smem:$0x7F7] =	sst s24  }
0x44: {  	s26 =	sadd.s32 $0xF000, s28;
	[smem:$0x7F8] =	sst s25  }
0x45: {  	s29 =	sadd.s32 $0x10400, s28;
	[smem:$0x7F9] =	sst s26  }
0x46: {  	s30 =	sadd.s32 $0x11800, s28;
	[smem:$0x7FA] =	sst s29  }
0x47: {  	s0 =	simm.s32 $0x0;
	s31 =	sadd.s32 $0x12C00, s28;
	[smem:$0x7FB] =	sst s30  }
0x48: {  	v0 =	vimm.f32 $0.0e+00;
	s12 =	simm.s32 $0x50;
	[smem:$0x7FC] =	sst s31;
	s22 =	simm.s32 $0x9  }
.LBB2_1:
0x49: {  	[smem:$0x7DC] =	sst s0;
	s20 =	simm.s32 $0x0;
	s24 =	simm.s32 $0x200  }
.LBB2_2:
0x4a: {  	p0 =	sne.s32 s24, $0x4E00;
	[tilespmem:s20+$0xA870] =	vst v0  }
0x4b: {  	[tilespmem:s20+$0xA800] =	vst v0  }
0x4c: {  	[tilespmem:s20+$0xA810] =	vst v0  }
.Ltmp0:
0x4d: {  	[tilespmem:s20+$0xA820] =	vst v0;
	(pc) =	sbr.rel @p0 .LBB2_2-.Ltmp0, $4  }
0x4e: {  	[tilespmem:s20+$0xA830] =	vst v0  }
0x4f: {  	[tilespmem:s20+$0xA840] =	vst v0  }
0x50: {  	[tilespmem:s20+$0xA850] =	vst v0  }
0x51: {  	[tilespmem:s20+$0xA860] =	vst v0;
	s20 =	sshra.s32 s24, $0x2;
	s24 =	sadd.s32 $0x200, s24  }
0x52: {  	[tilespmem:s20+$0xA870] =	vst v0  }
0x53: {  	[tilespmem:s20+$0xA800] =	vst v0  }
0x54: {  	[tilespmem:s20+$0xA810] =	vst v0  }
0x55: {  	[tilespmem:s20+$0xA820] =	vst v0  }
0x56: {  	[tilespmem:s20+$0xA830] =	vst v0  }
0x57: {  	[tilespmem:s20+$0xA840] =	vst v0  }
0x58: {  	[tilespmem:s20+$0xA850] =	vst v0  }
0x59: {  	[tilespmem:s20+$0xA860] =	vst v0;
	s5 =	simm.s32 $0xA800;
	s1 =	simm.s32 $0x11  }
0x5a: {  	[spmem:s28] =	stream.linear.scatter [tilespmem:s5], [sflag:$0x11], $0x1400, $0x38;
	[tilespmem:$0x1FC00] =	vst v63  }
0x5b: {  	_ =	swait.ge [sflag:s1], $0x1400  }
0x5c: {  	s0 =	sld [smem:$0x7EE]  }
0x5d: {  	[sflag:s1] =	ssyncset.done $0x0  }
0x5e: {  	[sflag:s1] =	ssyncadd.s32 $0xFFFFEC00  }
0x5f: {  	[spmem:s0] =	stream.linear.scatter [tilespmem:s5], [sflag:$0x11], $0x1400, $0x38;
	[tilespmem:$0x1FC00] =	vst v63  }
0x60: {  	_ =	swait.ge [sflag:s1], $0x1400  }
0x61: {  	s2 =	sld [smem:$0x7EF]  }
0x62: {  	[sflag:s1] =	ssyncset.done $0x0  }
0x63: {  	[sflag:s1] =	ssyncadd.s32 $0xFFFFEC00  }
0x64: {  	[spmem:s2] =	stream.linear.scatter [tilespmem:s5], [sflag:$0x11], $0x1400, $0x38;
	[tilespmem:$0x1FC00] =	vst v63  }
0x65: {  	_ =	swait.ge [sflag:s1], $0x1400  }
0x66: {  	s6 =	sld [smem:$0x7F0]  }
0x67: {  	[sflag:s1] =	ssyncset.done $0x0  }
0x68: {  	[sflag:s1] =	ssyncadd.s32 $0xFFFFEC00  }
0x69: {  	[spmem:s6] =	stream.linear.scatter [tilespmem:s5], [sflag:$0x11], $0x1400, $0x38;
	[tilespmem:$0x1FC00] =	vst v63  }
0x6a: {  	_ =	swait.ge [sflag:s1], $0x1400  }
0x6b: {  	s7 =	sld [smem:$0x7F1]  }
0x6c: {  	[sflag:s1] =	ssyncset.done $0x0  }
0x6d: {  	[sflag:s1] =	ssyncadd.s32 $0xFFFFEC00  }
0x6e: {  	[spmem:s7] =	stream.linear.scatter [tilespmem:s5], [sflag:$0x11], $0x1400, $0x38;
	[tilespmem:$0x1FC00] =	vst v63  }
0x6f: {  	_ =	swait.ge [sflag:s1], $0x1400  }
0x70: {  	s8 =	sld [smem:$0x7F2]  }
0x71: {  	[sflag:s1] =	ssyncset.done $0x0  }
0x72: {  	[sflag:s1] =	ssyncadd.s32 $0xFFFFEC00  }
0x73: {  	[spmem:s8] =	stream.linear.scatter [tilespmem:s5], [sflag:$0x11], $0x1400, $0x38;
	[tilespmem:$0x1FC00] =	vst v63  }
0x74: {  	_ =	swait.ge [sflag:s1], $0x1400  }
0x75: {  	s10 =	sld [smem:$0x7F3]  }
0x76: {  	[sflag:s1] =	ssyncset.done $0x0  }
0x77: {  	[sflag:s1] =	ssyncadd.s32 $0xFFFFEC00  }
0x78: {  	[spmem:s10] =	stream.linear.scatter [tilespmem:s5], [sflag:$0x11], $0x1400, $0x38;
	[tilespmem:$0x1FC00] =	vst v63  }
0x79: {  	_ =	swait.ge [sflag:s1], $0x1400  }
0x7a: {  	s11 =	sld [smem:$0x7F4]  }
0x7b: {  	[sflag:s1] =	ssyncset.done $0x0  }
0x7c: {  	[sflag:s1] =	ssyncadd.s32 $0xFFFFEC00  }
0x7d: {  	[spmem:s11] =	stream.linear.scatter [tilespmem:s5], [sflag:$0x11], $0x1400, $0x38;
	[tilespmem:$0x1FC00] =	vst v63  }
0x7e: {  	_ =	swait.ge [sflag:s1], $0x1400  }
0x7f: {  	s13 =	sld [smem:$0x7F5]  }
0x80: {  	[sflag:s1] =	ssyncset.done $0x0  }
0x81: {  	[sflag:s1] =	ssyncadd.s32 $0xFFFFEC00  }
0x82: {  	[spmem:s13] =	stream.linear.scatter [tilespmem:s5], [sflag:$0x11], $0x1400, $0x38;
	[tilespmem:$0x1FC00] =	vst v63  }
0x83: {  	_ =	swait.ge [sflag:s1], $0x1400  }
0x84: {  	s14 =	sld [smem:$0x7F6]  }
0x85: {  	[sflag:s1] =	ssyncset.done $0x0  }
0x86: {  	[sflag:s1] =	ssyncadd.s32 $0xFFFFEC00  }
0x87: {  	[spmem:s14] =	stream.linear.scatter [tilespmem:s5], [sflag:$0x11], $0x1400, $0x38;
	[tilespmem:$0x1FC00] =	vst v63  }
0x88: {  	_ =	swait.ge [sflag:s1], $0x1400  }
0x89: {  	s15 =	sld [smem:$0x7F7]  }
0x8a: {  	[sflag:s1] =	ssyncset.done $0x0  }
0x8b: {  	[sflag:s1] =	ssyncadd.s32 $0xFFFFEC00  }
0x8c: {  	[spmem:s15] =	stream.linear.scatter [tilespmem:s5], [sflag:$0x11], $0x1400, $0x38;
	[tilespmem:$0x1FC00] =	vst v63  }
0x8d: {  	_ =	swait.ge [sflag:s1], $0x1400  }
0x8e: {  	s16 =	sld [smem:$0x7F8]  }
0x8f: {  	[sflag:s1] =	ssyncset.done $0x0  }
0x90: {  	[sflag:s1] =	ssyncadd.s32 $0xFFFFEC00  }
0x91: {  	[spmem:s16] =	stream.linear.scatter [tilespmem:s5], [sflag:$0x11], $0x1400, $0x38;
	[tilespmem:$0x1FC00] =	vst v63  }
0x92: {  	_ =	swait.ge [sflag:s1], $0x1400  }
0x93: {  	s17 =	sld [smem:$0x7F9]  }
0x94: {  	[sflag:s1] =	ssyncset.done $0x0  }
0x95: {  	[sflag:s1] =	ssyncadd.s32 $0xFFFFEC00  }
0x96: {  	[spmem:s17] =	stream.linear.scatter [tilespmem:s5], [sflag:$0x11], $0x1400, $0x38;
	[tilespmem:$0x1FC00] =	vst v63  }
0x97: {  	_ =	swait.ge [sflag:s1], $0x1400  }
0x98: {  	s18 =	sld [smem:$0x7FA]  }
0x99: {  	[sflag:s1] =	ssyncset.done $0x0  }
0x9a: {  	[sflag:s1] =	ssyncadd.s32 $0xFFFFEC00  }
0x9b: {  	[spmem:s18] =	stream.linear.scatter [tilespmem:s5], [sflag:$0x11], $0x1400, $0x38;
	[tilespmem:$0x1FC00] =	vst v63  }
0x9c: {  	_ =	swait.ge [sflag:s1], $0x1400  }
0x9d: {  	s19 =	sld [smem:$0x7FB]  }
0x9e: {  	[sflag:s1] =	ssyncset.done $0x0  }
0x9f: {  	[sflag:s1] =	ssyncadd.s32 $0xFFFFEC00  }
0xa0: {  	[spmem:s19] =	stream.linear.scatter [tilespmem:s5], [sflag:$0x11], $0x1400, $0x38;
	[tilespmem:$0x1FC00] =	vst v63  }
0xa1: {  	_ =	swait.ge [sflag:s1], $0x1400  }
0xa2: {  	s23 =	sld [smem:$0x7FC]  }
0xa3: {  	[sflag:s1] =	ssyncset.done $0x0  }
0xa4: {  	[sflag:s1] =	ssyncadd.s32 $0xFFFFEC00  }
0xa5: {  	[spmem:s23] =	stream.linear.scatter [tilespmem:s5], [sflag:$0x11], $0x1400, $0x38;
	[tilespmem:$0x1FC00] =	vst v63  }
0xa6: {  	_ =	swait.ge [sflag:s1], $0x1400  }
0xa7: {  	[sflag:s1] =	ssyncset.done $0x0  }
0xa8: {  	[sflag:s1] =	ssyncadd.s32 $0xFFFFEC00  }
0xa9: {  	[bflag:$0x0] =	sbarrier.arrive $0xFFFF  }
0xaa: {  	s25 =	sld [smem:$0x7E5];
	_ =	sdelay $0x1  }
0xab: {  	s24 =	simm.s32 $0x0;
	s26 =	sld [smem:$0x7E6]  }
0xac: {  	[tilespmem:s24], [sflag:$0x9] =	stream.linear.gather [hbm4b:s25+s24], $0x50, $0x38;
	[tilespmem:$0x1FC00] =	vst v63  }
0xad: {  	s1 =	simm.s32 $0x400  }
0xae: {  	[tilespmem:s1], [sflag:$0x9] =	stream.linear.gather [hbm4b:s26+s24], $0x50, $0x38;
	[tilespmem:$0x1FC00] =	vst v63  }
0xaf: {  	s30 =	simm.s32 $0x80;
	s29 =	rddreg [dreg:$0x14]  }
0xb0: {  	[tilespmem:s30], [sflag:$0xA] =	stream.linear.gather [hbm4b:s29+s24], $0x50, $0x38;
	[tilespmem:$0x1FC00] =	vst v63  }
0xb1: {  	s31 =	simm.s32 $0x480;
	s1 =	rddreg [dreg:$0x15]  }
0xb2: {  	[tilespmem:s31], [sflag:$0xA] =	stream.linear.gather [hbm4b:s1+s24], $0x50, $0x38;
	[tilespmem:$0x1FC00] =	vst v63  }
0xb3: {  	s7 =	simm.s32 $0x100;
	s5 =	rddreg [dreg:$0x16]  }
0xb4: {  	[tilespmem:s7], [sflag:$0xB] =	stream.linear.gather [hbm4b:s5+s24], $0x50, $0x38;
	[tilespmem:$0x1FC00] =	vst v63  }
0xb5: {  	s11 =	simm.s32 $0x500;
	s10 =	rddreg [dreg:$0x17]  }
0xb6: {  	[tilespmem:s11], [sflag:$0xB] =	stream.linear.gather [hbm4b:s10+s24], $0x50, $0x38;
	[tilespmem:$0x1FC00] =	vst v63  }
0xb7: {  	s28 =	simm.s32 $0x180;
	s13 =	rddreg [dreg:$0x18]  }
0xb8: {  	[tilespmem:s28], [sflag:$0xC] =	stream.linear.gather [hbm4b:s13+s24], $0x50, $0x38;
	[tilespmem:$0x1FC00] =	vst v63  }
0xb9: {  	s15 =	simm.s32 $0x580;
	s14 =	rddreg [dreg:$0x19]  }
0xba: {  	[tilespmem:s15], [sflag:$0xC] =	stream.linear.gather [hbm4b:s14+s24], $0x50, $0x38;
	[tilespmem:$0x1FC00] =	vst v63  }
0xbb: {  	_ =	swait.ge [sflag:s22], $0x50  }
0xbc: {  	[sflag:s22] =	ssyncset.done $0x0  }
0xbd: {  	[sflag:s22] =	ssyncadd.s32 $0xFFFFFFB0  }
0xbe: {  	_ =	swait.ge [sflag:s22], $0x50  }
0xbf: {  	[sflag:s22] =	ssyncset.done $0x0  }
0xc0: {  	s1 =	simm.s32 $0xA;
	s15 =	simm.s32 $0x800;
	[sflag:s22] =	ssyncadd.s32 $0xFFFFFFB0  }
0xc1: {  	[tilespmem:s15], [sflag:$0x1] =	stream.indirect.gather [hbm4b:s3+s12], $0x80, s24, s12, $0xb8;
	[tilespmem:$0x1FC00] =	vst v63  }
0xc2: {  	_ =	swait.ge [sflag:s1], $0x50  }
0xc3: {  	[sflag:s1] =	ssyncset.done $0x0  }
0xc4: {  	[sflag:s1] =	ssyncadd.s32 $0xFFFFFFB0  }
0xc5: {  	_ =	swait.ge [sflag:s1], $0x50  }
0xc6: {  	s6 =	simm.s32 $0x80;
	[sflag:s1] =	ssyncset.done $0x0  }
0xc7: {  	s17 =	simm.s32 $0x3000;
	s30 =	simm.s32 $0xB;
	[sflag:s1] =	ssyncadd.s32 $0xFFFFFFB0  }
0xc8: {  	[tilespmem:s17], [sflag:$0x2] =	stream.indirect.gather [hbm4b:s3+s12], $0x80, s6, s12, $0xb8;
	[tilespmem:$0x1FC00] =	vst v63  }
0xc9: {  	_ =	swait.ge [sflag:s30], $0x50  }
0xca: {  	[sflag:s30] =	ssyncset.done $0x0  }
0xcb: {  	[sflag:s30] =	ssyncadd.s32 $0xFFFFFFB0  }
0xcc: {  	_ =	swait.ge [sflag:s30], $0x50  }
0xcd: {  	[sflag:s30] =	ssyncset.done $0x0  }
0xce: {  	s8 =	simm.s32 $0x100;
	s14 =	simm.s32 $0x5800;
	[sflag:s30] =	ssyncadd.s32 $0xFFFFFFB0  }
0xcf: {  	[tilespmem:s14], [sflag:$0x3] =	stream.indirect.gather [hbm4b:s3+s12], $0x80, s8, s12, $0xb8;
	[tilespmem:$0x1FC00] =	vst v63  }
0xd0: {  	s8 =	simm.s32 $0x1  }
0xd1: {  	_ =	swait.ge [sflag:s8], $0x2800  }
0xd2: {  	[sflag:s8] =	ssyncset.done $0x0  }
0xd3: {  	s2 =	simm.s32 $0x400;
	[sflag:s8] =	ssyncadd.s32 $0xFFFFD800  }
0xd4: {  	[spmem:s21] =	stream.indirect.scatter.add.f32 [tilespmem:s15], [sflag:$0x5], $0x80, s2, s12, $0xb8;
	[tilespmem:$0x1FC00] =	vst v63  }
0xd5: {  	s18 =	simm.s32 $0x200;
	s16 =	rddreg [dreg:$0x1a]  }
0xd6: {  	[tilespmem:s18], [sflag:$0xD] =	stream.linear.gather [hbm4b:s16+s24], $0x50, $0x38;
	[tilespmem:$0x1FC00] =	vst v63  }
0xd7: {  	s26 =	simm.s32 $0x600;
	s25 =	rddreg [dreg:$0x1b]  }
0xd8: {  	[tilespmem:s26], [sflag:$0xD] =	stream.linear.gather [hbm4b:s25+s24], $0x50, $0x38;
	[tilespmem:$0x1FC00] =	vst v63  }
0xd9: {  	s26 =	simm.s32 $0xC  }
0xda: {  	_ =	swait.ge [sflag:s26], $0x50  }
0xdb: {  	[sflag:s26] =	ssyncset.done $0x0  }
0xdc: {  	[sflag:s26] =	ssyncadd.s32 $0xFFFFFFB0  }
0xdd: {  	_ =	swait.ge [sflag:s26], $0x50  }
0xde: {  	[sflag:s26] =	ssyncset.done $0x0  }
0xdf: {  	s22 =	simm.s32 $0x8000;
	s25 =	simm.s32 $0x2;
	[sflag:s26] =	ssyncadd.s32 $0xFFFFFFB0  }
0xe0: {  	[tilespmem:s22], [sflag:$0x4] =	stream.indirect.gather [hbm4b:s3+s12], $0x80, s28, s12, $0xb8;
	[tilespmem:$0x1FC00] =	vst v63  }
0xe1: {  	_ =	swait.ge [sflag:s25], $0x2800  }
0xe2: {  	[sflag:s25] =	ssyncset.done $0x0  }
0xe3: {  	s29 =	rddreg [dreg:$0x11];
	[sflag:s25] =	ssyncadd.s32 $0xFFFFD800  }
0xe4: {  	[spmem:s21] =	stream.indirect.scatter.add.f32 [tilespmem:s17], [sflag:$0x6], $0x80, s31, s12, $0xb8;
	[tilespmem:$0x1FC00] =	vst v63  }
0xe5: {  	s5 =	simm.s32 $0x280;
	s24 =	rddreg [dreg:$0x10];
	s20 =	sadd.s32 $0x0, s29  }
0xe6: {  	[tilespmem:s5], [sflag:$0xE] =	stream.linear.gather [hbm4b:s20+s4], $0x50, $0x38;
	[tilespmem:$0x1FC00] =	vst v63  }
0xe7: {  	s23 =	simm.s32 $0x680;
	s10 =	simm.s32 $0x5;
	s0 =	sadd.s32 $0x0, s24  }
0xe8: {  	[tilespmem:s23], [sflag:$0xE] =	stream.linear.gather [hbm4b:s0+s4], $0x50, $0x38;
	[tilespmem:$0x1FC00] =	vst v63  }
0xe9: {  	_ =	swait.ge [sflag:s10], $0x2800  }
0xea: {  	[sflag:s10] =	ssyncset.done $0x0  }
0xeb: {  	s2 =	simm.s32 $0xD;
	[sflag:s10] =	ssyncadd.s32 $0xFFFFD800  }
0xec: {  	_ =	swait.ge [sflag:s2], $0x50  }
0xed: {  	[sflag:s2] =	ssyncset.done $0x0  }
0xee: {  	[sflag:s2] =	ssyncadd.s32 $0xFFFFFFB0  }
0xef: {  	_ =	swait.ge [sflag:s2], $0x50  }
0xf0: {  	[sflag:s2] =	ssyncset.done $0x0  }
0xf1: {  	s19 =	simm.s32 $0x200;
	s16 =	simm.s32 $0x3;
	[sflag:s2] =	ssyncadd.s32 $0xFFFFFFB0  }
0xf2: {  	[tilespmem:s15], [sflag:$0x1] =	stream.indirect.gather [hbm4b:s3+s12], $0x80, s19, s12, $0xb8;
	[tilespmem:$0x1FC00] =	vst v63  }
0xf3: {  	_ =	swait.ge [sflag:s16], $0x2800  }
0xf4: {  	[sflag:s16] =	ssyncset.done $0x0  }
0xf5: {  	s7 =	simm.s32 $0x500;
	s6 =	rddreg [dreg:$0xf];
	[sflag:s16] =	ssyncadd.s32 $0xFFFFD800  }
0xf6: {  	[spmem:s21] =	stream.indirect.scatter.add.f32 [tilespmem:s14], [sflag:$0x7], $0x80, s7, s12, $0xb8;
	[tilespmem:$0x1FC00] =	vst v63  }
0xf7: {  	s0 =	simm.s32 $0x300;
	s18 =	rddreg [dreg:$0xe];
	s20 =	sadd.s32 $0x0, s6  }
0xf8: {  	[tilespmem:s0], [sflag:$0xF] =	stream.linear.gather [hbm4b:s20+s4], $0x50, $0x38;
	[tilespmem:$0x1FC00] =	vst v63  }
0xf9: {  	s29 =	simm.s32 $0x700;
	s2 =	simm.s32 $0x6;
	s19 =	sadd.s32 $0x0, s18  }
0xfa: {  	[tilespmem:s29], [sflag:$0xF] =	stream.linear.gather [hbm4b:s19+s4], $0x50, $0x38;
	[tilespmem:$0x1FC00] =	vst v63  }
0xfb: {  	_ =	swait.ge [sflag:s2], $0x2800  }
0xfc: {  	[sflag:s2] =	ssyncset.done $0x0  }
0xfd: {  	s24 =	simm.s32 $0xE;
	[sflag:s2] =	ssyncadd.s32 $0xFFFFD800  }
0xfe: {  	_ =	swait.ge [sflag:s24], $0x50  }
0xff: {  	[sflag:s24] =	ssyncset.done $0x0  }
0x100: {  	[sflag:s24] =	ssyncadd.s32 $0xFFFFFFB0  }
0x101: {  	_ =	swait.ge [sflag:s24], $0x50  }
0x102: {  	[sflag:s24] =	ssyncset.done $0x0  }
0x103: {  	s7 =	simm.s32 $0x4;
	[sflag:s24] =	ssyncadd.s32 $0xFFFFFFB0  }
0x104: {  	[tilespmem:s17], [sflag:$0x2] =	stream.indirect.gather [hbm4b:s3+s12], $0x80, s5, s12, $0xb8;
	[tilespmem:$0x1FC00] =	vst v63  }
0x105: {  	_ =	swait.ge [sflag:s7], $0x2800  }
0x106: {  	[sflag:s7] =	ssyncset.done $0x0  }
0x107: {  	s13 =	simm.s32 $0x580;
	s6 =	rddreg [dreg:$0xd];
	[sflag:s7] =	ssyncadd.s32 $0xFFFFD800  }
0x108: {  	[spmem:s21] =	stream.indirect.scatter.add.f32 [tilespmem:s22], [sflag:$0x8], $0x80, s13, s12, $0xb8;
	[tilespmem:$0x1FC00] =	vst v63  }
0x109: {  	s18 =	rddreg [dreg:$0xc];
	s20 =	sadd.s32 $0x0, s6;
	s6 =	simm.s32 $0x380  }
0x10a: {  	[tilespmem:s6], [sflag:$0x10] =	stream.linear.gather [hbm4b:s20+s4], $0x50, $0x38;
	[tilespmem:$0x1FC00] =	vst v63  }
0x10b: {  	s19 =	sadd.s32 $0x0, s18;
	s18 =	simm.s32 $0x780  }
0x10c: {  	[tilespmem:s18], [sflag:$0x10] =	stream.linear.gather [hbm4b:s19+s4], $0x50, $0x38;
	[tilespmem:$0x1FC00] =	vst v63  }
0x10d: {  	s19 =	simm.s32 $0x7  }
0x10e: {  	_ =	swait.ge [sflag:s19], $0x2800  }
0x10f: {  	[sflag:s19] =	ssyncset.done $0x0  }
0x110: {  	s24 =	simm.s32 $0xF;
	[sflag:s19] =	ssyncadd.s32 $0xFFFFD800  }
0x111: {  	_ =	swait.ge [sflag:s24], $0x50  }
0x112: {  	[sflag:s24] =	ssyncset.done $0x0  }
0x113: {  	[sflag:s24] =	ssyncadd.s32 $0xFFFFFFB0  }
0x114: {  	_ =	swait.ge [sflag:s24], $0x50  }
0x115: {  	[sflag:s24] =	ssyncset.done $0x0  }
0x116: {  	[sflag:s24] =	ssyncadd.s32 $0xFFFFFFB0  }
0x117: {  	[tilespmem:s14], [sflag:$0x3] =	stream.indirect.gather [hbm4b:s3+s12], $0x80, s0, s12, $0xb8;
	[tilespmem:$0x1FC00] =	vst v63  }
0x118: {  	_ =	swait.ge [sflag:s8], $0x2800  }
0x119: {  	[sflag:s8] =	ssyncset.done $0x0;
	s13 =	sld [smem:$0x7ED]  }
0x11a: {  	s11 =	simm.s32 $0x600;
	[sflag:s8] =	ssyncadd.s32 $0xFFFFD800  }
0x11b: {  	[spmem:s21] =	stream.indirect.scatter.add.f32 [tilespmem:s15], [sflag:$0x5], $0x80, s11, s12, $0xb8;
	[tilespmem:$0x1FC00] =	vst v63  }
0x11c: {  	s20 =	sshrl.u32 s13, $0x3  }
0x11d: {  	s5 =	rddreg [dreg:$0x13];
	s0 =	sadd.s32 s9, s20  }
0x11e: {  	[tilespmem:s4], [sflag:$0x9] =	stream.linear.gather [hbm4b:s0+s4], $0x50, $0x38;
	[tilespmem:$0x1FC00] =	vst v63  }
0x11f: {  	s20 =	sadd.s32 s5, s20;
	s9 =	simm.s32 $0x400;
	s5 =	simm.s32 $0x8  }
0x120: {  	[tilespmem:s9], [sflag:$0x9] =	stream.linear.gather [hbm4b:s20+s4], $0x50, $0x38;
	[tilespmem:$0x1FC00] =	vst v63  }
0x121: {  	_ =	swait.ge [sflag:s5], $0x2800  }
0x122: {  	[sflag:s5] =	ssyncset.done $0x0  }
0x123: {  	s0 =	simm.s32 $0x10;
	[sflag:s5] =	ssyncadd.s32 $0xFFFFD800  }
0x124: {  	_ =	swait.ge [sflag:s0], $0x50  }
0x125: {  	[sflag:s0] =	ssyncset.done $0x0  }
0x126: {  	[sflag:s0] =	ssyncadd.s32 $0xFFFFFFB0  }
0x127: {  	_ =	swait.ge [sflag:s0], $0x50  }
0x128: {  	[sflag:s0] =	ssyncset.done $0x0  }
0x129: {  	[sflag:s0] =	ssyncadd.s32 $0xFFFFFFB0  }
0x12a: {  	[tilespmem:s22], [sflag:$0x4] =	stream.indirect.gather [hbm4b:s3+s12], $0x80, s6, s12, $0xb8;
	[tilespmem:$0x1FC00] =	vst v63  }
0x12b: {  	_ =	swait.ge [sflag:s25], $0x2800  }
0x12c: {  	[sflag:s25] =	ssyncset.done $0x0  }
0x12d: {  	s24 =	rddreg [dreg:$0xb];
	[sflag:s25] =	ssyncadd.s32 $0xFFFFD800  }
0x12e: {  	[spmem:s21] =	stream.indirect.scatter.add.f32 [tilespmem:s17], [sflag:$0x6], $0x80, s23, s12, $0xb8;
	[tilespmem:$0x1FC00] =	vst v63  }
0x12f: {  	s6 =	simm.s32 $0x80;
	s25 =	rddreg [dreg:$0xa];
	s20 =	sadd.s32 $0x0, s24  }
0x130: {  	[tilespmem:s6], [sflag:$0xA] =	stream.linear.gather [hbm4b:s20+s4], $0x50, $0x38;
	[tilespmem:$0x1FC00] =	vst v63  }
0x131: {  	s9 =	sadd.s32 $0x0, s25  }
0x132: {  	[tilespmem:s31], [sflag:$0xA] =	stream.linear.gather [hbm4b:s9+s4], $0x50, $0x38;
	[tilespmem:$0x1FC00] =	vst v63  }
0x133: {  	_ =	swait.ge [sflag:s10], $0x2800  }
0x134: {  	[sflag:s10] =	ssyncset.done $0x0  }
0x135: {  	s11 =	simm.s32 $0x9;
	[sflag:s10] =	ssyncadd.s32 $0xFFFFD800  }
0x136: {  	_ =	swait.ge [sflag:s11], $0x50  }
0x137: {  	[sflag:s11] =	ssyncset.done $0x0  }
0x138: {  	[sflag:s11] =	ssyncadd.s32 $0xFFFFFFB0  }
0x139: {  	_ =	swait.ge [sflag:s11], $0x50  }
0x13a: {  	[sflag:s11] =	ssyncset.done $0x0  }
0x13b: {  	[sflag:s11] =	ssyncadd.s32 $0xFFFFFFB0  }
0x13c: {  	[tilespmem:s15], [sflag:$0x1] =	stream.indirect.gather [hbm4b:s3+s12], $0x80, s4, s12, $0xb8;
	[tilespmem:$0x1FC00] =	vst v63  }
0x13d: {  	_ =	swait.ge [sflag:s16], $0x2800  }
0x13e: {  	[sflag:s16] =	ssyncset.done $0x0  }
0x13f: {  	s11 =	rddreg [dreg:$0x9];
	[sflag:s16] =	ssyncadd.s32 $0xFFFFD800  }
0x140: {  	[spmem:s21] =	stream.indirect.scatter.add.f32 [tilespmem:s14], [sflag:$0x7], $0x80, s29, s12, $0xb8;
	[tilespmem:$0x1FC00] =	vst v63  }
0x141: {  	s25 =	simm.s32 $0x100;
	s22 =	rddreg [dreg:$0x8];
	s20 =	sadd.s32 $0x0, s11  }
0x142: {  	[tilespmem:s25], [sflag:$0xB] =	stream.linear.gather [hbm4b:s20+s4], $0x50, $0x38;
	[tilespmem:$0x1FC00] =	vst v63  }
0x143: {  	s9 =	simm.s32 $0x500;
	s29 =	sadd.s32 $0x0, s22  }
0x144: {  	[tilespmem:s9], [sflag:$0xB] =	stream.linear.gather [hbm4b:s29+s4], $0x50, $0x38;
	[tilespmem:$0x1FC00] =	vst v63  }
0x145: {  	_ =	swait.ge [sflag:s2], $0x2800  }
0x146: {  	[sflag:s2] =	ssyncset.done $0x0  }
0x147: {  	[sflag:s2] =	ssyncadd.s32 $0xFFFFD800  }
0x148: {  	_ =	swait.ge [sflag:s1], $0x50  }
0x149: {  	[sflag:s1] =	ssyncset.done $0x0  }
0x14a: {  	[sflag:s1] =	ssyncadd.s32 $0xFFFFFFB0  }
0x14b: {  	_ =	swait.ge [sflag:s1], $0x50  }
0x14c: {  	[sflag:s1] =	ssyncset.done $0x0  }
0x14d: {  	s15 =	simm.s32 $0x3000;
	[sflag:s1] =	ssyncadd.s32 $0xFFFFFFB0  }
0x14e: {  	[tilespmem:s15], [sflag:$0x2] =	stream.indirect.gather [hbm4b:s3+s12], $0x80, s6, s12, $0xb8;
	[tilespmem:$0x1FC00] =	vst v63  }
0x14f: {  	_ =	swait.ge [sflag:s7], $0x2800  }
0x150: {  	[sflag:s7] =	ssyncset.done $0x0  }
0x151: {  	s17 =	simm.s32 $0x8000;
	s10 =	rddreg [dreg:$0x7];
	[sflag:s7] =	ssyncadd.s32 $0xFFFFD800  }
0x152: {  	[spmem:s21] =	stream.indirect.scatter.add.f32 [tilespmem:s17], [sflag:$0x8], $0x80, s18, s12, $0xb8;
	[tilespmem:$0x1FC00] =	vst v63  }
0x153: {  	s11 =	rddreg [dreg:$0x6];
	s20 =	sadd.s32 $0x0, s10  }
0x154: {  	[tilespmem:s28], [sflag:$0xC] =	stream.linear.gather [hbm4b:s20+s4], $0x50, $0x38;
	[tilespmem:$0x1FC00] =	vst v63  }
0x155: {  	s16 =	sadd.s32 $0x0, s11;
	s18 =	simm.s32 $0x580  }
0x156: {  	[tilespmem:s18], [sflag:$0xC] =	stream.linear.gather [hbm4b:s16+s4], $0x50, $0x38;
	[tilespmem:$0x1FC00] =	vst v63  }
0x157: {  	_ =	swait.ge [sflag:s19], $0x2800  }
0x158: {  	[sflag:s19] =	ssyncset.done $0x0  }
0x159: {  	[sflag:s19] =	ssyncadd.s32 $0xFFFFD800  }
0x15a: {  	_ =	swait.ge [sflag:s30], $0x50  }
0x15b: {  	[sflag:s30] =	ssyncset.done $0x0  }
0x15c: {  	[sflag:s30] =	ssyncadd.s32 $0xFFFFFFB0  }
0x15d: {  	_ =	swait.ge [sflag:s30], $0x50  }
0x15e: {  	[sflag:s30] =	ssyncset.done $0x0  }
0x15f: {  	[sflag:s30] =	ssyncadd.s32 $0xFFFFFFB0  }
0x160: {  	[tilespmem:s14], [sflag:$0x3] =	stream.indirect.gather [hbm4b:s3+s12], $0x80, s25, s12, $0xb8;
	[tilespmem:$0x1FC00] =	vst v63  }
0x161: {  	_ =	swait.ge [sflag:s8], $0x2800  }
0x162: {  	s23 =	simm.s32 $0x400;
	[sflag:s8] =	ssyncset.done $0x0  }
0x163: {  	s31 =	simm.s32 $0x800;
	s19 =	rddreg [dreg:$0x5];
	[sflag:s8] =	ssyncadd.s32 $0xFFFFD800  }
0x164: {  	[spmem:s21] =	stream.indirect.scatter.add.f32 [tilespmem:s31], [sflag:$0x5], $0x80, s23, s12, $0xb8;
	[tilespmem:$0x1FC00] =	vst v63  }
0x165: {  	s25 =	simm.s32 $0x200;
	s22 =	rddreg [dreg:$0x4];
	s20 =	sadd.s32 $0x0, s19  }
0x166: {  	[tilespmem:s25], [sflag:$0xD] =	stream.linear.gather [hbm4b:s20+s4], $0x50, $0x38;
	[tilespmem:$0x1FC00] =	vst v63  }
0x167: {  	s30 =	simm.s32 $0x600;
	s29 =	sadd.s32 $0x0, s22  }
0x168: {  	[tilespmem:s30], [sflag:$0xD] =	stream.linear.gather [hbm4b:s29+s4], $0x50, $0x38;
	[tilespmem:$0x1FC00] =	vst v63  }
0x169: {  	_ =	swait.ge [sflag:s5], $0x2800  }
0x16a: {  	[sflag:s5] =	ssyncset.done $0x0  }
0x16b: {  	[sflag:s5] =	ssyncadd.s32 $0xFFFFD800  }
0x16c: {  	_ =	swait.ge [sflag:s26], $0x50  }
0x16d: {  	[sflag:s26] =	ssyncset.done $0x0  }
0x16e: {  	[sflag:s26] =	ssyncadd.s32 $0xFFFFFFB0  }
0x16f: {  	_ =	swait.ge [sflag:s26], $0x50  }
0x170: {  	[sflag:s26] =	ssyncset.done $0x0  }
0x171: {  	s24 =	sadd.s32 $0x280, s13;
	s20 =	simm.s32 $0x50;
	[sflag:s26] =	ssyncadd.s32 $0xFFFFFFB0  }
.LBB2_4:
0x172: {  	[tilespmem:s17], [sflag:$0x4] =	stream.indirect.gather [hbm4b:s3+s12], $0x80, s28, s12, $0xb8;
	[tilespmem:$0x1FC00] =	vst v63  }
0x173: {  	s26 =	simm.s32 $0x2  }
0x174: {  	_ =	swait.ge [sflag:s26], $0x2800  }
0x175: {  	s25 =	smov.u32 s20;
	[sflag:s26] =	ssyncset.done $0x0  }
0x176: {  	s11 =	simm.s32 $0x480;
	s28 =	rddreg [dreg:$0x11];
	[sflag:s26] =	ssyncadd.s32 $0xFFFFD800  }
0x177: {  	[spmem:s21] =	stream.indirect.scatter.add.f32 [tilespmem:s15], [sflag:$0x6], $0x80, s11, s12, $0xb8;
	[tilespmem:$0x1FC00] =	vst v63  }
0x178: {  	s7 =	simm.s32 $0x280;
	s5 =	rddreg [dreg:$0x10];
	s28 =	sadd.s32 s25, s28  }
0x179: {  	[tilespmem:s7], [sflag:$0xE] =	stream.linear.gather [hbm4b:s28+s4], $0x50, $0x38;
	[tilespmem:$0x1FC00] =	vst v63  }
0x17a: {  	s6 =	simm.s32 $0x680;
	s10 =	simm.s32 $0x5;
	s5 =	sadd.s32 s25, s5  }
0x17b: {  	[tilespmem:s6], [sflag:$0xE] =	stream.linear.gather [hbm4b:s5+s4], $0x50, $0x38;
	[tilespmem:$0x1FC00] =	vst v63  }
0x17c: {  	_ =	swait.ge [sflag:s10], $0x2800  }
0x17d: {  	[sflag:s10] =	ssyncset.done $0x0  }
0x17e: {  	s1 =	simm.s32 $0xD;
	[sflag:s10] =	ssyncadd.s32 $0xFFFFD800  }
0x17f: {  	_ =	swait.ge [sflag:s1], $0x50  }
0x180: {  	[sflag:s1] =	ssyncset.done $0x0  }
0x181: {  	[sflag:s1] =	ssyncadd.s32 $0xFFFFFFB0  }
0x182: {  	_ =	swait.ge [sflag:s1], $0x50  }
0x183: {  	[sflag:s1] =	ssyncset.done $0x0  }
0x184: {  	s8 =	simm.s32 $0x200;
	s16 =	simm.s32 $0x3;
	[sflag:s1] =	ssyncadd.s32 $0xFFFFFFB0  }
0x185: {  	[tilespmem:s31], [sflag:$0x1] =	stream.indirect.gather [hbm4b:s3+s12], $0x80, s8, s12, $0xb8;
	[tilespmem:$0x1FC00] =	vst v63  }
0x186: {  	_ =	swait.ge [sflag:s16], $0x2800  }
0x187: {  	s1 =	simm.s32 $0x5800;
	[sflag:s16] =	ssyncset.done $0x0  }
0x188: {  	s31 =	simm.s32 $0x500;
	s9 =	rddreg [dreg:$0xf];
	[sflag:s16] =	ssyncadd.s32 $0xFFFFD800  }
0x189: {  	[spmem:s21] =	stream.indirect.scatter.add.f32 [tilespmem:s1], [sflag:$0x7], $0x80, s31, s12, $0xb8;
	[tilespmem:$0x1FC00] =	vst v63  }
0x18a: {  	s8 =	simm.s32 $0x300;
	s28 =	rddreg [dreg:$0xe];
	s5 =	sadd.s32 s25, s9  }
0x18b: {  	[tilespmem:s8], [sflag:$0xF] =	stream.linear.gather [hbm4b:s5+s4], $0x50, $0x38;
	[tilespmem:$0x1FC00] =	vst v63  }
0x18c: {  	s29 =	simm.s32 $0x700;
	s2 =	simm.s32 $0x6;
	s13 =	sadd.s32 s25, s28  }
0x18d: {  	[tilespmem:s29], [sflag:$0xF] =	stream.linear.gather [hbm4b:s13+s4], $0x50, $0x38;
	[tilespmem:$0x1FC00] =	vst v63  }
0x18e: {  	_ =	swait.ge [sflag:s2], $0x2800  }
0x18f: {  	[sflag:s2] =	ssyncset.done $0x0  }
0x190: {  	s14 =	simm.s32 $0xE;
	[sflag:s2] =	ssyncadd.s32 $0xFFFFD800  }
0x191: {  	_ =	swait.ge [sflag:s14], $0x50  }
0x192: {  	[sflag:s14] =	ssyncset.done $0x0  }
0x193: {  	[sflag:s14] =	ssyncadd.s32 $0xFFFFFFB0  }
0x194: {  	_ =	swait.ge [sflag:s14], $0x50  }
0x195: {  	[sflag:s14] =	ssyncset.done $0x0  }
0x196: {  	s17 =	simm.s32 $0x3000;
	[sflag:s14] =	ssyncadd.s32 $0xFFFFFFB0  }
0x197: {  	[tilespmem:s17], [sflag:$0x2] =	stream.indirect.gather [hbm4b:s3+s12], $0x80, s7, s12, $0xb8;
	[tilespmem:$0x1FC00] =	vst v63  }
0x198: {  	s7 =	simm.s32 $0x4  }
0x199: {  	_ =	swait.ge [sflag:s7], $0x2800  }
0x19a: {  	s22 =	simm.s32 $0x8000;
	[sflag:s7] =	ssyncset.done $0x0  }
0x19b: {  	s13 =	simm.s32 $0x580;
	s18 =	rddreg [dreg:$0xd];
	[sflag:s7] =	ssyncadd.s32 $0xFFFFD800  }
0x19c: {  	[spmem:s21] =	stream.indirect.scatter.add.f32 [tilespmem:s22], [sflag:$0x8], $0x80, s13, s12, $0xb8;
	[tilespmem:$0x1FC00] =	vst v63  }
0x19d: {  	s9 =	simm.s32 $0x380;
	s28 =	rddreg [dreg:$0xc];
	s5 =	sadd.s32 s25, s18  }
0x19e: {  	[tilespmem:s9], [sflag:$0x10] =	stream.linear.gather [hbm4b:s5+s4], $0x50, $0x38;
	[tilespmem:$0x1FC00] =	vst v63  }
0x19f: {  	s19 =	sadd.s32 s25, s28;
	s18 =	simm.s32 $0x780  }
0x1a0: {  	[tilespmem:s18], [sflag:$0x10] =	stream.linear.gather [hbm4b:s19+s4], $0x50, $0x38;
	[tilespmem:$0x1FC00] =	vst v63  }
0x1a1: {  	s19 =	simm.s32 $0x7  }
0x1a2: {  	_ =	swait.ge [sflag:s19], $0x2800  }
0x1a3: {  	[sflag:s19] =	ssyncset.done $0x0  }
0x1a4: {  	s23 =	simm.s32 $0xF;
	[sflag:s19] =	ssyncadd.s32 $0xFFFFD800  }
0x1a5: {  	_ =	swait.ge [sflag:s23], $0x50  }
0x1a6: {  	[sflag:s23] =	ssyncset.done $0x0  }
0x1a7: {  	[sflag:s23] =	ssyncadd.s32 $0xFFFFFFB0  }
0x1a8: {  	_ =	swait.ge [sflag:s23], $0x50  }
0x1a9: {  	[sflag:s23] =	ssyncset.done $0x0  }
0x1aa: {  	[sflag:s23] =	ssyncadd.s32 $0xFFFFFFB0  }
0x1ab: {  	[tilespmem:s1], [sflag:$0x3] =	stream.indirect.gather [hbm4b:s3+s12], $0x80, s8, s12, $0xb8;
	[tilespmem:$0x1FC00] =	vst v63  }
0x1ac: {  	s8 =	simm.s32 $0x1  }
0x1ad: {  	_ =	swait.ge [sflag:s8], $0x2800  }
0x1ae: {  	s15 =	simm.s32 $0x800;
	s14 =	simm.s32 $0x600;
	[sflag:s8] =	ssyncset.done $0x0  }
0x1af: {  	s5 =	sshrl.u32 s24, $0x3;
	s23 =	rddreg [dreg:$0x12];
	[sflag:s8] =	ssyncadd.s32 $0xFFFFD800  }
0x1b0: {  	[spmem:s21] =	stream.indirect.scatter.add.f32 [tilespmem:s15], [sflag:$0x5], $0x80, s14, s12, $0xb8;
	[tilespmem:$0x1FC00] =	vst v63  }
0x1b1: {  	s30 =	rddreg [dreg:$0x13];
	s28 =	sadd.s32 s23, s5  }
0x1b2: {  	[tilespmem:s4], [sflag:$0x9] =	stream.linear.gather [hbm4b:s28+s4], $0x50, $0x38;
	[tilespmem:$0x1FC00] =	vst v63  }
0x1b3: {  	s5 =	sadd.s32 s30, s5;
	s23 =	simm.s32 $0x400;
	s30 =	simm.s32 $0x8  }
0x1b4: {  	[tilespmem:s23], [sflag:$0x9] =	stream.linear.gather [hbm4b:s5+s4], $0x50, $0x38;
	[tilespmem:$0x1FC00] =	vst v63  }
0x1b5: {  	_ =	swait.ge [sflag:s30], $0x2800  }
0x1b6: {  	[sflag:s30] =	ssyncset.done $0x0  }
0x1b7: {  	[sflag:s30] =	ssyncadd.s32 $0xFFFFD800  }
0x1b8: {  	_ =	swait.ge [sflag:s0], $0x50  }
0x1b9: {  	[sflag:s0] =	ssyncset.done $0x0  }
0x1ba: {  	[sflag:s0] =	ssyncadd.s32 $0xFFFFFFB0  }
0x1bb: {  	_ =	swait.ge [sflag:s0], $0x50  }
0x1bc: {  	[sflag:s0] =	ssyncset.done $0x0  }
0x1bd: {  	[sflag:s0] =	ssyncadd.s32 $0xFFFFFFB0  }
0x1be: {  	[tilespmem:s22], [sflag:$0x4] =	stream.indirect.gather [hbm4b:s3+s12], $0x80, s9, s12, $0xb8;
	[tilespmem:$0x1FC00] =	vst v63  }
0x1bf: {  	_ =	swait.ge [sflag:s26], $0x2800  }
0x1c0: {  	[sflag:s26] =	ssyncset.done $0x0  }
0x1c1: {  	s9 =	rddreg [dreg:$0xb];
	[sflag:s26] =	ssyncadd.s32 $0xFFFFD800  }
0x1c2: {  	[spmem:s21] =	stream.indirect.scatter.add.f32 [tilespmem:s17], [sflag:$0x6], $0x80, s6, s12, $0xb8;
	[tilespmem:$0x1FC00] =	vst v63  }
0x1c3: {  	s28 =	rddreg [dreg:$0xa];
	s5 =	sadd.s32 s25, s9;
	s6 =	simm.s32 $0x80  }
0x1c4: {  	[tilespmem:s6], [sflag:$0xA] =	stream.linear.gather [hbm4b:s5+s4], $0x50, $0x38;
	[tilespmem:$0x1FC00] =	vst v63  }
0x1c5: {  	s9 =	sadd.s32 s25, s28  }
0x1c6: {  	[tilespmem:s11], [sflag:$0xA] =	stream.linear.gather [hbm4b:s9+s4], $0x50, $0x38;
	[tilespmem:$0x1FC00] =	vst v63  }
0x1c7: {  	_ =	swait.ge [sflag:s10], $0x2800  }
0x1c8: {  	[sflag:s10] =	ssyncset.done $0x0  }
0x1c9: {  	s22 =	simm.s32 $0x9;
	[sflag:s10] =	ssyncadd.s32 $0xFFFFD800  }
0x1ca: {  	_ =	swait.ge [sflag:s22], $0x50  }
0x1cb: {  	[sflag:s22] =	ssyncset.done $0x0  }
0x1cc: {  	[sflag:s22] =	ssyncadd.s32 $0xFFFFFFB0  }
0x1cd: {  	_ =	swait.ge [sflag:s22], $0x50  }
0x1ce: {  	[sflag:s22] =	ssyncset.done $0x0  }
0x1cf: {  	[sflag:s22] =	ssyncadd.s32 $0xFFFFFFB0  }
0x1d0: {  	[tilespmem:s15], [sflag:$0x1] =	stream.indirect.gather [hbm4b:s3+s12], $0x80, s4, s12, $0xb8;
	[tilespmem:$0x1FC00] =	vst v63  }
0x1d1: {  	_ =	swait.ge [sflag:s16], $0x2800  }
0x1d2: {  	[sflag:s16] =	ssyncset.done $0x0  }
0x1d3: {  	s11 =	rddreg [dreg:$0x9];
	[sflag:s16] =	ssyncadd.s32 $0xFFFFD800  }
0x1d4: {  	[spmem:s21] =	stream.indirect.scatter.add.f32 [tilespmem:s1], [sflag:$0x7], $0x80, s29, s12, $0xb8;
	[tilespmem:$0x1FC00] =	vst v63  }
0x1d5: {  	s10 =	simm.s32 $0x100;
	s28 =	rddreg [dreg:$0x8];
	s5 =	sadd.s32 s25, s11  }
0x1d6: {  	[tilespmem:s10], [sflag:$0xB] =	stream.linear.gather [hbm4b:s5+s4], $0x50, $0x38;
	[tilespmem:$0x1FC00] =	vst v63  }
0x1d7: {  	s29 =	sadd.s32 s25, s28  }
0x1d8: {  	[tilespmem:s31], [sflag:$0xB] =	stream.linear.gather [hbm4b:s29+s4], $0x50, $0x38;
	[tilespmem:$0x1FC00] =	vst v63  }
0x1d9: {  	_ =	swait.ge [sflag:s2], $0x2800  }
0x1da: {  	[sflag:s2] =	ssyncset.done $0x0  }
0x1db: {  	[sflag:s2] =	ssyncadd.s32 $0xFFFFD800;
	s2 =	simm.s32 $0xA  }
0x1dc: {  	_ =	swait.ge [sflag:s2], $0x50  }
0x1dd: {  	[sflag:s2] =	ssyncset.done $0x0  }
0x1de: {  	[sflag:s2] =	ssyncadd.s32 $0xFFFFFFB0  }
0x1df: {  	_ =	swait.ge [sflag:s2], $0x50  }
0x1e0: {  	[sflag:s2] =	ssyncset.done $0x0  }
0x1e1: {  	s15 =	simm.s32 $0x3000;
	[sflag:s2] =	ssyncadd.s32 $0xFFFFFFB0  }
0x1e2: {  	[tilespmem:s15], [sflag:$0x2] =	stream.indirect.gather [hbm4b:s3+s12], $0x80, s6, s12, $0xb8;
	[tilespmem:$0x1FC00] =	vst v63  }
0x1e3: {  	_ =	swait.ge [sflag:s7], $0x2800  }
0x1e4: {  	[sflag:s7] =	ssyncset.done $0x0  }
0x1e5: {  	s17 =	simm.s32 $0x8000;
	s6 =	rddreg [dreg:$0x7];
	[sflag:s7] =	ssyncadd.s32 $0xFFFFD800  }
0x1e6: {  	[spmem:s21] =	stream.indirect.scatter.add.f32 [tilespmem:s17], [sflag:$0x8], $0x80, s18, s12, $0xb8;
	[tilespmem:$0x1FC00] =	vst v63  }
0x1e7: {  	s9 =	simm.s32 $0x180;
	s28 =	rddreg [dreg:$0x6];
	s5 =	sadd.s32 s25, s6  }
0x1e8: {  	[tilespmem:s9], [sflag:$0xC] =	stream.linear.gather [hbm4b:s5+s4], $0x50, $0x38;
	[tilespmem:$0x1FC00] =	vst v63  }
0x1e9: {  	s16 =	sadd.s32 s25, s28  }
0x1ea: {  	[tilespmem:s13], [sflag:$0xC] =	stream.linear.gather [hbm4b:s16+s4], $0x50, $0x38;
	[tilespmem:$0x1FC00] =	vst v63  }
0x1eb: {  	_ =	swait.ge [sflag:s19], $0x2800  }
0x1ec: {  	[sflag:s19] =	ssyncset.done $0x0  }
0x1ed: {  	s18 =	simm.s32 $0xB;
	[sflag:s19] =	ssyncadd.s32 $0xFFFFD800  }
0x1ee: {  	_ =	swait.ge [sflag:s18], $0x50  }
0x1ef: {  	[sflag:s18] =	ssyncset.done $0x0  }
0x1f0: {  	[sflag:s18] =	ssyncadd.s32 $0xFFFFFFB0  }
0x1f1: {  	_ =	swait.ge [sflag:s18], $0x50  }
0x1f2: {  	[sflag:s18] =	ssyncset.done $0x0  }
0x1f3: {  	[sflag:s18] =	ssyncadd.s32 $0xFFFFFFB0  }
0x1f4: {  	[tilespmem:s1], [sflag:$0x3] =	stream.indirect.gather [hbm4b:s3+s12], $0x80, s10, s12, $0xb8;
	[tilespmem:$0x1FC00] =	vst v63  }
0x1f5: {  	_ =	swait.ge [sflag:s8], $0x2800  }
0x1f6: {  	[sflag:s8] =	ssyncset.done $0x0  }
0x1f7: {  	s31 =	simm.s32 $0x800;
	s19 =	rddreg [dreg:$0x5];
	[sflag:s8] =	ssyncadd.s32 $0xFFFFD800  }
0x1f8: {  	[spmem:s21] =	stream.indirect.scatter.add.f32 [tilespmem:s31], [sflag:$0x5], $0x80, s23, s12, $0xb8;
	[tilespmem:$0x1FC00] =	vst v63  }
0x1f9: {  	s26 =	simm.s32 $0x200;
	s28 =	rddreg [dreg:$0x4];
	s5 =	sadd.s32 s25, s19  }
0x1fa: {  	[tilespmem:s26], [sflag:$0xD] =	stream.linear.gather [hbm4b:s5+s4], $0x50, $0x38;
	[tilespmem:$0x1FC00] =	vst v63  }
0x1fb: {  	s29 =	sadd.s32 s25, s28  }
0x1fc: {  	[tilespmem:s14], [sflag:$0xD] =	stream.linear.gather [hbm4b:s29+s4], $0x50, $0x38;
	[tilespmem:$0x1FC00] =	vst v63  }
0x1fd: {  	_ =	swait.ge [sflag:s30], $0x2800  }
0x1fe: {  	[sflag:s30] =	ssyncset.done $0x0  }
0x1ff: {  	[sflag:s30] =	ssyncadd.s32 $0xFFFFD800;
	s30 =	simm.s32 $0xC  }
0x200: {  	p0 =	sne.s32 s20, $0x410;
	_ =	swait.ge [sflag:s30], $0x50  }
.Ltmp1:
0x201: {  	[sflag:s30] =	ssyncset.done $0x0;
	(pc) =	sbr.rel @p0 .LBB2_4-.Ltmp1, $4  }
0x202: {  	[sflag:s30] =	ssyncadd.s32 $0xFFFFFFB0  }
0x203: {  	_ =	swait.ge [sflag:s30], $0x50  }
0x204: {  	s20 =	sadd.s32 $0x50, s20;
	[sflag:s30] =	ssyncset.done $0x0  }
0x205: {  	s24 =	sadd.s32 $0x280, s24;
	s28 =	simm.s32 $0x180;
	[sflag:s30] =	ssyncadd.s32 $0xFFFFFFB0  }
0x206: {  	[tilespmem:s17], [sflag:$0x4] =	stream.indirect.gather [hbm4b:s3+s12], $0x80, s28, s12, $0xb8;
	[tilespmem:$0x1FC00] =	vst v63  }
0x207: {  	s24 =	simm.s32 $0x2  }
0x208: {  	_ =	swait.ge [sflag:s24], $0x2800  }
0x209: {  	[sflag:s24] =	ssyncset.done $0x0  }
0x20a: {  	s11 =	simm.s32 $0x480;
	[sflag:s24] =	ssyncadd.s32 $0xFFFFD800  }
0x20b: {  	[spmem:s21] =	stream.indirect.scatter.add.f32 [tilespmem:s15], [sflag:$0x6], $0x80, s11, s12, $0xb8;
	[tilespmem:$0x1FC00] =	vst v63  }
0x20c: {  	s7 =	simm.s32 $0x280;
	s5 =	rddreg [dreg:$0x1c]  }
0x20d: {  	[tilespmem:s7], [sflag:$0xE] =	stream.linear.gather [hbm4b:s5+s4], $0x50, $0x38;
	[tilespmem:$0x1FC00] =	vst v63  }
0x20e: {  	s6 =	simm.s32 $0x680;
	s23 =	simm.s32 $0x5;
	s29 =	rddreg [dreg:$0x1d]  }
0x20f: {  	[tilespmem:s6], [sflag:$0xE] =	stream.linear.gather [hbm4b:s29+s4], $0x50, $0x38;
	[tilespmem:$0x1FC00] =	vst v63  }
0x210: {  	_ =	swait.ge [sflag:s23], $0x2800  }
0x211: {  	[sflag:s23] =	ssyncset.done $0x0  }
0x212: {  	s25 =	simm.s32 $0xD;
	[sflag:s23] =	ssyncadd.s32 $0xFFFFD800  }
0x213: {  	_ =	swait.ge [sflag:s25], $0x50  }
0x214: {  	[sflag:s25] =	ssyncset.done $0x0  }
0x215: {  	[sflag:s25] =	ssyncadd.s32 $0xFFFFFFB0  }
0x216: {  	_ =	swait.ge [sflag:s25], $0x50  }
0x217: {  	[sflag:s25] =	ssyncset.done $0x0  }
0x218: {  	s10 =	simm.s32 $0x200;
	s16 =	simm.s32 $0x3;
	[sflag:s25] =	ssyncadd.s32 $0xFFFFFFB0  }
0x219: {  	[tilespmem:s31], [sflag:$0x1] =	stream.indirect.gather [hbm4b:s3+s12], $0x80, s10, s12, $0xb8;
	[tilespmem:$0x1FC00] =	vst v63  }
0x21a: {  	_ =	swait.ge [sflag:s16], $0x2800  }
0x21b: {  	[sflag:s16] =	ssyncset.done $0x0  }
0x21c: {  	s13 =	simm.s32 $0x500;
	s1 =	simm.s32 $0x5800;
	[sflag:s16] =	ssyncadd.s32 $0xFFFFD800  }
0x21d: {  	[spmem:s21] =	stream.indirect.scatter.add.f32 [tilespmem:s1], [sflag:$0x7], $0x80, s13, s12, $0xb8;
	[tilespmem:$0x1FC00] =	vst v63  }
0x21e: {  	s8 =	simm.s32 $0x300;
	s30 =	rddreg [dreg:$0x1e]  }
0x21f: {  	[tilespmem:s8], [sflag:$0xF] =	stream.linear.gather [hbm4b:s30+s4], $0x50, $0x38;
	[tilespmem:$0x1FC00] =	vst v63  }
0x220: {  	s26 =	simm.s32 $0x700;
	s2 =	rddreg [dreg:$0x1f]  }
0x221: {  	[tilespmem:s26], [sflag:$0xF] =	stream.linear.gather [hbm4b:s2+s4], $0x50, $0x38;
	[tilespmem:$0x1FC00] =	vst v63  }
0x222: {  	s2 =	simm.s32 $0x6  }
0x223: {  	_ =	swait.ge [sflag:s2], $0x2800  }
0x224: {  	[sflag:s2] =	ssyncset.done $0x0  }
0x225: {  	s9 =	simm.s32 $0xE;
	[sflag:s2] =	ssyncadd.s32 $0xFFFFD800  }
0x226: {  	_ =	swait.ge [sflag:s9], $0x50  }
0x227: {  	[sflag:s9] =	ssyncset.done $0x0  }
0x228: {  	[sflag:s9] =	ssyncadd.s32 $0xFFFFFFB0  }
0x229: {  	_ =	swait.ge [sflag:s9], $0x50  }
0x22a: {  	[sflag:s9] =	ssyncset.done $0x0  }
0x22b: {  	[sflag:s9] =	ssyncadd.s32 $0xFFFFFFB0  }
0x22c: {  	[tilespmem:s15], [sflag:$0x2] =	stream.indirect.gather [hbm4b:s3+s12], $0x80, s7, s12, $0xb8;
	[tilespmem:$0x1FC00] =	vst v63  }
0x22d: {  	s7 =	simm.s32 $0x4  }
0x22e: {  	_ =	swait.ge [sflag:s7], $0x2800  }
0x22f: {  	[sflag:s7] =	ssyncset.done $0x0  }
0x230: {  	s20 =	simm.s32 $0x580;
	s14 =	sld [smem:$0x7DD];
	[sflag:s7] =	ssyncadd.s32 $0xFFFFD800  }
0x231: {  	[spmem:s21] =	stream.indirect.scatter.add.f32 [tilespmem:s17], [sflag:$0x8], $0x80, s20, s12, $0xb8;
	[tilespmem:$0x1FC00] =	vst v63  }
0x232: {  	s18 =	simm.s32 $0x380;
	s19 =	sld [smem:$0x7DE]  }
0x233: {  	[tilespmem:s18], [sflag:$0x10] =	stream.linear.gather [hbm4b:s14+s4], $0x50, $0x38;
	[tilespmem:$0x1FC00] =	vst v63  }
0x234: {  	s30 =	simm.s32 $0x780  }
0x235: {  	[tilespmem:s30], [sflag:$0x10] =	stream.linear.gather [hbm4b:s19+s4], $0x50, $0x38;
	[tilespmem:$0x1FC00] =	vst v63  }
0x236: {  	s19 =	simm.s32 $0x7  }
0x237: {  	_ =	swait.ge [sflag:s19], $0x2800  }
0x238: {  	[sflag:s19] =	ssyncset.done $0x0  }
0x239: {  	s29 =	simm.s32 $0xF;
	[sflag:s19] =	ssyncadd.s32 $0xFFFFD800  }
0x23a: {  	_ =	swait.ge [sflag:s29], $0x50  }
0x23b: {  	[sflag:s29] =	ssyncset.done $0x0  }
0x23c: {  	[sflag:s29] =	ssyncadd.s32 $0xFFFFFFB0  }
0x23d: {  	_ =	swait.ge [sflag:s29], $0x50  }
0x23e: {  	[sflag:s29] =	ssyncset.done $0x0  }
0x23f: {  	[sflag:s29] =	ssyncadd.s32 $0xFFFFFFB0  }
0x240: {  	[tilespmem:s1], [sflag:$0x3] =	stream.indirect.gather [hbm4b:s3+s12], $0x80, s8, s12, $0xb8;
	[tilespmem:$0x1FC00] =	vst v63  }
0x241: {  	s8 =	simm.s32 $0x1  }
0x242: {  	_ =	swait.ge [sflag:s8], $0x2800  }
0x243: {  	[sflag:s8] =	ssyncset.done $0x0  }
0x244: {  	s14 =	simm.s32 $0x600;
	s9 =	sld [smem:$0x7DF];
	[sflag:s8] =	ssyncadd.s32 $0xFFFFD800  }
0x245: {  	[spmem:s21] =	stream.indirect.scatter.add.f32 [tilespmem:s31], [sflag:$0x5], $0x80, s14, s12, $0xb8;
	[tilespmem:$0x1FC00] =	vst v63  }
0x246: {  	s29 =	sld [smem:$0x7E0]  }
0x247: {  	[tilespmem:s4], [sflag:$0x9] =	stream.linear.gather [hbm4b:s9+s4], $0x50, $0x38;
	[tilespmem:$0x1FC00] =	vst v63  }
0x248: {  	s9 =	simm.s32 $0x400  }
0x249: {  	[tilespmem:s9], [sflag:$0x9] =	stream.linear.gather [hbm4b:s29+s4], $0x50, $0x38;
	[tilespmem:$0x1FC00] =	vst v63  }
0x24a: {  	s29 =	simm.s32 $0x8  }
0x24b: {  	_ =	swait.ge [sflag:s29], $0x2800  }
0x24c: {  	[sflag:s29] =	ssyncset.done $0x0  }
0x24d: {  	[sflag:s29] =	ssyncadd.s32 $0xFFFFD800  }
0x24e: {  	_ =	swait.ge [sflag:s0], $0x50  }
0x24f: {  	[sflag:s0] =	ssyncset.done $0x0  }
0x250: {  	[sflag:s0] =	ssyncadd.s32 $0xFFFFFFB0  }
0x251: {  	_ =	swait.ge [sflag:s0], $0x50  }
0x252: {  	[sflag:s0] =	ssyncset.done $0x0  }
0x253: {  	[sflag:s0] =	ssyncadd.s32 $0xFFFFFFB0  }
0x254: {  	[tilespmem:s17], [sflag:$0x4] =	stream.indirect.gather [hbm4b:s3+s12], $0x80, s18, s12, $0xb8;
	[tilespmem:$0x1FC00] =	vst v63  }
0x255: {  	_ =	swait.ge [sflag:s24], $0x2800  }
0x256: {  	[sflag:s24] =	ssyncset.done $0x0  }
0x257: {  	[sflag:s24] =	ssyncadd.s32 $0xFFFFD800  }
0x258: {  	[spmem:s21] =	stream.indirect.scatter.add.f32 [tilespmem:s15], [sflag:$0x6], $0x80, s6, s12, $0xb8;
	[tilespmem:$0x1FC00] =	vst v63  }
0x259: {  	s6 =	sld [smem:$0x7E1];
	_ =	sdelay $0x1  }
0x25a: {  	s18 =	simm.s32 $0x80;
	s0 =	sld [smem:$0x7E2]  }
0x25b: {  	[tilespmem:s18], [sflag:$0xA] =	stream.linear.gather [hbm4b:s6+s4], $0x50, $0x38;
	[tilespmem:$0x1FC00] =	vst v63  }
0x25c: {  	_ = 	snop  }
0x25d: {  	[tilespmem:s11], [sflag:$0xA] =	stream.linear.gather [hbm4b:s0+s4], $0x50, $0x38;
	[tilespmem:$0x1FC00] =	vst v63  }
0x25e: {  	_ =	swait.ge [sflag:s23], $0x2800  }
0x25f: {  	[sflag:s23] =	ssyncset.done $0x0  }
0x260: {  	[sflag:s23] =	ssyncadd.s32 $0xFFFFD800  }
0x261: {  	_ =	swait.ge [sflag:s22], $0x50  }
0x262: {  	[sflag:s22] =	ssyncset.done $0x0  }
0x263: {  	[sflag:s22] =	ssyncadd.s32 $0xFFFFFFB0  }
0x264: {  	_ =	swait.ge [sflag:s22], $0x50  }
0x265: {  	[sflag:s22] =	ssyncset.done $0x0  }
0x266: {  	[sflag:s22] =	ssyncadd.s32 $0xFFFFFFB0  }
0x267: {  	[tilespmem:s31], [sflag:$0x1] =	stream.indirect.gather [hbm4b:s3+s12], $0x80, s4, s12, $0xb8;
	[tilespmem:$0x1FC00] =	vst v63  }
0x268: {  	_ =	swait.ge [sflag:s16], $0x2800  }
0x269: {  	[sflag:s16] =	ssyncset.done $0x0  }
0x26a: {  	s6 =	sld [smem:$0x7E3];
	[sflag:s16] =	ssyncadd.s32 $0xFFFFD800  }
0x26b: {  	[spmem:s21] =	stream.indirect.scatter.add.f32 [tilespmem:s1], [sflag:$0x7], $0x80, s26, s12, $0xb8;
	[tilespmem:$0x1FC00] =	vst v63  }
0x26c: {  	s0 =	simm.s32 $0x100;
	s26 =	sld [smem:$0x7E4]  }
0x26d: {  	[tilespmem:s0], [sflag:$0xB] =	stream.linear.gather [hbm4b:s6+s4], $0x50, $0x38;
	[tilespmem:$0x1FC00] =	vst v63  }
0x26e: {  	_ = 	snop  }
0x26f: {  	[tilespmem:s13], [sflag:$0xB] =	stream.linear.gather [hbm4b:s26+s4], $0x50, $0x38;
	[tilespmem:$0x1FC00] =	vst v63  }
0x270: {  	_ =	swait.ge [sflag:s2], $0x2800  }
0x271: {  	[sflag:s2] =	ssyncset.done $0x0  }
0x272: {  	s6 =	simm.s32 $0xA;
	[sflag:s2] =	ssyncadd.s32 $0xFFFFD800  }
0x273: {  	_ =	swait.ge [sflag:s6], $0x50  }
0x274: {  	[sflag:s6] =	ssyncset.done $0x0  }
0x275: {  	[sflag:s6] =	ssyncadd.s32 $0xFFFFFFB0  }
0x276: {  	_ =	swait.ge [sflag:s6], $0x50  }
0x277: {  	[sflag:s6] =	ssyncset.done $0x0  }
0x278: {  	[sflag:s6] =	ssyncadd.s32 $0xFFFFFFB0  }
0x279: {  	[tilespmem:s15], [sflag:$0x2] =	stream.indirect.gather [hbm4b:s3+s12], $0x80, s18, s12, $0xb8;
	[tilespmem:$0x1FC00] =	vst v63  }
0x27a: {  	_ =	swait.ge [sflag:s7], $0x2800  }
0x27b: {  	[sflag:s7] =	ssyncset.done $0x0  }
0x27c: {  	s18 =	sld [smem:$0x7E7];
	[sflag:s7] =	ssyncadd.s32 $0xFFFFD800  }
0x27d: {  	[spmem:s21] =	stream.indirect.scatter.add.f32 [tilespmem:s17], [sflag:$0x8], $0x80, s30, s12, $0xb8;
	[tilespmem:$0x1FC00] =	vst v63  }
0x27e: {  	s26 =	sld [smem:$0x7E8]  }
0x27f: {  	[tilespmem:s28], [sflag:$0xC] =	stream.linear.gather [hbm4b:s18+s4], $0x50, $0x38;
	[tilespmem:$0x1FC00] =	vst v63  }
0x280: {  	_ = 	snop  }
0x281: {  	[tilespmem:s20], [sflag:$0xC] =	stream.linear.gather [hbm4b:s26+s4], $0x50, $0x38;
	[tilespmem:$0x1FC00] =	vst v63  }
0x282: {  	_ =	swait.ge [sflag:s19], $0x2800  }
0x283: {  	[sflag:s19] =	ssyncset.done $0x0  }
0x284: {  	s30 =	simm.s32 $0xB;
	[sflag:s19] =	ssyncadd.s32 $0xFFFFD800  }
0x285: {  	_ =	swait.ge [sflag:s30], $0x50  }
0x286: {  	[sflag:s30] =	ssyncset.done $0x0  }
0x287: {  	[sflag:s30] =	ssyncadd.s32 $0xFFFFFFB0  }
0x288: {  	_ =	swait.ge [sflag:s30], $0x50  }
0x289: {  	[sflag:s30] =	ssyncset.done $0x0  }
0x28a: {  	[sflag:s30] =	ssyncadd.s32 $0xFFFFFFB0  }
0x28b: {  	[tilespmem:s1], [sflag:$0x3] =	stream.indirect.gather [hbm4b:s3+s12], $0x80, s0, s12, $0xb8;
	[tilespmem:$0x1FC00] =	vst v63  }
0x28c: {  	_ =	swait.ge [sflag:s8], $0x2800  }
0x28d: {  	[sflag:s8] =	ssyncset.done $0x0  }
0x28e: {  	s6 =	sld [smem:$0x7E9];
	[sflag:s8] =	ssyncadd.s32 $0xFFFFD800  }
0x28f: {  	[spmem:s21] =	stream.indirect.scatter.add.f32 [tilespmem:s31], [sflag:$0x5], $0x80, s9, s12, $0xb8;
	[tilespmem:$0x1FC00] =	vst v63  }
0x290: {  	s9 =	sld [smem:$0x7EA]  }
0x291: {  	[tilespmem:s10], [sflag:$0xD] =	stream.linear.gather [hbm4b:s6+s4], $0x50, $0x38;
	[tilespmem:$0x1FC00] =	vst v63  }
0x292: {  	_ = 	snop  }
0x293: {  	[tilespmem:s14], [sflag:$0xD] =	stream.linear.gather [hbm4b:s9+s4], $0x50, $0x38;
	[tilespmem:$0x1FC00] =	vst v63  }
0x294: {  	_ =	swait.ge [sflag:s29], $0x2800  }
0x295: {  	[sflag:s29] =	ssyncset.done $0x0  }
0x296: {  	s18 =	simm.s32 $0xC;
	[sflag:s29] =	ssyncadd.s32 $0xFFFFD800  }
0x297: {  	_ =	swait.ge [sflag:s18], $0x50  }
0x298: {  	[sflag:s18] =	ssyncset.done $0x0  }
0x299: {  	[sflag:s18] =	ssyncadd.s32 $0xFFFFFFB0  }
0x29a: {  	_ =	swait.ge [sflag:s18], $0x50  }
0x29b: {  	[sflag:s18] =	ssyncset.done $0x0  }
0x29c: {  	[sflag:s18] =	ssyncadd.s32 $0xFFFFFFB0  }
0x29d: {  	[tilespmem:s17], [sflag:$0x4] =	stream.indirect.gather [hbm4b:s3+s12], $0x80, s28, s12, $0xb8;
	[tilespmem:$0x1FC00] =	vst v63  }
0x29e: {  	_ =	swait.ge [sflag:s24], $0x2800  }
0x29f: {  	[sflag:s24] =	ssyncset.done $0x0  }
0x2a0: {  	[sflag:s24] =	ssyncadd.s32 $0xFFFFD800  }
0x2a1: {  	[spmem:s21] =	stream.indirect.scatter.add.f32 [tilespmem:s15], [sflag:$0x6], $0x80, s11, s12, $0xb8;
	[tilespmem:$0x1FC00] =	vst v63  }
0x2a2: {  	_ =	swait.ge [sflag:s23], $0x2800  }
0x2a3: {  	[sflag:s23] =	ssyncset.done $0x0  }
0x2a4: {  	[sflag:s23] =	ssyncadd.s32 $0xFFFFD800  }
0x2a5: {  	_ =	swait.ge [sflag:s25], $0x50  }
0x2a6: {  	[sflag:s25] =	ssyncset.done $0x0  }
0x2a7: {  	[sflag:s25] =	ssyncadd.s32 $0xFFFFFFB0  }
0x2a8: {  	_ =	swait.ge [sflag:s25], $0x50  }
0x2a9: {  	[sflag:s25] =	ssyncset.done $0x0  }
0x2aa: {  	[sflag:s25] =	ssyncadd.s32 $0xFFFFFFB0  }
0x2ab: {  	[tilespmem:s31], [sflag:$0x1] =	stream.indirect.gather [hbm4b:s3+s12], $0x80, s10, s12, $0xb8;
	[tilespmem:$0x1FC00] =	vst v63  }
0x2ac: {  	_ =	swait.ge [sflag:s16], $0x2800  }
0x2ad: {  	[sflag:s16] =	ssyncset.done $0x0  }
0x2ae: {  	[sflag:s16] =	ssyncadd.s32 $0xFFFFD800  }
0x2af: {  	[spmem:s21] =	stream.indirect.scatter.add.f32 [tilespmem:s1], [sflag:$0x7], $0x80, s13, s12, $0xb8;
	[tilespmem:$0x1FC00] =	vst v63  }
0x2b0: {  	_ =	swait.ge [sflag:s2], $0x2800  }
0x2b1: {  	[sflag:s2] =	ssyncset.done $0x0  }
0x2b2: {  	[sflag:s2] =	ssyncadd.s32 $0xFFFFD800  }
0x2b3: {  	_ =	swait.ge [sflag:s7], $0x2800  }
0x2b4: {  	[sflag:s7] =	ssyncset.done $0x0  }
0x2b5: {  	[sflag:s7] =	ssyncadd.s32 $0xFFFFD800  }
0x2b6: {  	[spmem:s21] =	stream.indirect.scatter.add.f32 [tilespmem:s17], [sflag:$0x8], $0x80, s20, s12, $0xb8;
	[tilespmem:$0x1FC00] =	vst v63  }
0x2b7: {  	_ =	swait.ge [sflag:s19], $0x2800  }
0x2b8: {  	[sflag:s19] =	ssyncset.done $0x0  }
0x2b9: {  	[sflag:s19] =	ssyncadd.s32 $0xFFFFD800  }
0x2ba: {  	_ =	swait.ge [sflag:s8], $0x2800  }
0x2bb: {  	[sflag:s8] =	ssyncset.done $0x0  }
0x2bc: {  	[sflag:s8] =	ssyncadd.s32 $0xFFFFD800  }
0x2bd: {  	[spmem:s21] =	stream.indirect.scatter.add.f32 [tilespmem:s31], [sflag:$0x5], $0x80, s14, s12, $0xb8;
	[tilespmem:$0x1FC00] =	vst v63  }
0x2be: {  	_ =	swait.ge [sflag:s29], $0x2800  }
0x2bf: {  	[sflag:s29] =	ssyncset.done $0x0  }
0x2c0: {  	[sflag:s29] =	ssyncadd.s32 $0xFFFFD800  }
0x2c1: {  	_ =	swait.ge [sflag:s23], $0x2800  }
0x2c2: {  	[sflag:s23] =	ssyncset.done $0x0  }
0x2c3: {  	[sflag:s23] =	ssyncadd.s32 $0xFFFFD800  }
0x2c4: {  	[bflag:$0x0] =	sbarrier.arrive $0xFFFF  }
0x2c5: {  	s28 =	sld [smem:$0x7FD]  }
0x2c6: {  	s24 =	stileid.u32;
	s26 =	sld [smem:$0x7EB]  }
0x2c7: {  	s5 =	sshll.u32 s24, $0x6  }
0x2c8: {  	s5 =	sor.u32 $0x1C11, s5;
	s29 =	simm.s32 $0x11;
	s25 =	sshrl.u32 s28, $0x3  }
0x2c9: {  	[hbm:s26], [sflag:s5] =	dma.local [spmem:s25], $0x2800  }
0x2ca: {  	_ =	swait.ge [sflag:s29], $0x2800  }
0x2cb: {  	s30 =	sld [smem:$0x7DC]  }
0x2cc: {  	s31 =	sld [smem:$0x7EC];
	_ =	sdelay $0x1  }
0x2cd: {  	s0 =	sadd.s32 $0x1, s30  }
0x2ce: {  	p0 =	sne.s32 s0, s31  }
.Ltmp2:
0x2cf: {  	_ = 	snop;
	(pc) =	sbr.rel @p0 .LBB2_1-.Ltmp2, $3  }
0x2d0: {  	_ =	sdelay $0x1  }
0x2d1: {  	[sflag:s29] =	ssyncset.done $0x0  }
0x2d2: {  	s9 =	rddreg [dreg:$0x12];
	[sflag:s29] =	ssyncadd.s32 $0xFFFFD800  }
0x2d3: {  	_ =	sfence.sel $0x180000  }
0x2d4: {  	[bflag:$0x0] =	sbarrier.arrive $0xFFFF  }
0x2d5: {  	_ =	strace $0x9000004D  }
0x2d6: {  	s0 =	stileid.u32;
	[bflag:$0x2] =	sbarrier.arrive $0xFFFF  }
0x2d7: {  	p0 =	sne.s32 s0, $0x0;
	s0 =	rddreg [dreg:$0x3]  }
0x2d8: {  	s0 =	sadd.s32 @!p0 $0x100000, s0  }
0x2d9: {  	[sflag:s0] =	ssyncadd.tile.s32 @!p0 $0x1;
	_ =	shalt  }
.Lfunc_end2:
_tile_overlayer_lowered:
.L_overlay_start_2:
0x2da: {  	(tag) =	ssettag $0x2  }
0x2db: {  	s0 =	rddreg [dreg:$0x0];
	s2 =	stileid.u32  }
0x2dc: {  	s1 =	rddreg [dreg:$0x1];
	p0 =	sne.s32 s2, $0x0  }
0x2dd: {  	s3 =	rddreg [dreg:$0x2];
	[bflag:$0x3] =	sbarrier.arrive $0xFFFF;
	s2 =	simm.s32 @!p0 $0x1C11  }
0x2de: {  	[timem:s3], [sflag:s2] =	dma.local @!p0 [hbm:s0], s1  }
0x2df: {  	s0 =	simm.s32 @!p0 $0x11  }
0x2e0: {  	_ =	swait.ge @!p0 [sflag:s0], s1  }
0x2e1: {  	s1 =	ssub.s32 @!p0 $0x0, s1;
	[sflag:s0] =	ssyncset.done @!p0 $0x0  }
0x2e2: {  	[sflag:s0] =	ssyncadd.s32 @!p0 s1  }
0x2e3: {  	[bflag:$0x3] =	sbarrier.arrive $0xFFFF  }
0x2e4: {  	_ =	shalt  }

// kernel: kernel.8.cloned.1.call-start
scs
__scs_entry_jumppad:
0x0: {  	(pc) =	sbr.rel $0x88, $3  }
0x1: {  	(tag) =	ssettag $0x0;
	lr =	simm.s32 $0x1  }
0x2: {  	[smem:$0x3F97] =	sst lr;
	_ =	strace $0xD0000000  }
0x3: {  	_ = 	snop  }
0x4: {  	_ = 	snop  }
0x5: {  	_ = 	snop  }
0x6: {  	_ = 	snop  }
0x7: {  	_ = 	snop  }
__scs_overlays_trampoline_lowered:
0x8: {  	[smem:$0x3FA6] =	sst s0  }
0x9: {  	[smem:$0x3FA7] =	sst s1  }
0xa: {  	[smem:$0x3FA8] =	sst s2  }
0xb: {  	[smem:$0x3FA9] =	sst s3  }
0xc: {  	[smem:$0x3FAA] =	sst s4  }
0xd: {  	[smem:$0x3FAB] =	sst s5  }
0xe: {  	[smem:$0x3FAC] =	sst s6  }
0xf: {  	[smem:$0x3FAD] =	sst s7  }
0x10: {  	[smem:$0x3FAE] =	sst s8  }
0x11: {  	[smem:$0x3FAF] =	sst s9;
	s0 =	simm.s32 @!p0 $0x0  }
0x12: {  	s1 =	sld [smem:$0x3F95];
	s0 =	simm.s32 @p0 $0x1  }
0x13: {  	[smem:$0x3FB0] =	sst s0;
	s0 =	simm.s32 @!p1 $0x0  }
0x14: {  	s2 =	sld [smem:$0x3F94];
	s0 =	simm.s32 @p1 $0x1  }
0x15: {  	[smem:$0x3FB1] =	sst s0;
	s0 =	simm.s32 @!p2 $0x0  }
0x16: {  	s3 =	sld [smem:$0x3FDB];
	s0 =	simm.s32 @p2 $0x1  }
0x17: {  	s4 =	simm.s32 $0x1BF5;
	[smem:$0x3FB3] =	sst s0  }
0x18: {  	s0 =	sld [smem:$0x3F96];
	_ =	swait.ge [sflag:s4], $0x0  }
0x19: {  	s7 =	sld [smem:$0x3F97]  }
0x1a: {  	s8 =	sadd.s32 $0xFFFFE003, lr  }
0x1b: {  	s9 =	sadd.s32 $0xFFFFFEF7, lr;
	s5 =	simm.s32 $0xFFFFFFFF;
	p2 =	slt.u32 s8, $0xFFFFF086  }
0x1c: {  	p1 =	slt.u32 s9, $0xF7A;
	s5 =	simm.s32 @!p2 $0x0  }
0x1d: {  	s5 =	simm.s32 @p1 $0x1;
	p0 =	seq.s32 s7, s2  }
0x1e: {  	s7 =	smul.u32 @!p0 $0xF7A, s2;
	p2 =	seq.s32 @!p0 s5, $0x0  }
0x1f: {  	s9 =	smul.u32 $0xF7A, s1;
	s8 =	simm.s32 @!p0 $0x1BF5;
	p2 =	por !p2, p0  }
0x20: {  	[sflag:s8] =	ssyncset.s32 @!p0 $0xFFFFF086;
	s6 =	sadd.s32 @!p0 s3, s7;
	s7 =	simm.s32 @!p0 $0x108  }
0x21: {  	s3 =	sadd.s32 s3, s9;
	s6 =	sadd.s32 @!p0 $0x88, s6;
	s7 =	simm.s32 @p2 $0x1082  }
0x22: {  	[simem:s7], [sflag:s8] =	dma.local @!p0 [hbm:s6], $0xF7A  }
0x23: {  	s9 =	sor.u32 $0xD0000000, s2;
	s6 =	simm.s32 $0x108;
	_ =	swait.ge @!p0 [sflag:s8], $0x0  }
0x24: {  	s3 =	sadd.s32 $0x88, s3;
	s6 =	simm.s32 @!p1 $0x1082;
	[sflag:s4] =	ssyncset.s32 $0xFFFFF086  }
0x25: {  	[simem:s6], [sflag:s4] =	dma.local [hbm:s3], $0xF7A  }
0x26: {  	[smem:$0x3F97] =	sst s1;
	(tag) =	ssettag s2;
	_ =	strace s9  }
0x27: {  	s1 =	sld [smem:$0x3FA7]  }
0x28: {  	s2 =	sld [smem:$0x3FA8]  }
0x29: {  	s4 =	sld [smem:$0x3FAA]  }
0x2a: {  	p0 =	seq.s32 s5, $0x0;
	s5 =	sld [smem:$0x3FAB]  }
0x2b: {  	s6 =	sld [smem:$0x3FAC]  }
0x2c: {  	s7 =	sld [smem:$0x3FAD]  }
0x2d: {  	s3 =	simm.s32 $0x108;
	s8 =	sld [smem:$0x3FAE]  }
0x2e: {  	s3 =	simm.s32 @!p0 $0x1082;
	s9 =	sld [smem:$0x3FAF]  }
0x2f: {  	lr =	sadd.s32 s0, s3;
	s0 =	sld [smem:$0x3FA6]  }
0x30: {  	s3 =	sld [smem:$0x3FA9]  }
0x31: {  	[smem:$0x3FB2] =	sst s10  }
0x32: {  	s10 =	sld [smem:$0x3FB0];
	_ =	sdelay $0x3  }
0x33: {  	p0 =	seq.s32 s10, $0x1;
	s10 =	sld [smem:$0x3FB2];
	_ =	sdelay $0x3  }
0x34: {  	[smem:$0x3FB2] =	sst s10  }
0x35: {  	s10 =	sld [smem:$0x3FB1];
	_ =	sdelay $0x3  }
0x36: {  	p1 =	seq.s32 s10, $0x1;
	s10 =	sld [smem:$0x3FB2];
	_ =	sdelay $0x3  }
0x37: {  	[smem:$0x3FB2] =	sst s10  }
0x38: {  	s10 =	sld [smem:$0x3FB3]  }
0x39: {  	_ = 	snop;
	(pc) =	sbr.ind lr, $3  }
0x3a: {  	_ = 	snop  }
0x3b: {  	_ = 	snop  }
0x3c: {  	p2 =	seq.s32 s10, $0x1;
	s10 =	sld [smem:$0x3FB2]  }
0x3d: {  	_ =	shalt  }
0x3e: {  	_ =	shalt  }
0x3f: {  	_ =	shalt  }
0x40: {  	_ =	shalt  }
0x41: {  	_ =	shalt  }
0x42: {  	_ =	shalt  }
0x43: {  	_ =	shalt  }
0x44: {  	_ =	shalt  }
0x45: {  	_ =	shalt  }
0x46: {  	_ =	shalt  }
0x47: {  	_ =	shalt  }
0x48: {  	_ =	shalt  }
0x49: {  	_ =	shalt  }
0x4a: {  	_ =	shalt  }
0x4b: {  	_ =	shalt  }
0x4c: {  	_ =	shalt  }
0x4d: {  	_ =	shalt  }
0x4e: {  	_ =	shalt  }
0x4f: {  	_ =	shalt  }
0x50: {  	_ =	shalt  }
0x51: {  	_ =	shalt  }
0x52: {  	_ =	shalt  }
0x53: {  	_ =	shalt  }
0x54: {  	_ =	shalt  }
0x55: {  	_ =	shalt  }
0x56: {  	_ =	shalt  }
0x57: {  	_ =	shalt  }
0x58: {  	_ =	shalt  }
0x59: {  	_ =	shalt  }
0x5a: {  	_ =	shalt  }
0x5b: {  	_ =	shalt  }
0x5c: {  	_ =	shalt  }
0x5d: {  	_ =	shalt  }
0x5e: {  	_ =	shalt  }
0x5f: {  	_ =	shalt  }
0x60: {  	_ =	shalt  }
0x61: {  	_ =	shalt  }
0x62: {  	_ =	shalt  }
0x63: {  	_ =	shalt  }
0x64: {  	_ =	shalt  }
0x65: {  	_ =	shalt  }
0x66: {  	_ =	shalt  }
0x67: {  	_ =	shalt  }
0x68: {  	_ =	shalt  }
0x69: {  	_ =	shalt  }
0x6a: {  	_ =	shalt  }
0x6b: {  	_ =	shalt  }
0x6c: {  	_ =	shalt  }
0x6d: {  	_ =	shalt  }
0x6e: {  	_ =	shalt  }
0x6f: {  	_ =	shalt  }
0x70: {  	_ =	shalt  }
0x71: {  	_ =	shalt  }
0x72: {  	_ =	shalt  }
0x73: {  	_ =	shalt  }
0x74: {  	_ =	shalt  }
0x75: {  	_ =	shalt  }
0x76: {  	_ =	shalt  }
0x77: {  	_ =	shalt  }
0x78: {  	_ =	shalt  }
0x79: {  	_ =	shalt  }
0x7a: {  	_ =	shalt  }
0x7b: {  	_ =	shalt  }
0x7c: {  	_ =	shalt  }
0x7d: {  	_ =	shalt  }
0x7e: {  	_ =	shalt  }
0x7f: {  	_ =	shalt  }
0x80: {  	_ =	shalt  }
0x81: {  	_ =	shalt  }
0x82: {  	_ =	shalt  }
0x83: {  	_ =	shalt  }
0x84: {  	_ =	shalt  }
0x85: {  	_ =	shalt  }
0x86: {  	_ =	shalt  }
0x87: {  	_ =	shalt  }
.Lfunc_end0:
.L_simem_size_0:
called_computation_lowered:
.L_overlay_start_0:
0x88: {  	s2 =	sld [smem:$0x3FD9]  }
0x89: {  	s3 =	sld [smem:$0x3FFE];
	_ =	sdelay $0x1  }
0x8a: {  	s1 =	srdreg.scid  }
0x8b: {  	s0 =	sand.u32 $0x1, s1  }
0x8c: {  	s17 =	sshll.u32 s0, $0xA;
	s2 =	sadd.s32 s3, s2  }
0x8d: {  	s2 =	sadd.s32 s2, s17  }
0x8e: {  	[smem:$0x3FBE] =	sst s2  }
0x8f: {  	_ = 	snop  }
0x90: {  	s2 =	sld [smem:$0x3FD0];
	(tm) =	ssettm $0x1  }
0x91: {  	s18 =	sld [smem:$0x3FFB];
	_ =	sdelay $0x3  }
0x92: {  	_ =	strace s18  }
0x93: {  	s3 =	sld [smem:$0x3FFC];
	_ =	sdelay $0x3  }
0x94: {  	_ =	strace s3  }
0x95: {  	s3 =	sld [smem:$0x3FFD];
	_ =	sdelay $0x3  }
0x96: {  	_ =	strace s3  }
0x97: {  	_ =	strace $0x8FFFFFFF  }
0x98: {  	s19 =	sld [smem:$0x3FDB];
	_ =	sdelay $0x1  }
0x99: {  	s4 =	simm.s32 $_scs_section_size  }
0x9a: {  	s5 =	simm.s32 $_size__tile_overlayer_lowered;
	s6 =	simm.s32 $_tile_overlayer_lowered  }
0x9b: {  	s22 =	simm.s32 $0x1BFF;
	s21 =	sshll.u32 s6, $0x1;
	s3 =	sadd.s32 s4, s19  }
0x9c: {  	s7 =	simm.s32 $0x0;
	s20 =	sshll.u32 s5, $0x1;
	s5 =	sadd.s32 s21, s3  }
0x9d: {  	[timem:s7], [sflag:s22] =	dma.local [hbm:s5], s20  }
0x9e: {  	_ =	swait.ge [sflag:s22], s20  }
0x9f: {  	s4 =	ssub.s32 $0x0, s20;
	[sflag:s22] =	ssyncset.done $0x0  }
0xa0: {  	[sflag:s22] =	ssyncadd.s32 s4;
	_ =	sdelay $0x1  }
0xa1: {  	s23 =	simm.s32 $0x1B8B  }
0xa2: {  	_ =	swait.ge [sflag:s23], $0x1  }
0xa3: {  	[sflag:s23] =	ssyncset.done $0x0  }
0xa4: {  	s25 =	simm.s32 $0x1B8E;
	s24 =	sld [smem:$0x3FFE];
	[sflag:s23] =	ssyncadd.s32 $0xFFFFFFFF  }
0xa5: {  	s26 =	simm.s32 $execute0_lowered;
	[smem:$0x3FD2] =	sst s25  }
0xa6: {  	s5 =	sshll.u32 s26, $0x1;
	_ =	strace $0x80000046;
	[dreg:$0x1] =	wrdreg $0xFFFFFFFF  }
0xa7: {  	s28 =	simm.s32 $_size_execute0_lowered;
	s3 =	sadd.s32 s3, s5;
	[dreg:$0x0] =	wrdreg $0x0  }
0xa8: {  	s5 =	sshll.u32 s28, $0x1;
	[dreg:$0x2] =	wrdreg s3  }
0xa9: {  	[dreg:$0x3] =	wrdreg s5  }
0xaa: {  	[dreg:$0x4] =	wrdreg $0xC0  }
0xab: {  	_ =	task [dreg:s7], $0x5FFFF  }
0xac: {  	[dreg:$0x1] =	wrdreg $0xFFFFFFFF  }
0xad: {  	[dreg:$0x0] =	wrdreg $0x60  }
0xae: {  	[dreg:$0x2] =	wrdreg s2  }
0xaf: {  	[dreg:$0x3] =	wrdreg s24  }
0xb0: {  	[dreg:$0x4] =	wrdreg $0x43000  }
0xb1: {  	[dreg:$0x5] =	wrdreg $0x9  }
0xb2: {  	_ =	task.clear_ibuf [dreg:s7], $0x6FFFF;
	_ =	strace $0x90000046  }
0xb3: {  	s29 =	simm.s32 $0x9;
	_ =	strace $0x80000048  }
0xb4: {  	_ =	swait.ge [sflag:s29], $0x1  }
0xb5: {  	[sflag:s29] =	ssyncadd.s32 $0xFFFFFFFF  }
0xb6: {  	_ =	strace $0x90000048  }
0xb7: {  	_ =	sfence  }
0xb8: {  	s30 =	sld [smem:$0x0];
	_ =	sdelay $0x2  }
0xb9: {  	s31 =	sshll.u32 s1, $0xD;
	s1 =	sshrl.u32 s1, $0x2  }
0xba: {  	s3 =	sand.u32 $0x4000, s31;
	s1 =	sadd.s32 s1, s30  }
0xbb: {  	s0 =	sor.u32 s3, s0;
	s1 =	sshll.u32 s1, $0x11  }
0xbc: {  	s0 =	sor.u32 s1, s0  }
0xbd: {  	s0 =	sadd.s32 $0x8F2B, s0  }
0xbe: {  	[sflag:s0] =	ssyncadd.remote.s32 $0x1  }
0xbf: {  	_ =	sfence.sel $0xFFFF  }
0xc0: {  	[dreg:$0x0] =	wrdreg $0xFFFFFFFF;
	(pc) =	sbr.abs _section_cstart, $3  }
0xc1: {  	[dreg:$0x1] =	wrdreg $0xFFFFFFFF  }
0xc2: {  	_ =	task.clear_ibuf [dreg:s7], $0x2FFFF;
	_ =	strace $0x9FFFFFFF  }
0xc3: {  	(tm) =	ssettm $0x7FFFFFFF  }
tec
execute0_lowered:
.L_overlay_start_1:
0x0: {  	(tag) =	ssettag $0x1  }
0x1: {  	s4 =	rddreg [dreg:$0x0]  }
0x2: {  	s5 =	rddreg [dreg:$0x1]  }
0x3: {  	s2 =	rddreg [dreg:$0x2]  }
0x4: {  	s0 =	rddreg [dreg:$0x3]  }
0x5: {  	s6 =	srdreg.scid;
	s1 =	stileid.u32;
	s3 =	simm.s32 $0x0  }
0x6: {  	s11 =	simm.s32 $0x4000;
	s12 =	simm.s32 $0x1;
	s13 =	simm.s32 $0x3C00  }
0x7: {  	s14 =	simm.s32 $0x3C80;
	s15 =	simm.s32 $0x3D00;
	s16 =	simm.s32 $0x3D80  }
0x8: {  	s17 =	simm.s32 $0x3E00;
	s20 =	simm.s32 $0x20;
	s21 =	simm.s32 $0x10  }
0x9: {  	s22 =	simm.s32 $0x0;
	s6 =	sand.u32 $0x1, s6;
	s7 =	smul.u32 $0x500, s1  }
0xa: {  	[smem:$0x7FF] =	sst s3;
	s9 =	smul.u32 $0xA00, s1;
	s10 =	sshll.u32 s1, $0xB  }
0xb: {  	s18 =	sshll.u32 s1, $0x6;
	s8 =	sshll.u32 s6, $0x7;
	_ =	strace $0x80000047  }
0xc: {  	s30 =	ssub.s32 $0x2, s6;
	s6 =	sshll.u32 s6, $0xF;
	s10 =	sadd.s32 s4, s10  }
0xd: {  	s18 =	sor.u32 $0x1C02, s18;
	s7 =	sor.u32 s8, s7;
	s31 =	sshrl.u32 s30, $0x1  }
0xe: {  	s9 =	sshrl.u32 s9, $0x2;
	s7 =	sshrl.u32 s7, $0x3;
	s8 =	ssub.s32 s30, s31  }
0xf: {  	s4 =	sadd.s32 s9, s2;
	s9 =	simm.s32 $0x2;
	s7 =	sadd.s32 s7, s5  }
0x10: {  	s5 =	sadd.s32 s6, s10;
	s10 =	simm.s32 $0x50;
	s19 =	sshrl.u32 s4, $0x3  }
0x11: {  	v0 =	vimm.f32 $1.000000000e+00;
	v1 =	vimm.f32 $0.0e+00;
	s6 =	sadd.s32 $0x16E00, s7;
	s7 =	smax.u32 s8, $0x1;
	s8 =	simm.s32 $0x4080  }
.LBB2_1:
0x12: {  	[tilespmem:$0x4000] =	vst v0  }
0x13: {  	[tilespmem:$0x4010] =	vst v0  }
0x14: {  	[tilespmem:$0x4020] =	vst v0  }
0x15: {  	[tilespmem:$0x4030] =	vst v0  }
0x16: {  	[tilespmem:$0x4040] =	vst v0  }
0x17: {  	[tilespmem:$0x4080] =	vst v1  }
0x18: {  	[tilespmem:$0x4090] =	vst v1  }
0x19: {  	[tilespmem:$0x40A0] =	vst v1  }
0x1a: {  	[tilespmem:$0x40B0] =	vst v1  }
0x1b: {  	[tilespmem:$0x40C0] =	vst v1  }
0x1c: {  	[tilespmem:$0x40D0] =	vst v1  }
0x1d: {  	[tilespmem:$0x40E0] =	vst v1  }
0x1e: {  	[tilespmem:$0x40F0] =	vst v1  }
0x1f: {  	[tilespmem:$0x4100] =	vst v1  }
0x20: {  	[tilespmem:$0x4110] =	vst v1  }
0x21: {  	[tilespmem:$0x4120] =	vst v1  }
0x22: {  	[tilespmem:$0x4130] =	vst v1  }
0x23: {  	[tilespmem:$0x4140] =	vst v1  }
0x24: {  	[tilespmem:$0x4150] =	vst v1  }
0x25: {  	[tilespmem:$0x4160] =	vst v1  }
0x26: {  	[tilespmem:$0x4170] =	vst v1  }
0x27: {  	[tilespmem:$0x4180] =	vst v1  }
0x28: {  	[tilespmem:$0x4190] =	vst v1  }
0x29: {  	[tilespmem:$0x41A0] =	vst v1  }
0x2a: {  	[tilespmem:$0x41B0] =	vst v1  }
0x2b: {  	[tilespmem:$0x41C0] =	vst v1  }
0x2c: {  	[tilespmem:$0x41D0] =	vst v1  }
0x2d: {  	[tilespmem:$0x41E0] =	vst v1  }
0x2e: {  	[tilespmem:$0x41F0] =	vst v1  }
0x2f: {  	[tilespmem:$0x4200] =	vst v1  }
0x30: {  	[tilespmem:$0x4210] =	vst v1  }
0x31: {  	[tilespmem:$0x4220] =	vst v1  }
0x32: {  	[tilespmem:$0x4230] =	vst v1  }
0x33: {  	[tilespmem:$0x4240] =	vst v1  }
0x34: {  	[tilespmem:$0x4250] =	vst v1  }
0x35: {  	[tilespmem:$0x4260] =	vst v1  }
0x36: {  	[tilespmem:$0x4270] =	vst v1  }
0x37: {  	[tilespmem:$0x4280] =	vst v1  }
0x38: {  	[tilespmem:$0x4290] =	vst v1  }
0x39: {  	[tilespmem:$0x42A0] =	vst v1  }
0x3a: {  	[tilespmem:$0x42B0] =	vst v1  }
0x3b: {  	[tilespmem:$0x42C0] =	vst v1  }
0x3c: {  	[tilespmem:$0x42D0] =	vst v1  }
0x3d: {  	[tilespmem:$0x42E0] =	vst v1  }
0x3e: {  	[tilespmem:$0x42F0] =	vst v1  }
0x3f: {  	[spmem:s4] =	stream.linear.scatter [tilespmem:s8], [sflag:$0x2], $0x280, $0x38;
	[tilespmem:$0x4580] =	vst v63  }
0x40: {  	_ =	swait.ge [sflag:s9], $0x280  }
0x41: {  	[sflag:s9] =	ssyncset.done $0x0  }
0x42: {  	[sflag:s9] =	ssyncadd.s32 $0xFFFFFD80  }
0x43: {  	[bflag:$0x0] =	sbarrier.arrive $0xFFFF  }
0x44: {  	[tilespmem:s3], [sflag:$0x2] =	stream.linear.gather [hbm4b:s5+s3], $0x3E80, $0x38;
	[tilespmem:$0x4580] =	vst v63  }
0x45: {  	_ =	swait.ge [sflag:s9], $0x3E80  }
0x46: {  	[sflag:s9] =	ssyncset.done $0x0  }
0x47: {  	s23 =	simm.s32 $0x0;
	[sflag:s9] =	ssyncadd.s32 $0xFFFFC180  }
0x48: {  	[spmem:s2] =	stream.indirect.scatter.add.f32 [tilespmem:s11], [sflag:$0x1], $0x1, s23, s10, $0xb8;
	[tilespmem:$0x4580] =	vst v63  }
0x49: {  	s24 =	simm.s32 $0x80  }
0x4a: {  	[spmem:s2] =	stream.indirect.scatter.add.f32 [tilespmem:s11], [sflag:$0x1], $0x1, s24, s10, $0xb8;
	[tilespmem:$0x4580] =	vst v63  }
0x4b: {  	s25 =	simm.s32 $0x100  }
0x4c: {  	[spmem:s2] =	stream.indirect.scatter.add.f32 [tilespmem:s11], [sflag:$0x1], $0x1, s25, s10, $0xb8;
	[tilespmem:$0x4580] =	vst v63  }
0x4d: {  	s26 =	simm.s32 $0x180  }
0x4e: {  	[spmem:s2] =	stream.indirect.scatter.add.f32 [tilespmem:s11], [sflag:$0x1], $0x1, s26, s10, $0xb8;
	[tilespmem:$0x4580] =	vst v63  }
0x4f: {  	s28 =	simm.s32 $0x200  }
0x50: {  	[spmem:s2] =	stream.indirect.scatter.add.f32 [tilespmem:s11], [sflag:$0x1], $0x1, s28, s10, $0xb8;
	[tilespmem:$0x4580] =	vst v63  }
0x51: {  	s29 =	simm.s32 $0x280  }
0x52: {  	[spmem:s2] =	stream.indirect.scatter.add.f32 [tilespmem:s11], [sflag:$0x1], $0x1, s29, s10, $0xb8;
	[tilespmem:$0x4580] =	vst v63  }
0x53: {  	s30 =	simm.s32 $0x300  }
0x54: {  	[spmem:s2] =	stream.indirect.scatter.add.f32 [tilespmem:s11], [sflag:$0x1], $0x1, s30, s10, $0xb8;
	[tilespmem:$0x4580] =	vst v63  }
0x55: {  	s31 =	simm.s32 $0x380  }
0x56: {  	[spmem:s2] =	stream.indirect.scatter.add.f32 [tilespmem:s11], [sflag:$0x1], $0x1, s31, s10, $0xb8;
	[tilespmem:$0x4580] =	vst v63  }
0x57: {  	_ =	swait.ge [sflag:s12], $0x50  }
0x58: {  	[sflag:s12] =	ssyncset.done $0x0  }
0x59: {  	[sflag:s12] =	ssyncadd.s32 $0xFFFFFFB0  }
0x5a: {  	_ =	swait.ge [sflag:s12], $0x50  }
0x5b: {  	[sflag:s12] =	ssyncset.done $0x0  }
0x5c: {  	[sflag:s12] =	ssyncadd.s32 $0xFFFFFFB0  }
0x5d: {  	_ =	swait.ge [sflag:s12], $0x50  }
0x5e: {  	[sflag:s12] =	ssyncset.done $0x0  }
0x5f: {  	[sflag:s12] =	ssyncadd.s32 $0xFFFFFFB0  }
0x60: {  	_ =	swait.ge [sflag:s12], $0x50  }
0x61: {  	[sflag:s12] =	ssyncset.done $0x0  }
0x62: {  	[sflag:s12] =	ssyncadd.s32 $0xFFFFFFB0  }
0x63: {  	_ =	swait.ge [sflag:s12], $0x50  }
0x64: {  	[sflag:s12] =	ssyncset.done $0x0  }
0x65: {  	[sflag:s12] =	ssyncadd.s32 $0xFFFFFFB0  }
0x66: {  	_ =	swait.ge [sflag:s12], $0x50  }
0x67: {  	[sflag:s12] =	ssyncset.done $0x0  }
0x68: {  	[sflag:s12] =	ssyncadd.s32 $0xFFFFFFB0  }
0x69: {  	_ =	swait.ge [sflag:s12], $0x50  }
0x6a: {  	[sflag:s12] =	ssyncset.done $0x0  }
0x6b: {  	[sflag:s12] =	ssyncadd.s32 $0xFFFFFFB0  }
0x6c: {  	_ =	swait.ge [sflag:s12], $0x50  }
0x6d: {  	s23 =	simm.s32 $0x1000;
	s25 =	simm.s32 $0x2000;
	[sflag:s12] =	ssyncset.done $0x0  }
.LBB2_2:
0x6e: {  	s26 =	sshra.s32 s23, $0x2  }
0x6f: {  	[sflag:s12] =	ssyncadd.s32 $0xFFFFFFB0;
	s23 =	smov.u32 s25;
	s24 =	sadd.s32 $0x1000, s25  }
0x70: {  	[spmem:s2] =	stream.indirect.scatter.add.f32 [tilespmem:s11], [sflag:$0x1], $0x1, s26, s10, $0xb8;
	[tilespmem:$0x4580] =	vst v63  }
0x71: {  	p0 =	sne.s32 s25, $0xE000;
	s25 =	sadd.s32 $0x80, s26  }
0x72: {  	[spmem:s2] =	stream.indirect.scatter.add.f32 [tilespmem:s11], [sflag:$0x1], $0x1, s25, s10, $0xb8;
	[tilespmem:$0x4580] =	vst v63  }
0x73: {  	s25 =	sadd.s32 $0x100, s26  }
0x74: {  	[spmem:s2] =	stream.indirect.scatter.add.f32 [tilespmem:s11], [sflag:$0x1], $0x1, s25, s10, $0xb8;
	[tilespmem:$0x4580] =	vst v63  }
0x75: {  	s25 =	sadd.s32 $0x180, s26  }
0x76: {  	[spmem:s2] =	stream.indirect.scatter.add.f32 [tilespmem:s11], [sflag:$0x1], $0x1, s25, s10, $0xb8;
	[tilespmem:$0x4580] =	vst v63  }
0x77: {  	s25 =	sadd.s32 $0x200, s26  }
0x78: {  	[spmem:s2] =	stream.indirect.scatter.add.f32 [tilespmem:s11], [sflag:$0x1], $0x1, s25, s10, $0xb8;
	[tilespmem:$0x4580] =	vst v63  }
0x79: {  	s25 =	sadd.s32 $0x280, s26  }
0x7a: {  	[spmem:s2] =	stream.indirect.scatter.add.f32 [tilespmem:s11], [sflag:$0x1], $0x1, s25, s10, $0xb8;
	[tilespmem:$0x4580] =	vst v63  }
0x7b: {  	s25 =	sadd.s32 $0x300, s26  }
0x7c: {  	[spmem:s2] =	stream.indirect.scatter.add.f32 [tilespmem:s11], [sflag:$0x1], $0x1, s25, s10, $0xb8;
	[tilespmem:$0x4580] =	vst v63  }
0x7d: {  	s25 =	sadd.s32 $0x380, s26  }
0x7e: {  	[spmem:s2] =	stream.indirect.scatter.add.f32 [tilespmem:s11], [sflag:$0x1], $0x1, s25, s10, $0xb8;
	[tilespmem:$0x4580] =	vst v63  }
0x7f: {  	_ =	swait.ge [sflag:s12], $0x50  }
0x80: {  	[sflag:s12] =	ssyncset.done $0x0  }
0x81: {  	[sflag:s12] =	ssyncadd.s32 $0xFFFFFFB0  }
0x82: {  	_ =	swait.ge [sflag:s12], $0x50  }
0x83: {  	[sflag:s12] =	ssyncset.done $0x0  }
0x84: {  	[sflag:s12] =	ssyncadd.s32 $0xFFFFFFB0  }
0x85: {  	_ =	swait.ge [sflag:s12], $0x50  }
0x86: {  	[sflag:s12] =	ssyncset.done $0x0  }
0x87: {  	[sflag:s12] =	ssyncadd.s32 $0xFFFFFFB0  }
0x88: {  	_ =	swait.ge [sflag:s12], $0x50  }
0x89: {  	[sflag:s12] =	ssyncset.done $0x0  }
0x8a: {  	[sflag:s12] =	ssyncadd.s32 $0xFFFFFFB0  }
0x8b: {  	_ =	swait.ge [sflag:s12], $0x50  }
0x8c: {  	[sflag:s12] =	ssyncset.done $0x0  }
0x8d: {  	[sflag:s12] =	ssyncadd.s32 $0xFFFFFFB0  }
0x8e: {  	_ =	swait.ge [sflag:s12], $0x50  }
0x8f: {  	[sflag:s12] =	ssyncset.done $0x0  }
0x90: {  	[sflag:s12] =	ssyncadd.s32 $0xFFFFFFB0  }
.Ltmp0:
0x91: {  	_ =	swait.ge [sflag:s12], $0x50;
	(pc) =	sbr.rel @p0 .LBB2_2-.Ltmp0, $4  }
0x92: {  	[sflag:s12] =	ssyncset.done $0x0  }
0x93: {  	[sflag:s12] =	ssyncadd.s32 $0xFFFFFFB0  }
0x94: {  	_ =	swait.ge [sflag:s12], $0x50  }
0x95: {  	s25 =	smov.u32 s24;
	[sflag:s12] =	ssyncset.done $0x0  }
0x96: {  	s23 =	sshra.s32 s23, $0x2;
	[sflag:s12] =	ssyncadd.s32 $0xFFFFFFB0  }
0x97: {  	[spmem:s2] =	stream.indirect.scatter.add.f32 [tilespmem:s11], [sflag:$0x1], $0x1, s23, s10, $0xb8;
	[tilespmem:$0x4580] =	vst v63  }
0x98: {  	s24 =	sadd.s32 $0x80, s23  }
0x99: {  	[spmem:s2] =	stream.indirect.scatter.add.f32 [tilespmem:s11], [sflag:$0x1], $0x1, s24, s10, $0xb8;
	[tilespmem:$0x4580] =	vst v63  }
0x9a: {  	s26 =	sadd.s32 $0x100, s23  }
0x9b: {  	[spmem:s2] =	stream.indirect.scatter.add.f32 [tilespmem:s11], [sflag:$0x1], $0x1, s26, s10, $0xb8;
	[tilespmem:$0x4580] =	vst v63  }
0x9c: {  	s28 =	sadd.s32 $0x180, s23  }
0x9d: {  	[spmem:s2] =	stream.indirect.scatter.add.f32 [tilespmem:s11], [sflag:$0x1], $0x1, s28, s10, $0xb8;
	[tilespmem:$0x4580] =	vst v63  }
0x9e: {  	s29 =	sadd.s32 $0x200, s23  }
0x9f: {  	[spmem:s2] =	stream.indirect.scatter.add.f32 [tilespmem:s11], [sflag:$0x1], $0x1, s29, s10, $0xb8;
	[tilespmem:$0x4580] =	vst v63  }
0xa0: {  	s30 =	sadd.s32 $0x280, s23  }
0xa1: {  	[spmem:s2] =	stream.indirect.scatter.add.f32 [tilespmem:s11], [sflag:$0x1], $0x1, s30, s10, $0xb8;
	[tilespmem:$0x4580] =	vst v63  }
0xa2: {  	s31 =	sadd.s32 $0x300, s23  }
0xa3: {  	[spmem:s2] =	stream.indirect.scatter.add.f32 [tilespmem:s11], [sflag:$0x1], $0x1, s31, s10, $0xb8;
	[tilespmem:$0x4580] =	vst v63  }
0xa4: {  	s23 =	sadd.s32 $0x380, s23  }
0xa5: {  	[spmem:s2] =	stream.indirect.scatter.add.f32 [tilespmem:s11], [sflag:$0x1], $0x1, s23, s10, $0xb8;
	[tilespmem:$0x4580] =	vst v63  }
0xa6: {  	_ =	swait.ge [sflag:s12], $0x50  }
0xa7: {  	[sflag:s12] =	ssyncset.done $0x0  }
0xa8: {  	[sflag:s12] =	ssyncadd.s32 $0xFFFFFFB0  }
0xa9: {  	_ =	swait.ge [sflag:s12], $0x50  }
0xaa: {  	[sflag:s12] =	ssyncset.done $0x0  }
0xab: {  	[sflag:s12] =	ssyncadd.s32 $0xFFFFFFB0  }
0xac: {  	_ =	swait.ge [sflag:s12], $0x50  }
0xad: {  	[sflag:s12] =	ssyncset.done $0x0  }
0xae: {  	[sflag:s12] =	ssyncadd.s32 $0xFFFFFFB0  }
0xaf: {  	_ =	swait.ge [sflag:s12], $0x50  }
0xb0: {  	[sflag:s12] =	ssyncset.done $0x0  }
0xb1: {  	[sflag:s12] =	ssyncadd.s32 $0xFFFFFFB0  }
0xb2: {  	_ =	swait.ge [sflag:s12], $0x50  }
0xb3: {  	[sflag:s12] =	ssyncset.done $0x0  }
0xb4: {  	[sflag:s12] =	ssyncadd.s32 $0xFFFFFFB0  }
0xb5: {  	_ =	swait.ge [sflag:s12], $0x50  }
0xb6: {  	[sflag:s12] =	ssyncset.done $0x0  }
0xb7: {  	[sflag:s12] =	ssyncadd.s32 $0xFFFFFFB0  }
0xb8: {  	_ =	swait.ge [sflag:s12], $0x50  }
0xb9: {  	[sflag:s12] =	ssyncset.done $0x0  }
0xba: {  	[sflag:s12] =	ssyncadd.s32 $0xFFFFFFB0  }
0xbb: {  	_ =	swait.ge [sflag:s12], $0x50  }
0xbc: {  	[sflag:s12] =	ssyncset.done $0x0  }
0xbd: {  	[sflag:s12] =	ssyncadd.s32 $0xFFFFFFB0  }
0xbe: {  	[spmem:s2] =	stream.indirect.scatter.add.f32 [tilespmem:s11], [sflag:$0x1], $0x1, s13, s10, $0xb8;
	[tilespmem:$0x4580] =	vst v63  }
0xbf: {  	_ = 	snop  }
0xc0: {  	[spmem:s2] =	stream.indirect.scatter.add.f32 [tilespmem:s11], [sflag:$0x1], $0x1, s14, s10, $0xb8;
	[tilespmem:$0x4580] =	vst v63  }
0xc1: {  	_ = 	snop  }
0xc2: {  	[spmem:s2] =	stream.indirect.scatter.add.f32 [tilespmem:s11], [sflag:$0x1], $0x1, s15, s10, $0xb8;
	[tilespmem:$0x4580] =	vst v63  }
0xc3: {  	_ = 	snop  }
0xc4: {  	[spmem:s2] =	stream.indirect.scatter.add.f32 [tilespmem:s11], [sflag:$0x1], $0x1, s16, s10, $0xb8;
	[tilespmem:$0x4580] =	vst v63  }
0xc5: {  	_ = 	snop  }
0xc6: {  	[spmem:s2] =	stream.indirect.scatter.add.f32 [tilespmem:s11], [sflag:$0x1], $0x1, s17, s10, $0xb8;
	[tilespmem:$0x4580] =	vst v63  }
0xc7: {  	_ =	swait.ge [sflag:s12], $0x50  }
0xc8: {  	[sflag:s12] =	ssyncset.done $0x0  }
0xc9: {  	[sflag:s12] =	ssyncadd.s32 $0xFFFFFFB0  }
0xca: {  	_ =	swait.ge [sflag:s12], $0x50  }
0xcb: {  	[sflag:s12] =	ssyncset.done $0x0  }
0xcc: {  	[sflag:s12] =	ssyncadd.s32 $0xFFFFFFB0  }
0xcd: {  	_ =	swait.ge [sflag:s12], $0x50  }
0xce: {  	[sflag:s12] =	ssyncset.done $0x0  }
0xcf: {  	[sflag:s12] =	ssyncadd.s32 $0xFFFFFFB0  }
0xd0: {  	_ =	swait.ge [sflag:s12], $0x50  }
0xd1: {  	[sflag:s12] =	ssyncset.done $0x0  }
0xd2: {  	[sflag:s12] =	ssyncadd.s32 $0xFFFFFFB0  }
0xd3: {  	_ =	swait.ge [sflag:s12], $0x50  }
0xd4: {  	s22 =	sadd.s32 $0x1, s22;
	[sflag:s12] =	ssyncset.done $0x0  }
0xd5: {  	p0 =	sne.s32 s22, s7;
	[sflag:s12] =	ssyncadd.s32 $0xFFFFFFB0  }
.Ltmp1:
0xd6: {  	[bflag:$0x0] =	sbarrier.arrive $0xFFFF;
	(pc) =	sbr.rel @p0 .LBB2_1-.Ltmp1, $4  }
0xd7: {  	[hbm:s6@s20], [sflag:s18] =	dma.strided [spmem:s19@s21], $0x50, s12, $0x10   }
0xd8: {  	_ =	swait.ge [sflag:s9], $0x50  }
0xd9: {  	[sflag:s9] =	ssyncset.done $0x0  }
0xda: {  	[sflag:s9] =	ssyncadd.s32 $0xFFFFFFB0  }
0xdb: {  	_ =	sfence.sel $0x180000  }
0xdc: {  	[bflag:$0x0] =	sbarrier.arrive $0xFFFF  }
0xdd: {  	p0 =	sne.s32 s1, $0x0;
	_ =	strace $0x90000047  }
0xde: {  	s0 =	sadd.s32 @!p0 $0x100000, s0;
	[bflag:$0x2] =	sbarrier.arrive $0xFFFF  }
0xdf: {  	[sflag:s0] =	ssyncadd.tile.s32 @!p0 $0x1;
	_ =	shalt  }
.Lfunc_end2:
_tile_overlayer_lowered:
.L_overlay_start_2:
0xe0: {  	(tag) =	ssettag $0x2  }
0xe1: {  	s0 =	rddreg [dreg:$0x0];
	s2 =	stileid.u32  }
0xe2: {  	s1 =	rddreg [dreg:$0x1];
	p0 =	sne.s32 s2, $0x0  }
0xe3: {  	s3 =	rddreg [dreg:$0x2];
	[bflag:$0x3] =	sbarrier.arrive $0xFFFF;
	s2 =	simm.s32 @!p0 $0x1C02  }
0xe4: {  	[timem:s3], [sflag:s2] =	dma.local @!p0 [hbm:s0], s1  }
0xe5: {  	s0 =	simm.s32 @!p0 $0x2  }
0xe6: {  	_ =	swait.ge @!p0 [sflag:s0], s1  }
0xe7: {  	s1 =	ssub.s32 @!p0 $0x0, s1;
	[sflag:s0] =	ssyncset.done @!p0 $0x0  }
0xe8: {  	[sflag:s0] =	ssyncadd.s32 @!p0 s1  }
0xe9: {  	[bflag:$0x3] =	sbarrier.arrive $0xFFFF  }
0xea: {  	_ =	shalt  }

</sc_bundles>
